<compile_context>
chip_gen: v7x
topology: tpu7x:2x2x1
jax: 0.10.2.dev20260603
libtpu: 0.0.44.dev20260713+nightly
codegen_flags: <defaults>
</compile_context>

<pallas_src>
import functools

import jax
import jax.numpy as jnp
from jax import lax
from jax.experimental import pallas as pl
from jax.experimental.pallas import tpu as pltpu
from jax.experimental.pallas import tpu_sc as plsc

N = 10000
E = 320000
C = 128
K = 27
EPS = 1e-5

CH = 64
NWORKERS = 32
NCHUNK = E // CH
NJ = 156
NB = 4
NI = 8
LAG = 2
NPAD = 10240
ROWS_PER_TILE = NPAD // 16


def _mm_body(x_ref, w_ref, o_ref):
    x = x_ref[...]
    for k in range(K):
        o_ref[k] = jnp.dot(x, w_ref[k], preferred_element_type=jnp.float32)


def _transform(feats, W_conv):
    BN = 400
    return pl.pallas_call(
        _mm_body,
        grid=(N // BN,),
        in_specs=[
            pl.BlockSpec((BN, C), lambda i: (i, 0)),
            pl.BlockSpec((K, C, C), lambda i: (0, 0, 0)),
        ],
        out_specs=pl.BlockSpec((K, BN, C), lambda i: (0, i, 0)),
        out_shape=jax.ShapeDtypeStruct((K, N, C), jnp.float32),
    )(feats, W_conv)


_MESH = plsc.VectorSubcoreMesh(core_axis_name="c", subcore_axis_name="s")


@functools.partial(
    pl.kernel,
    out_type=jax.ShapeDtypeStruct((2, NPAD, C), jnp.float32),
    mesh=_MESH,
    scratch_types=(
        [
            pltpu.VMEM((NI, CH), jnp.int32),
            pltpu.VMEM((NI, CH), jnp.int32),
            pltpu.VMEM((NI, CH), jnp.int32),
            pltpu.VMEM((NB, CH, C), jnp.float32),
            pltpu.VMEM_SHARED((NPAD, C), jnp.float32),
        ]
        + [pltpu.SemaphoreType.DMA] * (NI + NB + NB)
    ),
)
def _sc_scatter(ei_hbm, ek_hbm, t_hbm, zeros_hbm, out_hbm,
                rid_v, kern_v, dst_v, rows_v, acc_sh, *sems):
    isem = sems[:NI]
    gsem = sems[NI:NI + NB]
    ssem = sems[NI + NB:]
    cid = lax.axis_index("c")
    sid = lax.axis_index("s")
    wid = sid * 2 + cid
    start = wid * NJ + jnp.minimum(wid, 8)
    has_extra = wid < 8

    def idx_fire(n, u):
        sl = pl.ds((start + n) * CH, CH)
        pltpu.async_copy(ei_hbm.at[0, sl], rid_v.at[u], isem[u])
        pltpu.async_copy(ek_hbm.at[sl], kern_v.at[u], isem[u])
        pltpu.async_copy(ei_hbm.at[1, sl], dst_v.at[u], isem[u])

    def idx_wait(n, u):
        sl = pl.ds((start + n) * CH, CH)
        pltpu.make_async_copy(ei_hbm.at[0, sl], rid_v.at[u], isem[u]).wait()
        pltpu.make_async_copy(ek_hbm.at[sl], kern_v.at[u], isem[u]).wait()
        pltpu.make_async_copy(ei_hbm.at[1, sl], dst_v.at[u], isem[u]).wait()

    def rid_compute(u):
        for i in range(CH // 16):
            sl = pl.ds(i * 16, 16)
            rid_v[u, sl] = kern_v[u, sl] * N + rid_v[u, sl]

    def gather_fire(u, q):
        pltpu.async_copy(t_hbm.at[rid_v.at[u]], rows_v.at[q], gsem[q])

    def gather_wait(u, q):
        pltpu.make_async_copy(t_hbm.at[rid_v.at[u]], rows_v.at[q],
                              gsem[q]).wait()

    def scatter_fire(u, q):
        pltpu.async_copy(rows_v.at[q], acc_sh.at[dst_v.at[u]], ssem[q],
                         add=True)

    def scatter_wait(u, q):
        pltpu.make_async_copy(rows_v.at[q], acc_sh.at[dst_v.at[u]],
                              ssem[q]).wait()

    for n in range(NB):
        idx_fire(n, n)
    pltpu.sync_copy(zeros_hbm,
                    acc_sh.at[pl.ds(sid * ROWS_PER_TILE, ROWS_PER_TILE)])
    plsc.subcore_barrier()

    def make_round(parity):
        def body(n0):
            for j in range(NB):
                n = n0 + j
                u = parity * NB + j
                u_next = (1 - parity) * NB + j
                q = j

                @pl.when(n >= NB)
                def _():
                    scatter_wait(u_next, q)

                @pl.when(n + NB < NJ)
                def _():
                    idx_fire(n + NB, u_next)
                idx_wait(n, u)
                rid_compute(u)
                jl = j - LAG
                ul = parity * NB + jl if jl >= 0 else (1 - parity) * NB + NB + jl
                ql = jl % NB

                @pl.when(n >= LAG)
                def _():
                    gather_wait(ul, ql)
                    scatter_fire(ul, ql)
                gather_fire(u, q)
        return body

    round_even = make_round(0)
    round_odd = make_round(1)

    def double_round(rr, carry):
        round_even(rr * 2 * NB)
        round_odd(rr * 2 * NB + NB)
        return carry

    lax.fori_loop(0, NJ // (2 * NB), double_round, 0)
    round_even(NJ - NB)
    for t in range(NJ - LAG, NJ):
        j = t - (NJ - NB)
        gather_wait(j, j)
        scatter_fire(j, j)
    for t in range(NJ - NB, NJ):
        j = t - (NJ - NB)
        scatter_wait(j, j)

    @pl.when(has_extra)
    def _():
        sl = pl.ds((start + NJ) * CH, CH)
        pltpu.sync_copy(ei_hbm.at[0, sl], rid_v.at[0])
        pltpu.sync_copy(ek_hbm.at[sl], kern_v.at[0])
        pltpu.sync_copy(ei_hbm.at[1, sl], dst_v.at[0])
        rid_compute(0)
        pltpu.async_copy(t_hbm.at[rid_v.at[0]], rows_v.at[0], gsem[0]).wait()
        pltpu.async_copy(rows_v.at[0], acc_sh.at[dst_v.at[0]], ssem[0],
                         add=True).wait()

    plsc.subcore_barrier()
    pltpu.sync_copy(acc_sh.at[pl.ds(sid * ROWS_PER_TILE, ROWS_PER_TILE)],
                    out_hbm.at[cid, pl.ds(sid * ROWS_PER_TILE, ROWS_PER_TILE)])


def _epi_body(p_ref, cb_ref, wl_ref, bl_ref, g_ref, b_ref, o_ref):
    conv = p_ref[0] + p_ref[1] + cb_ref[...]
    lin = lax.dot_general(conv, wl_ref[...], (((1,), (1,)), ((), ())),
                          preferred_element_type=jnp.float32) + bl_ref[...]
    mean = jnp.mean(lin, axis=1, keepdims=True)
    cent = lin - mean
    var = jnp.mean(cent * cent, axis=1, keepdims=True)
    o_ref[...] = cent * lax.rsqrt(var + EPS) * g_ref[...] + b_ref[...]


def _epilogue(partials, conv_bias, W_lin, b_lin, ln_gamma, ln_beta):
    BN = 1000
    return pl.pallas_call(
        _epi_body,
        grid=(N // BN,),
        in_specs=[
            pl.BlockSpec((2, BN, C), lambda i: (0, i, 0)),
            pl.BlockSpec((1, C), lambda i: (0, 0)),
            pl.BlockSpec((C, C), lambda i: (0, 0)),
            pl.BlockSpec((1, C), lambda i: (0, 0)),
            pl.BlockSpec((1, C), lambda i: (0, 0)),
            pl.BlockSpec((1, C), lambda i: (0, 0)),
        ],
        out_specs=pl.BlockSpec((BN, C), lambda i: (i, 0)),
        out_shape=jax.ShapeDtypeStruct((N, C), jnp.float32),
    )(partials, conv_bias.reshape(1, C), W_lin, b_lin.reshape(1, C),
      ln_gamma.reshape(1, C), ln_beta.reshape(1, C))


def kernel(feats, edge_index, edge_kernel, W_conv, conv_bias, W_lin, b_lin,
           ln_gamma, ln_beta):
    T = _transform(feats, W_conv).reshape(K * N, C)
    zeros = jnp.zeros((ROWS_PER_TILE, C), dtype=jnp.float32)
    partials = _sc_scatter(edge_index, edge_kernel, T, zeros)
    return _epilogue(partials, conv_bias, W_lin, b_lin, ln_gamma, ln_beta)

# --- scband reference (transcript-rebuilt; emitter-appended) ---
"""Pipeline reference for scband-ptv3-cpe-38371237822879 (READ-ONLY COPY).

The authoritative reference and input builder live on the scoring server;
editing this copy changes nothing except your own understanding.
"""

import jax, jax.numpy as jnp
import numpy as np

N = 10000   # active voxels
E = 320000  # kernel-map entries (src->dst pairs)
C = 128     # hidden_size
K = 27      # 3x3x3 kernel offsets
EPS = 1e-5


def setup_inputs(seed: int = 0) -> dict:
    key = jax.random.key(seed)
    ks = jax.random.split(key, 9)
    feats = jax.random.normal(ks[0], (N, C), dtype=jnp.float32)
    edge_index = jax.random.randint(ks[1], (2, E), 0, N, dtype=jnp.int32)
    edge_kernel = jax.random.randint(ks[2], (E,), 0, K, dtype=jnp.int32)
    # SparseConv3d weights: one [C, C] matrix per kernel offset, plus bias
    W_conv = jax.random.normal(ks[3], (K, C, C), dtype=jnp.float32) * 0.05
    conv_bias = jax.random.normal(ks[4], (C,), dtype=jnp.float32) * 0.05
    # Linear layer
    W_lin = jax.random.normal(ks[5], (C, C), dtype=jnp.float32) * 0.05
    b_lin = jax.random.normal(ks[6], (C,), dtype=jnp.float32) * 0.05
    # LayerNorm affine params
    ln_gamma = jnp.ones((C,), dtype=jnp.float32)
    ln_beta = jnp.zeros((C,), dtype=jnp.float32)
    return {
        "feats": feats,
        "edge_index": edge_index,
        "edge_kernel": edge_kernel,
        "W_conv": W_conv,
        "conv_bias": conv_bias,
        "W_lin": W_lin,
        "b_lin": b_lin,
        "ln_gamma": ln_gamma,
        "ln_beta": ln_beta,
    }


def reference(feats, edge_index, edge_kernel, W_conv, conv_bias, W_lin, b_lin, ln_gamma, ln_beta):
    # --- SparseConv3d via kernel map (gather -> per-offset scatter-add -> matmul) ---
    src = edge_index[0]
    dst = edge_index[1]
    msgs = jnp.take(feats, src, axis=0)                     # gather [E, C]
    agg = jnp.zeros((K, feats.shape[0], feats.shape[1]), dtype=feats.dtype)
    agg = agg.at[edge_kernel, dst].add(msgs)                # scatter-add per kernel offset
    conv_out = jnp.einsum('knc,kcd->nd', agg, W_conv)       # per-offset weight apply + sum
    conv_out = conv_out + conv_bias                         # bias added after _dispatch_conv
    # --- Linear ---
    lin = conv_out @ W_lin.T + b_lin
    # --- LayerNorm ---
    mean = jnp.mean(lin, axis=-1, keepdims=True)
    var = jnp.var(lin, axis=-1, keepdims=True)
    out = (lin - mean) / jnp.sqrt(var + EPS) * ln_gamma + ln_beta
    return out

if __name__ == "__main__":
    import jax
    _d = setup_inputs()
    print(jax.jit(kernel)(*tuple(_d.values())))

</pallas_src>

<mosaic_0001>
#map = affine_map<(d0, d1) -> (0, 0)>
#map1 = affine_map<(d0, d1) -> (0)>
#map2 = affine_map<(d0, d1) -> (0, 0, 0)>
module attributes {stable_mosaic.version = 14 : i64} {
  func.func @_sc_scatter(%arg0: i32, %arg1: i32, %arg2: memref<2x320000xi32, #tpu.memory_space<hbm>>, %arg3: memref<320000xi32, #tpu.memory_space<hbm>>, %arg4: memref<270000x128xf32, #tpu.memory_space<hbm>>, %arg5: memref<640x128xf32, #tpu.memory_space<hbm>>, %arg6: memref<2x10240x128xf32, #tpu.memory_space<hbm>>, %arg7: memref<8x64xi32, #tpu.memory_space<vmem>>, %arg8: memref<8x64xi32, #tpu.memory_space<vmem>>, %arg9: memref<8x64xi32, #tpu.memory_space<vmem>>, %arg10: memref<4x64x128xf32, #tpu.memory_space<vmem>>, %arg11: memref<10240x128xf32, #tpu.memory_space<vmem_shared>>, %arg12: memref<!tpu.dma_semaphore, #tpu.memory_space<semaphore_mem>>, %arg13: memref<!tpu.dma_semaphore, #tpu.memory_space<semaphore_mem>>, %arg14: memref<!tpu.dma_semaphore, #tpu.memory_space<semaphore_mem>>, %arg15: memref<!tpu.dma_semaphore, #tpu.memory_space<semaphore_mem>>, %arg16: memref<!tpu.dma_semaphore, #tpu.memory_space<semaphore_mem>>, %arg17: memref<!tpu.dma_semaphore, #tpu.memory_space<semaphore_mem>>, %arg18: memref<!tpu.dma_semaphore, #tpu.memory_space<semaphore_mem>>, %arg19: memref<!tpu.dma_semaphore, #tpu.memory_space<semaphore_mem>>, %arg20: memref<!tpu.dma_semaphore, #tpu.memory_space<semaphore_mem>>, %arg21: memref<!tpu.dma_semaphore, #tpu.memory_space<semaphore_mem>>, %arg22: memref<!tpu.dma_semaphore, #tpu.memory_space<semaphore_mem>>, %arg23: memref<!tpu.dma_semaphore, #tpu.memory_space<semaphore_mem>>, %arg24: memref<!tpu.dma_semaphore, #tpu.memory_space<semaphore_mem>>, %arg25: memref<!tpu.dma_semaphore, #tpu.memory_space<semaphore_mem>>, %arg26: memref<!tpu.dma_semaphore, #tpu.memory_space<semaphore_mem>>, %arg27: memref<!tpu.dma_semaphore, #tpu.memory_space<semaphore_mem>>) attributes {dimension_semantics = [#tpu.dimension_semantics<core_parallel>, #tpu.dimension_semantics<subcore_parallel>], iteration_bounds = array<i64: 2, 16>, scalar_prefetch = 0 : i64, scratch_operands = 21 : i64, tpu.core_type = #tpu.core_type<sc_vector_subcore>, window_params = [{transform_indices = #map}, {transform_indices = #map1}, {transform_indices = #map}, {transform_indices = #map}, {transform_indices = #map2}]} {
    %mul3A = arith.constant 2 : i32
    %mul3A_0 = arith.muli %arg1, %mul3A : i32
    %add3A = arith.addi %mul3A_0, %arg0 : i32
    %mul3A_1 = arith.constant 156 : i32
    %mul3A_2 = arith.muli %add3A, %mul3A_1 : i32
    %min3A = arith.constant 8 : i32
    %min3A_3 = arith.minsi %add3A, %min3A : i32
    %add3A_4 = arith.addi %mul3A_2, %min3A_3 : i32
    %lt3A = arith.constant 8 : i32
    %lt3A_5 = arith.cmpi slt, %add3A, %lt3A : i32
    %add3A_6 = arith.constant 0 : i32
    %add3A_7 = arith.addi %add3A_4, %add3A_6 : i32
    %mul3A_8 = arith.constant 64 : i32
    %mul3A_9 = arith.muli %add3A_7, %mul3A_8 : i32
    %dma_start3A = arith.constant 0 : i32
    %dma_start3A_10 = arith.constant 0 : i32
    %dma_start3A_11 = arith.constant 0 : i32
    %dma_start3A_12 = tpu.memref_slice %arg7[%dma_start3A_10, %dma_start3A_11] : memref<8x64xi32, #tpu.memory_space<vmem>> -> memref<1x64xi32, #tpu.memory_space<vmem>>
    %dma_start3A_13 = tpu.memref_squeeze %dma_start3A_12 : memref<1x64xi32, #tpu.memory_space<vmem>> -> memref<64xi32, #tpu.memory_space<vmem>>
    %dma_start3A_14 = tpu.memref_slice %arg2[%dma_start3A, %mul3A_9] : memref<2x320000xi32, #tpu.memory_space<hbm>> -> memref<1x64xi32, #tpu.memory_space<hbm>>
    %dma_start3A_15 = tpu.memref_squeeze %dma_start3A_14 : memref<1x64xi32, #tpu.memory_space<hbm>> -> memref<64xi32, #tpu.memory_space<hbm>>
    %dma_start3A_16 = arith.constant 0 : i32
    %dma_start3A_17 = tpu.memref_slice %arg7[%dma_start3A_10, %dma_start3A_16] : memref<8x64xi32, #tpu.memory_space<vmem>> -> memref<1x64xi32, #tpu.memory_space<vmem>>
    %dma_start3A_18 = tpu.memref_squeeze %dma_start3A_17 : memref<1x64xi32, #tpu.memory_space<vmem>> -> memref<64xi32, #tpu.memory_space<vmem>>
    %dma_start3A_19 = tpu.memref_slice %arg2[%dma_start3A, %mul3A_9] : memref<2x320000xi32, #tpu.memory_space<hbm>> -> memref<1x64xi32, #tpu.memory_space<hbm>>
    %dma_start3A_20 = tpu.memref_squeeze %dma_start3A_19 : memref<1x64xi32, #tpu.memory_space<hbm>> -> memref<64xi32, #tpu.memory_space<hbm>>
    tpu.enqueue_dma source(%dma_start3A_20 : memref<64xi32, #tpu.memory_space<hbm>>) target(%dma_start3A_18 : memref<64xi32, #tpu.memory_space<vmem>>) target_semaphore(%arg12 : memref<!tpu.dma_semaphore, #tpu.memory_space<semaphore_mem>>)
    %dma_start3A_21 = arith.constant 0 : i32
    %dma_start3A_22 = arith.constant 0 : i32
    %dma_start3A_23 = tpu.memref_slice %arg8[%dma_start3A_21, %dma_start3A_22] : memref<8x64xi32, #tpu.memory_space<vmem>> -> memref<1x64xi32, #tpu.memory_space<vmem>>
    %dma_start3A_24 = tpu.memref_squeeze %dma_start3A_23 : memref<1x64xi32, #tpu.memory_space<vmem>> -> memref<64xi32, #tpu.memory_space<vmem>>
    %dma_start3A_25 = tpu.memref_slice %arg3[%mul3A_9] : memref<320000xi32, #tpu.memory_space<hbm>> -> memref<64xi32, #tpu.memory_space<hbm>>
    %dma_start3A_26 = arith.constant 0 : i32
    %dma_start3A_27 = tpu.memref_slice %arg8[%dma_start3A_21, %dma_start3A_26] : memref<8x64xi32, #tpu.memory_space<vmem>> -> memref<1x64xi32, #tpu.memory_space<vmem>>
    %dma_start3A_28 = tpu.memref_squeeze %dma_start3A_27 : memref<1x64xi32, #tpu.memory_space<vmem>> -> memref<64xi32, #tpu.memory_space<vmem>>
    %dma_start3A_29 = tpu.memref_slice %arg3[%mul3A_9] : memref<320000xi32, #tpu.memory_space<hbm>> -> memref<64xi32, #tpu.memory_space<hbm>>
    tpu.enqueue_dma source(%dma_start3A_29 : memref<64xi32, #tpu.memory_space<hbm>>) target(%dma_start3A_28 : memref<64xi32, #tpu.memory_space<vmem>>) target_semaphore(%arg12 : memref<!tpu.dma_semaphore, #tpu.memory_space<semaphore_mem>>)
    %dma_start3A_30 = arith.constant 1 : i32
    %dma_start3A_31 = arith.constant 0 : i32
    %dma_start3A_32 = arith.constant 0 : i32
    %dma_start3A_33 = tpu.memref_slice %arg9[%dma_start3A_31, %dma_start3A_32] : memref<8x64xi32, #tpu.memory_space<vmem>> -> memref<1x64xi32, #tpu.memory_space<vmem>>
    %dma_start3A_34 = tpu.memref_squeeze %dma_start3A_33 : memref<1x64xi32, #tpu.memory_space<vmem>> -> memref<64xi32, #tpu.memory_space<vmem>>
    %dma_start3A_35 = tpu.memref_slice %arg2[%dma_start3A_30, %mul3A_9] : memref<2x320000xi32, #tpu.memory_space<hbm>> -> memref<1x64xi32, #tpu.memory_space<hbm>>
    %dma_start3A_36 = tpu.memref_squeeze %dma_start3A_35 : memref<1x64xi32, #tpu.memory_space<hbm>> -> memref<64xi32, #tpu.memory_space<hbm>>
    %dma_start3A_37 = arith.constant 0 : i32
    %dma_start3A_38 = tpu.memref_slice %arg9[%dma_start3A_31, %dma_start3A_37] : memref<8x64xi32, #tpu.memory_space<vmem>> -> memref<1x64xi32, #tpu.memory_space<vmem>>
    %dma_start3A_39 = tpu.memref_squeeze %dma_start3A_38 : memref<1x64xi32, #tpu.memory_space<vmem>> -> memref<64xi32, #tpu.memory_space<vmem>>
    %dma_start3A_40 = tpu.memref_slice %arg2[%dma_start3A_30, %mul3A_9] : memref<2x320000xi32, #tpu.memory_space<hbm>> -> memref<1x64xi32, #tpu.memory_space<hbm>>
    %dma_start3A_41 = tpu.memref_squeeze %dma_start3A_40 : memref<1x64xi32, #tpu.memory_space<hbm>> -> memref<64xi32, #tpu.memory_space<hbm>>
    tpu.enqueue_dma source(%dma_start3A_41 : memref<64xi32, #tpu.memory_space<hbm>>) target(%dma_start3A_39 : memref<64xi32, #tpu.memory_space<vmem>>) target_semaphore(%arg12 : memref<!tpu.dma_semaphore, #tpu.memory_space<semaphore_mem>>)
    %add3A_42 = arith.constant 1 : i32
    %add3A_43 = arith.addi %add3A_4, %add3A_42 : i32
    %mul3A_44 = arith.constant 64 : i32
    %mul3A_45 = arith.muli %add3A_43, %mul3A_44 : i32
    %dma_start3A_46 = arith.constant 0 : i32
    %dma_start3A_47 = arith.constant 1 : i32
    %dma_start3A_48 = arith.constant 0 : i32
    %dma_start3A_49 = tpu.memref_slice %arg7[%dma_start3A_47, %dma_start3A_48] : memref<8x64xi32, #tpu.memory_space<vmem>> -> memref<1x64xi32, #tpu.memory_space<vmem>>
    %dma_start3A_50 = tpu.memref_squeeze %dma_start3A_49 : memref<1x64xi32, #tpu.memory_space<vmem>> -> memref<64xi32, #tpu.memory_space<vmem>>
    %dma_start3A_51 = tpu.memref_slice %arg2[%dma_start3A_46, %mul3A_45] : memref<2x320000xi32, #tpu.memory_space<hbm>> -> memref<1x64xi32, #tpu.memory_space<hbm>>
    %dma_start3A_52 = tpu.memref_squeeze %dma_start3A_51 : memref<1x64xi32, #tpu.memory_space<hbm>> -> memref<64xi32, #tpu.memory_space<hbm>>
    %dma_start3A_53 = arith.constant 0 : i32
    %dma_start3A_54 = tpu.memref_slice %arg7[%dma_start3A_47, %dma_start3A_53] : memref<8x64xi32, #tpu.memory_space<vmem>> -> memref<1x64xi32, #tpu.memory_space<vmem>>
    %dma_start3A_55 = tpu.memref_squeeze %dma_start3A_54 : memref<1x64xi32, #tpu.memory_space<vmem>> -> memref<64xi32, #tpu.memory_space<vmem>>
    %dma_start3A_56 = tpu.memref_slice %arg2[%dma_start3A_46, %mul3A_45] : memref<2x320000xi32, #tpu.memory_space<hbm>> -> memref<1x64xi32, #tpu.memory_space<hbm>>
    %dma_start3A_57 = tpu.memref_squeeze %dma_start3A_56 : memref<1x64xi32, #tpu.memory_space<hbm>> -> memref<64xi32, #tpu.memory_space<hbm>>
    tpu.enqueue_dma source(%dma_start3A_57 : memref<64xi32, #tpu.memory_space<hbm>>) target(%dma_start3A_55 : memref<64xi32, #tpu.memory_space<vmem>>) target_semaphore(%arg13 : memref<!tpu.dma_semaphore, #tpu.memory_space<semaphore_mem>>)
    %dma_start3A_58 = arith.constant 1 : i32
    %dma_start3A_59 = arith.constant 0 : i32
    %dma_start3A_60 = tpu.memref_slice %arg8[%dma_start3A_58, %dma_start3A_59] : memref<8x64xi32, #tpu.memory_space<vmem>> -> memref<1x64xi32, #tpu.memory_space<vmem>>
    %dma_start3A_61 = tpu.memref_squeeze %dma_start3A_60 : memref<1x64xi32, #tpu.memory_space<vmem>> -> memref<64xi32, #tpu.memory_space<vmem>>
    %dma_start3A_62 = tpu.memref_slice %arg3[%mul3A_45] : memref<320000xi32, #tpu.memory_space<hbm>> -> memref<64xi32, #tpu.memory_space<hbm>>
    %dma_start3A_63 = arith.constant 0 : i32
    %dma_start3A_64 = tpu.memref_slice %arg8[%dma_start3A_58, %dma_start3A_63] : memref<8x64xi32, #tpu.memory_space<vmem>> -> memref<1x64xi32, #tpu.memory_space<vmem>>
    %dma_start3A_65 = tpu.memref_squeeze %dma_start3A_64 : memref<1x64xi32, #tpu.memory_space<vmem>> -> memref<64xi32, #tpu.memory_space<vmem>>
    %dma_start3A_66 = tpu.memref_slice %arg3[%mul3A_45] : memref<320000xi32, #tpu.memory_space<hbm>> -> memref<64xi32, #tpu.memory_space<hbm>>
    tpu.enqueue_dma source(%dma_start3A_66 : memref<64xi32, #tpu.memory_space<hbm>>) target(%dma_start3A_65 : memref<64xi32, #tpu.memory_space<vmem>>) target_semaphore(%arg13 : memref<!tpu.dma_semaphore, #tpu.memory_space<semaphore_mem>>)
    %dma_start3A_67 = arith.constant 1 : i32
    %dma_start3A_68 = arith.constant 1 : i32
    %dma_start3A_69 = arith.constant 0 : i32
    %dma_start3A_70 = tpu.memref_slice %arg9[%dma_start3A_68, %dma_start3A_69] : memref<8x64xi32, #tpu.memory_space<vmem>> -> memref<1x64xi32, #tpu.memory_space<vmem>>
    %dma_start3A_71 = tpu.memref_squeeze %dma_start3A_70 : memref<1x64xi32, #tpu.memory_space<vmem>> -> memref<64xi32, #tpu.memory_space<vmem>>
    %dma_start3A_72 = tpu.memref_slice %arg2[%dma_start3A_67, %mul3A_45] : memref<2x320000xi32, #tpu.memory_space<hbm>> -> memref<1x64xi32, #tpu.memory_space<hbm>>
    %dma_start3A_73 = tpu.memref_squeeze %dma_start3A_72 : memref<1x64xi32, #tpu.memory_space<hbm>> -> memref<64xi32, #tpu.memory_space<hbm>>
    %dma_start3A_74 = arith.constant 0 : i32
    %dma_start3A_75 = tpu.memref_slice %arg9[%dma_start3A_68, %dma_start3A_74] : memref<8x64xi32, #tpu.memory_space<vmem>> -> memref<1x64xi32, #tpu.memory_space<vmem>>
    %dma_start3A_76 = tpu.memref_squeeze %dma_start3A_75 : memref<1x64xi32, #tpu.memory_space<vmem>> -> memref<64xi32, #tpu.memory_space<vmem>>
    %dma_start3A_77 = tpu.memref_slice %arg2[%dma_start3A_67, %mul3A_45] : memref<2x320000xi32, #tpu.memory_space<hbm>> -> memref<1x64xi32, #tpu.memory_space<hbm>>
    %dma_start3A_78 = tpu.memref_squeeze %dma_start3A_77 : memref<1x64xi32, #tpu.memory_space<hbm>> -> memref<64xi32, #tpu.memory_space<hbm>>
    tpu.enqueue_dma source(%dma_start3A_78 : memref<64xi32, #tpu.memory_space<hbm>>) target(%dma_start3A_76 : memref<64xi32, #tpu.memory_space<vmem>>) target_semaphore(%arg13 : memref<!tpu.dma_semaphore, #tpu.memory_space<semaphore_mem>>)
    %add3A_79 = arith.constant 2 : i32
    %add3A_80 = arith.addi %add3A_4, %add3A_79 : i32
    %mul3A_81 = arith.constant 64 : i32
    %mul3A_82 = arith.muli %add3A_80, %mul3A_81 : i32
    %dma_start3A_83 = arith.constant 0 : i32
    %dma_start3A_84 = arith.constant 2 : i32
    %dma_start3A_85 = arith.constant 0 : i32
    %dma_start3A_86 = tpu.memref_slice %arg7[%dma_start3A_84, %dma_start3A_85] : memref<8x64xi32, #tpu.memory_space<vmem>> -> memref<1x64xi32, #tpu.memory_space<vmem>>
    %dma_start3A_87 = tpu.memref_squeeze %dma_start3A_86 : memref<1x64xi32, #tpu.memory_space<vmem>> -> memref<64xi32, #tpu.memory_space<vmem>>
    %dma_start3A_88 = tpu.memref_slice %arg2[%dma_start3A_83, %mul3A_82] : memref<2x320000xi32, #tpu.memory_space<hbm>> -> memref<1x64xi32, #tpu.memory_space<hbm>>
    %dma_start3A_89 = tpu.memref_squeeze %dma_start3A_88 : memref<1x64xi32, #tpu.memory_space<hbm>> -> memref<64xi32, #tpu.memory_space<hbm>>
    %dma_start3A_90 = arith.constant 0 : i32
    %dma_start3A_91 = tpu.memref_slice %arg7[%dma_start3A_84, %dma_start3A_90] : memref<8x64xi32, #tpu.memory_space<vmem>> -> memref<1x64xi32, #tpu.memory_space<vmem>>
    %dma_start3A_92 = tpu.memref_squeeze %dma_start3A_91 : memref<1x64xi32, #tpu.memory_space<vmem>> -> memref<64xi32, #tpu.memory_space<vmem>>
    %dma_start3A_93 = tpu.memref_slice %arg2[%dma_start3A_83, %mul3A_82] : memref<2x320000xi32, #tpu.memory_space<hbm>> -> memref<1x64xi32, #tpu.memory_space<hbm>>
    %dma_start3A_94 = tpu.memref_squeeze %dma_start3A_93 : memref<1x64xi32, #tpu.memory_space<hbm>> -> memref<64xi32, #tpu.memory_space<hbm>>
    tpu.enqueue_dma source(%dma_start3A_94 : memref<64xi32, #tpu.memory_space<hbm>>) target(%dma_start3A_92 : memref<64xi32, #tpu.memory_space<vmem>>) target_semaphore(%arg14 : memref<!tpu.dma_semaphore, #tpu.memory_space<semaphore_mem>>)
    %dma_start3A_95 = arith.constant 2 : i32
    %dma_start3A_96 = arith.constant 0 : i32
    %dma_start3A_97 = tpu.memref_slice %arg8[%dma_start3A_95, %dma_start3A_96] : memref<8x64xi32, #tpu.memory_space<vmem>> -> memref<1x64xi32, #tpu.memory_space<vmem>>
    %dma_start3A_98 = tpu.memref_squeeze %dma_start3A_97 : memref<1x64xi32, #tpu.memory_space<vmem>> -> memref<64xi32, #tpu.memory_space<vmem>>
    %dma_start3A_99 = tpu.memref_slice %arg3[%mul3A_82] : memref<320000xi32, #tpu.memory_space<hbm>> -> memref<64xi32, #tpu.memory_space<hbm>>
    %dma_start3A_100 = arith.constant 0 : i32
    %dma_start3A_101 = tpu.memref_slice %arg8[%dma_start3A_95, %dma_start3A_100] : memref<8x64xi32, #tpu.memory_space<vmem>> -> memref<1x64xi32, #tpu.memory_space<vmem>>
    %dma_start3A_102 = tpu.memref_squeeze %dma_start3A_101 : memref<1x64xi32, #tpu.memory_space<vmem>> -> memref<64xi32, #tpu.memory_space<vmem>>
    %dma_start3A_103 = tpu.memref_slice %arg3[%mul3A_82] : memref<320000xi32, #tpu.memory_space<hbm>> -> memref<64xi32, #tpu.memory_space<hbm>>
    tpu.enqueue_dma source(%dma_start3A_103 : memref<64xi32, #tpu.memory_space<hbm>>) target(%dma_start3A_102 : memref<64xi32, #tpu.memory_space<vmem>>) target_semaphore(%arg14 : memref<!tpu.dma_semaphore, #tpu.memory_space<semaphore_mem>>)
    %dma_start3A_104 = arith.constant 1 : i32
    %dma_start3A_105 = arith.constant 2 : i32
    %dma_start3A_106 = arith.constant 0 : i32
    %dma_start3A_107 = tpu.memref_slice %arg9[%dma_start3A_105, %dma_start3A_106] : memref<8x64xi32, #tpu.memory_space<vmem>> -> memref<1x64xi32, #tpu.memory_space<vmem>>
    %dma_start3A_108 = tpu.memref_squeeze %dma_start3A_107 : memref<1x64xi32, #tpu.memory_space<vmem>> -> memref<64xi32, #tpu.memory_space<vmem>>
    %dma_start3A_109 = tpu.memref_slice %arg2[%dma_start3A_104, %mul3A_82] : memref<2x320000xi32, #tpu.memory_space<hbm>> -> memref<1x64xi32, #tpu.memory_space<hbm>>
    %dma_start3A_110 = tpu.memref_squeeze %dma_start3A_109 : memref<1x64xi32, #tpu.memory_space<hbm>> -> memref<64xi32, #tpu.memory_space<hbm>>
    %dma_start3A_111 = arith.constant 0 : i32
    %dma_start3A_112 = tpu.memref_slice %arg9[%dma_start3A_105, %dma_start3A_111] : memref<8x64xi32, #tpu.memory_space<vmem>> -> memref<1x64xi32, #tpu.memory_space<vmem>>
    %dma_start3A_113 = tpu.memref_squeeze %dma_start3A_112 : memref<1x64xi32, #tpu.memory_space<vmem>> -> memref<64xi32, #tpu.memory_space<vmem>>
    %dma_start3A_114 = tpu.memref_slice %arg2[%dma_start3A_104, %mul3A_82] : memref<2x320000xi32, #tpu.memory_space<hbm>> -> memref<1x64xi32, #tpu.memory_space<hbm>>
    %dma_start3A_115 = tpu.memref_squeeze %dma_start3A_114 : memref<1x64xi32, #tpu.memory_space<hbm>> -> memref<64xi32, #tpu.memory_space<hbm>>
    tpu.enqueue_dma source(%dma_start3A_115 : memref<64xi32, #tpu.memory_space<hbm>>) target(%dma_start3A_113 : memref<64xi32, #tpu.memory_space<vmem>>) target_semaphore(%arg14 : memref<!tpu.dma_semaphore, #tpu.memory_space<semaphore_mem>>)
    %add3A_116 = arith.constant 3 : i32
    %add3A_117 = arith.addi %add3A_4, %add3A_116 : i32
    %mul3A_118 = arith.constant 64 : i32
    %mul3A_119 = arith.muli %add3A_117, %mul3A_118 : i32
    %dma_start3A_120 = arith.constant 0 : i32
    %dma_start3A_121 = arith.constant 3 : i32
    %dma_start3A_122 = arith.constant 0 : i32
    %dma_start3A_123 = tpu.memref_slice %arg7[%dma_start3A_121, %dma_start3A_122] : memref<8x64xi32, #tpu.memory_space<vmem>> -> memref<1x64xi32, #tpu.memory_space<vmem>>
    %dma_start3A_124 = tpu.memref_squeeze %dma_start3A_123 : memref<1x64xi32, #tpu.memory_space<vmem>> -> memref<64xi32, #tpu.memory_space<vmem>>
    %dma_start3A_125 = tpu.memref_slice %arg2[%dma_start3A_120, %mul3A_119] : memref<2x320000xi32, #tpu.memory_space<hbm>> -> memref<1x64xi32, #tpu.memory_space<hbm>>
    %dma_start3A_126 = tpu.memref_squeeze %dma_start3A_125 : memref<1x64xi32, #tpu.memory_space<hbm>> -> memref<64xi32, #tpu.memory_space<hbm>>
    %dma_start3A_127 = arith.constant 0 : i32
    %dma_start3A_128 = tpu.memref_slice %arg7[%dma_start3A_121, %dma_start3A_127] : memref<8x64xi32, #tpu.memory_space<vmem>> -> memref<1x64xi32, #tpu.memory_space<vmem>>
    %dma_start3A_129 = tpu.memref_squeeze %dma_start3A_128 : memref<1x64xi32, #tpu.memory_space<vmem>> -> memref<64xi32, #tpu.memory_space<vmem>>
    %dma_start3A_130 = tpu.memref_slice %arg2[%dma_start3A_120, %mul3A_119] : memref<2x320000xi32, #tpu.memory_space<hbm>> -> memref<1x64xi32, #tpu.memory_space<hbm>>
    %dma_start3A_131 = tpu.memref_squeeze %dma_start3A_130 : memref<1x64xi32, #tpu.memory_space<hbm>> -> memref<64xi32, #tpu.memory_space<hbm>>
    tpu.enqueue_dma source(%dma_start3A_131 : memref<64xi32, #tpu.memory_space<hbm>>) target(%dma_start3A_129 : memref<64xi32, #tpu.memory_space<vmem>>) target_semaphore(%arg15 : memref<!tpu.dma_semaphore, #tpu.memory_space<semaphore_mem>>)
    %dma_start3A_132 = arith.constant 3 : i32
    %dma_start3A_133 = arith.constant 0 : i32
    %dma_start3A_134 = tpu.memref_slice %arg8[%dma_start3A_132, %dma_start3A_133] : memref<8x64xi32, #tpu.memory_space<vmem>> -> memref<1x64xi32, #tpu.memory_space<vmem>>
    %dma_start3A_135 = tpu.memref_squeeze %dma_start3A_134 : memref<1x64xi32, #tpu.memory_space<vmem>> -> memref<64xi32, #tpu.memory_space<vmem>>
    %dma_start3A_136 = tpu.memref_slice %arg3[%mul3A_119] : memref<320000xi32, #tpu.memory_space<hbm>> -> memref<64xi32, #tpu.memory_space<hbm>>
    %dma_start3A_137 = arith.constant 0 : i32
    %dma_start3A_138 = tpu.memref_slice %arg8[%dma_start3A_132, %dma_start3A_137] : memref<8x64xi32, #tpu.memory_space<vmem>> -> memref<1x64xi32, #tpu.memory_space<vmem>>
    %dma_start3A_139 = tpu.memref_squeeze %dma_start3A_138 : memref<1x64xi32, #tpu.memory_space<vmem>> -> memref<64xi32, #tpu.memory_space<vmem>>
    %dma_start3A_140 = tpu.memref_slice %arg3[%mul3A_119] : memref<320000xi32, #tpu.memory_space<hbm>> -> memref<64xi32, #tpu.memory_space<hbm>>
    tpu.enqueue_dma source(%dma_start3A_140 : memref<64xi32, #tpu.memory_space<hbm>>) target(%dma_start3A_139 : memref<64xi32, #tpu.memory_space<vmem>>) target_semaphore(%arg15 : memref<!tpu.dma_semaphore, #tpu.memory_space<semaphore_mem>>)
    %dma_start3A_141 = arith.constant 1 : i32
    %dma_start3A_142 = arith.constant 3 : i32
    %dma_start3A_143 = arith.constant 0 : i32
    %dma_start3A_144 = tpu.memref_slice %arg9[%dma_start3A_142, %dma_start3A_143] : memref<8x64xi32, #tpu.memory_space<vmem>> -> memref<1x64xi32, #tpu.memory_space<vmem>>
    %dma_start3A_145 = tpu.memref_squeeze %dma_start3A_144 : memref<1x64xi32, #tpu.memory_space<vmem>> -> memref<64xi32, #tpu.memory_space<vmem>>
    %dma_start3A_146 = tpu.memref_slice %arg2[%dma_start3A_141, %mul3A_119] : memref<2x320000xi32, #tpu.memory_space<hbm>> -> memref<1x64xi32, #tpu.memory_space<hbm>>
    %dma_start3A_147 = tpu.memref_squeeze %dma_start3A_146 : memref<1x64xi32, #tpu.memory_space<hbm>> -> memref<64xi32, #tpu.memory_space<hbm>>
    %dma_start3A_148 = arith.constant 0 : i32
    %dma_start3A_149 = tpu.memref_slice %arg9[%dma_start3A_142, %dma_start3A_148] : memref<8x64xi32, #tpu.memory_space<vmem>> -> memref<1x64xi32, #tpu.memory_space<vmem>>
    %dma_start3A_150 = tpu.memref_squeeze %dma_start3A_149 : memref<1x64xi32, #tpu.memory_space<vmem>> -> memref<64xi32, #tpu.memory_space<vmem>>
    %dma_start3A_151 = tpu.memref_slice %arg2[%dma_start3A_141, %mul3A_119] : memref<2x320000xi32, #tpu.memory_space<hbm>> -> memref<1x64xi32, #tpu.memory_space<hbm>>
    %dma_start3A_152 = tpu.memref_squeeze %dma_start3A_151 : memref<1x64xi32, #tpu.memory_space<hbm>> -> memref<64xi32, #tpu.memory_space<hbm>>
    tpu.enqueue_dma source(%dma_start3A_152 : memref<64xi32, #tpu.memory_space<hbm>>) target(%dma_start3A_150 : memref<64xi32, #tpu.memory_space<vmem>>) target_semaphore(%arg15 : memref<!tpu.dma_semaphore, #tpu.memory_space<semaphore_mem>>)
    %mul3A_153 = arith.constant 640 : i32
    %mul3A_154 = arith.muli %arg1, %mul3A_153 : i32
    "tpu.region"() ({
      %run_scoped3A = tpu.sem_alloc : memref<!tpu.dma_semaphore, #tpu.memory_space<semaphore_mem>>
      %dma_start3A_919 = arith.constant 0 : i32
      %dma_start3A_920 = tpu.memref_slice %arg11[%mul3A_154, %dma_start3A_919] : memref<10240x128xf32, #tpu.memory_space<vmem_shared>> -> memref<640x128xf32, #tpu.memory_space<vmem_shared>>
      tpu.enqueue_dma source(%arg5 : memref<640x128xf32, #tpu.memory_space<hbm>>) target(%dma_start3A_920 : memref<640x128xf32, #tpu.memory_space<vmem_shared>>) target_semaphore(%run_scoped3A : memref<!tpu.dma_semaphore, #tpu.memory_space<semaphore_mem>>)
      %dma_wait3A_921 = arith.constant 0 : i32
      %dma_wait3A_922 = tpu.memref_slice %arg11[%mul3A_154, %dma_wait3A_921] : memref<10240x128xf32, #tpu.memory_space<vmem_shared>> -> memref<640x128xf32, #tpu.memory_space<vmem_shared>>
      tpu.wait_dma2 semaphore(%run_scoped3A : memref<!tpu.dma_semaphore, #tpu.memory_space<semaphore_mem>>) src(%arg5 : memref<640x128xf32, #tpu.memory_space<hbm>>) dst(%dma_wait3A_922 : memref<640x128xf32, #tpu.memory_space<vmem_shared>>)
      tpu.yield
    }) : () -> ()
    %barrier3A = arith.constant 0 : index
    tpu.barrier barrier_id(%barrier3A)
    %scan3A = arith.constant 0 : i32
    %scan3A_155 = arith.constant 0 : i32
    %scan3A_156 = arith.constant 19 : i32
    %scan3A_157 = arith.addi %scan3A_155, %scan3A_156 : i32
    %scan3A_158 = arith.constant 1 : i32
    scf.for %scan3A_919 = %scan3A_155 to %scan3A_157 step %scan3A_158  : i32 {
      %mul3A_920 = arith.constant 2 : i32
      %mul3A_921 = arith.muli %scan3A_919, %mul3A_920 : i32
      %mul3A_922 = arith.constant 4 : i32
      %mul3A_923 = arith.muli %mul3A_921, %mul3A_922 : i32
      %add3A_924 = arith.constant 0 : i32
      %add3A_925 = arith.addi %mul3A_923, %add3A_924 : i32
      %ge3A = arith.constant 4 : i32
      %ge3A_926 = arith.cmpi sge, %add3A_925, %ge3A : i32
      %convert_element_type3A_927 = arith.extui %ge3A_926 : i1 to i32
      %cond3A_928 = arith.constant 0 : i32
      %cond3A_929 = arith.cmpi ne, %convert_element_type3A_927, %cond3A_928 : i32
      scf.if %cond3A_929 {
        %dma_wait3A_2105 = arith.constant 0 : i32
        %dma_wait3A_2106 = arith.constant 4 : i32
        %dma_wait3A_2107 = arith.constant 0 : i32
        %dma_wait3A_2108 = arith.constant 0 : i32
        %dma_wait3A_2109 = tpu.memref_slice %arg10[%dma_wait3A_2105, %dma_wait3A_2107, %dma_wait3A_2108] : memref<4x64x128xf32, #tpu.memory_space<vmem>> -> memref<1x64x128xf32, #tpu.memory_space<vmem>>
        %dma_wait3A_2110 = tpu.memref_squeeze %dma_wait3A_2109 : memref<1x64x128xf32, #tpu.memory_space<vmem>> -> memref<64x128xf32, #tpu.memory_space<vmem>>
        %dma_wait3A_2111 = arith.constant 0 : i32
        %dma_wait3A_2112 = tpu.memref_slice %arg9[%dma_wait3A_2106, %dma_wait3A_2111] : memref<8x64xi32, #tpu.memory_space<vmem>> -> memref<1x64xi32, #tpu.memory_space<vmem>>
        %dma_wait3A_2113 = tpu.memref_squeeze %dma_wait3A_2112 : memref<1x64xi32, #tpu.memory_space<vmem>> -> memref<64xi32, #tpu.memory_space<vmem>>
        %dma_wait3A_2114 = arith.constant 0 : i32
        %dma_wait3A_2115 = arith.constant 0 : i32
        %dma_wait3A_2116 = tpu.memref_slice %arg11[%dma_wait3A_2114, %dma_wait3A_2115] : memref<10240x128xf32, #tpu.memory_space<vmem_shared>> -> memref<10240x128xf32, #tpu.memory_space<vmem_shared>>
        tpu.wait_indirect_dma semaphore(%arg24 : memref<!tpu.dma_semaphore, #tpu.memory_space<semaphore_mem>>) src(%dma_wait3A_2110 : memref<64x128xf32, #tpu.memory_space<vmem>>) dst(%dma_wait3A_2116 : memref<10240x128xf32, #tpu.memory_space<vmem_shared>>)
      } else {
      }
      %add3A_930 = arith.constant 4 : i32
      %add3A_931 = arith.addi %add3A_925, %add3A_930 : i32
      %lt3A_932 = arith.constant 156 : i32
      %lt3A_933 = arith.cmpi slt, %add3A_931, %lt3A_932 : i32
      %convert_element_type3A_934 = arith.extui %lt3A_933 : i1 to i32
      %cond3A_935 = arith.constant 0 : i32
      %cond3A_936 = arith.cmpi ne, %convert_element_type3A_934, %cond3A_935 : i32
      scf.if %cond3A_936 {
        %add3A_2105 = arith.constant 4 : i32
        %add3A_2106 = arith.addi %add3A_925, %add3A_2105 : i32
        %add3A_2107 = arith.addi %add3A_4, %add3A_2106 : i32
        %mul3A_2108 = arith.constant 64 : i32
        %mul3A_2109 = arith.muli %add3A_2107, %mul3A_2108 : i32
        %dma_start3A_2110 = arith.constant 0 : i32
        %dma_start3A_2111 = arith.constant 4 : i32
        %dma_start3A_2112 = arith.constant 0 : i32
        %dma_start3A_2113 = tpu.memref_slice %arg7[%dma_start3A_2111, %dma_start3A_2112] : memref<8x64xi32, #tpu.memory_space<vmem>> -> memref<1x64xi32, #tpu.memory_space<vmem>>
        %dma_start3A_2114 = tpu.memref_squeeze %dma_start3A_2113 : memref<1x64xi32, #tpu.memory_space<vmem>> -> memref<64xi32, #tpu.memory_space<vmem>>
        %dma_start3A_2115 = tpu.memref_slice %arg2[%dma_start3A_2110, %mul3A_2109] : memref<2x320000xi32, #tpu.memory_space<hbm>> -> memref<1x64xi32, #tpu.memory_space<hbm>>
        %dma_start3A_2116 = tpu.memref_squeeze %dma_start3A_2115 : memref<1x64xi32, #tpu.memory_space<hbm>> -> memref<64xi32, #tpu.memory_space<hbm>>
        %dma_start3A_2117 = arith.constant 0 : i32
        %dma_start3A_2118 = tpu.memref_slice %arg7[%dma_start3A_2111, %dma_start3A_2117] : memref<8x64xi32, #tpu.memory_space<vmem>> -> memref<1x64xi32, #tpu.memory_space<vmem>>
        %dma_start3A_2119 = tpu.memref_squeeze %dma_start3A_2118 : memref<1x64xi32, #tpu.memory_space<vmem>> -> memref<64xi32, #tpu.memory_space<vmem>>
        %dma_start3A_2120 = tpu.memref_slice %arg2[%dma_start3A_2110, %mul3A_2109] : memref<2x320000xi32, #tpu.memory_space<hbm>> -> memref<1x64xi32, #tpu.memory_space<hbm>>
        %dma_start3A_2121 = tpu.memref_squeeze %dma_start3A_2120 : memref<1x64xi32, #tpu.memory_space<hbm>> -> memref<64xi32, #tpu.memory_space<hbm>>
        tpu.enqueue_dma source(%dma_start3A_2121 : memref<64xi32, #tpu.memory_space<hbm>>) target(%dma_start3A_2119 : memref<64xi32, #tpu.memory_space<vmem>>) target_semaphore(%arg16 : memref<!tpu.dma_semaphore, #tpu.memory_space<semaphore_mem>>)
        %dma_start3A_2122 = arith.constant 4 : i32
        %dma_start3A_2123 = arith.constant 0 : i32
        %dma_start3A_2124 = tpu.memref_slice %arg8[%dma_start3A_2122, %dma_start3A_2123] : memref<8x64xi32, #tpu.memory_space<vmem>> -> memref<1x64xi32, #tpu.memory_space<vmem>>
        %dma_start3A_2125 = tpu.memref_squeeze %dma_start3A_2124 : memref<1x64xi32, #tpu.memory_space<vmem>> -> memref<64xi32, #tpu.memory_space<vmem>>
        %dma_start3A_2126 = tpu.memref_slice %arg3[%mul3A_2109] : memref<320000xi32, #tpu.memory_space<hbm>> -> memref<64xi32, #tpu.memory_space<hbm>>
        %dma_start3A_2127 = arith.constant 0 : i32
        %dma_start3A_2128 = tpu.memref_slice %arg8[%dma_start3A_2122, %dma_start3A_2127] : memref<8x64xi32, #tpu.memory_space<vmem>> -> memref<1x64xi32, #tpu.memory_space<vmem>>
        %dma_start3A_2129 = tpu.memref_squeeze %dma_start3A_2128 : memref<1x64xi32, #tpu.memory_space<vmem>> -> memref<64xi32, #tpu.memory_space<vmem>>
        %dma_start3A_2130 = tpu.memref_slice %arg3[%mul3A_2109] : memref<320000xi32, #tpu.memory_space<hbm>> -> memref<64xi32, #tpu.memory_space<hbm>>
        tpu.enqueue_dma source(%dma_start3A_2130 : memref<64xi32, #tpu.memory_space<hbm>>) target(%dma_start3A_2129 : memref<64xi32, #tpu.memory_space<vmem>>) target_semaphore(%arg16 : memref<!tpu.dma_semaphore, #tpu.memory_space<semaphore_mem>>)
        %dma_start3A_2131 = arith.constant 1 : i32
        %dma_start3A_2132 = arith.constant 4 : i32
        %dma_start3A_2133 = arith.constant 0 : i32
        %dma_start3A_2134 = tpu.memref_slice %arg9[%dma_start3A_2132, %dma_start3A_2133] : memref<8x64xi32, #tpu.memory_space<vmem>> -> memref<1x64xi32, #tpu.memory_space<vmem>>
        %dma_start3A_2135 = tpu.memref_squeeze %dma_start3A_2134 : memref<1x64xi32, #tpu.memory_space<vmem>> -> memref<64xi32, #tpu.memory_space<vmem>>
        %dma_start3A_2136 = tpu.memref_slice %arg2[%dma_start3A_2131, %mul3A_2109] : memref<2x320000xi32, #tpu.memory_space<hbm>> -> memref<1x64xi32, #tpu.memory_space<hbm>>
        %dma_start3A_2137 = tpu.memref_squeeze %dma_start3A_2136 : memref<1x64xi32, #tpu.memory_space<hbm>> -> memref<64xi32, #tpu.memory_space<hbm>>
        %dma_start3A_2138 = arith.constant 0 : i32
        %dma_start3A_2139 = tpu.memref_slice %arg9[%dma_start3A_2132, %dma_start3A_2138] : memref<8x64xi32, #tpu.memory_space<vmem>> -> memref<1x64xi32, #tpu.memory_space<vmem>>
        %dma_start3A_2140 = tpu.memref_squeeze %dma_start3A_2139 : memref<1x64xi32, #tpu.memory_space<vmem>> -> memref<64xi32, #tpu.memory_space<vmem>>
        %dma_start3A_2141 = tpu.memref_slice %arg2[%dma_start3A_2131, %mul3A_2109] : memref<2x320000xi32, #tpu.memory_space<hbm>> -> memref<1x64xi32, #tpu.memory_space<hbm>>
        %dma_start3A_2142 = tpu.memref_squeeze %dma_start3A_2141 : memref<1x64xi32, #tpu.memory_space<hbm>> -> memref<64xi32, #tpu.memory_space<hbm>>
        tpu.enqueue_dma source(%dma_start3A_2142 : memref<64xi32, #tpu.memory_space<hbm>>) target(%dma_start3A_2140 : memref<64xi32, #tpu.memory_space<vmem>>) target_semaphore(%arg16 : memref<!tpu.dma_semaphore, #tpu.memory_space<semaphore_mem>>)
      } else {
      }
      %add3A_937 = arith.addi %add3A_4, %add3A_925 : i32
      %mul3A_938 = arith.constant 64 : i32
      %mul3A_939 = arith.muli %add3A_937, %mul3A_938 : i32
      %dma_wait3A_940 = arith.constant 0 : i32
      %dma_wait3A_941 = arith.constant 0 : i32
      %dma_wait3A_942 = arith.constant 0 : i32
      %dma_wait3A_943 = tpu.memref_slice %arg7[%dma_wait3A_941, %dma_wait3A_942] : memref<8x64xi32, #tpu.memory_space<vmem>> -> memref<1x64xi32, #tpu.memory_space<vmem>>
      %dma_wait3A_944 = tpu.memref_squeeze %dma_wait3A_943 : memref<1x64xi32, #tpu.memory_space<vmem>> -> memref<64xi32, #tpu.memory_space<vmem>>
      %dma_wait3A_945 = tpu.memref_slice %arg2[%dma_wait3A_940, %mul3A_939] : memref<2x320000xi32, #tpu.memory_space<hbm>> -> memref<1x64xi32, #tpu.memory_space<hbm>>
      %dma_wait3A_946 = tpu.memref_squeeze %dma_wait3A_945 : memref<1x64xi32, #tpu.memory_space<hbm>> -> memref<64xi32, #tpu.memory_space<hbm>>
      %dma_wait3A_947 = arith.constant 0 : i32
      %dma_wait3A_948 = tpu.memref_slice %arg7[%dma_wait3A_941, %dma_wait3A_947] : memref<8x64xi32, #tpu.memory_space<vmem>> -> memref<1x64xi32, #tpu.memory_space<vmem>>
      %dma_wait3A_949 = tpu.memref_squeeze %dma_wait3A_948 : memref<1x64xi32, #tpu.memory_space<vmem>> -> memref<64xi32, #tpu.memory_space<vmem>>
      %dma_wait3A_950 = tpu.memref_slice %arg2[%dma_wait3A_940, %mul3A_939] : memref<2x320000xi32, #tpu.memory_space<hbm>> -> memref<1x64xi32, #tpu.memory_space<hbm>>
      %dma_wait3A_951 = tpu.memref_squeeze %dma_wait3A_950 : memref<1x64xi32, #tpu.memory_space<hbm>> -> memref<64xi32, #tpu.memory_space<hbm>>
      tpu.wait_dma2 semaphore(%arg12 : memref<!tpu.dma_semaphore, #tpu.memory_space<semaphore_mem>>) src(%dma_wait3A_951 : memref<64xi32, #tpu.memory_space<hbm>>) dst(%dma_wait3A_949 : memref<64xi32, #tpu.memory_space<vmem>>)
      %dma_wait3A_952 = arith.constant 0 : i32
      %dma_wait3A_953 = arith.constant 0 : i32
      %dma_wait3A_954 = tpu.memref_slice %arg8[%dma_wait3A_952, %dma_wait3A_953] : memref<8x64xi32, #tpu.memory_space<vmem>> -> memref<1x64xi32, #tpu.memory_space<vmem>>
      %dma_wait3A_955 = tpu.memref_squeeze %dma_wait3A_954 : memref<1x64xi32, #tpu.memory_space<vmem>> -> memref<64xi32, #tpu.memory_space<vmem>>
      %dma_wait3A_956 = tpu.memref_slice %arg3[%mul3A_939] : memref<320000xi32, #tpu.memory_space<hbm>> -> memref<64xi32, #tpu.memory_space<hbm>>
      %dma_wait3A_957 = arith.constant 0 : i32
      %dma_wait3A_958 = tpu.memref_slice %arg8[%dma_wait3A_952, %dma_wait3A_957] : memref<8x64xi32, #tpu.memory_space<vmem>> -> memref<1x64xi32, #tpu.memory_space<vmem>>
      %dma_wait3A_959 = tpu.memref_squeeze %dma_wait3A_958 : memref<1x64xi32, #tpu.memory_space<vmem>> -> memref<64xi32, #tpu.memory_space<vmem>>
      %dma_wait3A_960 = tpu.memref_slice %arg3[%mul3A_939] : memref<320000xi32, #tpu.memory_space<hbm>> -> memref<64xi32, #tpu.memory_space<hbm>>
      tpu.wait_dma2 semaphore(%arg12 : memref<!tpu.dma_semaphore, #tpu.memory_space<semaphore_mem>>) src(%dma_wait3A_960 : memref<64xi32, #tpu.memory_space<hbm>>) dst(%dma_wait3A_959 : memref<64xi32, #tpu.memory_space<vmem>>)
      %dma_wait3A_961 = arith.constant 1 : i32
      %dma_wait3A_962 = arith.constant 0 : i32
      %dma_wait3A_963 = arith.constant 0 : i32
      %dma_wait3A_964 = tpu.memref_slice %arg9[%dma_wait3A_962, %dma_wait3A_963] : memref<8x64xi32, #tpu.memory_space<vmem>> -> memref<1x64xi32, #tpu.memory_space<vmem>>
      %dma_wait3A_965 = tpu.memref_squeeze %dma_wait3A_964 : memref<1x64xi32, #tpu.memory_space<vmem>> -> memref<64xi32, #tpu.memory_space<vmem>>
      %dma_wait3A_966 = tpu.memref_slice %arg2[%dma_wait3A_961, %mul3A_939] : memref<2x320000xi32, #tpu.memory_space<hbm>> -> memref<1x64xi32, #tpu.memory_space<hbm>>
      %dma_wait3A_967 = tpu.memref_squeeze %dma_wait3A_966 : memref<1x64xi32, #tpu.memory_space<hbm>> -> memref<64xi32, #tpu.memory_space<hbm>>
      %dma_wait3A_968 = arith.constant 0 : i32
      %dma_wait3A_969 = tpu.memref_slice %arg9[%dma_wait3A_962, %dma_wait3A_968] : memref<8x64xi32, #tpu.memory_space<vmem>> -> memref<1x64xi32, #tpu.memory_space<vmem>>
      %dma_wait3A_970 = tpu.memref_squeeze %dma_wait3A_969 : memref<1x64xi32, #tpu.memory_space<vmem>> -> memref<64xi32, #tpu.memory_space<vmem>>
      %dma_wait3A_971 = tpu.memref_slice %arg2[%dma_wait3A_961, %mul3A_939] : memref<2x320000xi32, #tpu.memory_space<hbm>> -> memref<1x64xi32, #tpu.memory_space<hbm>>
      %dma_wait3A_972 = tpu.memref_squeeze %dma_wait3A_971 : memref<1x64xi32, #tpu.memory_space<hbm>> -> memref<64xi32, #tpu.memory_space<hbm>>
      tpu.wait_dma2 semaphore(%arg12 : memref<!tpu.dma_semaphore, #tpu.memory_space<semaphore_mem>>) src(%dma_wait3A_972 : memref<64xi32, #tpu.memory_space<hbm>>) dst(%dma_wait3A_970 : memref<64xi32, #tpu.memory_space<vmem>>)
      %get3A_973 = arith.constant 0 : i32
      %get3A_974 = arith.index_cast %get3A_973 : i32 to index
      %get3A_975 = arith.constant 0 : index
      %get3A_976 = tpu.vector_load %arg8[%get3A_974, %get3A_975] {strides = array<i32>} : memref<8x64xi32, #tpu.memory_space<vmem>>, vector<1x16xi32>,
      %get3A_977 = vector.shape_cast %get3A_976 : vector<1x16xi32> to vector<16xi32>
      %mul3A_978 = arith.constant 10000 : i32
      %mul3A_979 = vector.broadcast %mul3A_978 : i32 to vector<16xi32>
      %mul3A_980 = arith.muli %get3A_977, %mul3A_979 : vector<16xi32>
      %get3A_981 = arith.constant 0 : i32
      %get3A_982 = arith.index_cast %get3A_981 : i32 to index
      %get3A_983 = arith.constant 0 : index
      %get3A_984 = tpu.vector_load %arg7[%get3A_982, %get3A_983] {strides = array<i32>} : memref<8x64xi32, #tpu.memory_space<vmem>>, vector<1x16xi32>,
      %get3A_985 = vector.shape_cast %get3A_984 : vector<1x16xi32> to vector<16xi32>
      %add3A_986 = arith.addi %mul3A_980, %get3A_985 : vector<16xi32>
      %swap3A_987 = arith.constant 0 : i32
      %swap3A_988 = arith.index_cast %swap3A_987 : i32 to index
      %swap3A_989 = arith.constant 0 : index
      %swap3A_990 = tpu.vector_load %arg7[%swap3A_988, %swap3A_989] {strides = array<i32>} : memref<8x64xi32, #tpu.memory_space<vmem>>, vector<1x16xi32>,
      %swap3A_991 = vector.shape_cast %swap3A_990 : vector<1x16xi32> to vector<16xi32>
      %swap3A_992 = vector.shape_cast %add3A_986 : vector<16xi32> to vector<1x16xi32>
      tpu.vector_store %arg7[%swap3A_988, %swap3A_989], %swap3A_992 {strides = array<i32>} : memref<8x64xi32, #tpu.memory_space<vmem>>, vector<1x16xi32>,
      %get3A_993 = arith.constant 0 : i32
      %get3A_994 = arith.index_cast %get3A_993 : i32 to index
      %get3A_995 = arith.constant 16 : index
      %get3A_996 = tpu.vector_load %arg8[%get3A_994, %get3A_995] {strides = array<i32>} : memref<8x64xi32, #tpu.memory_space<vmem>>, vector<1x16xi32>,
      %get3A_997 = vector.shape_cast %get3A_996 : vector<1x16xi32> to vector<16xi32>
      %mul3A_998 = arith.constant 10000 : i32
      %mul3A_999 = vector.broadcast %mul3A_998 : i32 to vector<16xi32>
      %mul3A_1000 = arith.muli %get3A_997, %mul3A_999 : vector<16xi32>
      %get3A_1001 = arith.constant 0 : i32
      %get3A_1002 = arith.index_cast %get3A_1001 : i32 to index
      %get3A_1003 = arith.constant 16 : index
      %get3A_1004 = tpu.vector_load %arg7[%get3A_1002, %get3A_1003] {strides = array<i32>} : memref<8x64xi32, #tpu.memory_space<vmem>>, vector<1x16xi32>,
      %get3A_1005 = vector.shape_cast %get3A_1004 : vector<1x16xi32> to vector<16xi32>
      %add3A_1006 = arith.addi %mul3A_1000, %get3A_1005 : vector<16xi32>
      %swap3A_1007 = arith.constant 0 : i32
      %swap3A_1008 = arith.index_cast %swap3A_1007 : i32 to index
      %swap3A_1009 = arith.constant 16 : index
      %swap3A_1010 = tpu.vector_load %arg7[%swap3A_1008, %swap3A_1009] {strides = array<i32>} : memref<8x64xi32, #tpu.memory_space<vmem>>, vector<1x16xi32>,
      %swap3A_1011 = vector.shape_cast %swap3A_1010 : vector<1x16xi32> to vector<16xi32>
      %swap3A_1012 = vector.shape_cast %add3A_1006 : vector<16xi32> to vector<1x16xi32>
      tpu.vector_store %arg7[%swap3A_1008, %swap3A_1009], %swap3A_1012 {strides = array<i32>} : memref<8x64xi32, #tpu.memory_space<vmem>>, vector<1x16xi32>,
      %get3A_1013 = arith.constant 0 : i32
      %get3A_1014 = arith.index_cast %get3A_1013 : i32 to index
      %get3A_1015 = arith.constant 32 : index
      %get3A_1016 = tpu.vector_load %arg8[%get3A_1014, %get3A_1015] {strides = array<i32>} : memref<8x64xi32, #tpu.memory_space<vmem>>, vector<1x16xi32>,
      %get3A_1017 = vector.shape_cast %get3A_1016 : vector<1x16xi32> to vector<16xi32>
      %mul3A_1018 = arith.constant 10000 : i32
      %mul3A_1019 = vector.broadcast %mul3A_1018 : i32 to vector<16xi32>
      %mul3A_1020 = arith.muli %get3A_1017, %mul3A_1019 : vector<16xi32>
      %get3A_1021 = arith.constant 0 : i32
      %get3A_1022 = arith.index_cast %get3A_1021 : i32 to index
      %get3A_1023 = arith.constant 32 : index
      %get3A_1024 = tpu.vector_load %arg7[%get3A_1022, %get3A_1023] {strides = array<i32>} : memref<8x64xi32, #tpu.memory_space<vmem>>, vector<1x16xi32>,
      %get3A_1025 = vector.shape_cast %get3A_1024 : vector<1x16xi32> to vector<16xi32>
      %add3A_1026 = arith.addi %mul3A_1020, %get3A_1025 : vector<16xi32>
      %swap3A_1027 = arith.constant 0 : i32
      %swap3A_1028 = arith.index_cast %swap3A_1027 : i32 to index
      %swap3A_1029 = arith.constant 32 : index
      %swap3A_1030 = tpu.vector_load %arg7[%swap3A_1028, %swap3A_1029] {strides = array<i32>} : memref<8x64xi32, #tpu.memory_space<vmem>>, vector<1x16xi32>,
      %swap3A_1031 = vector.shape_cast %swap3A_1030 : vector<1x16xi32> to vector<16xi32>
      %swap3A_1032 = vector.shape_cast %add3A_1026 : vector<16xi32> to vector<1x16xi32>
      tpu.vector_store %arg7[%swap3A_1028, %swap3A_1029], %swap3A_1032 {strides = array<i32>} : memref<8x64xi32, #tpu.memory_space<vmem>>, vector<1x16xi32>,
      %get3A_1033 = arith.constant 0 : i32
      %get3A_1034 = arith.index_cast %get3A_1033 : i32 to index
      %get3A_1035 = arith.constant 48 : index
      %get3A_1036 = tpu.vector_load %arg8[%get3A_1034, %get3A_1035] {strides = array<i32>} : memref<8x64xi32, #tpu.memory_space<vmem>>, vector<1x16xi32>,
      %get3A_1037 = vector.shape_cast %get3A_1036 : vector<1x16xi32> to vector<16xi32>
      %mul3A_1038 = arith.constant 10000 : i32
      %mul3A_1039 = vector.broadcast %mul3A_1038 : i32 to vector<16xi32>
      %mul3A_1040 = arith.muli %get3A_1037, %mul3A_1039 : vector<16xi32>
      %get3A_1041 = arith.constant 0 : i32
      %get3A_1042 = arith.index_cast %get3A_1041 : i32 to index
      %get3A_1043 = arith.constant 48 : index
      %get3A_1044 = tpu.vector_load %arg7[%get3A_1042, %get3A_1043] {strides = array<i32>} : memref<8x64xi32, #tpu.memory_space<vmem>>, vector<1x16xi32>,
      %get3A_1045 = vector.shape_cast %get3A_1044 : vector<1x16xi32> to vector<16xi32>
      %add3A_1046 = arith.addi %mul3A_1040, %get3A_1045 : vector<16xi32>
      %swap3A_1047 = arith.constant 0 : i32
      %swap3A_1048 = arith.index_cast %swap3A_1047 : i32 to index
      %swap3A_1049 = arith.constant 48 : index
      %swap3A_1050 = tpu.vector_load %arg7[%swap3A_1048, %swap3A_1049] {strides = array<i32>} : memref<8x64xi32, #tpu.memory_space<vmem>>, vector<1x16xi32>,
      %swap3A_1051 = vector.shape_cast %swap3A_1050 : vector<1x16xi32> to vector<16xi32>
      %swap3A_1052 = vector.shape_cast %add3A_1046 : vector<16xi32> to vector<1x16xi32>
      tpu.vector_store %arg7[%swap3A_1048, %swap3A_1049], %swap3A_1052 {strides = array<i32>} : memref<8x64xi32, #tpu.memory_space<vmem>>, vector<1x16xi32>,
      %ge3A_1053 = arith.constant 2 : i32
      %ge3A_1054 = arith.cmpi sge, %add3A_925, %ge3A_1053 : i32
      %convert_element_type3A_1055 = arith.extui %ge3A_1054 : i1 to i32
      %cond3A_1056 = arith.constant 0 : i32
      %cond3A_1057 = arith.cmpi ne, %convert_element_type3A_1055, %cond3A_1056 : i32
      scf.if %cond3A_1057 {
        %dma_wait3A_2105 = arith.constant 6 : i32
        %dma_wait3A_2106 = arith.constant 2 : i32
        %dma_wait3A_2107 = arith.constant 0 : i32
        %dma_wait3A_2108 = arith.constant 0 : i32
        %dma_wait3A_2109 = tpu.memref_slice %arg10[%dma_wait3A_2106, %dma_wait3A_2107, %dma_wait3A_2108] : memref<4x64x128xf32, #tpu.memory_space<vmem>> -> memref<1x64x128xf32, #tpu.memory_space<vmem>>
        %dma_wait3A_2110 = tpu.memref_squeeze %dma_wait3A_2109 : memref<1x64x128xf32, #tpu.memory_space<vmem>> -> memref<64x128xf32, #tpu.memory_space<vmem>>
        %dma_wait3A_2111 = arith.constant 0 : i32
        %dma_wait3A_2112 = tpu.memref_slice %arg7[%dma_wait3A_2105, %dma_wait3A_2111] : memref<8x64xi32, #tpu.memory_space<vmem>> -> memref<1x64xi32, #tpu.memory_space<vmem>>
        %dma_wait3A_2113 = tpu.memref_squeeze %dma_wait3A_2112 : memref<1x64xi32, #tpu.memory_space<vmem>> -> memref<64xi32, #tpu.memory_space<vmem>>
        %dma_wait3A_2114 = arith.constant 0 : i32
        %dma_wait3A_2115 = arith.constant 0 : i32
        %dma_wait3A_2116 = tpu.memref_slice %arg4[%dma_wait3A_2114, %dma_wait3A_2115] : memref<270000x128xf32, #tpu.memory_space<hbm>> -> memref<270000x128xf32, #tpu.memory_space<hbm>>
        tpu.wait_indirect_dma semaphore(%arg22 : memref<!tpu.dma_semaphore, #tpu.memory_space<semaphore_mem>>) src(%dma_wait3A_2116 : memref<270000x128xf32, #tpu.memory_space<hbm>>) dst(%dma_wait3A_2110 : memref<64x128xf32, #tpu.memory_space<vmem>>)
        %dma_start3A_2117 = arith.constant 2 : i32
        %dma_start3A_2118 = arith.constant 6 : i32
        %dma_start3A_2119 = arith.constant 0 : i32
        %dma_start3A_2120 = arith.constant 0 : i32
        %dma_start3A_2121 = tpu.memref_slice %arg10[%dma_start3A_2117, %dma_start3A_2119, %dma_start3A_2120] : memref<4x64x128xf32, #tpu.memory_space<vmem>> -> memref<1x64x128xf32, #tpu.memory_space<vmem>>
        %dma_start3A_2122 = tpu.memref_squeeze %dma_start3A_2121 : memref<1x64x128xf32, #tpu.memory_space<vmem>> -> memref<64x128xf32, #tpu.memory_space<vmem>>
        %dma_start3A_2123 = arith.constant 0 : i32
        %dma_start3A_2124 = tpu.memref_slice %arg9[%dma_start3A_2118, %dma_start3A_2123] : memref<8x64xi32, #tpu.memory_space<vmem>> -> memref<1x64xi32, #tpu.memory_space<vmem>>
        %dma_start3A_2125 = tpu.memref_squeeze %dma_start3A_2124 : memref<1x64xi32, #tpu.memory_space<vmem>> -> memref<64xi32, #tpu.memory_space<vmem>>
        %dma_start3A_2126 = arith.constant 0 : i32
        %dma_start3A_2127 = arith.constant 0 : i32
        %dma_start3A_2128 = tpu.memref_slice %arg11[%dma_start3A_2126, %dma_start3A_2127] : memref<10240x128xf32, #tpu.memory_space<vmem_shared>> -> memref<10240x128xf32, #tpu.memory_space<vmem_shared>>
        tpu.enqueue_indirect_dma source(%dma_start3A_2122 : memref<64x128xf32, #tpu.memory_space<vmem>>) target(%dma_start3A_2128 : memref<10240x128xf32, #tpu.memory_space<vmem_shared>>) offsets(%dma_start3A_2125 : memref<64xi32, #tpu.memory_space<vmem>>) semaphore(%arg26 : memref<!tpu.dma_semaphore, #tpu.memory_space<semaphore_mem>>) {add = true}
      } else {
      }
      %dma_start3A_1058 = arith.constant 0 : i32
      %dma_start3A_1059 = arith.constant 0 : i32
      %dma_start3A_1060 = arith.constant 0 : i32
      %dma_start3A_1061 = arith.constant 0 : i32
      %dma_start3A_1062 = tpu.memref_slice %arg10[%dma_start3A_1059, %dma_start3A_1060, %dma_start3A_1061] : memref<4x64x128xf32, #tpu.memory_space<vmem>> -> memref<1x64x128xf32, #tpu.memory_space<vmem>>
      %dma_start3A_1063 = tpu.memref_squeeze %dma_start3A_1062 : memref<1x64x128xf32, #tpu.memory_space<vmem>> -> memref<64x128xf32, #tpu.memory_space<vmem>>
      %dma_start3A_1064 = arith.constant 0 : i32
      %dma_start3A_1065 = tpu.memref_slice %arg7[%dma_start3A_1058, %dma_start3A_1064] : memref<8x64xi32, #tpu.memory_space<vmem>> -> memref<1x64xi32, #tpu.memory_space<vmem>>
      %dma_start3A_1066 = tpu.memref_squeeze %dma_start3A_1065 : memref<1x64xi32, #tpu.memory_space<vmem>> -> memref<64xi32, #tpu.memory_space<vmem>>
      %dma_start3A_1067 = arith.constant 0 : i32
      %dma_start3A_1068 = arith.constant 0 : i32
      %dma_start3A_1069 = tpu.memref_slice %arg4[%dma_start3A_1067, %dma_start3A_1068] : memref<270000x128xf32, #tpu.memory_space<hbm>> -> memref<270000x128xf32, #tpu.memory_space<hbm>>
      tpu.enqueue_indirect_dma source(%dma_start3A_1069 : memref<270000x128xf32, #tpu.memory_space<hbm>>) target(%dma_start3A_1063 : memref<64x128xf32, #tpu.memory_space<vmem>>) offsets(%dma_start3A_1066 : memref<64xi32, #tpu.memory_space<vmem>>) semaphore(%arg20 : memref<!tpu.dma_semaphore, #tpu.memory_space<semaphore_mem>>)
      %add3A_1070 = arith.constant 1 : i32
      %add3A_1071 = arith.addi %mul3A_923, %add3A_1070 : i32
      %ge3A_1072 = arith.constant 4 : i32
      %ge3A_1073 = arith.cmpi sge, %add3A_1071, %ge3A_1072 : i32
      %convert_element_type3A_1074 = arith.extui %ge3A_1073 : i1 to i32
      %cond3A_1075 = arith.constant 0 : i32
      %cond3A_1076 = arith.cmpi ne, %convert_element_type3A_1074, %cond3A_1075 : i32
      scf.if %cond3A_1076 {
        %dma_wait3A_2105 = arith.constant 1 : i32
        %dma_wait3A_2106 = arith.constant 5 : i32
        %dma_wait3A_2107 = arith.constant 0 : i32
        %dma_wait3A_2108 = arith.constant 0 : i32
        %dma_wait3A_2109 = tpu.memref_slice %arg10[%dma_wait3A_2105, %dma_wait3A_2107, %dma_wait3A_2108] : memref<4x64x128xf32, #tpu.memory_space<vmem>> -> memref<1x64x128xf32, #tpu.memory_space<vmem>>
        %dma_wait3A_2110 = tpu.memref_squeeze %dma_wait3A_2109 : memref<1x64x128xf32, #tpu.memory_space<vmem>> -> memref<64x128xf32, #tpu.memory_space<vmem>>
        %dma_wait3A_2111 = arith.constant 0 : i32
        %dma_wait3A_2112 = tpu.memref_slice %arg9[%dma_wait3A_2106, %dma_wait3A_2111] : memref<8x64xi32, #tpu.memory_space<vmem>> -> memref<1x64xi32, #tpu.memory_space<vmem>>
        %dma_wait3A_2113 = tpu.memref_squeeze %dma_wait3A_2112 : memref<1x64xi32, #tpu.memory_space<vmem>> -> memref<64xi32, #tpu.memory_space<vmem>>
        %dma_wait3A_2114 = arith.constant 0 : i32
        %dma_wait3A_2115 = arith.constant 0 : i32
        %dma_wait3A_2116 = tpu.memref_slice %arg11[%dma_wait3A_2114, %dma_wait3A_2115] : memref<10240x128xf32, #tpu.memory_space<vmem_shared>> -> memref<10240x128xf32, #tpu.memory_space<vmem_shared>>
        tpu.wait_indirect_dma semaphore(%arg25 : memref<!tpu.dma_semaphore, #tpu.memory_space<semaphore_mem>>) src(%dma_wait3A_2110 : memref<64x128xf32, #tpu.memory_space<vmem>>) dst(%dma_wait3A_2116 : memref<10240x128xf32, #tpu.memory_space<vmem_shared>>)
      } else {
      }
      %add3A_1077 = arith.constant 4 : i32
      %add3A_1078 = arith.addi %add3A_1071, %add3A_1077 : i32
      %lt3A_1079 = arith.constant 156 : i32
      %lt3A_1080 = arith.cmpi slt, %add3A_1078, %lt3A_1079 : i32
      %convert_element_type3A_1081 = arith.extui %lt3A_1080 : i1 to i32
      %cond3A_1082 = arith.constant 0 : i32
      %cond3A_1083 = arith.cmpi ne, %convert_element_type3A_1081, %cond3A_1082 : i32
      scf.if %cond3A_1083 {
        %add3A_2105 = arith.constant 4 : i32
        %add3A_2106 = arith.addi %add3A_1071, %add3A_2105 : i32
        %add3A_2107 = arith.addi %add3A_4, %add3A_2106 : i32
        %mul3A_2108 = arith.constant 64 : i32
        %mul3A_2109 = arith.muli %add3A_2107, %mul3A_2108 : i32
        %dma_start3A_2110 = arith.constant 0 : i32
        %dma_start3A_2111 = arith.constant 5 : i32
        %dma_start3A_2112 = arith.constant 0 : i32
        %dma_start3A_2113 = tpu.memref_slice %arg7[%dma_start3A_2111, %dma_start3A_2112] : memref<8x64xi32, #tpu.memory_space<vmem>> -> memref<1x64xi32, #tpu.memory_space<vmem>>
        %dma_start3A_2114 = tpu.memref_squeeze %dma_start3A_2113 : memref<1x64xi32, #tpu.memory_space<vmem>> -> memref<64xi32, #tpu.memory_space<vmem>>
        %dma_start3A_2115 = tpu.memref_slice %arg2[%dma_start3A_2110, %mul3A_2109] : memref<2x320000xi32, #tpu.memory_space<hbm>> -> memref<1x64xi32, #tpu.memory_space<hbm>>
        %dma_start3A_2116 = tpu.memref_squeeze %dma_start3A_2115 : memref<1x64xi32, #tpu.memory_space<hbm>> -> memref<64xi32, #tpu.memory_space<hbm>>
        %dma_start3A_2117 = arith.constant 0 : i32
        %dma_start3A_2118 = tpu.memref_slice %arg7[%dma_start3A_2111, %dma_start3A_2117] : memref<8x64xi32, #tpu.memory_space<vmem>> -> memref<1x64xi32, #tpu.memory_space<vmem>>
        %dma_start3A_2119 = tpu.memref_squeeze %dma_start3A_2118 : memref<1x64xi32, #tpu.memory_space<vmem>> -> memref<64xi32, #tpu.memory_space<vmem>>
        %dma_start3A_2120 = tpu.memref_slice %arg2[%dma_start3A_2110, %mul3A_2109] : memref<2x320000xi32, #tpu.memory_space<hbm>> -> memref<1x64xi32, #tpu.memory_space<hbm>>
        %dma_start3A_2121 = tpu.memref_squeeze %dma_start3A_2120 : memref<1x64xi32, #tpu.memory_space<hbm>> -> memref<64xi32, #tpu.memory_space<hbm>>
        tpu.enqueue_dma source(%dma_start3A_2121 : memref<64xi32, #tpu.memory_space<hbm>>) target(%dma_start3A_2119 : memref<64xi32, #tpu.memory_space<vmem>>) target_semaphore(%arg17 : memref<!tpu.dma_semaphore, #tpu.memory_space<semaphore_mem>>)
        %dma_start3A_2122 = arith.constant 5 : i32
        %dma_start3A_2123 = arith.constant 0 : i32
        %dma_start3A_2124 = tpu.memref_slice %arg8[%dma_start3A_2122, %dma_start3A_2123] : memref<8x64xi32, #tpu.memory_space<vmem>> -> memref<1x64xi32, #tpu.memory_space<vmem>>
        %dma_start3A_2125 = tpu.memref_squeeze %dma_start3A_2124 : memref<1x64xi32, #tpu.memory_space<vmem>> -> memref<64xi32, #tpu.memory_space<vmem>>
        %dma_start3A_2126 = tpu.memref_slice %arg3[%mul3A_2109] : memref<320000xi32, #tpu.memory_space<hbm>> -> memref<64xi32, #tpu.memory_space<hbm>>
        %dma_start3A_2127 = arith.constant 0 : i32
        %dma_start3A_2128 = tpu.memref_slice %arg8[%dma_start3A_2122, %dma_start3A_2127] : memref<8x64xi32, #tpu.memory_space<vmem>> -> memref<1x64xi32, #tpu.memory_space<vmem>>
        %dma_start3A_2129 = tpu.memref_squeeze %dma_start3A_2128 : memref<1x64xi32, #tpu.memory_space<vmem>> -> memref<64xi32, #tpu.memory_space<vmem>>
        %dma_start3A_2130 = tpu.memref_slice %arg3[%mul3A_2109] : memref<320000xi32, #tpu.memory_space<hbm>> -> memref<64xi32, #tpu.memory_space<hbm>>
        tpu.enqueue_dma source(%dma_start3A_2130 : memref<64xi32, #tpu.memory_space<hbm>>) target(%dma_start3A_2129 : memref<64xi32, #tpu.memory_space<vmem>>) target_semaphore(%arg17 : memref<!tpu.dma_semaphore, #tpu.memory_space<semaphore_mem>>)
        %dma_start3A_2131 = arith.constant 1 : i32
        %dma_start3A_2132 = arith.constant 5 : i32
        %dma_start3A_2133 = arith.constant 0 : i32
        %dma_start3A_2134 = tpu.memref_slice %arg9[%dma_start3A_2132, %dma_start3A_2133] : memref<8x64xi32, #tpu.memory_space<vmem>> -> memref<1x64xi32, #tpu.memory_space<vmem>>
        %dma_start3A_2135 = tpu.memref_squeeze %dma_start3A_2134 : memref<1x64xi32, #tpu.memory_space<vmem>> -> memref<64xi32, #tpu.memory_space<vmem>>
        %dma_start3A_2136 = tpu.memref_slice %arg2[%dma_start3A_2131, %mul3A_2109] : memref<2x320000xi32, #tpu.memory_space<hbm>> -> memref<1x64xi32, #tpu.memory_space<hbm>>
        %dma_start3A_2137 = tpu.memref_squeeze %dma_start3A_2136 : memref<1x64xi32, #tpu.memory_space<hbm>> -> memref<64xi32, #tpu.memory_space<hbm>>
        %dma_start3A_2138 = arith.constant 0 : i32
        %dma_start3A_2139 = tpu.memref_slice %arg9[%dma_start3A_2132, %dma_start3A_2138] : memref<8x64xi32, #tpu.memory_space<vmem>> -> memref<1x64xi32, #tpu.memory_space<vmem>>
        %dma_start3A_2140 = tpu.memref_squeeze %dma_start3A_2139 : memref<1x64xi32, #tpu.memory_space<vmem>> -> memref<64xi32, #tpu.memory_space<vmem>>
        %dma_start3A_2141 = tpu.memref_slice %arg2[%dma_start3A_2131, %mul3A_2109] : memref<2x320000xi32, #tpu.memory_space<hbm>> -> memref<1x64xi32, #tpu.memory_space<hbm>>
        %dma_start3A_2142 = tpu.memref_squeeze %dma_start3A_2141 : memref<1x64xi32, #tpu.memory_space<hbm>> -> memref<64xi32, #tpu.memory_space<hbm>>
        tpu.enqueue_dma source(%dma_start3A_2142 : memref<64xi32, #tpu.memory_space<hbm>>) target(%dma_start3A_2140 : memref<64xi32, #tpu.memory_space<vmem>>) target_semaphore(%arg17 : memref<!tpu.dma_semaphore, #tpu.memory_space<semaphore_mem>>)
      } else {
      }
      %add3A_1084 = arith.addi %add3A_4, %add3A_1071 : i32
      %mul3A_1085 = arith.constant 64 : i32
      %mul3A_1086 = arith.muli %add3A_1084, %mul3A_1085 : i32
      %dma_wait3A_1087 = arith.constant 0 : i32
      %dma_wait3A_1088 = arith.constant 1 : i32
      %dma_wait3A_1089 = arith.constant 0 : i32
      %dma_wait3A_1090 = tpu.memref_slice %arg7[%dma_wait3A_1088, %dma_wait3A_1089] : memref<8x64xi32, #tpu.memory_space<vmem>> -> memref<1x64xi32, #tpu.memory_space<vmem>>
      %dma_wait3A_1091 = tpu.memref_squeeze %dma_wait3A_1090 : memref<1x64xi32, #tpu.memory_space<vmem>> -> memref<64xi32, #tpu.memory_space<vmem>>
      %dma_wait3A_1092 = tpu.memref_slice %arg2[%dma_wait3A_1087, %mul3A_1086] : memref<2x320000xi32, #tpu.memory_space<hbm>> -> memref<1x64xi32, #tpu.memory_space<hbm>>
      %dma_wait3A_1093 = tpu.memref_squeeze %dma_wait3A_1092 : memref<1x64xi32, #tpu.memory_space<hbm>> -> memref<64xi32, #tpu.memory_space<hbm>>
      %dma_wait3A_1094 = arith.constant 0 : i32
      %dma_wait3A_1095 = tpu.memref_slice %arg7[%dma_wait3A_1088, %dma_wait3A_1094] : memref<8x64xi32, #tpu.memory_space<vmem>> -> memref<1x64xi32, #tpu.memory_space<vmem>>
      %dma_wait3A_1096 = tpu.memref_squeeze %dma_wait3A_1095 : memref<1x64xi32, #tpu.memory_space<vmem>> -> memref<64xi32, #tpu.memory_space<vmem>>
      %dma_wait3A_1097 = tpu.memref_slice %arg2[%dma_wait3A_1087, %mul3A_1086] : memref<2x320000xi32, #tpu.memory_space<hbm>> -> memref<1x64xi32, #tpu.memory_space<hbm>>
      %dma_wait3A_1098 = tpu.memref_squeeze %dma_wait3A_1097 : memref<1x64xi32, #tpu.memory_space<hbm>> -> memref<64xi32, #tpu.memory_space<hbm>>
      tpu.wait_dma2 semaphore(%arg13 : memref<!tpu.dma_semaphore, #tpu.memory_space<semaphore_mem>>) src(%dma_wait3A_1098 : memref<64xi32, #tpu.memory_space<hbm>>) dst(%dma_wait3A_1096 : memref<64xi32, #tpu.memory_space<vmem>>)
      %dma_wait3A_1099 = arith.constant 1 : i32
      %dma_wait3A_1100 = arith.constant 0 : i32
      %dma_wait3A_1101 = tpu.memref_slice %arg8[%dma_wait3A_1099, %dma_wait3A_1100] : memref<8x64xi32, #tpu.memory_space<vmem>> -> memref<1x64xi32, #tpu.memory_space<vmem>>
      %dma_wait3A_1102 = tpu.memref_squeeze %dma_wait3A_1101 : memref<1x64xi32, #tpu.memory_space<vmem>> -> memref<64xi32, #tpu.memory_space<vmem>>
      %dma_wait3A_1103 = tpu.memref_slice %arg3[%mul3A_1086] : memref<320000xi32, #tpu.memory_space<hbm>> -> memref<64xi32, #tpu.memory_space<hbm>>
      %dma_wait3A_1104 = arith.constant 0 : i32
      %dma_wait3A_1105 = tpu.memref_slice %arg8[%dma_wait3A_1099, %dma_wait3A_1104] : memref<8x64xi32, #tpu.memory_space<vmem>> -> memref<1x64xi32, #tpu.memory_space<vmem>>
      %dma_wait3A_1106 = tpu.memref_squeeze %dma_wait3A_1105 : memref<1x64xi32, #tpu.memory_space<vmem>> -> memref<64xi32, #tpu.memory_space<vmem>>
      %dma_wait3A_1107 = tpu.memref_slice %arg3[%mul3A_1086] : memref<320000xi32, #tpu.memory_space<hbm>> -> memref<64xi32, #tpu.memory_space<hbm>>
      tpu.wait_dma2 semaphore(%arg13 : memref<!tpu.dma_semaphore, #tpu.memory_space<semaphore_mem>>) src(%dma_wait3A_1107 : memref<64xi32, #tpu.memory_space<hbm>>) dst(%dma_wait3A_1106 : memref<64xi32, #tpu.memory_space<vmem>>)
      %dma_wait3A_1108 = arith.constant 1 : i32
      %dma_wait3A_1109 = arith.constant 1 : i32
      %dma_wait3A_1110 = arith.constant 0 : i32
      %dma_wait3A_1111 = tpu.memref_slice %arg9[%dma_wait3A_1109, %dma_wait3A_1110] : memref<8x64xi32, #tpu.memory_space<vmem>> -> memref<1x64xi32, #tpu.memory_space<vmem>>
      %dma_wait3A_1112 = tpu.memref_squeeze %dma_wait3A_1111 : memref<1x64xi32, #tpu.memory_space<vmem>> -> memref<64xi32, #tpu.memory_space<vmem>>
      %dma_wait3A_1113 = tpu.memref_slice %arg2[%dma_wait3A_1108, %mul3A_1086] : memref<2x320000xi32, #tpu.memory_space<hbm>> -> memref<1x64xi32, #tpu.memory_space<hbm>>
      %dma_wait3A_1114 = tpu.memref_squeeze %dma_wait3A_1113 : memref<1x64xi32, #tpu.memory_space<hbm>> -> memref<64xi32, #tpu.memory_space<hbm>>
      %dma_wait3A_1115 = arith.constant 0 : i32
      %dma_wait3A_1116 = tpu.memref_slice %arg9[%dma_wait3A_1109, %dma_wait3A_1115] : memref<8x64xi32, #tpu.memory_space<vmem>> -> memref<1x64xi32, #tpu.memory_space<vmem>>
      %dma_wait3A_1117 = tpu.memref_squeeze %dma_wait3A_1116 : memref<1x64xi32, #tpu.memory_space<vmem>> -> memref<64xi32, #tpu.memory_space<vmem>>
      %dma_wait3A_1118 = tpu.memref_slice %arg2[%dma_wait3A_1108, %mul3A_1086] : memref<2x320000xi32, #tpu.memory_space<hbm>> -> memref<1x64xi32, #tpu.memory_space<hbm>>
      %dma_wait3A_1119 = tpu.memref_squeeze %dma_wait3A_1118 : memref<1x64xi32, #tpu.memory_space<hbm>> -> memref<64xi32, #tpu.memory_space<hbm>>
      tpu.wait_dma2 semaphore(%arg13 : memref<!tpu.dma_semaphore, #tpu.memory_space<semaphore_mem>>) src(%dma_wait3A_1119 : memref<64xi32, #tpu.memory_space<hbm>>) dst(%dma_wait3A_1117 : memref<64xi32, #tpu.memory_space<vmem>>)
      %get3A_1120 = arith.constant 1 : i32
      %get3A_1121 = arith.index_cast %get3A_1120 : i32 to index
      %get3A_1122 = arith.constant 0 : index
      %get3A_1123 = tpu.vector_load %arg8[%get3A_1121, %get3A_1122] {strides = array<i32>} : memref<8x64xi32, #tpu.memory_space<vmem>>, vector<1x16xi32>,
      %get3A_1124 = vector.shape_cast %get3A_1123 : vector<1x16xi32> to vector<16xi32>
      %mul3A_1125 = arith.constant 10000 : i32
      %mul3A_1126 = vector.broadcast %mul3A_1125 : i32 to vector<16xi32>
      %mul3A_1127 = arith.muli %get3A_1124, %mul3A_1126 : vector<16xi32>
      %get3A_1128 = arith.constant 1 : i32
      %get3A_1129 = arith.index_cast %get3A_1128 : i32 to index
      %get3A_1130 = arith.constant 0 : index
      %get3A_1131 = tpu.vector_load %arg7[%get3A_1129, %get3A_1130] {strides = array<i32>} : memref<8x64xi32, #tpu.memory_space<vmem>>, vector<1x16xi32>,
      %get3A_1132 = vector.shape_cast %get3A_1131 : vector<1x16xi32> to vector<16xi32>
      %add3A_1133 = arith.addi %mul3A_1127, %get3A_1132 : vector<16xi32>
      %swap3A_1134 = arith.constant 1 : i32
      %swap3A_1135 = arith.index_cast %swap3A_1134 : i32 to index
      %swap3A_1136 = arith.constant 0 : index
      %swap3A_1137 = tpu.vector_load %arg7[%swap3A_1135, %swap3A_1136] {strides = array<i32>} : memref<8x64xi32, #tpu.memory_space<vmem>>, vector<1x16xi32>,
      %swap3A_1138 = vector.shape_cast %swap3A_1137 : vector<1x16xi32> to vector<16xi32>
      %swap3A_1139 = vector.shape_cast %add3A_1133 : vector<16xi32> to vector<1x16xi32>
      tpu.vector_store %arg7[%swap3A_1135, %swap3A_1136], %swap3A_1139 {strides = array<i32>} : memref<8x64xi32, #tpu.memory_space<vmem>>, vector<1x16xi32>,
      %get3A_1140 = arith.constant 1 : i32
      %get3A_1141 = arith.index_cast %get3A_1140 : i32 to index
      %get3A_1142 = arith.constant 16 : index
      %get3A_1143 = tpu.vector_load %arg8[%get3A_1141, %get3A_1142] {strides = array<i32>} : memref<8x64xi32, #tpu.memory_space<vmem>>, vector<1x16xi32>,
      %get3A_1144 = vector.shape_cast %get3A_1143 : vector<1x16xi32> to vector<16xi32>
      %mul3A_1145 = arith.constant 10000 : i32
      %mul3A_1146 = vector.broadcast %mul3A_1145 : i32 to vector<16xi32>
      %mul3A_1147 = arith.muli %get3A_1144, %mul3A_1146 : vector<16xi32>
      %get3A_1148 = arith.constant 1 : i32
      %get3A_1149 = arith.index_cast %get3A_1148 : i32 to index
      %get3A_1150 = arith.constant 16 : index
      %get3A_1151 = tpu.vector_load %arg7[%get3A_1149, %get3A_1150] {strides = array<i32>} : memref<8x64xi32, #tpu.memory_space<vmem>>, vector<1x16xi32>,
      %get3A_1152 = vector.shape_cast %get3A_1151 : vector<1x16xi32> to vector<16xi32>
      %add3A_1153 = arith.addi %mul3A_1147, %get3A_1152 : vector<16xi32>
      %swap3A_1154 = arith.constant 1 : i32
      %swap3A_1155 = arith.index_cast %swap3A_1154 : i32 to index
      %swap3A_1156 = arith.constant 16 : index
      %swap3A_1157 = tpu.vector_load %arg7[%swap3A_1155, %swap3A_1156] {strides = array<i32>} : memref<8x64xi32, #tpu.memory_space<vmem>>, vector<1x16xi32>,
      %swap3A_1158 = vector.shape_cast %swap3A_1157 : vector<1x16xi32> to vector<16xi32>
      %swap3A_1159 = vector.shape_cast %add3A_1153 : vector<16xi32> to vector<1x16xi32>
      tpu.vector_store %arg7[%swap3A_1155, %swap3A_1156], %swap3A_1159 {strides = array<i32>} : memref<8x64xi32, #tpu.memory_space<vmem>>, vector<1x16xi32>,
      %get3A_1160 = arith.constant 1 : i32
      %get3A_1161 = arith.index_cast %get3A_1160 : i32 to index
      %get3A_1162 = arith.constant 32 : index
      %get3A_1163 = tpu.vector_load %arg8[%get3A_1161, %get3A_1162] {strides = array<i32>} : memref<8x64xi32, #tpu.memory_space<vmem>>, vector<1x16xi32>,
      %get3A_1164 = vector.shape_cast %get3A_1163 : vector<1x16xi32> to vector<16xi32>
      %mul3A_1165 = arith.constant 10000 : i32
      %mul3A_1166 = vector.broadcast %mul3A_1165 : i32 to vector<16xi32>
      %mul3A_1167 = arith.muli %get3A_1164, %mul3A_1166 : vector<16xi32>
      %get3A_1168 = arith.constant 1 : i32
      %get3A_1169 = arith.index_cast %get3A_1168 : i32 to index
      %get3A_1170 = arith.constant 32 : index
      %get3A_1171 = tpu.vector_load %arg7[%get3A_1169, %get3A_1170] {strides = array<i32>} : memref<8x64xi32, #tpu.memory_space<vmem>>, vector<1x16xi32>,
      %get3A_1172 = vector.shape_cast %get3A_1171 : vector<1x16xi32> to vector<16xi32>
      %add3A_1173 = arith.addi %mul3A_1167, %get3A_1172 : vector<16xi32>
      %swap3A_1174 = arith.constant 1 : i32
      %swap3A_1175 = arith.index_cast %swap3A_1174 : i32 to index
      %swap3A_1176 = arith.constant 32 : index
      %swap3A_1177 = tpu.vector_load %arg7[%swap3A_1175, %swap3A_1176] {strides = array<i32>} : memref<8x64xi32, #tpu.memory_space<vmem>>, vector<1x16xi32>,
      %swap3A_1178 = vector.shape_cast %swap3A_1177 : vector<1x16xi32> to vector<16xi32>
      %swap3A_1179 = vector.shape_cast %add3A_1173 : vector<16xi32> to vector<1x16xi32>
      tpu.vector_store %arg7[%swap3A_1175, %swap3A_1176], %swap3A_1179 {strides = array<i32>} : memref<8x64xi32, #tpu.memory_space<vmem>>, vector<1x16xi32>,
      %get3A_1180 = arith.constant 1 : i32
      %get3A_1181 = arith.index_cast %get3A_1180 : i32 to index
      %get3A_1182 = arith.constant 48 : index
      %get3A_1183 = tpu.vector_load %arg8[%get3A_1181, %get3A_1182] {strides = array<i32>} : memref<8x64xi32, #tpu.memory_space<vmem>>, vector<1x16xi32>,
      %get3A_1184 = vector.shape_cast %get3A_1183 : vector<1x16xi32> to vector<16xi32>
      %mul3A_1185 = arith.constant 10000 : i32
      %mul3A_1186 = vector.broadcast %mul3A_1185 : i32 to vector<16xi32>
      %mul3A_1187 = arith.muli %get3A_1184, %mul3A_1186 : vector<16xi32>
      %get3A_1188 = arith.constant 1 : i32
      %get3A_1189 = arith.index_cast %get3A_1188 : i32 to index
      %get3A_1190 = arith.constant 48 : index
      %get3A_1191 = tpu.vector_load %arg7[%get3A_1189, %get3A_1190] {strides = array<i32>} : memref<8x64xi32, #tpu.memory_space<vmem>>, vector<1x16xi32>,
      %get3A_1192 = vector.shape_cast %get3A_1191 : vector<1x16xi32> to vector<16xi32>
      %add3A_1193 = arith.addi %mul3A_1187, %get3A_1192 : vector<16xi32>
      %swap3A_1194 = arith.constant 1 : i32
      %swap3A_1195 = arith.index_cast %swap3A_1194 : i32 to index
      %swap3A_1196 = arith.constant 48 : index
      %swap3A_1197 = tpu.vector_load %arg7[%swap3A_1195, %swap3A_1196] {strides = array<i32>} : memref<8x64xi32, #tpu.memory_space<vmem>>, vector<1x16xi32>,
      %swap3A_1198 = vector.shape_cast %swap3A_1197 : vector<1x16xi32> to vector<16xi32>
      %swap3A_1199 = vector.shape_cast %add3A_1193 : vector<16xi32> to vector<1x16xi32>
      tpu.vector_store %arg7[%swap3A_1195, %swap3A_1196], %swap3A_1199 {strides = array<i32>} : memref<8x64xi32, #tpu.memory_space<vmem>>, vector<1x16xi32>,
      %ge3A_1200 = arith.constant 2 : i32
      %ge3A_1201 = arith.cmpi sge, %add3A_1071, %ge3A_1200 : i32
      %convert_element_type3A_1202 = arith.extui %ge3A_1201 : i1 to i32
      %cond3A_1203 = arith.constant 0 : i32
      %cond3A_1204 = arith.cmpi ne, %convert_element_type3A_1202, %cond3A_1203 : i32
      scf.if %cond3A_1204 {
        %dma_wait3A_2105 = arith.constant 7 : i32
        %dma_wait3A_2106 = arith.constant 3 : i32
        %dma_wait3A_2107 = arith.constant 0 : i32
        %dma_wait3A_2108 = arith.constant 0 : i32
        %dma_wait3A_2109 = tpu.memref_slice %arg10[%dma_wait3A_2106, %dma_wait3A_2107, %dma_wait3A_2108] : memref<4x64x128xf32, #tpu.memory_space<vmem>> -> memref<1x64x128xf32, #tpu.memory_space<vmem>>
        %dma_wait3A_2110 = tpu.memref_squeeze %dma_wait3A_2109 : memref<1x64x128xf32, #tpu.memory_space<vmem>> -> memref<64x128xf32, #tpu.memory_space<vmem>>
        %dma_wait3A_2111 = arith.constant 0 : i32
        %dma_wait3A_2112 = tpu.memref_slice %arg7[%dma_wait3A_2105, %dma_wait3A_2111] : memref<8x64xi32, #tpu.memory_space<vmem>> -> memref<1x64xi32, #tpu.memory_space<vmem>>
        %dma_wait3A_2113 = tpu.memref_squeeze %dma_wait3A_2112 : memref<1x64xi32, #tpu.memory_space<vmem>> -> memref<64xi32, #tpu.memory_space<vmem>>
        %dma_wait3A_2114 = arith.constant 0 : i32
        %dma_wait3A_2115 = arith.constant 0 : i32
        %dma_wait3A_2116 = tpu.memref_slice %arg4[%dma_wait3A_2114, %dma_wait3A_2115] : memref<270000x128xf32, #tpu.memory_space<hbm>> -> memref<270000x128xf32, #tpu.memory_space<hbm>>
        tpu.wait_indirect_dma semaphore(%arg23 : memref<!tpu.dma_semaphore, #tpu.memory_space<semaphore_mem>>) src(%dma_wait3A_2116 : memref<270000x128xf32, #tpu.memory_space<hbm>>) dst(%dma_wait3A_2110 : memref<64x128xf32, #tpu.memory_space<vmem>>)
        %dma_start3A_2117 = arith.constant 3 : i32
        %dma_start3A_2118 = arith.constant 7 : i32
        %dma_start3A_2119 = arith.constant 0 : i32
        %dma_start3A_2120 = arith.constant 0 : i32
        %dma_start3A_2121 = tpu.memref_slice %arg10[%dma_start3A_2117, %dma_start3A_2119, %dma_start3A_2120] : memref<4x64x128xf32, #tpu.memory_space<vmem>> -> memref<1x64x128xf32, #tpu.memory_space<vmem>>
        %dma_start3A_2122 = tpu.memref_squeeze %dma_start3A_2121 : memref<1x64x128xf32, #tpu.memory_space<vmem>> -> memref<64x128xf32, #tpu.memory_space<vmem>>
        %dma_start3A_2123 = arith.constant 0 : i32
        %dma_start3A_2124 = tpu.memref_slice %arg9[%dma_start3A_2118, %dma_start3A_2123] : memref<8x64xi32, #tpu.memory_space<vmem>> -> memref<1x64xi32, #tpu.memory_space<vmem>>
        %dma_start3A_2125 = tpu.memref_squeeze %dma_start3A_2124 : memref<1x64xi32, #tpu.memory_space<vmem>> -> memref<64xi32, #tpu.memory_space<vmem>>
        %dma_start3A_2126 = arith.constant 0 : i32
        %dma_start3A_2127 = arith.constant 0 : i32
        %dma_start3A_2128 = tpu.memref_slice %arg11[%dma_start3A_2126, %dma_start3A_2127] : memref<10240x128xf32, #tpu.memory_space<vmem_shared>> -> memref<10240x128xf32, #tpu.memory_space<vmem_shared>>
        tpu.enqueue_indirect_dma source(%dma_start3A_2122 : memref<64x128xf32, #tpu.memory_space<vmem>>) target(%dma_start3A_2128 : memref<10240x128xf32, #tpu.memory_space<vmem_shared>>) offsets(%dma_start3A_2125 : memref<64xi32, #tpu.memory_space<vmem>>) semaphore(%arg27 : memref<!tpu.dma_semaphore, #tpu.memory_space<semaphore_mem>>) {add = true}
      } else {
      }
      %dma_start3A_1205 = arith.constant 1 : i32
      %dma_start3A_1206 = arith.constant 1 : i32
      %dma_start3A_1207 = arith.constant 0 : i32
      %dma_start3A_1208 = arith.constant 0 : i32
      %dma_start3A_1209 = tpu.memref_slice %arg10[%dma_start3A_1206, %dma_start3A_1207, %dma_start3A_1208] : memref<4x64x128xf32, #tpu.memory_space<vmem>> -> memref<1x64x128xf32, #tpu.memory_space<vmem>>
      %dma_start3A_1210 = tpu.memref_squeeze %dma_start3A_1209 : memref<1x64x128xf32, #tpu.memory_space<vmem>> -> memref<64x128xf32, #tpu.memory_space<vmem>>
      %dma_start3A_1211 = arith.constant 0 : i32
      %dma_start3A_1212 = tpu.memref_slice %arg7[%dma_start3A_1205, %dma_start3A_1211] : memref<8x64xi32, #tpu.memory_space<vmem>> -> memref<1x64xi32, #tpu.memory_space<vmem>>
      %dma_start3A_1213 = tpu.memref_squeeze %dma_start3A_1212 : memref<1x64xi32, #tpu.memory_space<vmem>> -> memref<64xi32, #tpu.memory_space<vmem>>
      %dma_start3A_1214 = arith.constant 0 : i32
      %dma_start3A_1215 = arith.constant 0 : i32
      %dma_start3A_1216 = tpu.memref_slice %arg4[%dma_start3A_1214, %dma_start3A_1215] : memref<270000x128xf32, #tpu.memory_space<hbm>> -> memref<270000x128xf32, #tpu.memory_space<hbm>>
      tpu.enqueue_indirect_dma source(%dma_start3A_1216 : memref<270000x128xf32, #tpu.memory_space<hbm>>) target(%dma_start3A_1210 : memref<64x128xf32, #tpu.memory_space<vmem>>) offsets(%dma_start3A_1213 : memref<64xi32, #tpu.memory_space<vmem>>) semaphore(%arg21 : memref<!tpu.dma_semaphore, #tpu.memory_space<semaphore_mem>>)
      %add3A_1217 = arith.constant 2 : i32
      %add3A_1218 = arith.addi %mul3A_923, %add3A_1217 : i32
      %ge3A_1219 = arith.constant 4 : i32
      %ge3A_1220 = arith.cmpi sge, %add3A_1218, %ge3A_1219 : i32
      %convert_element_type3A_1221 = arith.extui %ge3A_1220 : i1 to i32
      %cond3A_1222 = arith.constant 0 : i32
      %cond3A_1223 = arith.cmpi ne, %convert_element_type3A_1221, %cond3A_1222 : i32
      scf.if %cond3A_1223 {
        %dma_wait3A_2105 = arith.constant 2 : i32
        %dma_wait3A_2106 = arith.constant 6 : i32
        %dma_wait3A_2107 = arith.constant 0 : i32
        %dma_wait3A_2108 = arith.constant 0 : i32
        %dma_wait3A_2109 = tpu.memref_slice %arg10[%dma_wait3A_2105, %dma_wait3A_2107, %dma_wait3A_2108] : memref<4x64x128xf32, #tpu.memory_space<vmem>> -> memref<1x64x128xf32, #tpu.memory_space<vmem>>
        %dma_wait3A_2110 = tpu.memref_squeeze %dma_wait3A_2109 : memref<1x64x128xf32, #tpu.memory_space<vmem>> -> memref<64x128xf32, #tpu.memory_space<vmem>>
        %dma_wait3A_2111 = arith.constant 0 : i32
        %dma_wait3A_2112 = tpu.memref_slice %arg9[%dma_wait3A_2106, %dma_wait3A_2111] : memref<8x64xi32, #tpu.memory_space<vmem>> -> memref<1x64xi32, #tpu.memory_space<vmem>>
        %dma_wait3A_2113 = tpu.memref_squeeze %dma_wait3A_2112 : memref<1x64xi32, #tpu.memory_space<vmem>> -> memref<64xi32, #tpu.memory_space<vmem>>
        %dma_wait3A_2114 = arith.constant 0 : i32
        %dma_wait3A_2115 = arith.constant 0 : i32
        %dma_wait3A_2116 = tpu.memref_slice %arg11[%dma_wait3A_2114, %dma_wait3A_2115] : memref<10240x128xf32, #tpu.memory_space<vmem_shared>> -> memref<10240x128xf32, #tpu.memory_space<vmem_shared>>
        tpu.wait_indirect_dma semaphore(%arg26 : memref<!tpu.dma_semaphore, #tpu.memory_space<semaphore_mem>>) src(%dma_wait3A_2110 : memref<64x128xf32, #tpu.memory_space<vmem>>) dst(%dma_wait3A_2116 : memref<10240x128xf32, #tpu.memory_space<vmem_shared>>)
      } else {
      }
      %add3A_1224 = arith.constant 4 : i32
      %add3A_1225 = arith.addi %add3A_1218, %add3A_1224 : i32
      %lt3A_1226 = arith.constant 156 : i32
      %lt3A_1227 = arith.cmpi slt, %add3A_1225, %lt3A_1226 : i32
      %convert_element_type3A_1228 = arith.extui %lt3A_1227 : i1 to i32
      %cond3A_1229 = arith.constant 0 : i32
      %cond3A_1230 = arith.cmpi ne, %convert_element_type3A_1228, %cond3A_1229 : i32
      scf.if %cond3A_1230 {
        %add3A_2105 = arith.constant 4 : i32
        %add3A_2106 = arith.addi %add3A_1218, %add3A_2105 : i32
        %add3A_2107 = arith.addi %add3A_4, %add3A_2106 : i32
        %mul3A_2108 = arith.constant 64 : i32
        %mul3A_2109 = arith.muli %add3A_2107, %mul3A_2108 : i32
        %dma_start3A_2110 = arith.constant 0 : i32
        %dma_start3A_2111 = arith.constant 6 : i32
        %dma_start3A_2112 = arith.constant 0 : i32
        %dma_start3A_2113 = tpu.memref_slice %arg7[%dma_start3A_2111, %dma_start3A_2112] : memref<8x64xi32, #tpu.memory_space<vmem>> -> memref<1x64xi32, #tpu.memory_space<vmem>>
        %dma_start3A_2114 = tpu.memref_squeeze %dma_start3A_2113 : memref<1x64xi32, #tpu.memory_space<vmem>> -> memref<64xi32, #tpu.memory_space<vmem>>
        %dma_start3A_2115 = tpu.memref_slice %arg2[%dma_start3A_2110, %mul3A_2109] : memref<2x320000xi32, #tpu.memory_space<hbm>> -> memref<1x64xi32, #tpu.memory_space<hbm>>
        %dma_start3A_2116 = tpu.memref_squeeze %dma_start3A_2115 : memref<1x64xi32, #tpu.memory_space<hbm>> -> memref<64xi32, #tpu.memory_space<hbm>>
        %dma_start3A_2117 = arith.constant 0 : i32
        %dma_start3A_2118 = tpu.memref_slice %arg7[%dma_start3A_2111, %dma_start3A_2117] : memref<8x64xi32, #tpu.memory_space<vmem>> -> memref<1x64xi32, #tpu.memory_space<vmem>>
        %dma_start3A_2119 = tpu.memref_squeeze %dma_start3A_2118 : memref<1x64xi32, #tpu.memory_space<vmem>> -> memref<64xi32, #tpu.memory_space<vmem>>
        %dma_start3A_2120 = tpu.memref_slice %arg2[%dma_start3A_2110, %mul3A_2109] : memref<2x320000xi32, #tpu.memory_space<hbm>> -> memref<1x64xi32, #tpu.memory_space<hbm>>
        %dma_start3A_2121 = tpu.memref_squeeze %dma_start3A_2120 : memref<1x64xi32, #tpu.memory_space<hbm>> -> memref<64xi32, #tpu.memory_space<hbm>>
        tpu.enqueue_dma source(%dma_start3A_2121 : memref<64xi32, #tpu.memory_space<hbm>>) target(%dma_start3A_2119 : memref<64xi32, #tpu.memory_space<vmem>>) target_semaphore(%arg18 : memref<!tpu.dma_semaphore, #tpu.memory_space<semaphore_mem>>)
        %dma_start3A_2122 = arith.constant 6 : i32
        %dma_start3A_2123 = arith.constant 0 : i32
        %dma_start3A_2124 = tpu.memref_slice %arg8[%dma_start3A_2122, %dma_start3A_2123] : memref<8x64xi32, #tpu.memory_space<vmem>> -> memref<1x64xi32, #tpu.memory_space<vmem>>
        %dma_start3A_2125 = tpu.memref_squeeze %dma_start3A_2124 : memref<1x64xi32, #tpu.memory_space<vmem>> -> memref<64xi32, #tpu.memory_space<vmem>>
        %dma_start3A_2126 = tpu.memref_slice %arg3[%mul3A_2109] : memref<320000xi32, #tpu.memory_space<hbm>> -> memref<64xi32, #tpu.memory_space<hbm>>
        %dma_start3A_2127 = arith.constant 0 : i32
        %dma_start3A_2128 = tpu.memref_slice %arg8[%dma_start3A_2122, %dma_start3A_2127] : memref<8x64xi32, #tpu.memory_space<vmem>> -> memref<1x64xi32, #tpu.memory_space<vmem>>
        %dma_start3A_2129 = tpu.memref_squeeze %dma_start3A_2128 : memref<1x64xi32, #tpu.memory_space<vmem>> -> memref<64xi32, #tpu.memory_space<vmem>>
        %dma_start3A_2130 = tpu.memref_slice %arg3[%mul3A_2109] : memref<320000xi32, #tpu.memory_space<hbm>> -> memref<64xi32, #tpu.memory_space<hbm>>
        tpu.enqueue_dma source(%dma_start3A_2130 : memref<64xi32, #tpu.memory_space<hbm>>) target(%dma_start3A_2129 : memref<64xi32, #tpu.memory_space<vmem>>) target_semaphore(%arg18 : memref<!tpu.dma_semaphore, #tpu.memory_space<semaphore_mem>>)
        %dma_start3A_2131 = arith.constant 1 : i32
        %dma_start3A_2132 = arith.constant 6 : i32
        %dma_start3A_2133 = arith.constant 0 : i32
        %dma_start3A_2134 = tpu.memref_slice %arg9[%dma_start3A_2132, %dma_start3A_2133] : memref<8x64xi32, #tpu.memory_space<vmem>> -> memref<1x64xi32, #tpu.memory_space<vmem>>
        %dma_start3A_2135 = tpu.memref_squeeze %dma_start3A_2134 : memref<1x64xi32, #tpu.memory_space<vmem>> -> memref<64xi32, #tpu.memory_space<vmem>>
        %dma_start3A_2136 = tpu.memref_slice %arg2[%dma_start3A_2131, %mul3A_2109] : memref<2x320000xi32, #tpu.memory_space<hbm>> -> memref<1x64xi32, #tpu.memory_space<hbm>>
        %dma_start3A_2137 = tpu.memref_squeeze %dma_start3A_2136 : memref<1x64xi32, #tpu.memory_space<hbm>> -> memref<64xi32, #tpu.memory_space<hbm>>
        %dma_start3A_2138 = arith.constant 0 : i32
        %dma_start3A_2139 = tpu.memref_slice %arg9[%dma_start3A_2132, %dma_start3A_2138] : memref<8x64xi32, #tpu.memory_space<vmem>> -> memref<1x64xi32, #tpu.memory_space<vmem>>
        %dma_start3A_2140 = tpu.memref_squeeze %dma_start3A_2139 : memref<1x64xi32, #tpu.memory_space<vmem>> -> memref<64xi32, #tpu.memory_space<vmem>>
        %dma_start3A_2141 = tpu.memref_slice %arg2[%dma_start3A_2131, %mul3A_2109] : memref<2x320000xi32, #tpu.memory_space<hbm>> -> memref<1x64xi32, #tpu.memory_space<hbm>>
        %dma_start3A_2142 = tpu.memref_squeeze %dma_start3A_2141 : memref<1x64xi32, #tpu.memory_space<hbm>> -> memref<64xi32, #tpu.memory_space<hbm>>
        tpu.enqueue_dma source(%dma_start3A_2142 : memref<64xi32, #tpu.memory_space<hbm>>) target(%dma_start3A_2140 : memref<64xi32, #tpu.memory_space<vmem>>) target_semaphore(%arg18 : memref<!tpu.dma_semaphore, #tpu.memory_space<semaphore_mem>>)
      } else {
      }
      %add3A_1231 = arith.addi %add3A_4, %add3A_1218 : i32
      %mul3A_1232 = arith.constant 64 : i32
      %mul3A_1233 = arith.muli %add3A_1231, %mul3A_1232 : i32
      %dma_wait3A_1234 = arith.constant 0 : i32
      %dma_wait3A_1235 = arith.constant 2 : i32
      %dma_wait3A_1236 = arith.constant 0 : i32
      %dma_wait3A_1237 = tpu.memref_slice %arg7[%dma_wait3A_1235, %dma_wait3A_1236] : memref<8x64xi32, #tpu.memory_space<vmem>> -> memref<1x64xi32, #tpu.memory_space<vmem>>
      %dma_wait3A_1238 = tpu.memref_squeeze %dma_wait3A_1237 : memref<1x64xi32, #tpu.memory_space<vmem>> -> memref<64xi32, #tpu.memory_space<vmem>>
      %dma_wait3A_1239 = tpu.memref_slice %arg2[%dma_wait3A_1234, %mul3A_1233] : memref<2x320000xi32, #tpu.memory_space<hbm>> -> memref<1x64xi32, #tpu.memory_space<hbm>>
      %dma_wait3A_1240 = tpu.memref_squeeze %dma_wait3A_1239 : memref<1x64xi32, #tpu.memory_space<hbm>> -> memref<64xi32, #tpu.memory_space<hbm>>
      %dma_wait3A_1241 = arith.constant 0 : i32
      %dma_wait3A_1242 = tpu.memref_slice %arg7[%dma_wait3A_1235, %dma_wait3A_1241] : memref<8x64xi32, #tpu.memory_space<vmem>> -> memref<1x64xi32, #tpu.memory_space<vmem>>
      %dma_wait3A_1243 = tpu.memref_squeeze %dma_wait3A_1242 : memref<1x64xi32, #tpu.memory_space<vmem>> -> memref<64xi32, #tpu.memory_space<vmem>>
      %dma_wait3A_1244 = tpu.memref_slice %arg2[%dma_wait3A_1234, %mul3A_1233] : memref<2x320000xi32, #tpu.memory_space<hbm>> -> memref<1x64xi32, #tpu.memory_space<hbm>>
      %dma_wait3A_1245 = tpu.memref_squeeze %dma_wait3A_1244 : memref<1x64xi32, #tpu.memory_space<hbm>> -> memref<64xi32, #tpu.memory_space<hbm>>
      tpu.wait_dma2 semaphore(%arg14 : memref<!tpu.dma_semaphore, #tpu.memory_space<semaphore_mem>>) src(%dma_wait3A_1245 : memref<64xi32, #tpu.memory_space<hbm>>) dst(%dma_wait3A_1243 : memref<64xi32, #tpu.memory_space<vmem>>)
      %dma_wait3A_1246 = arith.constant 2 : i32
      %dma_wait3A_1247 = arith.constant 0 : i32
      %dma_wait3A_1248 = tpu.memref_slice %arg8[%dma_wait3A_1246, %dma_wait3A_1247] : memref<8x64xi32, #tpu.memory_space<vmem>> -> memref<1x64xi32, #tpu.memory_space<vmem>>
      %dma_wait3A_1249 = tpu.memref_squeeze %dma_wait3A_1248 : memref<1x64xi32, #tpu.memory_space<vmem>> -> memref<64xi32, #tpu.memory_space<vmem>>
      %dma_wait3A_1250 = tpu.memref_slice %arg3[%mul3A_1233] : memref<320000xi32, #tpu.memory_space<hbm>> -> memref<64xi32, #tpu.memory_space<hbm>>
      %dma_wait3A_1251 = arith.constant 0 : i32
      %dma_wait3A_1252 = tpu.memref_slice %arg8[%dma_wait3A_1246, %dma_wait3A_1251] : memref<8x64xi32, #tpu.memory_space<vmem>> -> memref<1x64xi32, #tpu.memory_space<vmem>>
      %dma_wait3A_1253 = tpu.memref_squeeze %dma_wait3A_1252 : memref<1x64xi32, #tpu.memory_space<vmem>> -> memref<64xi32, #tpu.memory_space<vmem>>
      %dma_wait3A_1254 = tpu.memref_slice %arg3[%mul3A_1233] : memref<320000xi32, #tpu.memory_space<hbm>> -> memref<64xi32, #tpu.memory_space<hbm>>
      tpu.wait_dma2 semaphore(%arg14 : memref<!tpu.dma_semaphore, #tpu.memory_space<semaphore_mem>>) src(%dma_wait3A_1254 : memref<64xi32, #tpu.memory_space<hbm>>) dst(%dma_wait3A_1253 : memref<64xi32, #tpu.memory_space<vmem>>)
      %dma_wait3A_1255 = arith.constant 1 : i32
      %dma_wait3A_1256 = arith.constant 2 : i32
      %dma_wait3A_1257 = arith.constant 0 : i32
      %dma_wait3A_1258 = tpu.memref_slice %arg9[%dma_wait3A_1256, %dma_wait3A_1257] : memref<8x64xi32, #tpu.memory_space<vmem>> -> memref<1x64xi32, #tpu.memory_space<vmem>>
      %dma_wait3A_1259 = tpu.memref_squeeze %dma_wait3A_1258 : memref<1x64xi32, #tpu.memory_space<vmem>> -> memref<64xi32, #tpu.memory_space<vmem>>
      %dma_wait3A_1260 = tpu.memref_slice %arg2[%dma_wait3A_1255, %mul3A_1233] : memref<2x320000xi32, #tpu.memory_space<hbm>> -> memref<1x64xi32, #tpu.memory_space<hbm>>
      %dma_wait3A_1261 = tpu.memref_squeeze %dma_wait3A_1260 : memref<1x64xi32, #tpu.memory_space<hbm>> -> memref<64xi32, #tpu.memory_space<hbm>>
      %dma_wait3A_1262 = arith.constant 0 : i32
      %dma_wait3A_1263 = tpu.memref_slice %arg9[%dma_wait3A_1256, %dma_wait3A_1262] : memref<8x64xi32, #tpu.memory_space<vmem>> -> memref<1x64xi32, #tpu.memory_space<vmem>>
      %dma_wait3A_1264 = tpu.memref_squeeze %dma_wait3A_1263 : memref<1x64xi32, #tpu.memory_space<vmem>> -> memref<64xi32, #tpu.memory_space<vmem>>
      %dma_wait3A_1265 = tpu.memref_slice %arg2[%dma_wait3A_1255, %mul3A_1233] : memref<2x320000xi32, #tpu.memory_space<hbm>> -> memref<1x64xi32, #tpu.memory_space<hbm>>
      %dma_wait3A_1266 = tpu.memref_squeeze %dma_wait3A_1265 : memref<1x64xi32, #tpu.memory_space<hbm>> -> memref<64xi32, #tpu.memory_space<hbm>>
      tpu.wait_dma2 semaphore(%arg14 : memref<!tpu.dma_semaphore, #tpu.memory_space<semaphore_mem>>) src(%dma_wait3A_1266 : memref<64xi32, #tpu.memory_space<hbm>>) dst(%dma_wait3A_1264 : memref<64xi32, #tpu.memory_space<vmem>>)
      %get3A_1267 = arith.constant 2 : i32
      %get3A_1268 = arith.index_cast %get3A_1267 : i32 to index
      %get3A_1269 = arith.constant 0 : index
      %get3A_1270 = tpu.vector_load %arg8[%get3A_1268, %get3A_1269] {strides = array<i32>} : memref<8x64xi32, #tpu.memory_space<vmem>>, vector<1x16xi32>,
      %get3A_1271 = vector.shape_cast %get3A_1270 : vector<1x16xi32> to vector<16xi32>
      %mul3A_1272 = arith.constant 10000 : i32
      %mul3A_1273 = vector.broadcast %mul3A_1272 : i32 to vector<16xi32>
      %mul3A_1274 = arith.muli %get3A_1271, %mul3A_1273 : vector<16xi32>
      %get3A_1275 = arith.constant 2 : i32
      %get3A_1276 = arith.index_cast %get3A_1275 : i32 to index
      %get3A_1277 = arith.constant 0 : index
      %get3A_1278 = tpu.vector_load %arg7[%get3A_1276, %get3A_1277] {strides = array<i32>} : memref<8x64xi32, #tpu.memory_space<vmem>>, vector<1x16xi32>,
      %get3A_1279 = vector.shape_cast %get3A_1278 : vector<1x16xi32> to vector<16xi32>
      %add3A_1280 = arith.addi %mul3A_1274, %get3A_1279 : vector<16xi32>
      %swap3A_1281 = arith.constant 2 : i32
      %swap3A_1282 = arith.index_cast %swap3A_1281 : i32 to index
      %swap3A_1283 = arith.constant 0 : index
      %swap3A_1284 = tpu.vector_load %arg7[%swap3A_1282, %swap3A_1283] {strides = array<i32>} : memref<8x64xi32, #tpu.memory_space<vmem>>, vector<1x16xi32>,
      %swap3A_1285 = vector.shape_cast %swap3A_1284 : vector<1x16xi32> to vector<16xi32>
      %swap3A_1286 = vector.shape_cast %add3A_1280 : vector<16xi32> to vector<1x16xi32>
      tpu.vector_store %arg7[%swap3A_1282, %swap3A_1283], %swap3A_1286 {strides = array<i32>} : memref<8x64xi32, #tpu.memory_space<vmem>>, vector<1x16xi32>,
      %get3A_1287 = arith.constant 2 : i32
      %get3A_1288 = arith.index_cast %get3A_1287 : i32 to index
      %get3A_1289 = arith.constant 16 : index
      %get3A_1290 = tpu.vector_load %arg8[%get3A_1288, %get3A_1289] {strides = array<i32>} : memref<8x64xi32, #tpu.memory_space<vmem>>, vector<1x16xi32>,
      %get3A_1291 = vector.shape_cast %get3A_1290 : vector<1x16xi32> to vector<16xi32>
      %mul3A_1292 = arith.constant 10000 : i32
      %mul3A_1293 = vector.broadcast %mul3A_1292 : i32 to vector<16xi32>
      %mul3A_1294 = arith.muli %get3A_1291, %mul3A_1293 : vector<16xi32>
      %get3A_1295 = arith.constant 2 : i32
      %get3A_1296 = arith.index_cast %get3A_1295 : i32 to index
      %get3A_1297 = arith.constant 16 : index
      %get3A_1298 = tpu.vector_load %arg7[%get3A_1296, %get3A_1297] {strides = array<i32>} : memref<8x64xi32, #tpu.memory_space<vmem>>, vector<1x16xi32>,
      %get3A_1299 = vector.shape_cast %get3A_1298 : vector<1x16xi32> to vector<16xi32>
      %add3A_1300 = arith.addi %mul3A_1294, %get3A_1299 : vector<16xi32>
      %swap3A_1301 = arith.constant 2 : i32
      %swap3A_1302 = arith.index_cast %swap3A_1301 : i32 to index
      %swap3A_1303 = arith.constant 16 : index
      %swap3A_1304 = tpu.vector_load %arg7[%swap3A_1302, %swap3A_1303] {strides = array<i32>} : memref<8x64xi32, #tpu.memory_space<vmem>>, vector<1x16xi32>,
      %swap3A_1305 = vector.shape_cast %swap3A_1304 : vector<1x16xi32> to vector<16xi32>
      %swap3A_1306 = vector.shape_cast %add3A_1300 : vector<16xi32> to vector<1x16xi32>
      tpu.vector_store %arg7[%swap3A_1302, %swap3A_1303], %swap3A_1306 {strides = array<i32>} : memref<8x64xi32, #tpu.memory_space<vmem>>, vector<1x16xi32>,
      %get3A_1307 = arith.constant 2 : i32
      %get3A_1308 = arith.index_cast %get3A_1307 : i32 to index
      %get3A_1309 = arith.constant 32 : index
      %get3A_1310 = tpu.vector_load %arg8[%get3A_1308, %get3A_1309] {strides = array<i32>} : memref<8x64xi32, #tpu.memory_space<vmem>>, vector<1x16xi32>,
      %get3A_1311 = vector.shape_cast %get3A_1310 : vector<1x16xi32> to vector<16xi32>
      %mul3A_1312 = arith.constant 10000 : i32
      %mul3A_1313 = vector.broadcast %mul3A_1312 : i32 to vector<16xi32>
      %mul3A_1314 = arith.muli %get3A_1311, %mul3A_1313 : vector<16xi32>
      %get3A_1315 = arith.constant 2 : i32
      %get3A_1316 = arith.index_cast %get3A_1315 : i32 to index
      %get3A_1317 = arith.constant 32 : index
      %get3A_1318 = tpu.vector_load %arg7[%get3A_1316, %get3A_1317] {strides = array<i32>} : memref<8x64xi32, #tpu.memory_space<vmem>>, vector<1x16xi32>,
      %get3A_1319 = vector.shape_cast %get3A_1318 : vector<1x16xi32> to vector<16xi32>
      %add3A_1320 = arith.addi %mul3A_1314, %get3A_1319 : vector<16xi32>
      %swap3A_1321 = arith.constant 2 : i32
      %swap3A_1322 = arith.index_cast %swap3A_1321 : i32 to index
      %swap3A_1323 = arith.constant 32 : index
      %swap3A_1324 = tpu.vector_load %arg7[%swap3A_1322, %swap3A_1323] {strides = array<i32>} : memref<8x64xi32, #tpu.memory_space<vmem>>, vector<1x16xi32>,
      %swap3A_1325 = vector.shape_cast %swap3A_1324 : vector<1x16xi32> to vector<16xi32>
      %swap3A_1326 = vector.shape_cast %add3A_1320 : vector<16xi32> to vector<1x16xi32>
      tpu.vector_store %arg7[%swap3A_1322, %swap3A_1323], %swap3A_1326 {strides = array<i32>} : memref<8x64xi32, #tpu.memory_space<vmem>>, vector<1x16xi32>,
      %get3A_1327 = arith.constant 2 : i32
      %get3A_1328 = arith.index_cast %get3A_1327 : i32 to index
      %get3A_1329 = arith.constant 48 : index
      %get3A_1330 = tpu.vector_load %arg8[%get3A_1328, %get3A_1329] {strides = array<i32>} : memref<8x64xi32, #tpu.memory_space<vmem>>, vector<1x16xi32>,
      %get3A_1331 = vector.shape_cast %get3A_1330 : vector<1x16xi32> to vector<16xi32>
      %mul3A_1332 = arith.constant 10000 : i32
      %mul3A_1333 = vector.broadcast %mul3A_1332 : i32 to vector<16xi32>
      %mul3A_1334 = arith.muli %get3A_1331, %mul3A_1333 : vector<16xi32>
      %get3A_1335 = arith.constant 2 : i32
      %get3A_1336 = arith.index_cast %get3A_1335 : i32 to index
      %get3A_1337 = arith.constant 48 : index
      %get3A_1338 = tpu.vector_load %arg7[%get3A_1336, %get3A_1337] {strides = array<i32>} : memref<8x64xi32, #tpu.memory_space<vmem>>, vector<1x16xi32>,
      %get3A_1339 = vector.shape_cast %get3A_1338 : vector<1x16xi32> to vector<16xi32>
      %add3A_1340 = arith.addi %mul3A_1334, %get3A_1339 : vector<16xi32>
      %swap3A_1341 = arith.constant 2 : i32
      %swap3A_1342 = arith.index_cast %swap3A_1341 : i32 to index
      %swap3A_1343 = arith.constant 48 : index
      %swap3A_1344 = tpu.vector_load %arg7[%swap3A_1342, %swap3A_1343] {strides = array<i32>} : memref<8x64xi32, #tpu.memory_space<vmem>>, vector<1x16xi32>,
      %swap3A_1345 = vector.shape_cast %swap3A_1344 : vector<1x16xi32> to vector<16xi32>
      %swap3A_1346 = vector.shape_cast %add3A_1340 : vector<16xi32> to vector<1x16xi32>
      tpu.vector_store %arg7[%swap3A_1342, %swap3A_1343], %swap3A_1346 {strides = array<i32>} : memref<8x64xi32, #tpu.memory_space<vmem>>, vector<1x16xi32>,
      %ge3A_1347 = arith.constant 2 : i32
      %ge3A_1348 = arith.cmpi sge, %add3A_1218, %ge3A_1347 : i32
      %convert_element_type3A_1349 = arith.extui %ge3A_1348 : i1 to i32
      %cond3A_1350 = arith.constant 0 : i32
      %cond3A_1351 = arith.cmpi ne, %convert_element_type3A_1349, %cond3A_1350 : i32
      scf.if %cond3A_1351 {
        %dma_wait3A_2105 = arith.constant 0 : i32
        %dma_wait3A_2106 = arith.constant 0 : i32
        %dma_wait3A_2107 = arith.constant 0 : i32
        %dma_wait3A_2108 = arith.constant 0 : i32
        %dma_wait3A_2109 = tpu.memref_slice %arg10[%dma_wait3A_2106, %dma_wait3A_2107, %dma_wait3A_2108] : memref<4x64x128xf32, #tpu.memory_space<vmem>> -> memref<1x64x128xf32, #tpu.memory_space<vmem>>
        %dma_wait3A_2110 = tpu.memref_squeeze %dma_wait3A_2109 : memref<1x64x128xf32, #tpu.memory_space<vmem>> -> memref<64x128xf32, #tpu.memory_space<vmem>>
        %dma_wait3A_2111 = arith.constant 0 : i32
        %dma_wait3A_2112 = tpu.memref_slice %arg7[%dma_wait3A_2105, %dma_wait3A_2111] : memref<8x64xi32, #tpu.memory_space<vmem>> -> memref<1x64xi32, #tpu.memory_space<vmem>>
        %dma_wait3A_2113 = tpu.memref_squeeze %dma_wait3A_2112 : memref<1x64xi32, #tpu.memory_space<vmem>> -> memref<64xi32, #tpu.memory_space<vmem>>
        %dma_wait3A_2114 = arith.constant 0 : i32
        %dma_wait3A_2115 = arith.constant 0 : i32
        %dma_wait3A_2116 = tpu.memref_slice %arg4[%dma_wait3A_2114, %dma_wait3A_2115] : memref<270000x128xf32, #tpu.memory_space<hbm>> -> memref<270000x128xf32, #tpu.memory_space<hbm>>
        tpu.wait_indirect_dma semaphore(%arg20 : memref<!tpu.dma_semaphore, #tpu.memory_space<semaphore_mem>>) src(%dma_wait3A_2116 : memref<270000x128xf32, #tpu.memory_space<hbm>>) dst(%dma_wait3A_2110 : memref<64x128xf32, #tpu.memory_space<vmem>>)
        %dma_start3A_2117 = arith.constant 0 : i32
        %dma_start3A_2118 = arith.constant 0 : i32
        %dma_start3A_2119 = arith.constant 0 : i32
        %dma_start3A_2120 = arith.constant 0 : i32
        %dma_start3A_2121 = tpu.memref_slice %arg10[%dma_start3A_2117, %dma_start3A_2119, %dma_start3A_2120] : memref<4x64x128xf32, #tpu.memory_space<vmem>> -> memref<1x64x128xf32, #tpu.memory_space<vmem>>
        %dma_start3A_2122 = tpu.memref_squeeze %dma_start3A_2121 : memref<1x64x128xf32, #tpu.memory_space<vmem>> -> memref<64x128xf32, #tpu.memory_space<vmem>>
        %dma_start3A_2123 = arith.constant 0 : i32
        %dma_start3A_2124 = tpu.memref_slice %arg9[%dma_start3A_2118, %dma_start3A_2123] : memref<8x64xi32, #tpu.memory_space<vmem>> -> memref<1x64xi32, #tpu.memory_space<vmem>>
        %dma_start3A_2125 = tpu.memref_squeeze %dma_start3A_2124 : memref<1x64xi32, #tpu.memory_space<vmem>> -> memref<64xi32, #tpu.memory_space<vmem>>
        %dma_start3A_2126 = arith.constant 0 : i32
        %dma_start3A_2127 = arith.constant 0 : i32
        %dma_start3A_2128 = tpu.memref_slice %arg11[%dma_start3A_2126, %dma_start3A_2127] : memref<10240x128xf32, #tpu.memory_space<vmem_shared>> -> memref<10240x128xf32, #tpu.memory_space<vmem_shared>>
        tpu.enqueue_indirect_dma source(%dma_start3A_2122 : memref<64x128xf32, #tpu.memory_space<vmem>>) target(%dma_start3A_2128 : memref<10240x128xf32, #tpu.memory_space<vmem_shared>>) offsets(%dma_start3A_2125 : memref<64xi32, #tpu.memory_space<vmem>>) semaphore(%arg24 : memref<!tpu.dma_semaphore, #tpu.memory_space<semaphore_mem>>) {add = true}
      } else {
      }
      %dma_start3A_1352 = arith.constant 2 : i32
      %dma_start3A_1353 = arith.constant 2 : i32
      %dma_start3A_1354 = arith.constant 0 : i32
      %dma_start3A_1355 = arith.constant 0 : i32
      %dma_start3A_1356 = tpu.memref_slice %arg10[%dma_start3A_1353, %dma_start3A_1354, %dma_start3A_1355] : memref<4x64x128xf32, #tpu.memory_space<vmem>> -> memref<1x64x128xf32, #tpu.memory_space<vmem>>
      %dma_start3A_1357 = tpu.memref_squeeze %dma_start3A_1356 : memref<1x64x128xf32, #tpu.memory_space<vmem>> -> memref<64x128xf32, #tpu.memory_space<vmem>>
      %dma_start3A_1358 = arith.constant 0 : i32
      %dma_start3A_1359 = tpu.memref_slice %arg7[%dma_start3A_1352, %dma_start3A_1358] : memref<8x64xi32, #tpu.memory_space<vmem>> -> memref<1x64xi32, #tpu.memory_space<vmem>>
      %dma_start3A_1360 = tpu.memref_squeeze %dma_start3A_1359 : memref<1x64xi32, #tpu.memory_space<vmem>> -> memref<64xi32, #tpu.memory_space<vmem>>
      %dma_start3A_1361 = arith.constant 0 : i32
      %dma_start3A_1362 = arith.constant 0 : i32
      %dma_start3A_1363 = tpu.memref_slice %arg4[%dma_start3A_1361, %dma_start3A_1362] : memref<270000x128xf32, #tpu.memory_space<hbm>> -> memref<270000x128xf32, #tpu.memory_space<hbm>>
      tpu.enqueue_indirect_dma source(%dma_start3A_1363 : memref<270000x128xf32, #tpu.memory_space<hbm>>) target(%dma_start3A_1357 : memref<64x128xf32, #tpu.memory_space<vmem>>) offsets(%dma_start3A_1360 : memref<64xi32, #tpu.memory_space<vmem>>) semaphore(%arg22 : memref<!tpu.dma_semaphore, #tpu.memory_space<semaphore_mem>>)
      %add3A_1364 = arith.constant 3 : i32
      %add3A_1365 = arith.addi %mul3A_923, %add3A_1364 : i32
      %ge3A_1366 = arith.constant 4 : i32
      %ge3A_1367 = arith.cmpi sge, %add3A_1365, %ge3A_1366 : i32
      %convert_element_type3A_1368 = arith.extui %ge3A_1367 : i1 to i32
      %cond3A_1369 = arith.constant 0 : i32
      %cond3A_1370 = arith.cmpi ne, %convert_element_type3A_1368, %cond3A_1369 : i32
      scf.if %cond3A_1370 {
        %dma_wait3A_2105 = arith.constant 3 : i32
        %dma_wait3A_2106 = arith.constant 7 : i32
        %dma_wait3A_2107 = arith.constant 0 : i32
        %dma_wait3A_2108 = arith.constant 0 : i32
        %dma_wait3A_2109 = tpu.memref_slice %arg10[%dma_wait3A_2105, %dma_wait3A_2107, %dma_wait3A_2108] : memref<4x64x128xf32, #tpu.memory_space<vmem>> -> memref<1x64x128xf32, #tpu.memory_space<vmem>>
        %dma_wait3A_2110 = tpu.memref_squeeze %dma_wait3A_2109 : memref<1x64x128xf32, #tpu.memory_space<vmem>> -> memref<64x128xf32, #tpu.memory_space<vmem>>
        %dma_wait3A_2111 = arith.constant 0 : i32
        %dma_wait3A_2112 = tpu.memref_slice %arg9[%dma_wait3A_2106, %dma_wait3A_2111] : memref<8x64xi32, #tpu.memory_space<vmem>> -> memref<1x64xi32, #tpu.memory_space<vmem>>
        %dma_wait3A_2113 = tpu.memref_squeeze %dma_wait3A_2112 : memref<1x64xi32, #tpu.memory_space<vmem>> -> memref<64xi32, #tpu.memory_space<vmem>>
        %dma_wait3A_2114 = arith.constant 0 : i32
        %dma_wait3A_2115 = arith.constant 0 : i32
        %dma_wait3A_2116 = tpu.memref_slice %arg11[%dma_wait3A_2114, %dma_wait3A_2115] : memref<10240x128xf32, #tpu.memory_space<vmem_shared>> -> memref<10240x128xf32, #tpu.memory_space<vmem_shared>>
        tpu.wait_indirect_dma semaphore(%arg27 : memref<!tpu.dma_semaphore, #tpu.memory_space<semaphore_mem>>) src(%dma_wait3A_2110 : memref<64x128xf32, #tpu.memory_space<vmem>>) dst(%dma_wait3A_2116 : memref<10240x128xf32, #tpu.memory_space<vmem_shared>>)
      } else {
      }
      %add3A_1371 = arith.constant 4 : i32
      %add3A_1372 = arith.addi %add3A_1365, %add3A_1371 : i32
      %lt3A_1373 = arith.constant 156 : i32
      %lt3A_1374 = arith.cmpi slt, %add3A_1372, %lt3A_1373 : i32
      %convert_element_type3A_1375 = arith.extui %lt3A_1374 : i1 to i32
      %cond3A_1376 = arith.constant 0 : i32
      %cond3A_1377 = arith.cmpi ne, %convert_element_type3A_1375, %cond3A_1376 : i32
      scf.if %cond3A_1377 {
        %add3A_2105 = arith.constant 4 : i32
        %add3A_2106 = arith.addi %add3A_1365, %add3A_2105 : i32
        %add3A_2107 = arith.addi %add3A_4, %add3A_2106 : i32
        %mul3A_2108 = arith.constant 64 : i32
        %mul3A_2109 = arith.muli %add3A_2107, %mul3A_2108 : i32
        %dma_start3A_2110 = arith.constant 0 : i32
        %dma_start3A_2111 = arith.constant 7 : i32
        %dma_start3A_2112 = arith.constant 0 : i32
        %dma_start3A_2113 = tpu.memref_slice %arg7[%dma_start3A_2111, %dma_start3A_2112] : memref<8x64xi32, #tpu.memory_space<vmem>> -> memref<1x64xi32, #tpu.memory_space<vmem>>
        %dma_start3A_2114 = tpu.memref_squeeze %dma_start3A_2113 : memref<1x64xi32, #tpu.memory_space<vmem>> -> memref<64xi32, #tpu.memory_space<vmem>>
        %dma_start3A_2115 = tpu.memref_slice %arg2[%dma_start3A_2110, %mul3A_2109] : memref<2x320000xi32, #tpu.memory_space<hbm>> -> memref<1x64xi32, #tpu.memory_space<hbm>>
        %dma_start3A_2116 = tpu.memref_squeeze %dma_start3A_2115 : memref<1x64xi32, #tpu.memory_space<hbm>> -> memref<64xi32, #tpu.memory_space<hbm>>
        %dma_start3A_2117 = arith.constant 0 : i32
        %dma_start3A_2118 = tpu.memref_slice %arg7[%dma_start3A_2111, %dma_start3A_2117] : memref<8x64xi32, #tpu.memory_space<vmem>> -> memref<1x64xi32, #tpu.memory_space<vmem>>
        %dma_start3A_2119 = tpu.memref_squeeze %dma_start3A_2118 : memref<1x64xi32, #tpu.memory_space<vmem>> -> memref<64xi32, #tpu.memory_space<vmem>>
        %dma_start3A_2120 = tpu.memref_slice %arg2[%dma_start3A_2110, %mul3A_2109] : memref<2x320000xi32, #tpu.memory_space<hbm>> -> memref<1x64xi32, #tpu.memory_space<hbm>>
        %dma_start3A_2121 = tpu.memref_squeeze %dma_start3A_2120 : memref<1x64xi32, #tpu.memory_space<hbm>> -> memref<64xi32, #tpu.memory_space<hbm>>
        tpu.enqueue_dma source(%dma_start3A_2121 : memref<64xi32, #tpu.memory_space<hbm>>) target(%dma_start3A_2119 : memref<64xi32, #tpu.memory_space<vmem>>) target_semaphore(%arg19 : memref<!tpu.dma_semaphore, #tpu.memory_space<semaphore_mem>>)
        %dma_start3A_2122 = arith.constant 7 : i32
        %dma_start3A_2123 = arith.constant 0 : i32
        %dma_start3A_2124 = tpu.memref_slice %arg8[%dma_start3A_2122, %dma_start3A_2123] : memref<8x64xi32, #tpu.memory_space<vmem>> -> memref<1x64xi32, #tpu.memory_space<vmem>>
        %dma_start3A_2125 = tpu.memref_squeeze %dma_start3A_2124 : memref<1x64xi32, #tpu.memory_space<vmem>> -> memref<64xi32, #tpu.memory_space<vmem>>
        %dma_start3A_2126 = tpu.memref_slice %arg3[%mul3A_2109] : memref<320000xi32, #tpu.memory_space<hbm>> -> memref<64xi32, #tpu.memory_space<hbm>>
        %dma_start3A_2127 = arith.constant 0 : i32
        %dma_start3A_2128 = tpu.memref_slice %arg8[%dma_start3A_2122, %dma_start3A_2127] : memref<8x64xi32, #tpu.memory_space<vmem>> -> memref<1x64xi32, #tpu.memory_space<vmem>>
        %dma_start3A_2129 = tpu.memref_squeeze %dma_start3A_2128 : memref<1x64xi32, #tpu.memory_space<vmem>> -> memref<64xi32, #tpu.memory_space<vmem>>
        %dma_start3A_2130 = tpu.memref_slice %arg3[%mul3A_2109] : memref<320000xi32, #tpu.memory_space<hbm>> -> memref<64xi32, #tpu.memory_space<hbm>>
        tpu.enqueue_dma source(%dma_start3A_2130 : memref<64xi32, #tpu.memory_space<hbm>>) target(%dma_start3A_2129 : memref<64xi32, #tpu.memory_space<vmem>>) target_semaphore(%arg19 : memref<!tpu.dma_semaphore, #tpu.memory_space<semaphore_mem>>)
        %dma_start3A_2131 = arith.constant 1 : i32
        %dma_start3A_2132 = arith.constant 7 : i32
        %dma_start3A_2133 = arith.constant 0 : i32
        %dma_start3A_2134 = tpu.memref_slice %arg9[%dma_start3A_2132, %dma_start3A_2133] : memref<8x64xi32, #tpu.memory_space<vmem>> -> memref<1x64xi32, #tpu.memory_space<vmem>>
        %dma_start3A_2135 = tpu.memref_squeeze %dma_start3A_2134 : memref<1x64xi32, #tpu.memory_space<vmem>> -> memref<64xi32, #tpu.memory_space<vmem>>
        %dma_start3A_2136 = tpu.memref_slice %arg2[%dma_start3A_2131, %mul3A_2109] : memref<2x320000xi32, #tpu.memory_space<hbm>> -> memref<1x64xi32, #tpu.memory_space<hbm>>
        %dma_start3A_2137 = tpu.memref_squeeze %dma_start3A_2136 : memref<1x64xi32, #tpu.memory_space<hbm>> -> memref<64xi32, #tpu.memory_space<hbm>>
        %dma_start3A_2138 = arith.constant 0 : i32
        %dma_start3A_2139 = tpu.memref_slice %arg9[%dma_start3A_2132, %dma_start3A_2138] : memref<8x64xi32, #tpu.memory_space<vmem>> -> memref<1x64xi32, #tpu.memory_space<vmem>>
        %dma_start3A_2140 = tpu.memref_squeeze %dma_start3A_2139 : memref<1x64xi32, #tpu.memory_space<vmem>> -> memref<64xi32, #tpu.memory_space<vmem>>
        %dma_start3A_2141 = tpu.memref_slice %arg2[%dma_start3A_2131, %mul3A_2109] : memref<2x320000xi32, #tpu.memory_space<hbm>> -> memref<1x64xi32, #tpu.memory_space<hbm>>
        %dma_start3A_2142 = tpu.memref_squeeze %dma_start3A_2141 : memref<1x64xi32, #tpu.memory_space<hbm>> -> memref<64xi32, #tpu.memory_space<hbm>>
        tpu.enqueue_dma source(%dma_start3A_2142 : memref<64xi32, #tpu.memory_space<hbm>>) target(%dma_start3A_2140 : memref<64xi32, #tpu.memory_space<vmem>>) target_semaphore(%arg19 : memref<!tpu.dma_semaphore, #tpu.memory_space<semaphore_mem>>)
      } else {
      }
      %add3A_1378 = arith.addi %add3A_4, %add3A_1365 : i32
      %mul3A_1379 = arith.constant 64 : i32
      %mul3A_1380 = arith.muli %add3A_1378, %mul3A_1379 : i32
      %dma_wait3A_1381 = arith.constant 0 : i32
      %dma_wait3A_1382 = arith.constant 3 : i32
      %dma_wait3A_1383 = arith.constant 0 : i32
      %dma_wait3A_1384 = tpu.memref_slice %arg7[%dma_wait3A_1382, %dma_wait3A_1383] : memref<8x64xi32, #tpu.memory_space<vmem>> -> memref<1x64xi32, #tpu.memory_space<vmem>>
      %dma_wait3A_1385 = tpu.memref_squeeze %dma_wait3A_1384 : memref<1x64xi32, #tpu.memory_space<vmem>> -> memref<64xi32, #tpu.memory_space<vmem>>
      %dma_wait3A_1386 = tpu.memref_slice %arg2[%dma_wait3A_1381, %mul3A_1380] : memref<2x320000xi32, #tpu.memory_space<hbm>> -> memref<1x64xi32, #tpu.memory_space<hbm>>
      %dma_wait3A_1387 = tpu.memref_squeeze %dma_wait3A_1386 : memref<1x64xi32, #tpu.memory_space<hbm>> -> memref<64xi32, #tpu.memory_space<hbm>>
      %dma_wait3A_1388 = arith.constant 0 : i32
      %dma_wait3A_1389 = tpu.memref_slice %arg7[%dma_wait3A_1382, %dma_wait3A_1388] : memref<8x64xi32, #tpu.memory_space<vmem>> -> memref<1x64xi32, #tpu.memory_space<vmem>>
      %dma_wait3A_1390 = tpu.memref_squeeze %dma_wait3A_1389 : memref<1x64xi32, #tpu.memory_space<vmem>> -> memref<64xi32, #tpu.memory_space<vmem>>
      %dma_wait3A_1391 = tpu.memref_slice %arg2[%dma_wait3A_1381, %mul3A_1380] : memref<2x320000xi32, #tpu.memory_space<hbm>> -> memref<1x64xi32, #tpu.memory_space<hbm>>
      %dma_wait3A_1392 = tpu.memref_squeeze %dma_wait3A_1391 : memref<1x64xi32, #tpu.memory_space<hbm>> -> memref<64xi32, #tpu.memory_space<hbm>>
      tpu.wait_dma2 semaphore(%arg15 : memref<!tpu.dma_semaphore, #tpu.memory_space<semaphore_mem>>) src(%dma_wait3A_1392 : memref<64xi32, #tpu.memory_space<hbm>>) dst(%dma_wait3A_1390 : memref<64xi32, #tpu.memory_space<vmem>>)
      %dma_wait3A_1393 = arith.constant 3 : i32
      %dma_wait3A_1394 = arith.constant 0 : i32
      %dma_wait3A_1395 = tpu.memref_slice %arg8[%dma_wait3A_1393, %dma_wait3A_1394] : memref<8x64xi32, #tpu.memory_space<vmem>> -> memref<1x64xi32, #tpu.memory_space<vmem>>
      %dma_wait3A_1396 = tpu.memref_squeeze %dma_wait3A_1395 : memref<1x64xi32, #tpu.memory_space<vmem>> -> memref<64xi32, #tpu.memory_space<vmem>>
      %dma_wait3A_1397 = tpu.memref_slice %arg3[%mul3A_1380] : memref<320000xi32, #tpu.memory_space<hbm>> -> memref<64xi32, #tpu.memory_space<hbm>>
      %dma_wait3A_1398 = arith.constant 0 : i32
      %dma_wait3A_1399 = tpu.memref_slice %arg8[%dma_wait3A_1393, %dma_wait3A_1398] : memref<8x64xi32, #tpu.memory_space<vmem>> -> memref<1x64xi32, #tpu.memory_space<vmem>>
      %dma_wait3A_1400 = tpu.memref_squeeze %dma_wait3A_1399 : memref<1x64xi32, #tpu.memory_space<vmem>> -> memref<64xi32, #tpu.memory_space<vmem>>
      %dma_wait3A_1401 = tpu.memref_slice %arg3[%mul3A_1380] : memref<320000xi32, #tpu.memory_space<hbm>> -> memref<64xi32, #tpu.memory_space<hbm>>
      tpu.wait_dma2 semaphore(%arg15 : memref<!tpu.dma_semaphore, #tpu.memory_space<semaphore_mem>>) src(%dma_wait3A_1401 : memref<64xi32, #tpu.memory_space<hbm>>) dst(%dma_wait3A_1400 : memref<64xi32, #tpu.memory_space<vmem>>)
      %dma_wait3A_1402 = arith.constant 1 : i32
      %dma_wait3A_1403 = arith.constant 3 : i32
      %dma_wait3A_1404 = arith.constant 0 : i32
      %dma_wait3A_1405 = tpu.memref_slice %arg9[%dma_wait3A_1403, %dma_wait3A_1404] : memref<8x64xi32, #tpu.memory_space<vmem>> -> memref<1x64xi32, #tpu.memory_space<vmem>>
      %dma_wait3A_1406 = tpu.memref_squeeze %dma_wait3A_1405 : memref<1x64xi32, #tpu.memory_space<vmem>> -> memref<64xi32, #tpu.memory_space<vmem>>
      %dma_wait3A_1407 = tpu.memref_slice %arg2[%dma_wait3A_1402, %mul3A_1380] : memref<2x320000xi32, #tpu.memory_space<hbm>> -> memref<1x64xi32, #tpu.memory_space<hbm>>
      %dma_wait3A_1408 = tpu.memref_squeeze %dma_wait3A_1407 : memref<1x64xi32, #tpu.memory_space<hbm>> -> memref<64xi32, #tpu.memory_space<hbm>>
      %dma_wait3A_1409 = arith.constant 0 : i32
      %dma_wait3A_1410 = tpu.memref_slice %arg9[%dma_wait3A_1403, %dma_wait3A_1409] : memref<8x64xi32, #tpu.memory_space<vmem>> -> memref<1x64xi32, #tpu.memory_space<vmem>>
      %dma_wait3A_1411 = tpu.memref_squeeze %dma_wait3A_1410 : memref<1x64xi32, #tpu.memory_space<vmem>> -> memref<64xi32, #tpu.memory_space<vmem>>
      %dma_wait3A_1412 = tpu.memref_slice %arg2[%dma_wait3A_1402, %mul3A_1380] : memref<2x320000xi32, #tpu.memory_space<hbm>> -> memref<1x64xi32, #tpu.memory_space<hbm>>
      %dma_wait3A_1413 = tpu.memref_squeeze %dma_wait3A_1412 : memref<1x64xi32, #tpu.memory_space<hbm>> -> memref<64xi32, #tpu.memory_space<hbm>>
      tpu.wait_dma2 semaphore(%arg15 : memref<!tpu.dma_semaphore, #tpu.memory_space<semaphore_mem>>) src(%dma_wait3A_1413 : memref<64xi32, #tpu.memory_space<hbm>>) dst(%dma_wait3A_1411 : memref<64xi32, #tpu.memory_space<vmem>>)
      %get3A_1414 = arith.constant 3 : i32
      %get3A_1415 = arith.index_cast %get3A_1414 : i32 to index
      %get3A_1416 = arith.constant 0 : index
      %get3A_1417 = tpu.vector_load %arg8[%get3A_1415, %get3A_1416] {strides = array<i32>} : memref<8x64xi32, #tpu.memory_space<vmem>>, vector<1x16xi32>,
      %get3A_1418 = vector.shape_cast %get3A_1417 : vector<1x16xi32> to vector<16xi32>
      %mul3A_1419 = arith.constant 10000 : i32
      %mul3A_1420 = vector.broadcast %mul3A_1419 : i32 to vector<16xi32>
      %mul3A_1421 = arith.muli %get3A_1418, %mul3A_1420 : vector<16xi32>
      %get3A_1422 = arith.constant 3 : i32
      %get3A_1423 = arith.index_cast %get3A_1422 : i32 to index
      %get3A_1424 = arith.constant 0 : index
      %get3A_1425 = tpu.vector_load %arg7[%get3A_1423, %get3A_1424] {strides = array<i32>} : memref<8x64xi32, #tpu.memory_space<vmem>>, vector<1x16xi32>,
      %get3A_1426 = vector.shape_cast %get3A_1425 : vector<1x16xi32> to vector<16xi32>
      %add3A_1427 = arith.addi %mul3A_1421, %get3A_1426 : vector<16xi32>
      %swap3A_1428 = arith.constant 3 : i32
      %swap3A_1429 = arith.index_cast %swap3A_1428 : i32 to index
      %swap3A_1430 = arith.constant 0 : index
      %swap3A_1431 = tpu.vector_load %arg7[%swap3A_1429, %swap3A_1430] {strides = array<i32>} : memref<8x64xi32, #tpu.memory_space<vmem>>, vector<1x16xi32>,
      %swap3A_1432 = vector.shape_cast %swap3A_1431 : vector<1x16xi32> to vector<16xi32>
      %swap3A_1433 = vector.shape_cast %add3A_1427 : vector<16xi32> to vector<1x16xi32>
      tpu.vector_store %arg7[%swap3A_1429, %swap3A_1430], %swap3A_1433 {strides = array<i32>} : memref<8x64xi32, #tpu.memory_space<vmem>>, vector<1x16xi32>,
      %get3A_1434 = arith.constant 3 : i32
      %get3A_1435 = arith.index_cast %get3A_1434 : i32 to index
      %get3A_1436 = arith.constant 16 : index
      %get3A_1437 = tpu.vector_load %arg8[%get3A_1435, %get3A_1436] {strides = array<i32>} : memref<8x64xi32, #tpu.memory_space<vmem>>, vector<1x16xi32>,
      %get3A_1438 = vector.shape_cast %get3A_1437 : vector<1x16xi32> to vector<16xi32>
      %mul3A_1439 = arith.constant 10000 : i32
      %mul3A_1440 = vector.broadcast %mul3A_1439 : i32 to vector<16xi32>
      %mul3A_1441 = arith.muli %get3A_1438, %mul3A_1440 : vector<16xi32>
      %get3A_1442 = arith.constant 3 : i32
      %get3A_1443 = arith.index_cast %get3A_1442 : i32 to index
      %get3A_1444 = arith.constant 16 : index
      %get3A_1445 = tpu.vector_load %arg7[%get3A_1443, %get3A_1444] {strides = array<i32>} : memref<8x64xi32, #tpu.memory_space<vmem>>, vector<1x16xi32>,
      %get3A_1446 = vector.shape_cast %get3A_1445 : vector<1x16xi32> to vector<16xi32>
      %add3A_1447 = arith.addi %mul3A_1441, %get3A_1446 : vector<16xi32>
      %swap3A_1448 = arith.constant 3 : i32
      %swap3A_1449 = arith.index_cast %swap3A_1448 : i32 to index
      %swap3A_1450 = arith.constant 16 : index
      %swap3A_1451 = tpu.vector_load %arg7[%swap3A_1449, %swap3A_1450] {strides = array<i32>} : memref<8x64xi32, #tpu.memory_space<vmem>>, vector<1x16xi32>,
      %swap3A_1452 = vector.shape_cast %swap3A_1451 : vector<1x16xi32> to vector<16xi32>
      %swap3A_1453 = vector.shape_cast %add3A_1447 : vector<16xi32> to vector<1x16xi32>
      tpu.vector_store %arg7[%swap3A_1449, %swap3A_1450], %swap3A_1453 {strides = array<i32>} : memref<8x64xi32, #tpu.memory_space<vmem>>, vector<1x16xi32>,
      %get3A_1454 = arith.constant 3 : i32
      %get3A_1455 = arith.index_cast %get3A_1454 : i32 to index
      %get3A_1456 = arith.constant 32 : index
      %get3A_1457 = tpu.vector_load %arg8[%get3A_1455, %get3A_1456] {strides = array<i32>} : memref<8x64xi32, #tpu.memory_space<vmem>>, vector<1x16xi32>,
      %get3A_1458 = vector.shape_cast %get3A_1457 : vector<1x16xi32> to vector<16xi32>
      %mul3A_1459 = arith.constant 10000 : i32
      %mul3A_1460 = vector.broadcast %mul3A_1459 : i32 to vector<16xi32>
      %mul3A_1461 = arith.muli %get3A_1458, %mul3A_1460 : vector<16xi32>
      %get3A_1462 = arith.constant 3 : i32
      %get3A_1463 = arith.index_cast %get3A_1462 : i32 to index
      %get3A_1464 = arith.constant 32 : index
      %get3A_1465 = tpu.vector_load %arg7[%get3A_1463, %get3A_1464] {strides = array<i32>} : memref<8x64xi32, #tpu.memory_space<vmem>>, vector<1x16xi32>,
      %get3A_1466 = vector.shape_cast %get3A_1465 : vector<1x16xi32> to vector<16xi32>
      %add3A_1467 = arith.addi %mul3A_1461, %get3A_1466 : vector<16xi32>
      %swap3A_1468 = arith.constant 3 : i32
      %swap3A_1469 = arith.index_cast %swap3A_1468 : i32 to index
      %swap3A_1470 = arith.constant 32 : index
      %swap3A_1471 = tpu.vector_load %arg7[%swap3A_1469, %swap3A_1470] {strides = array<i32>} : memref<8x64xi32, #tpu.memory_space<vmem>>, vector<1x16xi32>,
      %swap3A_1472 = vector.shape_cast %swap3A_1471 : vector<1x16xi32> to vector<16xi32>
      %swap3A_1473 = vector.shape_cast %add3A_1467 : vector<16xi32> to vector<1x16xi32>
      tpu.vector_store %arg7[%swap3A_1469, %swap3A_1470], %swap3A_1473 {strides = array<i32>} : memref<8x64xi32, #tpu.memory_space<vmem>>, vector<1x16xi32>,
      %get3A_1474 = arith.constant 3 : i32
      %get3A_1475 = arith.index_cast %get3A_1474 : i32 to index
      %get3A_1476 = arith.constant 48 : index
      %get3A_1477 = tpu.vector_load %arg8[%get3A_1475, %get3A_1476] {strides = array<i32>} : memref<8x64xi32, #tpu.memory_space<vmem>>, vector<1x16xi32>,
      %get3A_1478 = vector.shape_cast %get3A_1477 : vector<1x16xi32> to vector<16xi32>
      %mul3A_1479 = arith.constant 10000 : i32
      %mul3A_1480 = vector.broadcast %mul3A_1479 : i32 to vector<16xi32>
      %mul3A_1481 = arith.muli %get3A_1478, %mul3A_1480 : vector<16xi32>
      %get3A_1482 = arith.constant 3 : i32
      %get3A_1483 = arith.index_cast %get3A_1482 : i32 to index
      %get3A_1484 = arith.constant 48 : index
      %get3A_1485 = tpu.vector_load %arg7[%get3A_1483, %get3A_1484] {strides = array<i32>} : memref<8x64xi32, #tpu.memory_space<vmem>>, vector<1x16xi32>,
      %get3A_1486 = vector.shape_cast %get3A_1485 : vector<1x16xi32> to vector<16xi32>
      %add3A_1487 = arith.addi %mul3A_1481, %get3A_1486 : vector<16xi32>
      %swap3A_1488 = arith.constant 3 : i32
      %swap3A_1489 = arith.index_cast %swap3A_1488 : i32 to index
      %swap3A_1490 = arith.constant 48 : index
      %swap3A_1491 = tpu.vector_load %arg7[%swap3A_1489, %swap3A_1490] {strides = array<i32>} : memref<8x64xi32, #tpu.memory_space<vmem>>, vector<1x16xi32>,
      %swap3A_1492 = vector.shape_cast %swap3A_1491 : vector<1x16xi32> to vector<16xi32>
      %swap3A_1493 = vector.shape_cast %add3A_1487 : vector<16xi32> to vector<1x16xi32>
      tpu.vector_store %arg7[%swap3A_1489, %swap3A_1490], %swap3A_1493 {strides = array<i32>} : memref<8x64xi32, #tpu.memory_space<vmem>>, vector<1x16xi32>,
      %ge3A_1494 = arith.constant 2 : i32
      %ge3A_1495 = arith.cmpi sge, %add3A_1365, %ge3A_1494 : i32
      %convert_element_type3A_1496 = arith.extui %ge3A_1495 : i1 to i32
      %cond3A_1497 = arith.constant 0 : i32
      %cond3A_1498 = arith.cmpi ne, %convert_element_type3A_1496, %cond3A_1497 : i32
      scf.if %cond3A_1498 {
        %dma_wait3A_2105 = arith.constant 1 : i32
        %dma_wait3A_2106 = arith.constant 1 : i32
        %dma_wait3A_2107 = arith.constant 0 : i32
        %dma_wait3A_2108 = arith.constant 0 : i32
        %dma_wait3A_2109 = tpu.memref_slice %arg10[%dma_wait3A_2106, %dma_wait3A_2107, %dma_wait3A_2108] : memref<4x64x128xf32, #tpu.memory_space<vmem>> -> memref<1x64x128xf32, #tpu.memory_space<vmem>>
        %dma_wait3A_2110 = tpu.memref_squeeze %dma_wait3A_2109 : memref<1x64x128xf32, #tpu.memory_space<vmem>> -> memref<64x128xf32, #tpu.memory_space<vmem>>
        %dma_wait3A_2111 = arith.constant 0 : i32
        %dma_wait3A_2112 = tpu.memref_slice %arg7[%dma_wait3A_2105, %dma_wait3A_2111] : memref<8x64xi32, #tpu.memory_space<vmem>> -> memref<1x64xi32, #tpu.memory_space<vmem>>
        %dma_wait3A_2113 = tpu.memref_squeeze %dma_wait3A_2112 : memref<1x64xi32, #tpu.memory_space<vmem>> -> memref<64xi32, #tpu.memory_space<vmem>>
        %dma_wait3A_2114 = arith.constant 0 : i32
        %dma_wait3A_2115 = arith.constant 0 : i32
        %dma_wait3A_2116 = tpu.memref_slice %arg4[%dma_wait3A_2114, %dma_wait3A_2115] : memref<270000x128xf32, #tpu.memory_space<hbm>> -> memref<270000x128xf32, #tpu.memory_space<hbm>>
        tpu.wait_indirect_dma semaphore(%arg21 : memref<!tpu.dma_semaphore, #tpu.memory_space<semaphore_mem>>) src(%dma_wait3A_2116 : memref<270000x128xf32, #tpu.memory_space<hbm>>) dst(%dma_wait3A_2110 : memref<64x128xf32, #tpu.memory_space<vmem>>)
        %dma_start3A_2117 = arith.constant 1 : i32
        %dma_start3A_2118 = arith.constant 1 : i32
        %dma_start3A_2119 = arith.constant 0 : i32
        %dma_start3A_2120 = arith.constant 0 : i32
        %dma_start3A_2121 = tpu.memref_slice %arg10[%dma_start3A_2117, %dma_start3A_2119, %dma_start3A_2120] : memref<4x64x128xf32, #tpu.memory_space<vmem>> -> memref<1x64x128xf32, #tpu.memory_space<vmem>>
        %dma_start3A_2122 = tpu.memref_squeeze %dma_start3A_2121 : memref<1x64x128xf32, #tpu.memory_space<vmem>> -> memref<64x128xf32, #tpu.memory_space<vmem>>
        %dma_start3A_2123 = arith.constant 0 : i32
        %dma_start3A_2124 = tpu.memref_slice %arg9[%dma_start3A_2118, %dma_start3A_2123] : memref<8x64xi32, #tpu.memory_space<vmem>> -> memref<1x64xi32, #tpu.memory_space<vmem>>
        %dma_start3A_2125 = tpu.memref_squeeze %dma_start3A_2124 : memref<1x64xi32, #tpu.memory_space<vmem>> -> memref<64xi32, #tpu.memory_space<vmem>>
        %dma_start3A_2126 = arith.constant 0 : i32
        %dma_start3A_2127 = arith.constant 0 : i32
        %dma_start3A_2128 = tpu.memref_slice %arg11[%dma_start3A_2126, %dma_start3A_2127] : memref<10240x128xf32, #tpu.memory_space<vmem_shared>> -> memref<10240x128xf32, #tpu.memory_space<vmem_shared>>
        tpu.enqueue_indirect_dma source(%dma_start3A_2122 : memref<64x128xf32, #tpu.memory_space<vmem>>) target(%dma_start3A_2128 : memref<10240x128xf32, #tpu.memory_space<vmem_shared>>) offsets(%dma_start3A_2125 : memref<64xi32, #tpu.memory_space<vmem>>) semaphore(%arg25 : memref<!tpu.dma_semaphore, #tpu.memory_space<semaphore_mem>>) {add = true}
      } else {
      }
      %dma_start3A_1499 = arith.constant 3 : i32
      %dma_start3A_1500 = arith.constant 3 : i32
      %dma_start3A_1501 = arith.constant 0 : i32
      %dma_start3A_1502 = arith.constant 0 : i32
      %dma_start3A_1503 = tpu.memref_slice %arg10[%dma_start3A_1500, %dma_start3A_1501, %dma_start3A_1502] : memref<4x64x128xf32, #tpu.memory_space<vmem>> -> memref<1x64x128xf32, #tpu.memory_space<vmem>>
      %dma_start3A_1504 = tpu.memref_squeeze %dma_start3A_1503 : memref<1x64x128xf32, #tpu.memory_space<vmem>> -> memref<64x128xf32, #tpu.memory_space<vmem>>
      %dma_start3A_1505 = arith.constant 0 : i32
      %dma_start3A_1506 = tpu.memref_slice %arg7[%dma_start3A_1499, %dma_start3A_1505] : memref<8x64xi32, #tpu.memory_space<vmem>> -> memref<1x64xi32, #tpu.memory_space<vmem>>
      %dma_start3A_1507 = tpu.memref_squeeze %dma_start3A_1506 : memref<1x64xi32, #tpu.memory_space<vmem>> -> memref<64xi32, #tpu.memory_space<vmem>>
      %dma_start3A_1508 = arith.constant 0 : i32
      %dma_start3A_1509 = arith.constant 0 : i32
      %dma_start3A_1510 = tpu.memref_slice %arg4[%dma_start3A_1508, %dma_start3A_1509] : memref<270000x128xf32, #tpu.memory_space<hbm>> -> memref<270000x128xf32, #tpu.memory_space<hbm>>
      tpu.enqueue_indirect_dma source(%dma_start3A_1510 : memref<270000x128xf32, #tpu.memory_space<hbm>>) target(%dma_start3A_1504 : memref<64x128xf32, #tpu.memory_space<vmem>>) offsets(%dma_start3A_1507 : memref<64xi32, #tpu.memory_space<vmem>>) semaphore(%arg23 : memref<!tpu.dma_semaphore, #tpu.memory_space<semaphore_mem>>)
      %mul3A_1511 = arith.constant 2 : i32
      %mul3A_1512 = arith.muli %scan3A_919, %mul3A_1511 : i32
      %mul3A_1513 = arith.constant 4 : i32
      %mul3A_1514 = arith.muli %mul3A_1512, %mul3A_1513 : i32
      %add3A_1515 = arith.constant 4 : i32
      %add3A_1516 = arith.addi %mul3A_1514, %add3A_1515 : i32
      %add3A_1517 = arith.constant 0 : i32
      %add3A_1518 = arith.addi %add3A_1516, %add3A_1517 : i32
      %ge3A_1519 = arith.constant 4 : i32
      %ge3A_1520 = arith.cmpi sge, %add3A_1518, %ge3A_1519 : i32
      %convert_element_type3A_1521 = arith.extui %ge3A_1520 : i1 to i32
      %cond3A_1522 = arith.constant 0 : i32
      %cond3A_1523 = arith.cmpi ne, %convert_element_type3A_1521, %cond3A_1522 : i32
      scf.if %cond3A_1523 {
        %dma_wait3A_2105 = arith.constant 0 : i32
        %dma_wait3A_2106 = arith.constant 0 : i32
        %dma_wait3A_2107 = arith.constant 0 : i32
        %dma_wait3A_2108 = arith.constant 0 : i32
        %dma_wait3A_2109 = tpu.memref_slice %arg10[%dma_wait3A_2105, %dma_wait3A_2107, %dma_wait3A_2108] : memref<4x64x128xf32, #tpu.memory_space<vmem>> -> memref<1x64x128xf32, #tpu.memory_space<vmem>>
        %dma_wait3A_2110 = tpu.memref_squeeze %dma_wait3A_2109 : memref<1x64x128xf32, #tpu.memory_space<vmem>> -> memref<64x128xf32, #tpu.memory_space<vmem>>
        %dma_wait3A_2111 = arith.constant 0 : i32
        %dma_wait3A_2112 = tpu.memref_slice %arg9[%dma_wait3A_2106, %dma_wait3A_2111] : memref<8x64xi32, #tpu.memory_space<vmem>> -> memref<1x64xi32, #tpu.memory_space<vmem>>
        %dma_wait3A_2113 = tpu.memref_squeeze %dma_wait3A_2112 : memref<1x64xi32, #tpu.memory_space<vmem>> -> memref<64xi32, #tpu.memory_space<vmem>>
        %dma_wait3A_2114 = arith.constant 0 : i32
        %dma_wait3A_2115 = arith.constant 0 : i32
        %dma_wait3A_2116 = tpu.memref_slice %arg11[%dma_wait3A_2114, %dma_wait3A_2115] : memref<10240x128xf32, #tpu.memory_space<vmem_shared>> -> memref<10240x128xf32, #tpu.memory_space<vmem_shared>>
        tpu.wait_indirect_dma semaphore(%arg24 : memref<!tpu.dma_semaphore, #tpu.memory_space<semaphore_mem>>) src(%dma_wait3A_2110 : memref<64x128xf32, #tpu.memory_space<vmem>>) dst(%dma_wait3A_2116 : memref<10240x128xf32, #tpu.memory_space<vmem_shared>>)
      } else {
      }
      %add3A_1524 = arith.constant 4 : i32
      %add3A_1525 = arith.addi %add3A_1518, %add3A_1524 : i32
      %lt3A_1526 = arith.constant 156 : i32
      %lt3A_1527 = arith.cmpi slt, %add3A_1525, %lt3A_1526 : i32
      %convert_element_type3A_1528 = arith.extui %lt3A_1527 : i1 to i32
      %cond3A_1529 = arith.constant 0 : i32
      %cond3A_1530 = arith.cmpi ne, %convert_element_type3A_1528, %cond3A_1529 : i32
      scf.if %cond3A_1530 {
        %add3A_2105 = arith.constant 4 : i32
        %add3A_2106 = arith.addi %add3A_1518, %add3A_2105 : i32
        %add3A_2107 = arith.addi %add3A_4, %add3A_2106 : i32
        %mul3A_2108 = arith.constant 64 : i32
        %mul3A_2109 = arith.muli %add3A_2107, %mul3A_2108 : i32
        %dma_start3A_2110 = arith.constant 0 : i32
        %dma_start3A_2111 = arith.constant 0 : i32
        %dma_start3A_2112 = arith.constant 0 : i32
        %dma_start3A_2113 = tpu.memref_slice %arg7[%dma_start3A_2111, %dma_start3A_2112] : memref<8x64xi32, #tpu.memory_space<vmem>> -> memref<1x64xi32, #tpu.memory_space<vmem>>
        %dma_start3A_2114 = tpu.memref_squeeze %dma_start3A_2113 : memref<1x64xi32, #tpu.memory_space<vmem>> -> memref<64xi32, #tpu.memory_space<vmem>>
        %dma_start3A_2115 = tpu.memref_slice %arg2[%dma_start3A_2110, %mul3A_2109] : memref<2x320000xi32, #tpu.memory_space<hbm>> -> memref<1x64xi32, #tpu.memory_space<hbm>>
        %dma_start3A_2116 = tpu.memref_squeeze %dma_start3A_2115 : memref<1x64xi32, #tpu.memory_space<hbm>> -> memref<64xi32, #tpu.memory_space<hbm>>
        %dma_start3A_2117 = arith.constant 0 : i32
        %dma_start3A_2118 = tpu.memref_slice %arg7[%dma_start3A_2111, %dma_start3A_2117] : memref<8x64xi32, #tpu.memory_space<vmem>> -> memref<1x64xi32, #tpu.memory_space<vmem>>
        %dma_start3A_2119 = tpu.memref_squeeze %dma_start3A_2118 : memref<1x64xi32, #tpu.memory_space<vmem>> -> memref<64xi32, #tpu.memory_space<vmem>>
        %dma_start3A_2120 = tpu.memref_slice %arg2[%dma_start3A_2110, %mul3A_2109] : memref<2x320000xi32, #tpu.memory_space<hbm>> -> memref<1x64xi32, #tpu.memory_space<hbm>>
        %dma_start3A_2121 = tpu.memref_squeeze %dma_start3A_2120 : memref<1x64xi32, #tpu.memory_space<hbm>> -> memref<64xi32, #tpu.memory_space<hbm>>
        tpu.enqueue_dma source(%dma_start3A_2121 : memref<64xi32, #tpu.memory_space<hbm>>) target(%dma_start3A_2119 : memref<64xi32, #tpu.memory_space<vmem>>) target_semaphore(%arg12 : memref<!tpu.dma_semaphore, #tpu.memory_space<semaphore_mem>>)
        %dma_start3A_2122 = arith.constant 0 : i32
        %dma_start3A_2123 = arith.constant 0 : i32
        %dma_start3A_2124 = tpu.memref_slice %arg8[%dma_start3A_2122, %dma_start3A_2123] : memref<8x64xi32, #tpu.memory_space<vmem>> -> memref<1x64xi32, #tpu.memory_space<vmem>>
        %dma_start3A_2125 = tpu.memref_squeeze %dma_start3A_2124 : memref<1x64xi32, #tpu.memory_space<vmem>> -> memref<64xi32, #tpu.memory_space<vmem>>
        %dma_start3A_2126 = tpu.memref_slice %arg3[%mul3A_2109] : memref<320000xi32, #tpu.memory_space<hbm>> -> memref<64xi32, #tpu.memory_space<hbm>>
        %dma_start3A_2127 = arith.constant 0 : i32
        %dma_start3A_2128 = tpu.memref_slice %arg8[%dma_start3A_2122, %dma_start3A_2127] : memref<8x64xi32, #tpu.memory_space<vmem>> -> memref<1x64xi32, #tpu.memory_space<vmem>>
        %dma_start3A_2129 = tpu.memref_squeeze %dma_start3A_2128 : memref<1x64xi32, #tpu.memory_space<vmem>> -> memref<64xi32, #tpu.memory_space<vmem>>
        %dma_start3A_2130 = tpu.memref_slice %arg3[%mul3A_2109] : memref<320000xi32, #tpu.memory_space<hbm>> -> memref<64xi32, #tpu.memory_space<hbm>>
        tpu.enqueue_dma source(%dma_start3A_2130 : memref<64xi32, #tpu.memory_space<hbm>>) target(%dma_start3A_2129 : memref<64xi32, #tpu.memory_space<vmem>>) target_semaphore(%arg12 : memref<!tpu.dma_semaphore, #tpu.memory_space<semaphore_mem>>)
        %dma_start3A_2131 = arith.constant 1 : i32
        %dma_start3A_2132 = arith.constant 0 : i32
        %dma_start3A_2133 = arith.constant 0 : i32
        %dma_start3A_2134 = tpu.memref_slice %arg9[%dma_start3A_2132, %dma_start3A_2133] : memref<8x64xi32, #tpu.memory_space<vmem>> -> memref<1x64xi32, #tpu.memory_space<vmem>>
        %dma_start3A_2135 = tpu.memref_squeeze %dma_start3A_2134 : memref<1x64xi32, #tpu.memory_space<vmem>> -> memref<64xi32, #tpu.memory_space<vmem>>
        %dma_start3A_2136 = tpu.memref_slice %arg2[%dma_start3A_2131, %mul3A_2109] : memref<2x320000xi32, #tpu.memory_space<hbm>> -> memref<1x64xi32, #tpu.memory_space<hbm>>
        %dma_start3A_2137 = tpu.memref_squeeze %dma_start3A_2136 : memref<1x64xi32, #tpu.memory_space<hbm>> -> memref<64xi32, #tpu.memory_space<hbm>>
        %dma_start3A_2138 = arith.constant 0 : i32
        %dma_start3A_2139 = tpu.memref_slice %arg9[%dma_start3A_2132, %dma_start3A_2138] : memref<8x64xi32, #tpu.memory_space<vmem>> -> memref<1x64xi32, #tpu.memory_space<vmem>>
        %dma_start3A_2140 = tpu.memref_squeeze %dma_start3A_2139 : memref<1x64xi32, #tpu.memory_space<vmem>> -> memref<64xi32, #tpu.memory_space<vmem>>
        %dma_start3A_2141 = tpu.memref_slice %arg2[%dma_start3A_2131, %mul3A_2109] : memref<2x320000xi32, #tpu.memory_space<hbm>> -> memref<1x64xi32, #tpu.memory_space<hbm>>
        %dma_start3A_2142 = tpu.memref_squeeze %dma_start3A_2141 : memref<1x64xi32, #tpu.memory_space<hbm>> -> memref<64xi32, #tpu.memory_space<hbm>>
        tpu.enqueue_dma source(%dma_start3A_2142 : memref<64xi32, #tpu.memory_space<hbm>>) target(%dma_start3A_2140 : memref<64xi32, #tpu.memory_space<vmem>>) target_semaphore(%arg12 : memref<!tpu.dma_semaphore, #tpu.memory_space<semaphore_mem>>)
      } else {
      }
      %add3A_1531 = arith.addi %add3A_4, %add3A_1518 : i32
      %mul3A_1532 = arith.constant 64 : i32
      %mul3A_1533 = arith.muli %add3A_1531, %mul3A_1532 : i32
      %dma_wait3A_1534 = arith.constant 0 : i32
      %dma_wait3A_1535 = arith.constant 4 : i32
      %dma_wait3A_1536 = arith.constant 0 : i32
      %dma_wait3A_1537 = tpu.memref_slice %arg7[%dma_wait3A_1535, %dma_wait3A_1536] : memref<8x64xi32, #tpu.memory_space<vmem>> -> memref<1x64xi32, #tpu.memory_space<vmem>>
      %dma_wait3A_1538 = tpu.memref_squeeze %dma_wait3A_1537 : memref<1x64xi32, #tpu.memory_space<vmem>> -> memref<64xi32, #tpu.memory_space<vmem>>
      %dma_wait3A_1539 = tpu.memref_slice %arg2[%dma_wait3A_1534, %mul3A_1533] : memref<2x320000xi32, #tpu.memory_space<hbm>> -> memref<1x64xi32, #tpu.memory_space<hbm>>
      %dma_wait3A_1540 = tpu.memref_squeeze %dma_wait3A_1539 : memref<1x64xi32, #tpu.memory_space<hbm>> -> memref<64xi32, #tpu.memory_space<hbm>>
      %dma_wait3A_1541 = arith.constant 0 : i32
      %dma_wait3A_1542 = tpu.memref_slice %arg7[%dma_wait3A_1535, %dma_wait3A_1541] : memref<8x64xi32, #tpu.memory_space<vmem>> -> memref<1x64xi32, #tpu.memory_space<vmem>>
      %dma_wait3A_1543 = tpu.memref_squeeze %dma_wait3A_1542 : memref<1x64xi32, #tpu.memory_space<vmem>> -> memref<64xi32, #tpu.memory_space<vmem>>
      %dma_wait3A_1544 = tpu.memref_slice %arg2[%dma_wait3A_1534, %mul3A_1533] : memref<2x320000xi32, #tpu.memory_space<hbm>> -> memref<1x64xi32, #tpu.memory_space<hbm>>
      %dma_wait3A_1545 = tpu.memref_squeeze %dma_wait3A_1544 : memref<1x64xi32, #tpu.memory_space<hbm>> -> memref<64xi32, #tpu.memory_space<hbm>>
      tpu.wait_dma2 semaphore(%arg16 : memref<!tpu.dma_semaphore, #tpu.memory_space<semaphore_mem>>) src(%dma_wait3A_1545 : memref<64xi32, #tpu.memory_space<hbm>>) dst(%dma_wait3A_1543 : memref<64xi32, #tpu.memory_space<vmem>>)
      %dma_wait3A_1546 = arith.constant 4 : i32
      %dma_wait3A_1547 = arith.constant 0 : i32
      %dma_wait3A_1548 = tpu.memref_slice %arg8[%dma_wait3A_1546, %dma_wait3A_1547] : memref<8x64xi32, #tpu.memory_space<vmem>> -> memref<1x64xi32, #tpu.memory_space<vmem>>
      %dma_wait3A_1549 = tpu.memref_squeeze %dma_wait3A_1548 : memref<1x64xi32, #tpu.memory_space<vmem>> -> memref<64xi32, #tpu.memory_space<vmem>>
      %dma_wait3A_1550 = tpu.memref_slice %arg3[%mul3A_1533] : memref<320000xi32, #tpu.memory_space<hbm>> -> memref<64xi32, #tpu.memory_space<hbm>>
      %dma_wait3A_1551 = arith.constant 0 : i32
      %dma_wait3A_1552 = tpu.memref_slice %arg8[%dma_wait3A_1546, %dma_wait3A_1551] : memref<8x64xi32, #tpu.memory_space<vmem>> -> memref<1x64xi32, #tpu.memory_space<vmem>>
      %dma_wait3A_1553 = tpu.memref_squeeze %dma_wait3A_1552 : memref<1x64xi32, #tpu.memory_space<vmem>> -> memref<64xi32, #tpu.memory_space<vmem>>
      %dma_wait3A_1554 = tpu.memref_slice %arg3[%mul3A_1533] : memref<320000xi32, #tpu.memory_space<hbm>> -> memref<64xi32, #tpu.memory_space<hbm>>
      tpu.wait_dma2 semaphore(%arg16 : memref<!tpu.dma_semaphore, #tpu.memory_space<semaphore_mem>>) src(%dma_wait3A_1554 : memref<64xi32, #tpu.memory_space<hbm>>) dst(%dma_wait3A_1553 : memref<64xi32, #tpu.memory_space<vmem>>)
      %dma_wait3A_1555 = arith.constant 1 : i32
      %dma_wait3A_1556 = arith.constant 4 : i32
      %dma_wait3A_1557 = arith.constant 0 : i32
      %dma_wait3A_1558 = tpu.memref_slice %arg9[%dma_wait3A_1556, %dma_wait3A_1557] : memref<8x64xi32, #tpu.memory_space<vmem>> -> memref<1x64xi32, #tpu.memory_space<vmem>>
      %dma_wait3A_1559 = tpu.memref_squeeze %dma_wait3A_1558 : memref<1x64xi32, #tpu.memory_space<vmem>> -> memref<64xi32, #tpu.memory_space<vmem>>
      %dma_wait3A_1560 = tpu.memref_slice %arg2[%dma_wait3A_1555, %mul3A_1533] : memref<2x320000xi32, #tpu.memory_space<hbm>> -> memref<1x64xi32, #tpu.memory_space<hbm>>
      %dma_wait3A_1561 = tpu.memref_squeeze %dma_wait3A_1560 : memref<1x64xi32, #tpu.memory_space<hbm>> -> memref<64xi32, #tpu.memory_space<hbm>>
      %dma_wait3A_1562 = arith.constant 0 : i32
      %dma_wait3A_1563 = tpu.memref_slice %arg9[%dma_wait3A_1556, %dma_wait3A_1562] : memref<8x64xi32, #tpu.memory_space<vmem>> -> memref<1x64xi32, #tpu.memory_space<vmem>>
      %dma_wait3A_1564 = tpu.memref_squeeze %dma_wait3A_1563 : memref<1x64xi32, #tpu.memory_space<vmem>> -> memref<64xi32, #tpu.memory_space<vmem>>
      %dma_wait3A_1565 = tpu.memref_slice %arg2[%dma_wait3A_1555, %mul3A_1533] : memref<2x320000xi32, #tpu.memory_space<hbm>> -> memref<1x64xi32, #tpu.memory_space<hbm>>
      %dma_wait3A_1566 = tpu.memref_squeeze %dma_wait3A_1565 : memref<1x64xi32, #tpu.memory_space<hbm>> -> memref<64xi32, #tpu.memory_space<hbm>>
      tpu.wait_dma2 semaphore(%arg16 : memref<!tpu.dma_semaphore, #tpu.memory_space<semaphore_mem>>) src(%dma_wait3A_1566 : memref<64xi32, #tpu.memory_space<hbm>>) dst(%dma_wait3A_1564 : memref<64xi32, #tpu.memory_space<vmem>>)
      %get3A_1567 = arith.constant 4 : i32
      %get3A_1568 = arith.index_cast %get3A_1567 : i32 to index
      %get3A_1569 = arith.constant 0 : index
      %get3A_1570 = tpu.vector_load %arg8[%get3A_1568, %get3A_1569] {strides = array<i32>} : memref<8x64xi32, #tpu.memory_space<vmem>>, vector<1x16xi32>,
      %get3A_1571 = vector.shape_cast %get3A_1570 : vector<1x16xi32> to vector<16xi32>
      %mul3A_1572 = arith.constant 10000 : i32
      %mul3A_1573 = vector.broadcast %mul3A_1572 : i32 to vector<16xi32>
      %mul3A_1574 = arith.muli %get3A_1571, %mul3A_1573 : vector<16xi32>
      %get3A_1575 = arith.constant 4 : i32
      %get3A_1576 = arith.index_cast %get3A_1575 : i32 to index
      %get3A_1577 = arith.constant 0 : index
      %get3A_1578 = tpu.vector_load %arg7[%get3A_1576, %get3A_1577] {strides = array<i32>} : memref<8x64xi32, #tpu.memory_space<vmem>>, vector<1x16xi32>,
      %get3A_1579 = vector.shape_cast %get3A_1578 : vector<1x16xi32> to vector<16xi32>
      %add3A_1580 = arith.addi %mul3A_1574, %get3A_1579 : vector<16xi32>
      %swap3A_1581 = arith.constant 4 : i32
      %swap3A_1582 = arith.index_cast %swap3A_1581 : i32 to index
      %swap3A_1583 = arith.constant 0 : index
      %swap3A_1584 = tpu.vector_load %arg7[%swap3A_1582, %swap3A_1583] {strides = array<i32>} : memref<8x64xi32, #tpu.memory_space<vmem>>, vector<1x16xi32>,
      %swap3A_1585 = vector.shape_cast %swap3A_1584 : vector<1x16xi32> to vector<16xi32>
      %swap3A_1586 = vector.shape_cast %add3A_1580 : vector<16xi32> to vector<1x16xi32>
      tpu.vector_store %arg7[%swap3A_1582, %swap3A_1583], %swap3A_1586 {strides = array<i32>} : memref<8x64xi32, #tpu.memory_space<vmem>>, vector<1x16xi32>,
      %get3A_1587 = arith.constant 4 : i32
      %get3A_1588 = arith.index_cast %get3A_1587 : i32 to index
      %get3A_1589 = arith.constant 16 : index
      %get3A_1590 = tpu.vector_load %arg8[%get3A_1588, %get3A_1589] {strides = array<i32>} : memref<8x64xi32, #tpu.memory_space<vmem>>, vector<1x16xi32>,
      %get3A_1591 = vector.shape_cast %get3A_1590 : vector<1x16xi32> to vector<16xi32>
      %mul3A_1592 = arith.constant 10000 : i32
      %mul3A_1593 = vector.broadcast %mul3A_1592 : i32 to vector<16xi32>
      %mul3A_1594 = arith.muli %get3A_1591, %mul3A_1593 : vector<16xi32>
      %get3A_1595 = arith.constant 4 : i32
      %get3A_1596 = arith.index_cast %get3A_1595 : i32 to index
      %get3A_1597 = arith.constant 16 : index
      %get3A_1598 = tpu.vector_load %arg7[%get3A_1596, %get3A_1597] {strides = array<i32>} : memref<8x64xi32, #tpu.memory_space<vmem>>, vector<1x16xi32>,
      %get3A_1599 = vector.shape_cast %get3A_1598 : vector<1x16xi32> to vector<16xi32>
      %add3A_1600 = arith.addi %mul3A_1594, %get3A_1599 : vector<16xi32>
      %swap3A_1601 = arith.constant 4 : i32
      %swap3A_1602 = arith.index_cast %swap3A_1601 : i32 to index
      %swap3A_1603 = arith.constant 16 : index
      %swap3A_1604 = tpu.vector_load %arg7[%swap3A_1602, %swap3A_1603] {strides = array<i32>} : memref<8x64xi32, #tpu.memory_space<vmem>>, vector<1x16xi32>,
      %swap3A_1605 = vector.shape_cast %swap3A_1604 : vector<1x16xi32> to vector<16xi32>
      %swap3A_1606 = vector.shape_cast %add3A_1600 : vector<16xi32> to vector<1x16xi32>
      tpu.vector_store %arg7[%swap3A_1602, %swap3A_1603], %swap3A_1606 {strides = array<i32>} : memref<8x64xi32, #tpu.memory_space<vmem>>, vector<1x16xi32>,
      %get3A_1607 = arith.constant 4 : i32
      %get3A_1608 = arith.index_cast %get3A_1607 : i32 to index
      %get3A_1609 = arith.constant 32 : index
      %get3A_1610 = tpu.vector_load %arg8[%get3A_1608, %get3A_1609] {strides = array<i32>} : memref<8x64xi32, #tpu.memory_space<vmem>>, vector<1x16xi32>,
      %get3A_1611 = vector.shape_cast %get3A_1610 : vector<1x16xi32> to vector<16xi32>
      %mul3A_1612 = arith.constant 10000 : i32
      %mul3A_1613 = vector.broadcast %mul3A_1612 : i32 to vector<16xi32>
      %mul3A_1614 = arith.muli %get3A_1611, %mul3A_1613 : vector<16xi32>
      %get3A_1615 = arith.constant 4 : i32
      %get3A_1616 = arith.index_cast %get3A_1615 : i32 to index
      %get3A_1617 = arith.constant 32 : index
      %get3A_1618 = tpu.vector_load %arg7[%get3A_1616, %get3A_1617] {strides = array<i32>} : memref<8x64xi32, #tpu.memory_space<vmem>>, vector<1x16xi32>,
      %get3A_1619 = vector.shape_cast %get3A_1618 : vector<1x16xi32> to vector<16xi32>
      %add3A_1620 = arith.addi %mul3A_1614, %get3A_1619 : vector<16xi32>
      %swap3A_1621 = arith.constant 4 : i32
      %swap3A_1622 = arith.index_cast %swap3A_1621 : i32 to index
      %swap3A_1623 = arith.constant 32 : index
      %swap3A_1624 = tpu.vector_load %arg7[%swap3A_1622, %swap3A_1623] {strides = array<i32>} : memref<8x64xi32, #tpu.memory_space<vmem>>, vector<1x16xi32>,
      %swap3A_1625 = vector.shape_cast %swap3A_1624 : vector<1x16xi32> to vector<16xi32>
      %swap3A_1626 = vector.shape_cast %add3A_1620 : vector<16xi32> to vector<1x16xi32>
      tpu.vector_store %arg7[%swap3A_1622, %swap3A_1623], %swap3A_1626 {strides = array<i32>} : memref<8x64xi32, #tpu.memory_space<vmem>>, vector<1x16xi32>,
      %get3A_1627 = arith.constant 4 : i32
      %get3A_1628 = arith.index_cast %get3A_1627 : i32 to index
      %get3A_1629 = arith.constant 48 : index
      %get3A_1630 = tpu.vector_load %arg8[%get3A_1628, %get3A_1629] {strides = array<i32>} : memref<8x64xi32, #tpu.memory_space<vmem>>, vector<1x16xi32>,
      %get3A_1631 = vector.shape_cast %get3A_1630 : vector<1x16xi32> to vector<16xi32>
      %mul3A_1632 = arith.constant 10000 : i32
      %mul3A_1633 = vector.broadcast %mul3A_1632 : i32 to vector<16xi32>
      %mul3A_1634 = arith.muli %get3A_1631, %mul3A_1633 : vector<16xi32>
      %get3A_1635 = arith.constant 4 : i32
      %get3A_1636 = arith.index_cast %get3A_1635 : i32 to index
      %get3A_1637 = arith.constant 48 : index
      %get3A_1638 = tpu.vector_load %arg7[%get3A_1636, %get3A_1637] {strides = array<i32>} : memref<8x64xi32, #tpu.memory_space<vmem>>, vector<1x16xi32>,
      %get3A_1639 = vector.shape_cast %get3A_1638 : vector<1x16xi32> to vector<16xi32>
      %add3A_1640 = arith.addi %mul3A_1634, %get3A_1639 : vector<16xi32>
      %swap3A_1641 = arith.constant 4 : i32
      %swap3A_1642 = arith.index_cast %swap3A_1641 : i32 to index
      %swap3A_1643 = arith.constant 48 : index
      %swap3A_1644 = tpu.vector_load %arg7[%swap3A_1642, %swap3A_1643] {strides = array<i32>} : memref<8x64xi32, #tpu.memory_space<vmem>>, vector<1x16xi32>,
      %swap3A_1645 = vector.shape_cast %swap3A_1644 : vector<1x16xi32> to vector<16xi32>
      %swap3A_1646 = vector.shape_cast %add3A_1640 : vector<16xi32> to vector<1x16xi32>
      tpu.vector_store %arg7[%swap3A_1642, %swap3A_1643], %swap3A_1646 {strides = array<i32>} : memref<8x64xi32, #tpu.memory_space<vmem>>, vector<1x16xi32>,
      %ge3A_1647 = arith.constant 2 : i32
      %ge3A_1648 = arith.cmpi sge, %add3A_1518, %ge3A_1647 : i32
      %convert_element_type3A_1649 = arith.extui %ge3A_1648 : i1 to i32
      %cond3A_1650 = arith.constant 0 : i32
      %cond3A_1651 = arith.cmpi ne, %convert_element_type3A_1649, %cond3A_1650 : i32
      scf.if %cond3A_1651 {
        %dma_wait3A_2105 = arith.constant 2 : i32
        %dma_wait3A_2106 = arith.constant 2 : i32
        %dma_wait3A_2107 = arith.constant 0 : i32
        %dma_wait3A_2108 = arith.constant 0 : i32
        %dma_wait3A_2109 = tpu.memref_slice %arg10[%dma_wait3A_2106, %dma_wait3A_2107, %dma_wait3A_2108] : memref<4x64x128xf32, #tpu.memory_space<vmem>> -> memref<1x64x128xf32, #tpu.memory_space<vmem>>
        %dma_wait3A_2110 = tpu.memref_squeeze %dma_wait3A_2109 : memref<1x64x128xf32, #tpu.memory_space<vmem>> -> memref<64x128xf32, #tpu.memory_space<vmem>>
        %dma_wait3A_2111 = arith.constant 0 : i32
        %dma_wait3A_2112 = tpu.memref_slice %arg7[%dma_wait3A_2105, %dma_wait3A_2111] : memref<8x64xi32, #tpu.memory_space<vmem>> -> memref<1x64xi32, #tpu.memory_space<vmem>>
        %dma_wait3A_2113 = tpu.memref_squeeze %dma_wait3A_2112 : memref<1x64xi32, #tpu.memory_space<vmem>> -> memref<64xi32, #tpu.memory_space<vmem>>
        %dma_wait3A_2114 = arith.constant 0 : i32
        %dma_wait3A_2115 = arith.constant 0 : i32
        %dma_wait3A_2116 = tpu.memref_slice %arg4[%dma_wait3A_2114, %dma_wait3A_2115] : memref<270000x128xf32, #tpu.memory_space<hbm>> -> memref<270000x128xf32, #tpu.memory_space<hbm>>
        tpu.wait_indirect_dma semaphore(%arg22 : memref<!tpu.dma_semaphore, #tpu.memory_space<semaphore_mem>>) src(%dma_wait3A_2116 : memref<270000x128xf32, #tpu.memory_space<hbm>>) dst(%dma_wait3A_2110 : memref<64x128xf32, #tpu.memory_space<vmem>>)
        %dma_start3A_2117 = arith.constant 2 : i32
        %dma_start3A_2118 = arith.constant 2 : i32
        %dma_start3A_2119 = arith.constant 0 : i32
        %dma_start3A_2120 = arith.constant 0 : i32
        %dma_start3A_2121 = tpu.memref_slice %arg10[%dma_start3A_2117, %dma_start3A_2119, %dma_start3A_2120] : memref<4x64x128xf32, #tpu.memory_space<vmem>> -> memref<1x64x128xf32, #tpu.memory_space<vmem>>
        %dma_start3A_2122 = tpu.memref_squeeze %dma_start3A_2121 : memref<1x64x128xf32, #tpu.memory_space<vmem>> -> memref<64x128xf32, #tpu.memory_space<vmem>>
        %dma_start3A_2123 = arith.constant 0 : i32
        %dma_start3A_2124 = tpu.memref_slice %arg9[%dma_start3A_2118, %dma_start3A_2123] : memref<8x64xi32, #tpu.memory_space<vmem>> -> memref<1x64xi32, #tpu.memory_space<vmem>>
        %dma_start3A_2125 = tpu.memref_squeeze %dma_start3A_2124 : memref<1x64xi32, #tpu.memory_space<vmem>> -> memref<64xi32, #tpu.memory_space<vmem>>
        %dma_start3A_2126 = arith.constant 0 : i32
        %dma_start3A_2127 = arith.constant 0 : i32
        %dma_start3A_2128 = tpu.memref_slice %arg11[%dma_start3A_2126, %dma_start3A_2127] : memref<10240x128xf32, #tpu.memory_space<vmem_shared>> -> memref<10240x128xf32, #tpu.memory_space<vmem_shared>>
        tpu.enqueue_indirect_dma source(%dma_start3A_2122 : memref<64x128xf32, #tpu.memory_space<vmem>>) target(%dma_start3A_2128 : memref<10240x128xf32, #tpu.memory_space<vmem_shared>>) offsets(%dma_start3A_2125 : memref<64xi32, #tpu.memory_space<vmem>>) semaphore(%arg26 : memref<!tpu.dma_semaphore, #tpu.memory_space<semaphore_mem>>) {add = true}
      } else {
      }
      %dma_start3A_1652 = arith.constant 4 : i32
      %dma_start3A_1653 = arith.constant 0 : i32
      %dma_start3A_1654 = arith.constant 0 : i32
      %dma_start3A_1655 = arith.constant 0 : i32
      %dma_start3A_1656 = tpu.memref_slice %arg10[%dma_start3A_1653, %dma_start3A_1654, %dma_start3A_1655] : memref<4x64x128xf32, #tpu.memory_space<vmem>> -> memref<1x64x128xf32, #tpu.memory_space<vmem>>
      %dma_start3A_1657 = tpu.memref_squeeze %dma_start3A_1656 : memref<1x64x128xf32, #tpu.memory_space<vmem>> -> memref<64x128xf32, #tpu.memory_space<vmem>>
      %dma_start3A_1658 = arith.constant 0 : i32
      %dma_start3A_1659 = tpu.memref_slice %arg7[%dma_start3A_1652, %dma_start3A_1658] : memref<8x64xi32, #tpu.memory_space<vmem>> -> memref<1x64xi32, #tpu.memory_space<vmem>>
      %dma_start3A_1660 = tpu.memref_squeeze %dma_start3A_1659 : memref<1x64xi32, #tpu.memory_space<vmem>> -> memref<64xi32, #tpu.memory_space<vmem>>
      %dma_start3A_1661 = arith.constant 0 : i32
      %dma_start3A_1662 = arith.constant 0 : i32
      %dma_start3A_1663 = tpu.memref_slice %arg4[%dma_start3A_1661, %dma_start3A_1662] : memref<270000x128xf32, #tpu.memory_space<hbm>> -> memref<270000x128xf32, #tpu.memory_space<hbm>>
      tpu.enqueue_indirect_dma source(%dma_start3A_1663 : memref<270000x128xf32, #tpu.memory_space<hbm>>) target(%dma_start3A_1657 : memref<64x128xf32, #tpu.memory_space<vmem>>) offsets(%dma_start3A_1660 : memref<64xi32, #tpu.memory_space<vmem>>) semaphore(%arg20 : memref<!tpu.dma_semaphore, #tpu.memory_space<semaphore_mem>>)
      %add3A_1664 = arith.constant 1 : i32
      %add3A_1665 = arith.addi %add3A_1516, %add3A_1664 : i32
      %ge3A_1666 = arith.constant 4 : i32
      %ge3A_1667 = arith.cmpi sge, %add3A_1665, %ge3A_1666 : i32
      %convert_element_type3A_1668 = arith.extui %ge3A_1667 : i1 to i32
      %cond3A_1669 = arith.constant 0 : i32
      %cond3A_1670 = arith.cmpi ne, %convert_element_type3A_1668, %cond3A_1669 : i32
      scf.if %cond3A_1670 {
        %dma_wait3A_2105 = arith.constant 1 : i32
        %dma_wait3A_2106 = arith.constant 1 : i32
        %dma_wait3A_2107 = arith.constant 0 : i32
        %dma_wait3A_2108 = arith.constant 0 : i32
        %dma_wait3A_2109 = tpu.memref_slice %arg10[%dma_wait3A_2105, %dma_wait3A_2107, %dma_wait3A_2108] : memref<4x64x128xf32, #tpu.memory_space<vmem>> -> memref<1x64x128xf32, #tpu.memory_space<vmem>>
        %dma_wait3A_2110 = tpu.memref_squeeze %dma_wait3A_2109 : memref<1x64x128xf32, #tpu.memory_space<vmem>> -> memref<64x128xf32, #tpu.memory_space<vmem>>
        %dma_wait3A_2111 = arith.constant 0 : i32
        %dma_wait3A_2112 = tpu.memref_slice %arg9[%dma_wait3A_2106, %dma_wait3A_2111] : memref<8x64xi32, #tpu.memory_space<vmem>> -> memref<1x64xi32, #tpu.memory_space<vmem>>
        %dma_wait3A_2113 = tpu.memref_squeeze %dma_wait3A_2112 : memref<1x64xi32, #tpu.memory_space<vmem>> -> memref<64xi32, #tpu.memory_space<vmem>>
        %dma_wait3A_2114 = arith.constant 0 : i32
        %dma_wait3A_2115 = arith.constant 0 : i32
        %dma_wait3A_2116 = tpu.memref_slice %arg11[%dma_wait3A_2114, %dma_wait3A_2115] : memref<10240x128xf32, #tpu.memory_space<vmem_shared>> -> memref<10240x128xf32, #tpu.memory_space<vmem_shared>>
        tpu.wait_indirect_dma semaphore(%arg25 : memref<!tpu.dma_semaphore, #tpu.memory_space<semaphore_mem>>) src(%dma_wait3A_2110 : memref<64x128xf32, #tpu.memory_space<vmem>>) dst(%dma_wait3A_2116 : memref<10240x128xf32, #tpu.memory_space<vmem_shared>>)
      } else {
      }
      %add3A_1671 = arith.constant 4 : i32
      %add3A_1672 = arith.addi %add3A_1665, %add3A_1671 : i32
      %lt3A_1673 = arith.constant 156 : i32
      %lt3A_1674 = arith.cmpi slt, %add3A_1672, %lt3A_1673 : i32
      %convert_element_type3A_1675 = arith.extui %lt3A_1674 : i1 to i32
      %cond3A_1676 = arith.constant 0 : i32
      %cond3A_1677 = arith.cmpi ne, %convert_element_type3A_1675, %cond3A_1676 : i32
      scf.if %cond3A_1677 {
        %add3A_2105 = arith.constant 4 : i32
        %add3A_2106 = arith.addi %add3A_1665, %add3A_2105 : i32
        %add3A_2107 = arith.addi %add3A_4, %add3A_2106 : i32
        %mul3A_2108 = arith.constant 64 : i32
        %mul3A_2109 = arith.muli %add3A_2107, %mul3A_2108 : i32
        %dma_start3A_2110 = arith.constant 0 : i32
        %dma_start3A_2111 = arith.constant 1 : i32
        %dma_start3A_2112 = arith.constant 0 : i32
        %dma_start3A_2113 = tpu.memref_slice %arg7[%dma_start3A_2111, %dma_start3A_2112] : memref<8x64xi32, #tpu.memory_space<vmem>> -> memref<1x64xi32, #tpu.memory_space<vmem>>
        %dma_start3A_2114 = tpu.memref_squeeze %dma_start3A_2113 : memref<1x64xi32, #tpu.memory_space<vmem>> -> memref<64xi32, #tpu.memory_space<vmem>>
        %dma_start3A_2115 = tpu.memref_slice %arg2[%dma_start3A_2110, %mul3A_2109] : memref<2x320000xi32, #tpu.memory_space<hbm>> -> memref<1x64xi32, #tpu.memory_space<hbm>>
        %dma_start3A_2116 = tpu.memref_squeeze %dma_start3A_2115 : memref<1x64xi32, #tpu.memory_space<hbm>> -> memref<64xi32, #tpu.memory_space<hbm>>
        %dma_start3A_2117 = arith.constant 0 : i32
        %dma_start3A_2118 = tpu.memref_slice %arg7[%dma_start3A_2111, %dma_start3A_2117] : memref<8x64xi32, #tpu.memory_space<vmem>> -> memref<1x64xi32, #tpu.memory_space<vmem>>
        %dma_start3A_2119 = tpu.memref_squeeze %dma_start3A_2118 : memref<1x64xi32, #tpu.memory_space<vmem>> -> memref<64xi32, #tpu.memory_space<vmem>>
        %dma_start3A_2120 = tpu.memref_slice %arg2[%dma_start3A_2110, %mul3A_2109] : memref<2x320000xi32, #tpu.memory_space<hbm>> -> memref<1x64xi32, #tpu.memory_space<hbm>>
        %dma_start3A_2121 = tpu.memref_squeeze %dma_start3A_2120 : memref<1x64xi32, #tpu.memory_space<hbm>> -> memref<64xi32, #tpu.memory_space<hbm>>
        tpu.enqueue_dma source(%dma_start3A_2121 : memref<64xi32, #tpu.memory_space<hbm>>) target(%dma_start3A_2119 : memref<64xi32, #tpu.memory_space<vmem>>) target_semaphore(%arg13 : memref<!tpu.dma_semaphore, #tpu.memory_space<semaphore_mem>>)
        %dma_start3A_2122 = arith.constant 1 : i32
        %dma_start3A_2123 = arith.constant 0 : i32
        %dma_start3A_2124 = tpu.memref_slice %arg8[%dma_start3A_2122, %dma_start3A_2123] : memref<8x64xi32, #tpu.memory_space<vmem>> -> memref<1x64xi32, #tpu.memory_space<vmem>>
        %dma_start3A_2125 = tpu.memref_squeeze %dma_start3A_2124 : memref<1x64xi32, #tpu.memory_space<vmem>> -> memref<64xi32, #tpu.memory_space<vmem>>
        %dma_start3A_2126 = tpu.memref_slice %arg3[%mul3A_2109] : memref<320000xi32, #tpu.memory_space<hbm>> -> memref<64xi32, #tpu.memory_space<hbm>>
        %dma_start3A_2127 = arith.constant 0 : i32
        %dma_start3A_2128 = tpu.memref_slice %arg8[%dma_start3A_2122, %dma_start3A_2127] : memref<8x64xi32, #tpu.memory_space<vmem>> -> memref<1x64xi32, #tpu.memory_space<vmem>>
        %dma_start3A_2129 = tpu.memref_squeeze %dma_start3A_2128 : memref<1x64xi32, #tpu.memory_space<vmem>> -> memref<64xi32, #tpu.memory_space<vmem>>
        %dma_start3A_2130 = tpu.memref_slice %arg3[%mul3A_2109] : memref<320000xi32, #tpu.memory_space<hbm>> -> memref<64xi32, #tpu.memory_space<hbm>>
        tpu.enqueue_dma source(%dma_start3A_2130 : memref<64xi32, #tpu.memory_space<hbm>>) target(%dma_start3A_2129 : memref<64xi32, #tpu.memory_space<vmem>>) target_semaphore(%arg13 : memref<!tpu.dma_semaphore, #tpu.memory_space<semaphore_mem>>)
        %dma_start3A_2131 = arith.constant 1 : i32
        %dma_start3A_2132 = arith.constant 1 : i32
        %dma_start3A_2133 = arith.constant 0 : i32
        %dma_start3A_2134 = tpu.memref_slice %arg9[%dma_start3A_2132, %dma_start3A_2133] : memref<8x64xi32, #tpu.memory_space<vmem>> -> memref<1x64xi32, #tpu.memory_space<vmem>>
        %dma_start3A_2135 = tpu.memref_squeeze %dma_start3A_2134 : memref<1x64xi32, #tpu.memory_space<vmem>> -> memref<64xi32, #tpu.memory_space<vmem>>
        %dma_start3A_2136 = tpu.memref_slice %arg2[%dma_start3A_2131, %mul3A_2109] : memref<2x320000xi32, #tpu.memory_space<hbm>> -> memref<1x64xi32, #tpu.memory_space<hbm>>
        %dma_start3A_2137 = tpu.memref_squeeze %dma_start3A_2136 : memref<1x64xi32, #tpu.memory_space<hbm>> -> memref<64xi32, #tpu.memory_space<hbm>>
        %dma_start3A_2138 = arith.constant 0 : i32
        %dma_start3A_2139 = tpu.memref_slice %arg9[%dma_start3A_2132, %dma_start3A_2138] : memref<8x64xi32, #tpu.memory_space<vmem>> -> memref<1x64xi32, #tpu.memory_space<vmem>>
        %dma_start3A_2140 = tpu.memref_squeeze %dma_start3A_2139 : memref<1x64xi32, #tpu.memory_space<vmem>> -> memref<64xi32, #tpu.memory_space<vmem>>
        %dma_start3A_2141 = tpu.memref_slice %arg2[%dma_start3A_2131, %mul3A_2109] : memref<2x320000xi32, #tpu.memory_space<hbm>> -> memref<1x64xi32, #tpu.memory_space<hbm>>
        %dma_start3A_2142 = tpu.memref_squeeze %dma_start3A_2141 : memref<1x64xi32, #tpu.memory_space<hbm>> -> memref<64xi32, #tpu.memory_space<hbm>>
        tpu.enqueue_dma source(%dma_start3A_2142 : memref<64xi32, #tpu.memory_space<hbm>>) target(%dma_start3A_2140 : memref<64xi32, #tpu.memory_space<vmem>>) target_semaphore(%arg13 : memref<!tpu.dma_semaphore, #tpu.memory_space<semaphore_mem>>)
      } else {
      }
      %add3A_1678 = arith.addi %add3A_4, %add3A_1665 : i32
      %mul3A_1679 = arith.constant 64 : i32
      %mul3A_1680 = arith.muli %add3A_1678, %mul3A_1679 : i32
      %dma_wait3A_1681 = arith.constant 0 : i32
      %dma_wait3A_1682 = arith.constant 5 : i32
      %dma_wait3A_1683 = arith.constant 0 : i32
      %dma_wait3A_1684 = tpu.memref_slice %arg7[%dma_wait3A_1682, %dma_wait3A_1683] : memref<8x64xi32, #tpu.memory_space<vmem>> -> memref<1x64xi32, #tpu.memory_space<vmem>>
      %dma_wait3A_1685 = tpu.memref_squeeze %dma_wait3A_1684 : memref<1x64xi32, #tpu.memory_space<vmem>> -> memref<64xi32, #tpu.memory_space<vmem>>
      %dma_wait3A_1686 = tpu.memref_slice %arg2[%dma_wait3A_1681, %mul3A_1680] : memref<2x320000xi32, #tpu.memory_space<hbm>> -> memref<1x64xi32, #tpu.memory_space<hbm>>
      %dma_wait3A_1687 = tpu.memref_squeeze %dma_wait3A_1686 : memref<1x64xi32, #tpu.memory_space<hbm>> -> memref<64xi32, #tpu.memory_space<hbm>>
      %dma_wait3A_1688 = arith.constant 0 : i32
      %dma_wait3A_1689 = tpu.memref_slice %arg7[%dma_wait3A_1682, %dma_wait3A_1688] : memref<8x64xi32, #tpu.memory_space<vmem>> -> memref<1x64xi32, #tpu.memory_space<vmem>>
      %dma_wait3A_1690 = tpu.memref_squeeze %dma_wait3A_1689 : memref<1x64xi32, #tpu.memory_space<vmem>> -> memref<64xi32, #tpu.memory_space<vmem>>
      %dma_wait3A_1691 = tpu.memref_slice %arg2[%dma_wait3A_1681, %mul3A_1680] : memref<2x320000xi32, #tpu.memory_space<hbm>> -> memref<1x64xi32, #tpu.memory_space<hbm>>
      %dma_wait3A_1692 = tpu.memref_squeeze %dma_wait3A_1691 : memref<1x64xi32, #tpu.memory_space<hbm>> -> memref<64xi32, #tpu.memory_space<hbm>>
      tpu.wait_dma2 semaphore(%arg17 : memref<!tpu.dma_semaphore, #tpu.memory_space<semaphore_mem>>) src(%dma_wait3A_1692 : memref<64xi32, #tpu.memory_space<hbm>>) dst(%dma_wait3A_1690 : memref<64xi32, #tpu.memory_space<vmem>>)
      %dma_wait3A_1693 = arith.constant 5 : i32
      %dma_wait3A_1694 = arith.constant 0 : i32
      %dma_wait3A_1695 = tpu.memref_slice %arg8[%dma_wait3A_1693, %dma_wait3A_1694] : memref<8x64xi32, #tpu.memory_space<vmem>> -> memref<1x64xi32, #tpu.memory_space<vmem>>
      %dma_wait3A_1696 = tpu.memref_squeeze %dma_wait3A_1695 : memref<1x64xi32, #tpu.memory_space<vmem>> -> memref<64xi32, #tpu.memory_space<vmem>>
      %dma_wait3A_1697 = tpu.memref_slice %arg3[%mul3A_1680] : memref<320000xi32, #tpu.memory_space<hbm>> -> memref<64xi32, #tpu.memory_space<hbm>>
      %dma_wait3A_1698 = arith.constant 0 : i32
      %dma_wait3A_1699 = tpu.memref_slice %arg8[%dma_wait3A_1693, %dma_wait3A_1698] : memref<8x64xi32, #tpu.memory_space<vmem>> -> memref<1x64xi32, #tpu.memory_space<vmem>>
      %dma_wait3A_1700 = tpu.memref_squeeze %dma_wait3A_1699 : memref<1x64xi32, #tpu.memory_space<vmem>> -> memref<64xi32, #tpu.memory_space<vmem>>
      %dma_wait3A_1701 = tpu.memref_slice %arg3[%mul3A_1680] : memref<320000xi32, #tpu.memory_space<hbm>> -> memref<64xi32, #tpu.memory_space<hbm>>
      tpu.wait_dma2 semaphore(%arg17 : memref<!tpu.dma_semaphore, #tpu.memory_space<semaphore_mem>>) src(%dma_wait3A_1701 : memref<64xi32, #tpu.memory_space<hbm>>) dst(%dma_wait3A_1700 : memref<64xi32, #tpu.memory_space<vmem>>)
      %dma_wait3A_1702 = arith.constant 1 : i32
      %dma_wait3A_1703 = arith.constant 5 : i32
      %dma_wait3A_1704 = arith.constant 0 : i32
      %dma_wait3A_1705 = tpu.memref_slice %arg9[%dma_wait3A_1703, %dma_wait3A_1704] : memref<8x64xi32, #tpu.memory_space<vmem>> -> memref<1x64xi32, #tpu.memory_space<vmem>>
      %dma_wait3A_1706 = tpu.memref_squeeze %dma_wait3A_1705 : memref<1x64xi32, #tpu.memory_space<vmem>> -> memref<64xi32, #tpu.memory_space<vmem>>
      %dma_wait3A_1707 = tpu.memref_slice %arg2[%dma_wait3A_1702, %mul3A_1680] : memref<2x320000xi32, #tpu.memory_space<hbm>> -> memref<1x64xi32, #tpu.memory_space<hbm>>
      %dma_wait3A_1708 = tpu.memref_squeeze %dma_wait3A_1707 : memref<1x64xi32, #tpu.memory_space<hbm>> -> memref<64xi32, #tpu.memory_space<hbm>>
      %dma_wait3A_1709 = arith.constant 0 : i32
      %dma_wait3A_1710 = tpu.memref_slice %arg9[%dma_wait3A_1703, %dma_wait3A_1709] : memref<8x64xi32, #tpu.memory_space<vmem>> -> memref<1x64xi32, #tpu.memory_space<vmem>>
      %dma_wait3A_1711 = tpu.memref_squeeze %dma_wait3A_1710 : memref<1x64xi32, #tpu.memory_space<vmem>> -> memref<64xi32, #tpu.memory_space<vmem>>
      %dma_wait3A_1712 = tpu.memref_slice %arg2[%dma_wait3A_1702, %mul3A_1680] : memref<2x320000xi32, #tpu.memory_space<hbm>> -> memref<1x64xi32, #tpu.memory_space<hbm>>
      %dma_wait3A_1713 = tpu.memref_squeeze %dma_wait3A_1712 : memref<1x64xi32, #tpu.memory_space<hbm>> -> memref<64xi32, #tpu.memory_space<hbm>>
      tpu.wait_dma2 semaphore(%arg17 : memref<!tpu.dma_semaphore, #tpu.memory_space<semaphore_mem>>) src(%dma_wait3A_1713 : memref<64xi32, #tpu.memory_space<hbm>>) dst(%dma_wait3A_1711 : memref<64xi32, #tpu.memory_space<vmem>>)
      %get3A_1714 = arith.constant 5 : i32
      %get3A_1715 = arith.index_cast %get3A_1714 : i32 to index
      %get3A_1716 = arith.constant 0 : index
      %get3A_1717 = tpu.vector_load %arg8[%get3A_1715, %get3A_1716] {strides = array<i32>} : memref<8x64xi32, #tpu.memory_space<vmem>>, vector<1x16xi32>,
      %get3A_1718 = vector.shape_cast %get3A_1717 : vector<1x16xi32> to vector<16xi32>
      %mul3A_1719 = arith.constant 10000 : i32
      %mul3A_1720 = vector.broadcast %mul3A_1719 : i32 to vector<16xi32>
      %mul3A_1721 = arith.muli %get3A_1718, %mul3A_1720 : vector<16xi32>
      %get3A_1722 = arith.constant 5 : i32
      %get3A_1723 = arith.index_cast %get3A_1722 : i32 to index
      %get3A_1724 = arith.constant 0 : index
      %get3A_1725 = tpu.vector_load %arg7[%get3A_1723, %get3A_1724] {strides = array<i32>} : memref<8x64xi32, #tpu.memory_space<vmem>>, vector<1x16xi32>,
      %get3A_1726 = vector.shape_cast %get3A_1725 : vector<1x16xi32> to vector<16xi32>
      %add3A_1727 = arith.addi %mul3A_1721, %get3A_1726 : vector<16xi32>
      %swap3A_1728 = arith.constant 5 : i32
      %swap3A_1729 = arith.index_cast %swap3A_1728 : i32 to index
      %swap3A_1730 = arith.constant 0 : index
      %swap3A_1731 = tpu.vector_load %arg7[%swap3A_1729, %swap3A_1730] {strides = array<i32>} : memref<8x64xi32, #tpu.memory_space<vmem>>, vector<1x16xi32>,
      %swap3A_1732 = vector.shape_cast %swap3A_1731 : vector<1x16xi32> to vector<16xi32>
      %swap3A_1733 = vector.shape_cast %add3A_1727 : vector<16xi32> to vector<1x16xi32>
      tpu.vector_store %arg7[%swap3A_1729, %swap3A_1730], %swap3A_1733 {strides = array<i32>} : memref<8x64xi32, #tpu.memory_space<vmem>>, vector<1x16xi32>,
      %get3A_1734 = arith.constant 5 : i32
      %get3A_1735 = arith.index_cast %get3A_1734 : i32 to index
      %get3A_1736 = arith.constant 16 : index
      %get3A_1737 = tpu.vector_load %arg8[%get3A_1735, %get3A_1736] {strides = array<i32>} : memref<8x64xi32, #tpu.memory_space<vmem>>, vector<1x16xi32>,
      %get3A_1738 = vector.shape_cast %get3A_1737 : vector<1x16xi32> to vector<16xi32>
      %mul3A_1739 = arith.constant 10000 : i32
      %mul3A_1740 = vector.broadcast %mul3A_1739 : i32 to vector<16xi32>
      %mul3A_1741 = arith.muli %get3A_1738, %mul3A_1740 : vector<16xi32>
      %get3A_1742 = arith.constant 5 : i32
      %get3A_1743 = arith.index_cast %get3A_1742 : i32 to index
      %get3A_1744 = arith.constant 16 : index
      %get3A_1745 = tpu.vector_load %arg7[%get3A_1743, %get3A_1744] {strides = array<i32>} : memref<8x64xi32, #tpu.memory_space<vmem>>, vector<1x16xi32>,
      %get3A_1746 = vector.shape_cast %get3A_1745 : vector<1x16xi32> to vector<16xi32>
      %add3A_1747 = arith.addi %mul3A_1741, %get3A_1746 : vector<16xi32>
      %swap3A_1748 = arith.constant 5 : i32
      %swap3A_1749 = arith.index_cast %swap3A_1748 : i32 to index
      %swap3A_1750 = arith.constant 16 : index
      %swap3A_1751 = tpu.vector_load %arg7[%swap3A_1749, %swap3A_1750] {strides = array<i32>} : memref<8x64xi32, #tpu.memory_space<vmem>>, vector<1x16xi32>,
      %swap3A_1752 = vector.shape_cast %swap3A_1751 : vector<1x16xi32> to vector<16xi32>
      %swap3A_1753 = vector.shape_cast %add3A_1747 : vector<16xi32> to vector<1x16xi32>
      tpu.vector_store %arg7[%swap3A_1749, %swap3A_1750], %swap3A_1753 {strides = array<i32>} : memref<8x64xi32, #tpu.memory_space<vmem>>, vector<1x16xi32>,
      %get3A_1754 = arith.constant 5 : i32
      %get3A_1755 = arith.index_cast %get3A_1754 : i32 to index
      %get3A_1756 = arith.constant 32 : index
      %get3A_1757 = tpu.vector_load %arg8[%get3A_1755, %get3A_1756] {strides = array<i32>} : memref<8x64xi32, #tpu.memory_space<vmem>>, vector<1x16xi32>,
      %get3A_1758 = vector.shape_cast %get3A_1757 : vector<1x16xi32> to vector<16xi32>
      %mul3A_1759 = arith.constant 10000 : i32
      %mul3A_1760 = vector.broadcast %mul3A_1759 : i32 to vector<16xi32>
      %mul3A_1761 = arith.muli %get3A_1758, %mul3A_1760 : vector<16xi32>
      %get3A_1762 = arith.constant 5 : i32
      %get3A_1763 = arith.index_cast %get3A_1762 : i32 to index
      %get3A_1764 = arith.constant 32 : index
      %get3A_1765 = tpu.vector_load %arg7[%get3A_1763, %get3A_1764] {strides = array<i32>} : memref<8x64xi32, #tpu.memory_space<vmem>>, vector<1x16xi32>,
      %get3A_1766 = vector.shape_cast %get3A_1765 : vector<1x16xi32> to vector<16xi32>
      %add3A_1767 = arith.addi %mul3A_1761, %get3A_1766 : vector<16xi32>
      %swap3A_1768 = arith.constant 5 : i32
      %swap3A_1769 = arith.index_cast %swap3A_1768 : i32 to index
      %swap3A_1770 = arith.constant 32 : index
      %swap3A_1771 = tpu.vector_load %arg7[%swap3A_1769, %swap3A_1770] {strides = array<i32>} : memref<8x64xi32, #tpu.memory_space<vmem>>, vector<1x16xi32>,
      %swap3A_1772 = vector.shape_cast %swap3A_1771 : vector<1x16xi32> to vector<16xi32>
      %swap3A_1773 = vector.shape_cast %add3A_1767 : vector<16xi32> to vector<1x16xi32>
      tpu.vector_store %arg7[%swap3A_1769, %swap3A_1770], %swap3A_1773 {strides = array<i32>} : memref<8x64xi32, #tpu.memory_space<vmem>>, vector<1x16xi32>,
      %get3A_1774 = arith.constant 5 : i32
      %get3A_1775 = arith.index_cast %get3A_1774 : i32 to index
      %get3A_1776 = arith.constant 48 : index
      %get3A_1777 = tpu.vector_load %arg8[%get3A_1775, %get3A_1776] {strides = array<i32>} : memref<8x64xi32, #tpu.memory_space<vmem>>, vector<1x16xi32>,
      %get3A_1778 = vector.shape_cast %get3A_1777 : vector<1x16xi32> to vector<16xi32>
      %mul3A_1779 = arith.constant 10000 : i32
      %mul3A_1780 = vector.broadcast %mul3A_1779 : i32 to vector<16xi32>
      %mul3A_1781 = arith.muli %get3A_1778, %mul3A_1780 : vector<16xi32>
      %get3A_1782 = arith.constant 5 : i32
      %get3A_1783 = arith.index_cast %get3A_1782 : i32 to index
      %get3A_1784 = arith.constant 48 : index
      %get3A_1785 = tpu.vector_load %arg7[%get3A_1783, %get3A_1784] {strides = array<i32>} : memref<8x64xi32, #tpu.memory_space<vmem>>, vector<1x16xi32>,
      %get3A_1786 = vector.shape_cast %get3A_1785 : vector<1x16xi32> to vector<16xi32>
      %add3A_1787 = arith.addi %mul3A_1781, %get3A_1786 : vector<16xi32>
      %swap3A_1788 = arith.constant 5 : i32
      %swap3A_1789 = arith.index_cast %swap3A_1788 : i32 to index
      %swap3A_1790 = arith.constant 48 : index
      %swap3A_1791 = tpu.vector_load %arg7[%swap3A_1789, %swap3A_1790] {strides = array<i32>} : memref<8x64xi32, #tpu.memory_space<vmem>>, vector<1x16xi32>,
      %swap3A_1792 = vector.shape_cast %swap3A_1791 : vector<1x16xi32> to vector<16xi32>
      %swap3A_1793 = vector.shape_cast %add3A_1787 : vector<16xi32> to vector<1x16xi32>
      tpu.vector_store %arg7[%swap3A_1789, %swap3A_1790], %swap3A_1793 {strides = array<i32>} : memref<8x64xi32, #tpu.memory_space<vmem>>, vector<1x16xi32>,
      %ge3A_1794 = arith.constant 2 : i32
      %ge3A_1795 = arith.cmpi sge, %add3A_1665, %ge3A_1794 : i32
      %convert_element_type3A_1796 = arith.extui %ge3A_1795 : i1 to i32
      %cond3A_1797 = arith.constant 0 : i32
      %cond3A_1798 = arith.cmpi ne, %convert_element_type3A_1796, %cond3A_1797 : i32
      scf.if %cond3A_1798 {
        %dma_wait3A_2105 = arith.constant 3 : i32
        %dma_wait3A_2106 = arith.constant 3 : i32
        %dma_wait3A_2107 = arith.constant 0 : i32
        %dma_wait3A_2108 = arith.constant 0 : i32
        %dma_wait3A_2109 = tpu.memref_slice %arg10[%dma_wait3A_2106, %dma_wait3A_2107, %dma_wait3A_2108] : memref<4x64x128xf32, #tpu.memory_space<vmem>> -> memref<1x64x128xf32, #tpu.memory_space<vmem>>
        %dma_wait3A_2110 = tpu.memref_squeeze %dma_wait3A_2109 : memref<1x64x128xf32, #tpu.memory_space<vmem>> -> memref<64x128xf32, #tpu.memory_space<vmem>>
        %dma_wait3A_2111 = arith.constant 0 : i32
        %dma_wait3A_2112 = tpu.memref_slice %arg7[%dma_wait3A_2105, %dma_wait3A_2111] : memref<8x64xi32, #tpu.memory_space<vmem>> -> memref<1x64xi32, #tpu.memory_space<vmem>>
        %dma_wait3A_2113 = tpu.memref_squeeze %dma_wait3A_2112 : memref<1x64xi32, #tpu.memory_space<vmem>> -> memref<64xi32, #tpu.memory_space<vmem>>
        %dma_wait3A_2114 = arith.constant 0 : i32
        %dma_wait3A_2115 = arith.constant 0 : i32
        %dma_wait3A_2116 = tpu.memref_slice %arg4[%dma_wait3A_2114, %dma_wait3A_2115] : memref<270000x128xf32, #tpu.memory_space<hbm>> -> memref<270000x128xf32, #tpu.memory_space<hbm>>
        tpu.wait_indirect_dma semaphore(%arg23 : memref<!tpu.dma_semaphore, #tpu.memory_space<semaphore_mem>>) src(%dma_wait3A_2116 : memref<270000x128xf32, #tpu.memory_space<hbm>>) dst(%dma_wait3A_2110 : memref<64x128xf32, #tpu.memory_space<vmem>>)
        %dma_start3A_2117 = arith.constant 3 : i32
        %dma_start3A_2118 = arith.constant 3 : i32
        %dma_start3A_2119 = arith.constant 0 : i32
        %dma_start3A_2120 = arith.constant 0 : i32
        %dma_start3A_2121 = tpu.memref_slice %arg10[%dma_start3A_2117, %dma_start3A_2119, %dma_start3A_2120] : memref<4x64x128xf32, #tpu.memory_space<vmem>> -> memref<1x64x128xf32, #tpu.memory_space<vmem>>
        %dma_start3A_2122 = tpu.memref_squeeze %dma_start3A_2121 : memref<1x64x128xf32, #tpu.memory_space<vmem>> -> memref<64x128xf32, #tpu.memory_space<vmem>>
        %dma_start3A_2123 = arith.constant 0 : i32
        %dma_start3A_2124 = tpu.memref_slice %arg9[%dma_start3A_2118, %dma_start3A_2123] : memref<8x64xi32, #tpu.memory_space<vmem>> -> memref<1x64xi32, #tpu.memory_space<vmem>>
        %dma_start3A_2125 = tpu.memref_squeeze %dma_start3A_2124 : memref<1x64xi32, #tpu.memory_space<vmem>> -> memref<64xi32, #tpu.memory_space<vmem>>
        %dma_start3A_2126 = arith.constant 0 : i32
        %dma_start3A_2127 = arith.constant 0 : i32
        %dma_start3A_2128 = tpu.memref_slice %arg11[%dma_start3A_2126, %dma_start3A_2127] : memref<10240x128xf32, #tpu.memory_space<vmem_shared>> -> memref<10240x128xf32, #tpu.memory_space<vmem_shared>>
        tpu.enqueue_indirect_dma source(%dma_start3A_2122 : memref<64x128xf32, #tpu.memory_space<vmem>>) target(%dma_start3A_2128 : memref<10240x128xf32, #tpu.memory_space<vmem_shared>>) offsets(%dma_start3A_2125 : memref<64xi32, #tpu.memory_space<vmem>>) semaphore(%arg27 : memref<!tpu.dma_semaphore, #tpu.memory_space<semaphore_mem>>) {add = true}
      } else {
      }
      %dma_start3A_1799 = arith.constant 5 : i32
      %dma_start3A_1800 = arith.constant 1 : i32
      %dma_start3A_1801 = arith.constant 0 : i32
      %dma_start3A_1802 = arith.constant 0 : i32
      %dma_start3A_1803 = tpu.memref_slice %arg10[%dma_start3A_1800, %dma_start3A_1801, %dma_start3A_1802] : memref<4x64x128xf32, #tpu.memory_space<vmem>> -> memref<1x64x128xf32, #tpu.memory_space<vmem>>
      %dma_start3A_1804 = tpu.memref_squeeze %dma_start3A_1803 : memref<1x64x128xf32, #tpu.memory_space<vmem>> -> memref<64x128xf32, #tpu.memory_space<vmem>>
      %dma_start3A_1805 = arith.constant 0 : i32
      %dma_start3A_1806 = tpu.memref_slice %arg7[%dma_start3A_1799, %dma_start3A_1805] : memref<8x64xi32, #tpu.memory_space<vmem>> -> memref<1x64xi32, #tpu.memory_space<vmem>>
      %dma_start3A_1807 = tpu.memref_squeeze %dma_start3A_1806 : memref<1x64xi32, #tpu.memory_space<vmem>> -> memref<64xi32, #tpu.memory_space<vmem>>
      %dma_start3A_1808 = arith.constant 0 : i32
      %dma_start3A_1809 = arith.constant 0 : i32
      %dma_start3A_1810 = tpu.memref_slice %arg4[%dma_start3A_1808, %dma_start3A_1809] : memref<270000x128xf32, #tpu.memory_space<hbm>> -> memref<270000x128xf32, #tpu.memory_space<hbm>>
      tpu.enqueue_indirect_dma source(%dma_start3A_1810 : memref<270000x128xf32, #tpu.memory_space<hbm>>) target(%dma_start3A_1804 : memref<64x128xf32, #tpu.memory_space<vmem>>) offsets(%dma_start3A_1807 : memref<64xi32, #tpu.memory_space<vmem>>) semaphore(%arg21 : memref<!tpu.dma_semaphore, #tpu.memory_space<semaphore_mem>>)
      %add3A_1811 = arith.constant 2 : i32
      %add3A_1812 = arith.addi %add3A_1516, %add3A_1811 : i32
      %ge3A_1813 = arith.constant 4 : i32
      %ge3A_1814 = arith.cmpi sge, %add3A_1812, %ge3A_1813 : i32
      %convert_element_type3A_1815 = arith.extui %ge3A_1814 : i1 to i32
      %cond3A_1816 = arith.constant 0 : i32
      %cond3A_1817 = arith.cmpi ne, %convert_element_type3A_1815, %cond3A_1816 : i32
      scf.if %cond3A_1817 {
        %dma_wait3A_2105 = arith.constant 2 : i32
        %dma_wait3A_2106 = arith.constant 2 : i32
        %dma_wait3A_2107 = arith.constant 0 : i32
        %dma_wait3A_2108 = arith.constant 0 : i32
        %dma_wait3A_2109 = tpu.memref_slice %arg10[%dma_wait3A_2105, %dma_wait3A_2107, %dma_wait3A_2108] : memref<4x64x128xf32, #tpu.memory_space<vmem>> -> memref<1x64x128xf32, #tpu.memory_space<vmem>>
        %dma_wait3A_2110 = tpu.memref_squeeze %dma_wait3A_2109 : memref<1x64x128xf32, #tpu.memory_space<vmem>> -> memref<64x128xf32, #tpu.memory_space<vmem>>
        %dma_wait3A_2111 = arith.constant 0 : i32
        %dma_wait3A_2112 = tpu.memref_slice %arg9[%dma_wait3A_2106, %dma_wait3A_2111] : memref<8x64xi32, #tpu.memory_space<vmem>> -> memref<1x64xi32, #tpu.memory_space<vmem>>
        %dma_wait3A_2113 = tpu.memref_squeeze %dma_wait3A_2112 : memref<1x64xi32, #tpu.memory_space<vmem>> -> memref<64xi32, #tpu.memory_space<vmem>>
        %dma_wait3A_2114 = arith.constant 0 : i32
        %dma_wait3A_2115 = arith.constant 0 : i32
        %dma_wait3A_2116 = tpu.memref_slice %arg11[%dma_wait3A_2114, %dma_wait3A_2115] : memref<10240x128xf32, #tpu.memory_space<vmem_shared>> -> memref<10240x128xf32, #tpu.memory_space<vmem_shared>>
        tpu.wait_indirect_dma semaphore(%arg26 : memref<!tpu.dma_semaphore, #tpu.memory_space<semaphore_mem>>) src(%dma_wait3A_2110 : memref<64x128xf32, #tpu.memory_space<vmem>>) dst(%dma_wait3A_2116 : memref<10240x128xf32, #tpu.memory_space<vmem_shared>>)
      } else {
      }
      %add3A_1818 = arith.constant 4 : i32
      %add3A_1819 = arith.addi %add3A_1812, %add3A_1818 : i32
      %lt3A_1820 = arith.constant 156 : i32
      %lt3A_1821 = arith.cmpi slt, %add3A_1819, %lt3A_1820 : i32
      %convert_element_type3A_1822 = arith.extui %lt3A_1821 : i1 to i32
      %cond3A_1823 = arith.constant 0 : i32
      %cond3A_1824 = arith.cmpi ne, %convert_element_type3A_1822, %cond3A_1823 : i32
      scf.if %cond3A_1824 {
        %add3A_2105 = arith.constant 4 : i32
        %add3A_2106 = arith.addi %add3A_1812, %add3A_2105 : i32
        %add3A_2107 = arith.addi %add3A_4, %add3A_2106 : i32
        %mul3A_2108 = arith.constant 64 : i32
        %mul3A_2109 = arith.muli %add3A_2107, %mul3A_2108 : i32
        %dma_start3A_2110 = arith.constant 0 : i32
        %dma_start3A_2111 = arith.constant 2 : i32
        %dma_start3A_2112 = arith.constant 0 : i32
        %dma_start3A_2113 = tpu.memref_slice %arg7[%dma_start3A_2111, %dma_start3A_2112] : memref<8x64xi32, #tpu.memory_space<vmem>> -> memref<1x64xi32, #tpu.memory_space<vmem>>
        %dma_start3A_2114 = tpu.memref_squeeze %dma_start3A_2113 : memref<1x64xi32, #tpu.memory_space<vmem>> -> memref<64xi32, #tpu.memory_space<vmem>>
        %dma_start3A_2115 = tpu.memref_slice %arg2[%dma_start3A_2110, %mul3A_2109] : memref<2x320000xi32, #tpu.memory_space<hbm>> -> memref<1x64xi32, #tpu.memory_space<hbm>>
        %dma_start3A_2116 = tpu.memref_squeeze %dma_start3A_2115 : memref<1x64xi32, #tpu.memory_space<hbm>> -> memref<64xi32, #tpu.memory_space<hbm>>
        %dma_start3A_2117 = arith.constant 0 : i32
        %dma_start3A_2118 = tpu.memref_slice %arg7[%dma_start3A_2111, %dma_start3A_2117] : memref<8x64xi32, #tpu.memory_space<vmem>> -> memref<1x64xi32, #tpu.memory_space<vmem>>
        %dma_start3A_2119 = tpu.memref_squeeze %dma_start3A_2118 : memref<1x64xi32, #tpu.memory_space<vmem>> -> memref<64xi32, #tpu.memory_space<vmem>>
        %dma_start3A_2120 = tpu.memref_slice %arg2[%dma_start3A_2110, %mul3A_2109] : memref<2x320000xi32, #tpu.memory_space<hbm>> -> memref<1x64xi32, #tpu.memory_space<hbm>>
        %dma_start3A_2121 = tpu.memref_squeeze %dma_start3A_2120 : memref<1x64xi32, #tpu.memory_space<hbm>> -> memref<64xi32, #tpu.memory_space<hbm>>
        tpu.enqueue_dma source(%dma_start3A_2121 : memref<64xi32, #tpu.memory_space<hbm>>) target(%dma_start3A_2119 : memref<64xi32, #tpu.memory_space<vmem>>) target_semaphore(%arg14 : memref<!tpu.dma_semaphore, #tpu.memory_space<semaphore_mem>>)
        %dma_start3A_2122 = arith.constant 2 : i32
        %dma_start3A_2123 = arith.constant 0 : i32
        %dma_start3A_2124 = tpu.memref_slice %arg8[%dma_start3A_2122, %dma_start3A_2123] : memref<8x64xi32, #tpu.memory_space<vmem>> -> memref<1x64xi32, #tpu.memory_space<vmem>>
        %dma_start3A_2125 = tpu.memref_squeeze %dma_start3A_2124 : memref<1x64xi32, #tpu.memory_space<vmem>> -> memref<64xi32, #tpu.memory_space<vmem>>
        %dma_start3A_2126 = tpu.memref_slice %arg3[%mul3A_2109] : memref<320000xi32, #tpu.memory_space<hbm>> -> memref<64xi32, #tpu.memory_space<hbm>>
        %dma_start3A_2127 = arith.constant 0 : i32
        %dma_start3A_2128 = tpu.memref_slice %arg8[%dma_start3A_2122, %dma_start3A_2127] : memref<8x64xi32, #tpu.memory_space<vmem>> -> memref<1x64xi32, #tpu.memory_space<vmem>>
        %dma_start3A_2129 = tpu.memref_squeeze %dma_start3A_2128 : memref<1x64xi32, #tpu.memory_space<vmem>> -> memref<64xi32, #tpu.memory_space<vmem>>
        %dma_start3A_2130 = tpu.memref_slice %arg3[%mul3A_2109] : memref<320000xi32, #tpu.memory_space<hbm>> -> memref<64xi32, #tpu.memory_space<hbm>>
        tpu.enqueue_dma source(%dma_start3A_2130 : memref<64xi32, #tpu.memory_space<hbm>>) target(%dma_start3A_2129 : memref<64xi32, #tpu.memory_space<vmem>>) target_semaphore(%arg14 : memref<!tpu.dma_semaphore, #tpu.memory_space<semaphore_mem>>)
        %dma_start3A_2131 = arith.constant 1 : i32
        %dma_start3A_2132 = arith.constant 2 : i32
        %dma_start3A_2133 = arith.constant 0 : i32
        %dma_start3A_2134 = tpu.memref_slice %arg9[%dma_start3A_2132, %dma_start3A_2133] : memref<8x64xi32, #tpu.memory_space<vmem>> -> memref<1x64xi32, #tpu.memory_space<vmem>>
        %dma_start3A_2135 = tpu.memref_squeeze %dma_start3A_2134 : memref<1x64xi32, #tpu.memory_space<vmem>> -> memref<64xi32, #tpu.memory_space<vmem>>
        %dma_start3A_2136 = tpu.memref_slice %arg2[%dma_start3A_2131, %mul3A_2109] : memref<2x320000xi32, #tpu.memory_space<hbm>> -> memref<1x64xi32, #tpu.memory_space<hbm>>
        %dma_start3A_2137 = tpu.memref_squeeze %dma_start3A_2136 : memref<1x64xi32, #tpu.memory_space<hbm>> -> memref<64xi32, #tpu.memory_space<hbm>>
        %dma_start3A_2138 = arith.constant 0 : i32
        %dma_start3A_2139 = tpu.memref_slice %arg9[%dma_start3A_2132, %dma_start3A_2138] : memref<8x64xi32, #tpu.memory_space<vmem>> -> memref<1x64xi32, #tpu.memory_space<vmem>>
        %dma_start3A_2140 = tpu.memref_squeeze %dma_start3A_2139 : memref<1x64xi32, #tpu.memory_space<vmem>> -> memref<64xi32, #tpu.memory_space<vmem>>
        %dma_start3A_2141 = tpu.memref_slice %arg2[%dma_start3A_2131, %mul3A_2109] : memref<2x320000xi32, #tpu.memory_space<hbm>> -> memref<1x64xi32, #tpu.memory_space<hbm>>
        %dma_start3A_2142 = tpu.memref_squeeze %dma_start3A_2141 : memref<1x64xi32, #tpu.memory_space<hbm>> -> memref<64xi32, #tpu.memory_space<hbm>>
        tpu.enqueue_dma source(%dma_start3A_2142 : memref<64xi32, #tpu.memory_space<hbm>>) target(%dma_start3A_2140 : memref<64xi32, #tpu.memory_space<vmem>>) target_semaphore(%arg14 : memref<!tpu.dma_semaphore, #tpu.memory_space<semaphore_mem>>)
      } else {
      }
      %add3A_1825 = arith.addi %add3A_4, %add3A_1812 : i32
      %mul3A_1826 = arith.constant 64 : i32
      %mul3A_1827 = arith.muli %add3A_1825, %mul3A_1826 : i32
      %dma_wait3A_1828 = arith.constant 0 : i32
      %dma_wait3A_1829 = arith.constant 6 : i32
      %dma_wait3A_1830 = arith.constant 0 : i32
      %dma_wait3A_1831 = tpu.memref_slice %arg7[%dma_wait3A_1829, %dma_wait3A_1830] : memref<8x64xi32, #tpu.memory_space<vmem>> -> memref<1x64xi32, #tpu.memory_space<vmem>>
      %dma_wait3A_1832 = tpu.memref_squeeze %dma_wait3A_1831 : memref<1x64xi32, #tpu.memory_space<vmem>> -> memref<64xi32, #tpu.memory_space<vmem>>
      %dma_wait3A_1833 = tpu.memref_slice %arg2[%dma_wait3A_1828, %mul3A_1827] : memref<2x320000xi32, #tpu.memory_space<hbm>> -> memref<1x64xi32, #tpu.memory_space<hbm>>
      %dma_wait3A_1834 = tpu.memref_squeeze %dma_wait3A_1833 : memref<1x64xi32, #tpu.memory_space<hbm>> -> memref<64xi32, #tpu.memory_space<hbm>>
      %dma_wait3A_1835 = arith.constant 0 : i32
      %dma_wait3A_1836 = tpu.memref_slice %arg7[%dma_wait3A_1829, %dma_wait3A_1835] : memref<8x64xi32, #tpu.memory_space<vmem>> -> memref<1x64xi32, #tpu.memory_space<vmem>>
      %dma_wait3A_1837 = tpu.memref_squeeze %dma_wait3A_1836 : memref<1x64xi32, #tpu.memory_space<vmem>> -> memref<64xi32, #tpu.memory_space<vmem>>
      %dma_wait3A_1838 = tpu.memref_slice %arg2[%dma_wait3A_1828, %mul3A_1827] : memref<2x320000xi32, #tpu.memory_space<hbm>> -> memref<1x64xi32, #tpu.memory_space<hbm>>
      %dma_wait3A_1839 = tpu.memref_squeeze %dma_wait3A_1838 : memref<1x64xi32, #tpu.memory_space<hbm>> -> memref<64xi32, #tpu.memory_space<hbm>>
      tpu.wait_dma2 semaphore(%arg18 : memref<!tpu.dma_semaphore, #tpu.memory_space<semaphore_mem>>) src(%dma_wait3A_1839 : memref<64xi32, #tpu.memory_space<hbm>>) dst(%dma_wait3A_1837 : memref<64xi32, #tpu.memory_space<vmem>>)
      %dma_wait3A_1840 = arith.constant 6 : i32
      %dma_wait3A_1841 = arith.constant 0 : i32
      %dma_wait3A_1842 = tpu.memref_slice %arg8[%dma_wait3A_1840, %dma_wait3A_1841] : memref<8x64xi32, #tpu.memory_space<vmem>> -> memref<1x64xi32, #tpu.memory_space<vmem>>
      %dma_wait3A_1843 = tpu.memref_squeeze %dma_wait3A_1842 : memref<1x64xi32, #tpu.memory_space<vmem>> -> memref<64xi32, #tpu.memory_space<vmem>>
      %dma_wait3A_1844 = tpu.memref_slice %arg3[%mul3A_1827] : memref<320000xi32, #tpu.memory_space<hbm>> -> memref<64xi32, #tpu.memory_space<hbm>>
      %dma_wait3A_1845 = arith.constant 0 : i32
      %dma_wait3A_1846 = tpu.memref_slice %arg8[%dma_wait3A_1840, %dma_wait3A_1845] : memref<8x64xi32, #tpu.memory_space<vmem>> -> memref<1x64xi32, #tpu.memory_space<vmem>>
      %dma_wait3A_1847 = tpu.memref_squeeze %dma_wait3A_1846 : memref<1x64xi32, #tpu.memory_space<vmem>> -> memref<64xi32, #tpu.memory_space<vmem>>
      %dma_wait3A_1848 = tpu.memref_slice %arg3[%mul3A_1827] : memref<320000xi32, #tpu.memory_space<hbm>> -> memref<64xi32, #tpu.memory_space<hbm>>
      tpu.wait_dma2 semaphore(%arg18 : memref<!tpu.dma_semaphore, #tpu.memory_space<semaphore_mem>>) src(%dma_wait3A_1848 : memref<64xi32, #tpu.memory_space<hbm>>) dst(%dma_wait3A_1847 : memref<64xi32, #tpu.memory_space<vmem>>)
      %dma_wait3A_1849 = arith.constant 1 : i32
      %dma_wait3A_1850 = arith.constant 6 : i32
      %dma_wait3A_1851 = arith.constant 0 : i32
      %dma_wait3A_1852 = tpu.memref_slice %arg9[%dma_wait3A_1850, %dma_wait3A_1851] : memref<8x64xi32, #tpu.memory_space<vmem>> -> memref<1x64xi32, #tpu.memory_space<vmem>>
      %dma_wait3A_1853 = tpu.memref_squeeze %dma_wait3A_1852 : memref<1x64xi32, #tpu.memory_space<vmem>> -> memref<64xi32, #tpu.memory_space<vmem>>
      %dma_wait3A_1854 = tpu.memref_slice %arg2[%dma_wait3A_1849, %mul3A_1827] : memref<2x320000xi32, #tpu.memory_space<hbm>> -> memref<1x64xi32, #tpu.memory_space<hbm>>
      %dma_wait3A_1855 = tpu.memref_squeeze %dma_wait3A_1854 : memref<1x64xi32, #tpu.memory_space<hbm>> -> memref<64xi32, #tpu.memory_space<hbm>>
      %dma_wait3A_1856 = arith.constant 0 : i32
      %dma_wait3A_1857 = tpu.memref_slice %arg9[%dma_wait3A_1850, %dma_wait3A_1856] : memref<8x64xi32, #tpu.memory_space<vmem>> -> memref<1x64xi32, #tpu.memory_space<vmem>>
      %dma_wait3A_1858 = tpu.memref_squeeze %dma_wait3A_1857 : memref<1x64xi32, #tpu.memory_space<vmem>> -> memref<64xi32, #tpu.memory_space<vmem>>
      %dma_wait3A_1859 = tpu.memref_slice %arg2[%dma_wait3A_1849, %mul3A_1827] : memref<2x320000xi32, #tpu.memory_space<hbm>> -> memref<1x64xi32, #tpu.memory_space<hbm>>
      %dma_wait3A_1860 = tpu.memref_squeeze %dma_wait3A_1859 : memref<1x64xi32, #tpu.memory_space<hbm>> -> memref<64xi32, #tpu.memory_space<hbm>>
      tpu.wait_dma2 semaphore(%arg18 : memref<!tpu.dma_semaphore, #tpu.memory_space<semaphore_mem>>) src(%dma_wait3A_1860 : memref<64xi32, #tpu.memory_space<hbm>>) dst(%dma_wait3A_1858 : memref<64xi32, #tpu.memory_space<vmem>>)
      %get3A_1861 = arith.constant 6 : i32
      %get3A_1862 = arith.index_cast %get3A_1861 : i32 to index
      %get3A_1863 = arith.constant 0 : index
      %get3A_1864 = tpu.vector_load %arg8[%get3A_1862, %get3A_1863] {strides = array<i32>} : memref<8x64xi32, #tpu.memory_space<vmem>>, vector<1x16xi32>,
      %get3A_1865 = vector.shape_cast %get3A_1864 : vector<1x16xi32> to vector<16xi32>
      %mul3A_1866 = arith.constant 10000 : i32
      %mul3A_1867 = vector.broadcast %mul3A_1866 : i32 to vector<16xi32>
      %mul3A_1868 = arith.muli %get3A_1865, %mul3A_1867 : vector<16xi32>
      %get3A_1869 = arith.constant 6 : i32
      %get3A_1870 = arith.index_cast %get3A_1869 : i32 to index
      %get3A_1871 = arith.constant 0 : index
      %get3A_1872 = tpu.vector_load %arg7[%get3A_1870, %get3A_1871] {strides = array<i32>} : memref<8x64xi32, #tpu.memory_space<vmem>>, vector<1x16xi32>,
      %get3A_1873 = vector.shape_cast %get3A_1872 : vector<1x16xi32> to vector<16xi32>
      %add3A_1874 = arith.addi %mul3A_1868, %get3A_1873 : vector<16xi32>
      %swap3A_1875 = arith.constant 6 : i32
      %swap3A_1876 = arith.index_cast %swap3A_1875 : i32 to index
      %swap3A_1877 = arith.constant 0 : index
      %swap3A_1878 = tpu.vector_load %arg7[%swap3A_1876, %swap3A_1877] {strides = array<i32>} : memref<8x64xi32, #tpu.memory_space<vmem>>, vector<1x16xi32>,
      %swap3A_1879 = vector.shape_cast %swap3A_1878 : vector<1x16xi32> to vector<16xi32>
      %swap3A_1880 = vector.shape_cast %add3A_1874 : vector<16xi32> to vector<1x16xi32>
      tpu.vector_store %arg7[%swap3A_1876, %swap3A_1877], %swap3A_1880 {strides = array<i32>} : memref<8x64xi32, #tpu.memory_space<vmem>>, vector<1x16xi32>,
      %get3A_1881 = arith.constant 6 : i32
      %get3A_1882 = arith.index_cast %get3A_1881 : i32 to index
      %get3A_1883 = arith.constant 16 : index
      %get3A_1884 = tpu.vector_load %arg8[%get3A_1882, %get3A_1883] {strides = array<i32>} : memref<8x64xi32, #tpu.memory_space<vmem>>, vector<1x16xi32>,
      %get3A_1885 = vector.shape_cast %get3A_1884 : vector<1x16xi32> to vector<16xi32>
      %mul3A_1886 = arith.constant 10000 : i32
      %mul3A_1887 = vector.broadcast %mul3A_1886 : i32 to vector<16xi32>
      %mul3A_1888 = arith.muli %get3A_1885, %mul3A_1887 : vector<16xi32>
      %get3A_1889 = arith.constant 6 : i32
      %get3A_1890 = arith.index_cast %get3A_1889 : i32 to index
      %get3A_1891 = arith.constant 16 : index
      %get3A_1892 = tpu.vector_load %arg7[%get3A_1890, %get3A_1891] {strides = array<i32>} : memref<8x64xi32, #tpu.memory_space<vmem>>, vector<1x16xi32>,
      %get3A_1893 = vector.shape_cast %get3A_1892 : vector<1x16xi32> to vector<16xi32>
      %add3A_1894 = arith.addi %mul3A_1888, %get3A_1893 : vector<16xi32>
      %swap3A_1895 = arith.constant 6 : i32
      %swap3A_1896 = arith.index_cast %swap3A_1895 : i32 to index
      %swap3A_1897 = arith.constant 16 : index
      %swap3A_1898 = tpu.vector_load %arg7[%swap3A_1896, %swap3A_1897] {strides = array<i32>} : memref<8x64xi32, #tpu.memory_space<vmem>>, vector<1x16xi32>,
      %swap3A_1899 = vector.shape_cast %swap3A_1898 : vector<1x16xi32> to vector<16xi32>
      %swap3A_1900 = vector.shape_cast %add3A_1894 : vector<16xi32> to vector<1x16xi32>
      tpu.vector_store %arg7[%swap3A_1896, %swap3A_1897], %swap3A_1900 {strides = array<i32>} : memref<8x64xi32, #tpu.memory_space<vmem>>, vector<1x16xi32>,
      %get3A_1901 = arith.constant 6 : i32
      %get3A_1902 = arith.index_cast %get3A_1901 : i32 to index
      %get3A_1903 = arith.constant 32 : index
      %get3A_1904 = tpu.vector_load %arg8[%get3A_1902, %get3A_1903] {strides = array<i32>} : memref<8x64xi32, #tpu.memory_space<vmem>>, vector<1x16xi32>,
      %get3A_1905 = vector.shape_cast %get3A_1904 : vector<1x16xi32> to vector<16xi32>
      %mul3A_1906 = arith.constant 10000 : i32
      %mul3A_1907 = vector.broadcast %mul3A_1906 : i32 to vector<16xi32>
      %mul3A_1908 = arith.muli %get3A_1905, %mul3A_1907 : vector<16xi32>
      %get3A_1909 = arith.constant 6 : i32
      %get3A_1910 = arith.index_cast %get3A_1909 : i32 to index
      %get3A_1911 = arith.constant 32 : index
      %get3A_1912 = tpu.vector_load %arg7[%get3A_1910, %get3A_1911] {strides = array<i32>} : memref<8x64xi32, #tpu.memory_space<vmem>>, vector<1x16xi32>,
      %get3A_1913 = vector.shape_cast %get3A_1912 : vector<1x16xi32> to vector<16xi32>
      %add3A_1914 = arith.addi %mul3A_1908, %get3A_1913 : vector<16xi32>
      %swap3A_1915 = arith.constant 6 : i32
      %swap3A_1916 = arith.index_cast %swap3A_1915 : i32 to index
      %swap3A_1917 = arith.constant 32 : index
      %swap3A_1918 = tpu.vector_load %arg7[%swap3A_1916, %swap3A_1917] {strides = array<i32>} : memref<8x64xi32, #tpu.memory_space<vmem>>, vector<1x16xi32>,
      %swap3A_1919 = vector.shape_cast %swap3A_1918 : vector<1x16xi32> to vector<16xi32>
      %swap3A_1920 = vector.shape_cast %add3A_1914 : vector<16xi32> to vector<1x16xi32>
      tpu.vector_store %arg7[%swap3A_1916, %swap3A_1917], %swap3A_1920 {strides = array<i32>} : memref<8x64xi32, #tpu.memory_space<vmem>>, vector<1x16xi32>,
      %get3A_1921 = arith.constant 6 : i32
      %get3A_1922 = arith.index_cast %get3A_1921 : i32 to index
      %get3A_1923 = arith.constant 48 : index
      %get3A_1924 = tpu.vector_load %arg8[%get3A_1922, %get3A_1923] {strides = array<i32>} : memref<8x64xi32, #tpu.memory_space<vmem>>, vector<1x16xi32>,
      %get3A_1925 = vector.shape_cast %get3A_1924 : vector<1x16xi32> to vector<16xi32>
      %mul3A_1926 = arith.constant 10000 : i32
      %mul3A_1927 = vector.broadcast %mul3A_1926 : i32 to vector<16xi32>
      %mul3A_1928 = arith.muli %get3A_1925, %mul3A_1927 : vector<16xi32>
      %get3A_1929 = arith.constant 6 : i32
      %get3A_1930 = arith.index_cast %get3A_1929 : i32 to index
      %get3A_1931 = arith.constant 48 : index
      %get3A_1932 = tpu.vector_load %arg7[%get3A_1930, %get3A_1931] {strides = array<i32>} : memref<8x64xi32, #tpu.memory_space<vmem>>, vector<1x16xi32>,
      %get3A_1933 = vector.shape_cast %get3A_1932 : vector<1x16xi32> to vector<16xi32>
      %add3A_1934 = arith.addi %mul3A_1928, %get3A_1933 : vector<16xi32>
      %swap3A_1935 = arith.constant 6 : i32
      %swap3A_1936 = arith.index_cast %swap3A_1935 : i32 to index
      %swap3A_1937 = arith.constant 48 : index
      %swap3A_1938 = tpu.vector_load %arg7[%swap3A_1936, %swap3A_1937] {strides = array<i32>} : memref<8x64xi32, #tpu.memory_space<vmem>>, vector<1x16xi32>,
      %swap3A_1939 = vector.shape_cast %swap3A_1938 : vector<1x16xi32> to vector<16xi32>
      %swap3A_1940 = vector.shape_cast %add3A_1934 : vector<16xi32> to vector<1x16xi32>
      tpu.vector_store %arg7[%swap3A_1936, %swap3A_1937], %swap3A_1940 {strides = array<i32>} : memref<8x64xi32, #tpu.memory_space<vmem>>, vector<1x16xi32>,
      %ge3A_1941 = arith.constant 2 : i32
      %ge3A_1942 = arith.cmpi sge, %add3A_1812, %ge3A_1941 : i32
      %convert_element_type3A_1943 = arith.extui %ge3A_1942 : i1 to i32
      %cond3A_1944 = arith.constant 0 : i32
      %cond3A_1945 = arith.cmpi ne, %convert_element_type3A_1943, %cond3A_1944 : i32
      scf.if %cond3A_1945 {
        %dma_wait3A_2105 = arith.constant 4 : i32
        %dma_wait3A_2106 = arith.constant 0 : i32
        %dma_wait3A_2107 = arith.constant 0 : i32
        %dma_wait3A_2108 = arith.constant 0 : i32
        %dma_wait3A_2109 = tpu.memref_slice %arg10[%dma_wait3A_2106, %dma_wait3A_2107, %dma_wait3A_2108] : memref<4x64x128xf32, #tpu.memory_space<vmem>> -> memref<1x64x128xf32, #tpu.memory_space<vmem>>
        %dma_wait3A_2110 = tpu.memref_squeeze %dma_wait3A_2109 : memref<1x64x128xf32, #tpu.memory_space<vmem>> -> memref<64x128xf32, #tpu.memory_space<vmem>>
        %dma_wait3A_2111 = arith.constant 0 : i32
        %dma_wait3A_2112 = tpu.memref_slice %arg7[%dma_wait3A_2105, %dma_wait3A_2111] : memref<8x64xi32, #tpu.memory_space<vmem>> -> memref<1x64xi32, #tpu.memory_space<vmem>>
        %dma_wait3A_2113 = tpu.memref_squeeze %dma_wait3A_2112 : memref<1x64xi32, #tpu.memory_space<vmem>> -> memref<64xi32, #tpu.memory_space<vmem>>
        %dma_wait3A_2114 = arith.constant 0 : i32
        %dma_wait3A_2115 = arith.constant 0 : i32
        %dma_wait3A_2116 = tpu.memref_slice %arg4[%dma_wait3A_2114, %dma_wait3A_2115] : memref<270000x128xf32, #tpu.memory_space<hbm>> -> memref<270000x128xf32, #tpu.memory_space<hbm>>
        tpu.wait_indirect_dma semaphore(%arg20 : memref<!tpu.dma_semaphore, #tpu.memory_space<semaphore_mem>>) src(%dma_wait3A_2116 : memref<270000x128xf32, #tpu.memory_space<hbm>>) dst(%dma_wait3A_2110 : memref<64x128xf32, #tpu.memory_space<vmem>>)
        %dma_start3A_2117 = arith.constant 0 : i32
        %dma_start3A_2118 = arith.constant 4 : i32
        %dma_start3A_2119 = arith.constant 0 : i32
        %dma_start3A_2120 = arith.constant 0 : i32
        %dma_start3A_2121 = tpu.memref_slice %arg10[%dma_start3A_2117, %dma_start3A_2119, %dma_start3A_2120] : memref<4x64x128xf32, #tpu.memory_space<vmem>> -> memref<1x64x128xf32, #tpu.memory_space<vmem>>
        %dma_start3A_2122 = tpu.memref_squeeze %dma_start3A_2121 : memref<1x64x128xf32, #tpu.memory_space<vmem>> -> memref<64x128xf32, #tpu.memory_space<vmem>>
        %dma_start3A_2123 = arith.constant 0 : i32
        %dma_start3A_2124 = tpu.memref_slice %arg9[%dma_start3A_2118, %dma_start3A_2123] : memref<8x64xi32, #tpu.memory_space<vmem>> -> memref<1x64xi32, #tpu.memory_space<vmem>>
        %dma_start3A_2125 = tpu.memref_squeeze %dma_start3A_2124 : memref<1x64xi32, #tpu.memory_space<vmem>> -> memref<64xi32, #tpu.memory_space<vmem>>
        %dma_start3A_2126 = arith.constant 0 : i32
        %dma_start3A_2127 = arith.constant 0 : i32
        %dma_start3A_2128 = tpu.memref_slice %arg11[%dma_start3A_2126, %dma_start3A_2127] : memref<10240x128xf32, #tpu.memory_space<vmem_shared>> -> memref<10240x128xf32, #tpu.memory_space<vmem_shared>>
        tpu.enqueue_indirect_dma source(%dma_start3A_2122 : memref<64x128xf32, #tpu.memory_space<vmem>>) target(%dma_start3A_2128 : memref<10240x128xf32, #tpu.memory_space<vmem_shared>>) offsets(%dma_start3A_2125 : memref<64xi32, #tpu.memory_space<vmem>>) semaphore(%arg24 : memref<!tpu.dma_semaphore, #tpu.memory_space<semaphore_mem>>) {add = true}
      } else {
      }
      %dma_start3A_1946 = arith.constant 6 : i32
      %dma_start3A_1947 = arith.constant 2 : i32
      %dma_start3A_1948 = arith.constant 0 : i32
      %dma_start3A_1949 = arith.constant 0 : i32
      %dma_start3A_1950 = tpu.memref_slice %arg10[%dma_start3A_1947, %dma_start3A_1948, %dma_start3A_1949] : memref<4x64x128xf32, #tpu.memory_space<vmem>> -> memref<1x64x128xf32, #tpu.memory_space<vmem>>
      %dma_start3A_1951 = tpu.memref_squeeze %dma_start3A_1950 : memref<1x64x128xf32, #tpu.memory_space<vmem>> -> memref<64x128xf32, #tpu.memory_space<vmem>>
      %dma_start3A_1952 = arith.constant 0 : i32
      %dma_start3A_1953 = tpu.memref_slice %arg7[%dma_start3A_1946, %dma_start3A_1952] : memref<8x64xi32, #tpu.memory_space<vmem>> -> memref<1x64xi32, #tpu.memory_space<vmem>>
      %dma_start3A_1954 = tpu.memref_squeeze %dma_start3A_1953 : memref<1x64xi32, #tpu.memory_space<vmem>> -> memref<64xi32, #tpu.memory_space<vmem>>
      %dma_start3A_1955 = arith.constant 0 : i32
      %dma_start3A_1956 = arith.constant 0 : i32
      %dma_start3A_1957 = tpu.memref_slice %arg4[%dma_start3A_1955, %dma_start3A_1956] : memref<270000x128xf32, #tpu.memory_space<hbm>> -> memref<270000x128xf32, #tpu.memory_space<hbm>>
      tpu.enqueue_indirect_dma source(%dma_start3A_1957 : memref<270000x128xf32, #tpu.memory_space<hbm>>) target(%dma_start3A_1951 : memref<64x128xf32, #tpu.memory_space<vmem>>) offsets(%dma_start3A_1954 : memref<64xi32, #tpu.memory_space<vmem>>) semaphore(%arg22 : memref<!tpu.dma_semaphore, #tpu.memory_space<semaphore_mem>>)
      %add3A_1958 = arith.constant 3 : i32
      %add3A_1959 = arith.addi %add3A_1516, %add3A_1958 : i32
      %ge3A_1960 = arith.constant 4 : i32
      %ge3A_1961 = arith.cmpi sge, %add3A_1959, %ge3A_1960 : i32
      %convert_element_type3A_1962 = arith.extui %ge3A_1961 : i1 to i32
      %cond3A_1963 = arith.constant 0 : i32
      %cond3A_1964 = arith.cmpi ne, %convert_element_type3A_1962, %cond3A_1963 : i32
      scf.if %cond3A_1964 {
        %dma_wait3A_2105 = arith.constant 3 : i32
        %dma_wait3A_2106 = arith.constant 3 : i32
        %dma_wait3A_2107 = arith.constant 0 : i32
        %dma_wait3A_2108 = arith.constant 0 : i32
        %dma_wait3A_2109 = tpu.memref_slice %arg10[%dma_wait3A_2105, %dma_wait3A_2107, %dma_wait3A_2108] : memref<4x64x128xf32, #tpu.memory_space<vmem>> -> memref<1x64x128xf32, #tpu.memory_space<vmem>>
        %dma_wait3A_2110 = tpu.memref_squeeze %dma_wait3A_2109 : memref<1x64x128xf32, #tpu.memory_space<vmem>> -> memref<64x128xf32, #tpu.memory_space<vmem>>
        %dma_wait3A_2111 = arith.constant 0 : i32
        %dma_wait3A_2112 = tpu.memref_slice %arg9[%dma_wait3A_2106, %dma_wait3A_2111] : memref<8x64xi32, #tpu.memory_space<vmem>> -> memref<1x64xi32, #tpu.memory_space<vmem>>
        %dma_wait3A_2113 = tpu.memref_squeeze %dma_wait3A_2112 : memref<1x64xi32, #tpu.memory_space<vmem>> -> memref<64xi32, #tpu.memory_space<vmem>>
        %dma_wait3A_2114 = arith.constant 0 : i32
        %dma_wait3A_2115 = arith.constant 0 : i32
        %dma_wait3A_2116 = tpu.memref_slice %arg11[%dma_wait3A_2114, %dma_wait3A_2115] : memref<10240x128xf32, #tpu.memory_space<vmem_shared>> -> memref<10240x128xf32, #tpu.memory_space<vmem_shared>>
        tpu.wait_indirect_dma semaphore(%arg27 : memref<!tpu.dma_semaphore, #tpu.memory_space<semaphore_mem>>) src(%dma_wait3A_2110 : memref<64x128xf32, #tpu.memory_space<vmem>>) dst(%dma_wait3A_2116 : memref<10240x128xf32, #tpu.memory_space<vmem_shared>>)
      } else {
      }
      %add3A_1965 = arith.constant 4 : i32
      %add3A_1966 = arith.addi %add3A_1959, %add3A_1965 : i32
      %lt3A_1967 = arith.constant 156 : i32
      %lt3A_1968 = arith.cmpi slt, %add3A_1966, %lt3A_1967 : i32
      %convert_element_type3A_1969 = arith.extui %lt3A_1968 : i1 to i32
      %cond3A_1970 = arith.constant 0 : i32
      %cond3A_1971 = arith.cmpi ne, %convert_element_type3A_1969, %cond3A_1970 : i32
      scf.if %cond3A_1971 {
        %add3A_2105 = arith.constant 4 : i32
        %add3A_2106 = arith.addi %add3A_1959, %add3A_2105 : i32
        %add3A_2107 = arith.addi %add3A_4, %add3A_2106 : i32
        %mul3A_2108 = arith.constant 64 : i32
        %mul3A_2109 = arith.muli %add3A_2107, %mul3A_2108 : i32
        %dma_start3A_2110 = arith.constant 0 : i32
        %dma_start3A_2111 = arith.constant 3 : i32
        %dma_start3A_2112 = arith.constant 0 : i32
        %dma_start3A_2113 = tpu.memref_slice %arg7[%dma_start3A_2111, %dma_start3A_2112] : memref<8x64xi32, #tpu.memory_space<vmem>> -> memref<1x64xi32, #tpu.memory_space<vmem>>
        %dma_start3A_2114 = tpu.memref_squeeze %dma_start3A_2113 : memref<1x64xi32, #tpu.memory_space<vmem>> -> memref<64xi32, #tpu.memory_space<vmem>>
        %dma_start3A_2115 = tpu.memref_slice %arg2[%dma_start3A_2110, %mul3A_2109] : memref<2x320000xi32, #tpu.memory_space<hbm>> -> memref<1x64xi32, #tpu.memory_space<hbm>>
        %dma_start3A_2116 = tpu.memref_squeeze %dma_start3A_2115 : memref<1x64xi32, #tpu.memory_space<hbm>> -> memref<64xi32, #tpu.memory_space<hbm>>
        %dma_start3A_2117 = arith.constant 0 : i32
        %dma_start3A_2118 = tpu.memref_slice %arg7[%dma_start3A_2111, %dma_start3A_2117] : memref<8x64xi32, #tpu.memory_space<vmem>> -> memref<1x64xi32, #tpu.memory_space<vmem>>
        %dma_start3A_2119 = tpu.memref_squeeze %dma_start3A_2118 : memref<1x64xi32, #tpu.memory_space<vmem>> -> memref<64xi32, #tpu.memory_space<vmem>>
        %dma_start3A_2120 = tpu.memref_slice %arg2[%dma_start3A_2110, %mul3A_2109] : memref<2x320000xi32, #tpu.memory_space<hbm>> -> memref<1x64xi32, #tpu.memory_space<hbm>>
        %dma_start3A_2121 = tpu.memref_squeeze %dma_start3A_2120 : memref<1x64xi32, #tpu.memory_space<hbm>> -> memref<64xi32, #tpu.memory_space<hbm>>
        tpu.enqueue_dma source(%dma_start3A_2121 : memref<64xi32, #tpu.memory_space<hbm>>) target(%dma_start3A_2119 : memref<64xi32, #tpu.memory_space<vmem>>) target_semaphore(%arg15 : memref<!tpu.dma_semaphore, #tpu.memory_space<semaphore_mem>>)
        %dma_start3A_2122 = arith.constant 3 : i32
        %dma_start3A_2123 = arith.constant 0 : i32
        %dma_start3A_2124 = tpu.memref_slice %arg8[%dma_start3A_2122, %dma_start3A_2123] : memref<8x64xi32, #tpu.memory_space<vmem>> -> memref<1x64xi32, #tpu.memory_space<vmem>>
        %dma_start3A_2125 = tpu.memref_squeeze %dma_start3A_2124 : memref<1x64xi32, #tpu.memory_space<vmem>> -> memref<64xi32, #tpu.memory_space<vmem>>
        %dma_start3A_2126 = tpu.memref_slice %arg3[%mul3A_2109] : memref<320000xi32, #tpu.memory_space<hbm>> -> memref<64xi32, #tpu.memory_space<hbm>>
        %dma_start3A_2127 = arith.constant 0 : i32
        %dma_start3A_2128 = tpu.memref_slice %arg8[%dma_start3A_2122, %dma_start3A_2127] : memref<8x64xi32, #tpu.memory_space<vmem>> -> memref<1x64xi32, #tpu.memory_space<vmem>>
        %dma_start3A_2129 = tpu.memref_squeeze %dma_start3A_2128 : memref<1x64xi32, #tpu.memory_space<vmem>> -> memref<64xi32, #tpu.memory_space<vmem>>
        %dma_start3A_2130 = tpu.memref_slice %arg3[%mul3A_2109] : memref<320000xi32, #tpu.memory_space<hbm>> -> memref<64xi32, #tpu.memory_space<hbm>>
        tpu.enqueue_dma source(%dma_start3A_2130 : memref<64xi32, #tpu.memory_space<hbm>>) target(%dma_start3A_2129 : memref<64xi32, #tpu.memory_space<vmem>>) target_semaphore(%arg15 : memref<!tpu.dma_semaphore, #tpu.memory_space<semaphore_mem>>)
        %dma_start3A_2131 = arith.constant 1 : i32
        %dma_start3A_2132 = arith.constant 3 : i32
        %dma_start3A_2133 = arith.constant 0 : i32
        %dma_start3A_2134 = tpu.memref_slice %arg9[%dma_start3A_2132, %dma_start3A_2133] : memref<8x64xi32, #tpu.memory_space<vmem>> -> memref<1x64xi32, #tpu.memory_space<vmem>>
        %dma_start3A_2135 = tpu.memref_squeeze %dma_start3A_2134 : memref<1x64xi32, #tpu.memory_space<vmem>> -> memref<64xi32, #tpu.memory_space<vmem>>
        %dma_start3A_2136 = tpu.memref_slice %arg2[%dma_start3A_2131, %mul3A_2109] : memref<2x320000xi32, #tpu.memory_space<hbm>> -> memref<1x64xi32, #tpu.memory_space<hbm>>
        %dma_start3A_2137 = tpu.memref_squeeze %dma_start3A_2136 : memref<1x64xi32, #tpu.memory_space<hbm>> -> memref<64xi32, #tpu.memory_space<hbm>>
        %dma_start3A_2138 = arith.constant 0 : i32
        %dma_start3A_2139 = tpu.memref_slice %arg9[%dma_start3A_2132, %dma_start3A_2138] : memref<8x64xi32, #tpu.memory_space<vmem>> -> memref<1x64xi32, #tpu.memory_space<vmem>>
        %dma_start3A_2140 = tpu.memref_squeeze %dma_start3A_2139 : memref<1x64xi32, #tpu.memory_space<vmem>> -> memref<64xi32, #tpu.memory_space<vmem>>
        %dma_start3A_2141 = tpu.memref_slice %arg2[%dma_start3A_2131, %mul3A_2109] : memref<2x320000xi32, #tpu.memory_space<hbm>> -> memref<1x64xi32, #tpu.memory_space<hbm>>
        %dma_start3A_2142 = tpu.memref_squeeze %dma_start3A_2141 : memref<1x64xi32, #tpu.memory_space<hbm>> -> memref<64xi32, #tpu.memory_space<hbm>>
        tpu.enqueue_dma source(%dma_start3A_2142 : memref<64xi32, #tpu.memory_space<hbm>>) target(%dma_start3A_2140 : memref<64xi32, #tpu.memory_space<vmem>>) target_semaphore(%arg15 : memref<!tpu.dma_semaphore, #tpu.memory_space<semaphore_mem>>)
      } else {
      }
      %add3A_1972 = arith.addi %add3A_4, %add3A_1959 : i32
      %mul3A_1973 = arith.constant 64 : i32
      %mul3A_1974 = arith.muli %add3A_1972, %mul3A_1973 : i32
      %dma_wait3A_1975 = arith.constant 0 : i32
      %dma_wait3A_1976 = arith.constant 7 : i32
      %dma_wait3A_1977 = arith.constant 0 : i32
      %dma_wait3A_1978 = tpu.memref_slice %arg7[%dma_wait3A_1976, %dma_wait3A_1977] : memref<8x64xi32, #tpu.memory_space<vmem>> -> memref<1x64xi32, #tpu.memory_space<vmem>>
      %dma_wait3A_1979 = tpu.memref_squeeze %dma_wait3A_1978 : memref<1x64xi32, #tpu.memory_space<vmem>> -> memref<64xi32, #tpu.memory_space<vmem>>
      %dma_wait3A_1980 = tpu.memref_slice %arg2[%dma_wait3A_1975, %mul3A_1974] : memref<2x320000xi32, #tpu.memory_space<hbm>> -> memref<1x64xi32, #tpu.memory_space<hbm>>
      %dma_wait3A_1981 = tpu.memref_squeeze %dma_wait3A_1980 : memref<1x64xi32, #tpu.memory_space<hbm>> -> memref<64xi32, #tpu.memory_space<hbm>>
      %dma_wait3A_1982 = arith.constant 0 : i32
      %dma_wait3A_1983 = tpu.memref_slice %arg7[%dma_wait3A_1976, %dma_wait3A_1982] : memref<8x64xi32, #tpu.memory_space<vmem>> -> memref<1x64xi32, #tpu.memory_space<vmem>>
      %dma_wait3A_1984 = tpu.memref_squeeze %dma_wait3A_1983 : memref<1x64xi32, #tpu.memory_space<vmem>> -> memref<64xi32, #tpu.memory_space<vmem>>
      %dma_wait3A_1985 = tpu.memref_slice %arg2[%dma_wait3A_1975, %mul3A_1974] : memref<2x320000xi32, #tpu.memory_space<hbm>> -> memref<1x64xi32, #tpu.memory_space<hbm>>
      %dma_wait3A_1986 = tpu.memref_squeeze %dma_wait3A_1985 : memref<1x64xi32, #tpu.memory_space<hbm>> -> memref<64xi32, #tpu.memory_space<hbm>>
      tpu.wait_dma2 semaphore(%arg19 : memref<!tpu.dma_semaphore, #tpu.memory_space<semaphore_mem>>) src(%dma_wait3A_1986 : memref<64xi32, #tpu.memory_space<hbm>>) dst(%dma_wait3A_1984 : memref<64xi32, #tpu.memory_space<vmem>>)
      %dma_wait3A_1987 = arith.constant 7 : i32
      %dma_wait3A_1988 = arith.constant 0 : i32
      %dma_wait3A_1989 = tpu.memref_slice %arg8[%dma_wait3A_1987, %dma_wait3A_1988] : memref<8x64xi32, #tpu.memory_space<vmem>> -> memref<1x64xi32, #tpu.memory_space<vmem>>
      %dma_wait3A_1990 = tpu.memref_squeeze %dma_wait3A_1989 : memref<1x64xi32, #tpu.memory_space<vmem>> -> memref<64xi32, #tpu.memory_space<vmem>>
      %dma_wait3A_1991 = tpu.memref_slice %arg3[%mul3A_1974] : memref<320000xi32, #tpu.memory_space<hbm>> -> memref<64xi32, #tpu.memory_space<hbm>>
      %dma_wait3A_1992 = arith.constant 0 : i32
      %dma_wait3A_1993 = tpu.memref_slice %arg8[%dma_wait3A_1987, %dma_wait3A_1992] : memref<8x64xi32, #tpu.memory_space<vmem>> -> memref<1x64xi32, #tpu.memory_space<vmem>>
      %dma_wait3A_1994 = tpu.memref_squeeze %dma_wait3A_1993 : memref<1x64xi32, #tpu.memory_space<vmem>> -> memref<64xi32, #tpu.memory_space<vmem>>
      %dma_wait3A_1995 = tpu.memref_slice %arg3[%mul3A_1974] : memref<320000xi32, #tpu.memory_space<hbm>> -> memref<64xi32, #tpu.memory_space<hbm>>
      tpu.wait_dma2 semaphore(%arg19 : memref<!tpu.dma_semaphore, #tpu.memory_space<semaphore_mem>>) src(%dma_wait3A_1995 : memref<64xi32, #tpu.memory_space<hbm>>) dst(%dma_wait3A_1994 : memref<64xi32, #tpu.memory_space<vmem>>)
      %dma_wait3A_1996 = arith.constant 1 : i32
      %dma_wait3A_1997 = arith.constant 7 : i32
      %dma_wait3A_1998 = arith.constant 0 : i32
      %dma_wait3A_1999 = tpu.memref_slice %arg9[%dma_wait3A_1997, %dma_wait3A_1998] : memref<8x64xi32, #tpu.memory_space<vmem>> -> memref<1x64xi32, #tpu.memory_space<vmem>>
      %dma_wait3A_2000 = tpu.memref_squeeze %dma_wait3A_1999 : memref<1x64xi32, #tpu.memory_space<vmem>> -> memref<64xi32, #tpu.memory_space<vmem>>
      %dma_wait3A_2001 = tpu.memref_slice %arg2[%dma_wait3A_1996, %mul3A_1974] : memref<2x320000xi32, #tpu.memory_space<hbm>> -> memref<1x64xi32, #tpu.memory_space<hbm>>
      %dma_wait3A_2002 = tpu.memref_squeeze %dma_wait3A_2001 : memref<1x64xi32, #tpu.memory_space<hbm>> -> memref<64xi32, #tpu.memory_space<hbm>>
      %dma_wait3A_2003 = arith.constant 0 : i32
      %dma_wait3A_2004 = tpu.memref_slice %arg9[%dma_wait3A_1997, %dma_wait3A_2003] : memref<8x64xi32, #tpu.memory_space<vmem>> -> memref<1x64xi32, #tpu.memory_space<vmem>>
      %dma_wait3A_2005 = tpu.memref_squeeze %dma_wait3A_2004 : memref<1x64xi32, #tpu.memory_space<vmem>> -> memref<64xi32, #tpu.memory_space<vmem>>
      %dma_wait3A_2006 = tpu.memref_slice %arg2[%dma_wait3A_1996, %mul3A_1974] : memref<2x320000xi32, #tpu.memory_space<hbm>> -> memref<1x64xi32, #tpu.memory_space<hbm>>
      %dma_wait3A_2007 = tpu.memref_squeeze %dma_wait3A_2006 : memref<1x64xi32, #tpu.memory_space<hbm>> -> memref<64xi32, #tpu.memory_space<hbm>>
      tpu.wait_dma2 semaphore(%arg19 : memref<!tpu.dma_semaphore, #tpu.memory_space<semaphore_mem>>) src(%dma_wait3A_2007 : memref<64xi32, #tpu.memory_space<hbm>>) dst(%dma_wait3A_2005 : memref<64xi32, #tpu.memory_space<vmem>>)
      %get3A_2008 = arith.constant 7 : i32
      %get3A_2009 = arith.index_cast %get3A_2008 : i32 to index
      %get3A_2010 = arith.constant 0 : index
      %get3A_2011 = tpu.vector_load %arg8[%get3A_2009, %get3A_2010] {strides = array<i32>} : memref<8x64xi32, #tpu.memory_space<vmem>>, vector<1x16xi32>,
      %get3A_2012 = vector.shape_cast %get3A_2011 : vector<1x16xi32> to vector<16xi32>
      %mul3A_2013 = arith.constant 10000 : i32
      %mul3A_2014 = vector.broadcast %mul3A_2013 : i32 to vector<16xi32>
      %mul3A_2015 = arith.muli %get3A_2012, %mul3A_2014 : vector<16xi32>
      %get3A_2016 = arith.constant 7 : i32
      %get3A_2017 = arith.index_cast %get3A_2016 : i32 to index
      %get3A_2018 = arith.constant 0 : index
      %get3A_2019 = tpu.vector_load %arg7[%get3A_2017, %get3A_2018] {strides = array<i32>} : memref<8x64xi32, #tpu.memory_space<vmem>>, vector<1x16xi32>,
      %get3A_2020 = vector.shape_cast %get3A_2019 : vector<1x16xi32> to vector<16xi32>
      %add3A_2021 = arith.addi %mul3A_2015, %get3A_2020 : vector<16xi32>
      %swap3A_2022 = arith.constant 7 : i32
      %swap3A_2023 = arith.index_cast %swap3A_2022 : i32 to index
      %swap3A_2024 = arith.constant 0 : index
      %swap3A_2025 = tpu.vector_load %arg7[%swap3A_2023, %swap3A_2024] {strides = array<i32>} : memref<8x64xi32, #tpu.memory_space<vmem>>, vector<1x16xi32>,
      %swap3A_2026 = vector.shape_cast %swap3A_2025 : vector<1x16xi32> to vector<16xi32>
      %swap3A_2027 = vector.shape_cast %add3A_2021 : vector<16xi32> to vector<1x16xi32>
      tpu.vector_store %arg7[%swap3A_2023, %swap3A_2024], %swap3A_2027 {strides = array<i32>} : memref<8x64xi32, #tpu.memory_space<vmem>>, vector<1x16xi32>,
      %get3A_2028 = arith.constant 7 : i32
      %get3A_2029 = arith.index_cast %get3A_2028 : i32 to index
      %get3A_2030 = arith.constant 16 : index
      %get3A_2031 = tpu.vector_load %arg8[%get3A_2029, %get3A_2030] {strides = array<i32>} : memref<8x64xi32, #tpu.memory_space<vmem>>, vector<1x16xi32>,
      %get3A_2032 = vector.shape_cast %get3A_2031 : vector<1x16xi32> to vector<16xi32>
      %mul3A_2033 = arith.constant 10000 : i32
      %mul3A_2034 = vector.broadcast %mul3A_2033 : i32 to vector<16xi32>
      %mul3A_2035 = arith.muli %get3A_2032, %mul3A_2034 : vector<16xi32>
      %get3A_2036 = arith.constant 7 : i32
      %get3A_2037 = arith.index_cast %get3A_2036 : i32 to index
      %get3A_2038 = arith.constant 16 : index
      %get3A_2039 = tpu.vector_load %arg7[%get3A_2037, %get3A_2038] {strides = array<i32>} : memref<8x64xi32, #tpu.memory_space<vmem>>, vector<1x16xi32>,
      %get3A_2040 = vector.shape_cast %get3A_2039 : vector<1x16xi32> to vector<16xi32>
      %add3A_2041 = arith.addi %mul3A_2035, %get3A_2040 : vector<16xi32>
      %swap3A_2042 = arith.constant 7 : i32
      %swap3A_2043 = arith.index_cast %swap3A_2042 : i32 to index
      %swap3A_2044 = arith.constant 16 : index
      %swap3A_2045 = tpu.vector_load %arg7[%swap3A_2043, %swap3A_2044] {strides = array<i32>} : memref<8x64xi32, #tpu.memory_space<vmem>>, vector<1x16xi32>,
      %swap3A_2046 = vector.shape_cast %swap3A_2045 : vector<1x16xi32> to vector<16xi32>
      %swap3A_2047 = vector.shape_cast %add3A_2041 : vector<16xi32> to vector<1x16xi32>
      tpu.vector_store %arg7[%swap3A_2043, %swap3A_2044], %swap3A_2047 {strides = array<i32>} : memref<8x64xi32, #tpu.memory_space<vmem>>, vector<1x16xi32>,
      %get3A_2048 = arith.constant 7 : i32
      %get3A_2049 = arith.index_cast %get3A_2048 : i32 to index
      %get3A_2050 = arith.constant 32 : index
      %get3A_2051 = tpu.vector_load %arg8[%get3A_2049, %get3A_2050] {strides = array<i32>} : memref<8x64xi32, #tpu.memory_space<vmem>>, vector<1x16xi32>,
      %get3A_2052 = vector.shape_cast %get3A_2051 : vector<1x16xi32> to vector<16xi32>
      %mul3A_2053 = arith.constant 10000 : i32
      %mul3A_2054 = vector.broadcast %mul3A_2053 : i32 to vector<16xi32>
      %mul3A_2055 = arith.muli %get3A_2052, %mul3A_2054 : vector<16xi32>
      %get3A_2056 = arith.constant 7 : i32
      %get3A_2057 = arith.index_cast %get3A_2056 : i32 to index
      %get3A_2058 = arith.constant 32 : index
      %get3A_2059 = tpu.vector_load %arg7[%get3A_2057, %get3A_2058] {strides = array<i32>} : memref<8x64xi32, #tpu.memory_space<vmem>>, vector<1x16xi32>,
      %get3A_2060 = vector.shape_cast %get3A_2059 : vector<1x16xi32> to vector<16xi32>
      %add3A_2061 = arith.addi %mul3A_2055, %get3A_2060 : vector<16xi32>
      %swap3A_2062 = arith.constant 7 : i32
      %swap3A_2063 = arith.index_cast %swap3A_2062 : i32 to index
      %swap3A_2064 = arith.constant 32 : index
      %swap3A_2065 = tpu.vector_load %arg7[%swap3A_2063, %swap3A_2064] {strides = array<i32>} : memref<8x64xi32, #tpu.memory_space<vmem>>, vector<1x16xi32>,
      %swap3A_2066 = vector.shape_cast %swap3A_2065 : vector<1x16xi32> to vector<16xi32>
      %swap3A_2067 = vector.shape_cast %add3A_2061 : vector<16xi32> to vector<1x16xi32>
      tpu.vector_store %arg7[%swap3A_2063, %swap3A_2064], %swap3A_2067 {strides = array<i32>} : memref<8x64xi32, #tpu.memory_space<vmem>>, vector<1x16xi32>,
      %get3A_2068 = arith.constant 7 : i32
      %get3A_2069 = arith.index_cast %get3A_2068 : i32 to index
      %get3A_2070 = arith.constant 48 : index
      %get3A_2071 = tpu.vector_load %arg8[%get3A_2069, %get3A_2070] {strides = array<i32>} : memref<8x64xi32, #tpu.memory_space<vmem>>, vector<1x16xi32>,
      %get3A_2072 = vector.shape_cast %get3A_2071 : vector<1x16xi32> to vector<16xi32>
      %mul3A_2073 = arith.constant 10000 : i32
      %mul3A_2074 = vector.broadcast %mul3A_2073 : i32 to vector<16xi32>
      %mul3A_2075 = arith.muli %get3A_2072, %mul3A_2074 : vector<16xi32>
      %get3A_2076 = arith.constant 7 : i32
      %get3A_2077 = arith.index_cast %get3A_2076 : i32 to index
      %get3A_2078 = arith.constant 48 : index
      %get3A_2079 = tpu.vector_load %arg7[%get3A_2077, %get3A_2078] {strides = array<i32>} : memref<8x64xi32, #tpu.memory_space<vmem>>, vector<1x16xi32>,
      %get3A_2080 = vector.shape_cast %get3A_2079 : vector<1x16xi32> to vector<16xi32>
      %add3A_2081 = arith.addi %mul3A_2075, %get3A_2080 : vector<16xi32>
      %swap3A_2082 = arith.constant 7 : i32
      %swap3A_2083 = arith.index_cast %swap3A_2082 : i32 to index
      %swap3A_2084 = arith.constant 48 : index
      %swap3A_2085 = tpu.vector_load %arg7[%swap3A_2083, %swap3A_2084] {strides = array<i32>} : memref<8x64xi32, #tpu.memory_space<vmem>>, vector<1x16xi32>,
      %swap3A_2086 = vector.shape_cast %swap3A_2085 : vector<1x16xi32> to vector<16xi32>
      %swap3A_2087 = vector.shape_cast %add3A_2081 : vector<16xi32> to vector<1x16xi32>
      tpu.vector_store %arg7[%swap3A_2083, %swap3A_2084], %swap3A_2087 {strides = array<i32>} : memref<8x64xi32, #tpu.memory_space<vmem>>, vector<1x16xi32>,
      %ge3A_2088 = arith.constant 2 : i32
      %ge3A_2089 = arith.cmpi sge, %add3A_1959, %ge3A_2088 : i32
      %convert_element_type3A_2090 = arith.extui %ge3A_2089 : i1 to i32
      %cond3A_2091 = arith.constant 0 : i32
      %cond3A_2092 = arith.cmpi ne, %convert_element_type3A_2090, %cond3A_2091 : i32
      scf.if %cond3A_2092 {
        %dma_wait3A_2105 = arith.constant 5 : i32
        %dma_wait3A_2106 = arith.constant 1 : i32
        %dma_wait3A_2107 = arith.constant 0 : i32
        %dma_wait3A_2108 = arith.constant 0 : i32
        %dma_wait3A_2109 = tpu.memref_slice %arg10[%dma_wait3A_2106, %dma_wait3A_2107, %dma_wait3A_2108] : memref<4x64x128xf32, #tpu.memory_space<vmem>> -> memref<1x64x128xf32, #tpu.memory_space<vmem>>
        %dma_wait3A_2110 = tpu.memref_squeeze %dma_wait3A_2109 : memref<1x64x128xf32, #tpu.memory_space<vmem>> -> memref<64x128xf32, #tpu.memory_space<vmem>>
        %dma_wait3A_2111 = arith.constant 0 : i32
        %dma_wait3A_2112 = tpu.memref_slice %arg7[%dma_wait3A_2105, %dma_wait3A_2111] : memref<8x64xi32, #tpu.memory_space<vmem>> -> memref<1x64xi32, #tpu.memory_space<vmem>>
        %dma_wait3A_2113 = tpu.memref_squeeze %dma_wait3A_2112 : memref<1x64xi32, #tpu.memory_space<vmem>> -> memref<64xi32, #tpu.memory_space<vmem>>
        %dma_wait3A_2114 = arith.constant 0 : i32
        %dma_wait3A_2115 = arith.constant 0 : i32
        %dma_wait3A_2116 = tpu.memref_slice %arg4[%dma_wait3A_2114, %dma_wait3A_2115] : memref<270000x128xf32, #tpu.memory_space<hbm>> -> memref<270000x128xf32, #tpu.memory_space<hbm>>
        tpu.wait_indirect_dma semaphore(%arg21 : memref<!tpu.dma_semaphore, #tpu.memory_space<semaphore_mem>>) src(%dma_wait3A_2116 : memref<270000x128xf32, #tpu.memory_space<hbm>>) dst(%dma_wait3A_2110 : memref<64x128xf32, #tpu.memory_space<vmem>>)
        %dma_start3A_2117 = arith.constant 1 : i32
        %dma_start3A_2118 = arith.constant 5 : i32
        %dma_start3A_2119 = arith.constant 0 : i32
        %dma_start3A_2120 = arith.constant 0 : i32
        %dma_start3A_2121 = tpu.memref_slice %arg10[%dma_start3A_2117, %dma_start3A_2119, %dma_start3A_2120] : memref<4x64x128xf32, #tpu.memory_space<vmem>> -> memref<1x64x128xf32, #tpu.memory_space<vmem>>
        %dma_start3A_2122 = tpu.memref_squeeze %dma_start3A_2121 : memref<1x64x128xf32, #tpu.memory_space<vmem>> -> memref<64x128xf32, #tpu.memory_space<vmem>>
        %dma_start3A_2123 = arith.constant 0 : i32
        %dma_start3A_2124 = tpu.memref_slice %arg9[%dma_start3A_2118, %dma_start3A_2123] : memref<8x64xi32, #tpu.memory_space<vmem>> -> memref<1x64xi32, #tpu.memory_space<vmem>>
        %dma_start3A_2125 = tpu.memref_squeeze %dma_start3A_2124 : memref<1x64xi32, #tpu.memory_space<vmem>> -> memref<64xi32, #tpu.memory_space<vmem>>
        %dma_start3A_2126 = arith.constant 0 : i32
        %dma_start3A_2127 = arith.constant 0 : i32
        %dma_start3A_2128 = tpu.memref_slice %arg11[%dma_start3A_2126, %dma_start3A_2127] : memref<10240x128xf32, #tpu.memory_space<vmem_shared>> -> memref<10240x128xf32, #tpu.memory_space<vmem_shared>>
        tpu.enqueue_indirect_dma source(%dma_start3A_2122 : memref<64x128xf32, #tpu.memory_space<vmem>>) target(%dma_start3A_2128 : memref<10240x128xf32, #tpu.memory_space<vmem_shared>>) offsets(%dma_start3A_2125 : memref<64xi32, #tpu.memory_space<vmem>>) semaphore(%arg25 : memref<!tpu.dma_semaphore, #tpu.memory_space<semaphore_mem>>) {add = true}
      } else {
      }
      %dma_start3A_2093 = arith.constant 7 : i32
      %dma_start3A_2094 = arith.constant 3 : i32
      %dma_start3A_2095 = arith.constant 0 : i32
      %dma_start3A_2096 = arith.constant 0 : i32
      %dma_start3A_2097 = tpu.memref_slice %arg10[%dma_start3A_2094, %dma_start3A_2095, %dma_start3A_2096] : memref<4x64x128xf32, #tpu.memory_space<vmem>> -> memref<1x64x128xf32, #tpu.memory_space<vmem>>
      %dma_start3A_2098 = tpu.memref_squeeze %dma_start3A_2097 : memref<1x64x128xf32, #tpu.memory_space<vmem>> -> memref<64x128xf32, #tpu.memory_space<vmem>>
      %dma_start3A_2099 = arith.constant 0 : i32
      %dma_start3A_2100 = tpu.memref_slice %arg7[%dma_start3A_2093, %dma_start3A_2099] : memref<8x64xi32, #tpu.memory_space<vmem>> -> memref<1x64xi32, #tpu.memory_space<vmem>>
      %dma_start3A_2101 = tpu.memref_squeeze %dma_start3A_2100 : memref<1x64xi32, #tpu.memory_space<vmem>> -> memref<64xi32, #tpu.memory_space<vmem>>
      %dma_start3A_2102 = arith.constant 0 : i32
      %dma_start3A_2103 = arith.constant 0 : i32
      %dma_start3A_2104 = tpu.memref_slice %arg4[%dma_start3A_2102, %dma_start3A_2103] : memref<270000x128xf32, #tpu.memory_space<hbm>> -> memref<270000x128xf32, #tpu.memory_space<hbm>>
      tpu.enqueue_indirect_dma source(%dma_start3A_2104 : memref<270000x128xf32, #tpu.memory_space<hbm>>) target(%dma_start3A_2098 : memref<64x128xf32, #tpu.memory_space<vmem>>) offsets(%dma_start3A_2101 : memref<64xi32, #tpu.memory_space<vmem>>) semaphore(%arg23 : memref<!tpu.dma_semaphore, #tpu.memory_space<semaphore_mem>>)
    }
    %scan3A_159 = arith.constant 19 : i32
    %dma_wait3A = arith.constant 0 : i32
    %dma_wait3A_160 = arith.constant 4 : i32
    %dma_wait3A_161 = arith.constant 0 : i32
    %dma_wait3A_162 = arith.constant 0 : i32
    %dma_wait3A_163 = tpu.memref_slice %arg10[%dma_wait3A, %dma_wait3A_161, %dma_wait3A_162] : memref<4x64x128xf32, #tpu.memory_space<vmem>> -> memref<1x64x128xf32, #tpu.memory_space<vmem>>
    %dma_wait3A_164 = tpu.memref_squeeze %dma_wait3A_163 : memref<1x64x128xf32, #tpu.memory_space<vmem>> -> memref<64x128xf32, #tpu.memory_space<vmem>>
    %dma_wait3A_165 = arith.constant 0 : i32
    %dma_wait3A_166 = tpu.memref_slice %arg9[%dma_wait3A_160, %dma_wait3A_165] : memref<8x64xi32, #tpu.memory_space<vmem>> -> memref<1x64xi32, #tpu.memory_space<vmem>>
    %dma_wait3A_167 = tpu.memref_squeeze %dma_wait3A_166 : memref<1x64xi32, #tpu.memory_space<vmem>> -> memref<64xi32, #tpu.memory_space<vmem>>
    %dma_wait3A_168 = arith.constant 0 : i32
    %dma_wait3A_169 = arith.constant 0 : i32
    %dma_wait3A_170 = tpu.memref_slice %arg11[%dma_wait3A_168, %dma_wait3A_169] : memref<10240x128xf32, #tpu.memory_space<vmem_shared>> -> memref<10240x128xf32, #tpu.memory_space<vmem_shared>>
    tpu.wait_indirect_dma semaphore(%arg24 : memref<!tpu.dma_semaphore, #tpu.memory_space<semaphore_mem>>) src(%dma_wait3A_164 : memref<64x128xf32, #tpu.memory_space<vmem>>) dst(%dma_wait3A_170 : memref<10240x128xf32, #tpu.memory_space<vmem_shared>>)
    %add3A_171 = arith.constant 152 : i32
    %add3A_172 = arith.addi %add3A_4, %add3A_171 : i32
    %mul3A_173 = arith.constant 64 : i32
    %mul3A_174 = arith.muli %add3A_172, %mul3A_173 : i32
    %dma_wait3A_175 = arith.constant 0 : i32
    %dma_wait3A_176 = arith.constant 0 : i32
    %dma_wait3A_177 = arith.constant 0 : i32
    %dma_wait3A_178 = tpu.memref_slice %arg7[%dma_wait3A_176, %dma_wait3A_177] : memref<8x64xi32, #tpu.memory_space<vmem>> -> memref<1x64xi32, #tpu.memory_space<vmem>>
    %dma_wait3A_179 = tpu.memref_squeeze %dma_wait3A_178 : memref<1x64xi32, #tpu.memory_space<vmem>> -> memref<64xi32, #tpu.memory_space<vmem>>
    %dma_wait3A_180 = tpu.memref_slice %arg2[%dma_wait3A_175, %mul3A_174] : memref<2x320000xi32, #tpu.memory_space<hbm>> -> memref<1x64xi32, #tpu.memory_space<hbm>>
    %dma_wait3A_181 = tpu.memref_squeeze %dma_wait3A_180 : memref<1x64xi32, #tpu.memory_space<hbm>> -> memref<64xi32, #tpu.memory_space<hbm>>
    %dma_wait3A_182 = arith.constant 0 : i32
    %dma_wait3A_183 = tpu.memref_slice %arg7[%dma_wait3A_176, %dma_wait3A_182] : memref<8x64xi32, #tpu.memory_space<vmem>> -> memref<1x64xi32, #tpu.memory_space<vmem>>
    %dma_wait3A_184 = tpu.memref_squeeze %dma_wait3A_183 : memref<1x64xi32, #tpu.memory_space<vmem>> -> memref<64xi32, #tpu.memory_space<vmem>>
    %dma_wait3A_185 = tpu.memref_slice %arg2[%dma_wait3A_175, %mul3A_174] : memref<2x320000xi32, #tpu.memory_space<hbm>> -> memref<1x64xi32, #tpu.memory_space<hbm>>
    %dma_wait3A_186 = tpu.memref_squeeze %dma_wait3A_185 : memref<1x64xi32, #tpu.memory_space<hbm>> -> memref<64xi32, #tpu.memory_space<hbm>>
    tpu.wait_dma2 semaphore(%arg12 : memref<!tpu.dma_semaphore, #tpu.memory_space<semaphore_mem>>) src(%dma_wait3A_186 : memref<64xi32, #tpu.memory_space<hbm>>) dst(%dma_wait3A_184 : memref<64xi32, #tpu.memory_space<vmem>>)
    %dma_wait3A_187 = arith.constant 0 : i32
    %dma_wait3A_188 = arith.constant 0 : i32
    %dma_wait3A_189 = tpu.memref_slice %arg8[%dma_wait3A_187, %dma_wait3A_188] : memref<8x64xi32, #tpu.memory_space<vmem>> -> memref<1x64xi32, #tpu.memory_space<vmem>>
    %dma_wait3A_190 = tpu.memref_squeeze %dma_wait3A_189 : memref<1x64xi32, #tpu.memory_space<vmem>> -> memref<64xi32, #tpu.memory_space<vmem>>
    %dma_wait3A_191 = tpu.memref_slice %arg3[%mul3A_174] : memref<320000xi32, #tpu.memory_space<hbm>> -> memref<64xi32, #tpu.memory_space<hbm>>
    %dma_wait3A_192 = arith.constant 0 : i32
    %dma_wait3A_193 = tpu.memref_slice %arg8[%dma_wait3A_187, %dma_wait3A_192] : memref<8x64xi32, #tpu.memory_space<vmem>> -> memref<1x64xi32, #tpu.memory_space<vmem>>
    %dma_wait3A_194 = tpu.memref_squeeze %dma_wait3A_193 : memref<1x64xi32, #tpu.memory_space<vmem>> -> memref<64xi32, #tpu.memory_space<vmem>>
    %dma_wait3A_195 = tpu.memref_slice %arg3[%mul3A_174] : memref<320000xi32, #tpu.memory_space<hbm>> -> memref<64xi32, #tpu.memory_space<hbm>>
    tpu.wait_dma2 semaphore(%arg12 : memref<!tpu.dma_semaphore, #tpu.memory_space<semaphore_mem>>) src(%dma_wait3A_195 : memref<64xi32, #tpu.memory_space<hbm>>) dst(%dma_wait3A_194 : memref<64xi32, #tpu.memory_space<vmem>>)
    %dma_wait3A_196 = arith.constant 1 : i32
    %dma_wait3A_197 = arith.constant 0 : i32
    %dma_wait3A_198 = arith.constant 0 : i32
    %dma_wait3A_199 = tpu.memref_slice %arg9[%dma_wait3A_197, %dma_wait3A_198] : memref<8x64xi32, #tpu.memory_space<vmem>> -> memref<1x64xi32, #tpu.memory_space<vmem>>
    %dma_wait3A_200 = tpu.memref_squeeze %dma_wait3A_199 : memref<1x64xi32, #tpu.memory_space<vmem>> -> memref<64xi32, #tpu.memory_space<vmem>>
    %dma_wait3A_201 = tpu.memref_slice %arg2[%dma_wait3A_196, %mul3A_174] : memref<2x320000xi32, #tpu.memory_space<hbm>> -> memref<1x64xi32, #tpu.memory_space<hbm>>
    %dma_wait3A_202 = tpu.memref_squeeze %dma_wait3A_201 : memref<1x64xi32, #tpu.memory_space<hbm>> -> memref<64xi32, #tpu.memory_space<hbm>>
    %dma_wait3A_203 = arith.constant 0 : i32
    %dma_wait3A_204 = tpu.memref_slice %arg9[%dma_wait3A_197, %dma_wait3A_203] : memref<8x64xi32, #tpu.memory_space<vmem>> -> memref<1x64xi32, #tpu.memory_space<vmem>>
    %dma_wait3A_205 = tpu.memref_squeeze %dma_wait3A_204 : memref<1x64xi32, #tpu.memory_space<vmem>> -> memref<64xi32, #tpu.memory_space<vmem>>
    %dma_wait3A_206 = tpu.memref_slice %arg2[%dma_wait3A_196, %mul3A_174] : memref<2x320000xi32, #tpu.memory_space<hbm>> -> memref<1x64xi32, #tpu.memory_space<hbm>>
    %dma_wait3A_207 = tpu.memref_squeeze %dma_wait3A_206 : memref<1x64xi32, #tpu.memory_space<hbm>> -> memref<64xi32, #tpu.memory_space<hbm>>
    tpu.wait_dma2 semaphore(%arg12 : memref<!tpu.dma_semaphore, #tpu.memory_space<semaphore_mem>>) src(%dma_wait3A_207 : memref<64xi32, #tpu.memory_space<hbm>>) dst(%dma_wait3A_205 : memref<64xi32, #tpu.memory_space<vmem>>)
    %get3A = arith.constant 0 : i32
    %get3A_208 = arith.index_cast %get3A : i32 to index
    %get3A_209 = arith.constant 0 : index
    %get3A_210 = tpu.vector_load %arg8[%get3A_208, %get3A_209] {strides = array<i32>} : memref<8x64xi32, #tpu.memory_space<vmem>>, vector<1x16xi32>,
    %get3A_211 = vector.shape_cast %get3A_210 : vector<1x16xi32> to vector<16xi32>
    %mul3A_212 = arith.constant 10000 : i32
    %mul3A_213 = vector.broadcast %mul3A_212 : i32 to vector<16xi32>
    %mul3A_214 = arith.muli %get3A_211, %mul3A_213 : vector<16xi32>
    %get3A_215 = arith.constant 0 : i32
    %get3A_216 = arith.index_cast %get3A_215 : i32 to index
    %get3A_217 = arith.constant 0 : index
    %get3A_218 = tpu.vector_load %arg7[%get3A_216, %get3A_217] {strides = array<i32>} : memref<8x64xi32, #tpu.memory_space<vmem>>, vector<1x16xi32>,
    %get3A_219 = vector.shape_cast %get3A_218 : vector<1x16xi32> to vector<16xi32>
    %add3A_220 = arith.addi %mul3A_214, %get3A_219 : vector<16xi32>
    %swap3A = arith.constant 0 : i32
    %swap3A_221 = arith.index_cast %swap3A : i32 to index
    %swap3A_222 = arith.constant 0 : index
    %swap3A_223 = tpu.vector_load %arg7[%swap3A_221, %swap3A_222] {strides = array<i32>} : memref<8x64xi32, #tpu.memory_space<vmem>>, vector<1x16xi32>,
    %swap3A_224 = vector.shape_cast %swap3A_223 : vector<1x16xi32> to vector<16xi32>
    %swap3A_225 = vector.shape_cast %add3A_220 : vector<16xi32> to vector<1x16xi32>
    tpu.vector_store %arg7[%swap3A_221, %swap3A_222], %swap3A_225 {strides = array<i32>} : memref<8x64xi32, #tpu.memory_space<vmem>>, vector<1x16xi32>,
    %get3A_226 = arith.constant 0 : i32
    %get3A_227 = arith.index_cast %get3A_226 : i32 to index
    %get3A_228 = arith.constant 16 : index
    %get3A_229 = tpu.vector_load %arg8[%get3A_227, %get3A_228] {strides = array<i32>} : memref<8x64xi32, #tpu.memory_space<vmem>>, vector<1x16xi32>,
    %get3A_230 = vector.shape_cast %get3A_229 : vector<1x16xi32> to vector<16xi32>
    %mul3A_231 = arith.constant 10000 : i32
    %mul3A_232 = vector.broadcast %mul3A_231 : i32 to vector<16xi32>
    %mul3A_233 = arith.muli %get3A_230, %mul3A_232 : vector<16xi32>
    %get3A_234 = arith.constant 0 : i32
    %get3A_235 = arith.index_cast %get3A_234 : i32 to index
    %get3A_236 = arith.constant 16 : index
    %get3A_237 = tpu.vector_load %arg7[%get3A_235, %get3A_236] {strides = array<i32>} : memref<8x64xi32, #tpu.memory_space<vmem>>, vector<1x16xi32>,
    %get3A_238 = vector.shape_cast %get3A_237 : vector<1x16xi32> to vector<16xi32>
    %add3A_239 = arith.addi %mul3A_233, %get3A_238 : vector<16xi32>
    %swap3A_240 = arith.constant 0 : i32
    %swap3A_241 = arith.index_cast %swap3A_240 : i32 to index
    %swap3A_242 = arith.constant 16 : index
    %swap3A_243 = tpu.vector_load %arg7[%swap3A_241, %swap3A_242] {strides = array<i32>} : memref<8x64xi32, #tpu.memory_space<vmem>>, vector<1x16xi32>,
    %swap3A_244 = vector.shape_cast %swap3A_243 : vector<1x16xi32> to vector<16xi32>
    %swap3A_245 = vector.shape_cast %add3A_239 : vector<16xi32> to vector<1x16xi32>
    tpu.vector_store %arg7[%swap3A_241, %swap3A_242], %swap3A_245 {strides = array<i32>} : memref<8x64xi32, #tpu.memory_space<vmem>>, vector<1x16xi32>,
    %get3A_246 = arith.constant 0 : i32
    %get3A_247 = arith.index_cast %get3A_246 : i32 to index
    %get3A_248 = arith.constant 32 : index
    %get3A_249 = tpu.vector_load %arg8[%get3A_247, %get3A_248] {strides = array<i32>} : memref<8x64xi32, #tpu.memory_space<vmem>>, vector<1x16xi32>,
    %get3A_250 = vector.shape_cast %get3A_249 : vector<1x16xi32> to vector<16xi32>
    %mul3A_251 = arith.constant 10000 : i32
    %mul3A_252 = vector.broadcast %mul3A_251 : i32 to vector<16xi32>
    %mul3A_253 = arith.muli %get3A_250, %mul3A_252 : vector<16xi32>
    %get3A_254 = arith.constant 0 : i32
    %get3A_255 = arith.index_cast %get3A_254 : i32 to index
    %get3A_256 = arith.constant 32 : index
    %get3A_257 = tpu.vector_load %arg7[%get3A_255, %get3A_256] {strides = array<i32>} : memref<8x64xi32, #tpu.memory_space<vmem>>, vector<1x16xi32>,
    %get3A_258 = vector.shape_cast %get3A_257 : vector<1x16xi32> to vector<16xi32>
    %add3A_259 = arith.addi %mul3A_253, %get3A_258 : vector<16xi32>
    %swap3A_260 = arith.constant 0 : i32
    %swap3A_261 = arith.index_cast %swap3A_260 : i32 to index
    %swap3A_262 = arith.constant 32 : index
    %swap3A_263 = tpu.vector_load %arg7[%swap3A_261, %swap3A_262] {strides = array<i32>} : memref<8x64xi32, #tpu.memory_space<vmem>>, vector<1x16xi32>,
    %swap3A_264 = vector.shape_cast %swap3A_263 : vector<1x16xi32> to vector<16xi32>
    %swap3A_265 = vector.shape_cast %add3A_259 : vector<16xi32> to vector<1x16xi32>
    tpu.vector_store %arg7[%swap3A_261, %swap3A_262], %swap3A_265 {strides = array<i32>} : memref<8x64xi32, #tpu.memory_space<vmem>>, vector<1x16xi32>,
    %get3A_266 = arith.constant 0 : i32
    %get3A_267 = arith.index_cast %get3A_266 : i32 to index
    %get3A_268 = arith.constant 48 : index
    %get3A_269 = tpu.vector_load %arg8[%get3A_267, %get3A_268] {strides = array<i32>} : memref<8x64xi32, #tpu.memory_space<vmem>>, vector<1x16xi32>,
    %get3A_270 = vector.shape_cast %get3A_269 : vector<1x16xi32> to vector<16xi32>
    %mul3A_271 = arith.constant 10000 : i32
    %mul3A_272 = vector.broadcast %mul3A_271 : i32 to vector<16xi32>
    %mul3A_273 = arith.muli %get3A_270, %mul3A_272 : vector<16xi32>
    %get3A_274 = arith.constant 0 : i32
    %get3A_275 = arith.index_cast %get3A_274 : i32 to index
    %get3A_276 = arith.constant 48 : index
    %get3A_277 = tpu.vector_load %arg7[%get3A_275, %get3A_276] {strides = array<i32>} : memref<8x64xi32, #tpu.memory_space<vmem>>, vector<1x16xi32>,
    %get3A_278 = vector.shape_cast %get3A_277 : vector<1x16xi32> to vector<16xi32>
    %add3A_279 = arith.addi %mul3A_273, %get3A_278 : vector<16xi32>
    %swap3A_280 = arith.constant 0 : i32
    %swap3A_281 = arith.index_cast %swap3A_280 : i32 to index
    %swap3A_282 = arith.constant 48 : index
    %swap3A_283 = tpu.vector_load %arg7[%swap3A_281, %swap3A_282] {strides = array<i32>} : memref<8x64xi32, #tpu.memory_space<vmem>>, vector<1x16xi32>,
    %swap3A_284 = vector.shape_cast %swap3A_283 : vector<1x16xi32> to vector<16xi32>
    %swap3A_285 = vector.shape_cast %add3A_279 : vector<16xi32> to vector<1x16xi32>
    tpu.vector_store %arg7[%swap3A_281, %swap3A_282], %swap3A_285 {strides = array<i32>} : memref<8x64xi32, #tpu.memory_space<vmem>>, vector<1x16xi32>,
    %dma_wait3A_286 = arith.constant 6 : i32
    %dma_wait3A_287 = arith.constant 2 : i32
    %dma_wait3A_288 = arith.constant 0 : i32
    %dma_wait3A_289 = arith.constant 0 : i32
    %dma_wait3A_290 = tpu.memref_slice %arg10[%dma_wait3A_287, %dma_wait3A_288, %dma_wait3A_289] : memref<4x64x128xf32, #tpu.memory_space<vmem>> -> memref<1x64x128xf32, #tpu.memory_space<vmem>>
    %dma_wait3A_291 = tpu.memref_squeeze %dma_wait3A_290 : memref<1x64x128xf32, #tpu.memory_space<vmem>> -> memref<64x128xf32, #tpu.memory_space<vmem>>
    %dma_wait3A_292 = arith.constant 0 : i32
    %dma_wait3A_293 = tpu.memref_slice %arg7[%dma_wait3A_286, %dma_wait3A_292] : memref<8x64xi32, #tpu.memory_space<vmem>> -> memref<1x64xi32, #tpu.memory_space<vmem>>
    %dma_wait3A_294 = tpu.memref_squeeze %dma_wait3A_293 : memref<1x64xi32, #tpu.memory_space<vmem>> -> memref<64xi32, #tpu.memory_space<vmem>>
    %dma_wait3A_295 = arith.constant 0 : i32
    %dma_wait3A_296 = arith.constant 0 : i32
    %dma_wait3A_297 = tpu.memref_slice %arg4[%dma_wait3A_295, %dma_wait3A_296] : memref<270000x128xf32, #tpu.memory_space<hbm>> -> memref<270000x128xf32, #tpu.memory_space<hbm>>
    tpu.wait_indirect_dma semaphore(%arg22 : memref<!tpu.dma_semaphore, #tpu.memory_space<semaphore_mem>>) src(%dma_wait3A_297 : memref<270000x128xf32, #tpu.memory_space<hbm>>) dst(%dma_wait3A_291 : memref<64x128xf32, #tpu.memory_space<vmem>>)
    %dma_start3A_298 = arith.constant 2 : i32
    %dma_start3A_299 = arith.constant 6 : i32
    %dma_start3A_300 = arith.constant 0 : i32
    %dma_start3A_301 = arith.constant 0 : i32
    %dma_start3A_302 = tpu.memref_slice %arg10[%dma_start3A_298, %dma_start3A_300, %dma_start3A_301] : memref<4x64x128xf32, #tpu.memory_space<vmem>> -> memref<1x64x128xf32, #tpu.memory_space<vmem>>
    %dma_start3A_303 = tpu.memref_squeeze %dma_start3A_302 : memref<1x64x128xf32, #tpu.memory_space<vmem>> -> memref<64x128xf32, #tpu.memory_space<vmem>>
    %dma_start3A_304 = arith.constant 0 : i32
    %dma_start3A_305 = tpu.memref_slice %arg9[%dma_start3A_299, %dma_start3A_304] : memref<8x64xi32, #tpu.memory_space<vmem>> -> memref<1x64xi32, #tpu.memory_space<vmem>>
    %dma_start3A_306 = tpu.memref_squeeze %dma_start3A_305 : memref<1x64xi32, #tpu.memory_space<vmem>> -> memref<64xi32, #tpu.memory_space<vmem>>
    %dma_start3A_307 = arith.constant 0 : i32
    %dma_start3A_308 = arith.constant 0 : i32
    %dma_start3A_309 = tpu.memref_slice %arg11[%dma_start3A_307, %dma_start3A_308] : memref<10240x128xf32, #tpu.memory_space<vmem_shared>> -> memref<10240x128xf32, #tpu.memory_space<vmem_shared>>
    tpu.enqueue_indirect_dma source(%dma_start3A_303 : memref<64x128xf32, #tpu.memory_space<vmem>>) target(%dma_start3A_309 : memref<10240x128xf32, #tpu.memory_space<vmem_shared>>) offsets(%dma_start3A_306 : memref<64xi32, #tpu.memory_space<vmem>>) semaphore(%arg26 : memref<!tpu.dma_semaphore, #tpu.memory_space<semaphore_mem>>) {add = true}
    %dma_start3A_310 = arith.constant 0 : i32
    %dma_start3A_311 = arith.constant 0 : i32
    %dma_start3A_312 = arith.constant 0 : i32
    %dma_start3A_313 = arith.constant 0 : i32
    %dma_start3A_314 = tpu.memref_slice %arg10[%dma_start3A_311, %dma_start3A_312, %dma_start3A_313] : memref<4x64x128xf32, #tpu.memory_space<vmem>> -> memref<1x64x128xf32, #tpu.memory_space<vmem>>
    %dma_start3A_315 = tpu.memref_squeeze %dma_start3A_314 : memref<1x64x128xf32, #tpu.memory_space<vmem>> -> memref<64x128xf32, #tpu.memory_space<vmem>>
    %dma_start3A_316 = arith.constant 0 : i32
    %dma_start3A_317 = tpu.memref_slice %arg7[%dma_start3A_310, %dma_start3A_316] : memref<8x64xi32, #tpu.memory_space<vmem>> -> memref<1x64xi32, #tpu.memory_space<vmem>>
    %dma_start3A_318 = tpu.memref_squeeze %dma_start3A_317 : memref<1x64xi32, #tpu.memory_space<vmem>> -> memref<64xi32, #tpu.memory_space<vmem>>
    %dma_start3A_319 = arith.constant 0 : i32
    %dma_start3A_320 = arith.constant 0 : i32
    %dma_start3A_321 = tpu.memref_slice %arg4[%dma_start3A_319, %dma_start3A_320] : memref<270000x128xf32, #tpu.memory_space<hbm>> -> memref<270000x128xf32, #tpu.memory_space<hbm>>
    tpu.enqueue_indirect_dma source(%dma_start3A_321 : memref<270000x128xf32, #tpu.memory_space<hbm>>) target(%dma_start3A_315 : memref<64x128xf32, #tpu.memory_space<vmem>>) offsets(%dma_start3A_318 : memref<64xi32, #tpu.memory_space<vmem>>) semaphore(%arg20 : memref<!tpu.dma_semaphore, #tpu.memory_space<semaphore_mem>>)
    %dma_wait3A_322 = arith.constant 1 : i32
    %dma_wait3A_323 = arith.constant 5 : i32
    %dma_wait3A_324 = arith.constant 0 : i32
    %dma_wait3A_325 = arith.constant 0 : i32
    %dma_wait3A_326 = tpu.memref_slice %arg10[%dma_wait3A_322, %dma_wait3A_324, %dma_wait3A_325] : memref<4x64x128xf32, #tpu.memory_space<vmem>> -> memref<1x64x128xf32, #tpu.memory_space<vmem>>
    %dma_wait3A_327 = tpu.memref_squeeze %dma_wait3A_326 : memref<1x64x128xf32, #tpu.memory_space<vmem>> -> memref<64x128xf32, #tpu.memory_space<vmem>>
    %dma_wait3A_328 = arith.constant 0 : i32
    %dma_wait3A_329 = tpu.memref_slice %arg9[%dma_wait3A_323, %dma_wait3A_328] : memref<8x64xi32, #tpu.memory_space<vmem>> -> memref<1x64xi32, #tpu.memory_space<vmem>>
    %dma_wait3A_330 = tpu.memref_squeeze %dma_wait3A_329 : memref<1x64xi32, #tpu.memory_space<vmem>> -> memref<64xi32, #tpu.memory_space<vmem>>
    %dma_wait3A_331 = arith.constant 0 : i32
    %dma_wait3A_332 = arith.constant 0 : i32
    %dma_wait3A_333 = tpu.memref_slice %arg11[%dma_wait3A_331, %dma_wait3A_332] : memref<10240x128xf32, #tpu.memory_space<vmem_shared>> -> memref<10240x128xf32, #tpu.memory_space<vmem_shared>>
    tpu.wait_indirect_dma semaphore(%arg25 : memref<!tpu.dma_semaphore, #tpu.memory_space<semaphore_mem>>) src(%dma_wait3A_327 : memref<64x128xf32, #tpu.memory_space<vmem>>) dst(%dma_wait3A_333 : memref<10240x128xf32, #tpu.memory_space<vmem_shared>>)
    %add3A_334 = arith.constant 153 : i32
    %add3A_335 = arith.addi %add3A_4, %add3A_334 : i32
    %mul3A_336 = arith.constant 64 : i32
    %mul3A_337 = arith.muli %add3A_335, %mul3A_336 : i32
    %dma_wait3A_338 = arith.constant 0 : i32
    %dma_wait3A_339 = arith.constant 1 : i32
    %dma_wait3A_340 = arith.constant 0 : i32
    %dma_wait3A_341 = tpu.memref_slice %arg7[%dma_wait3A_339, %dma_wait3A_340] : memref<8x64xi32, #tpu.memory_space<vmem>> -> memref<1x64xi32, #tpu.memory_space<vmem>>
    %dma_wait3A_342 = tpu.memref_squeeze %dma_wait3A_341 : memref<1x64xi32, #tpu.memory_space<vmem>> -> memref<64xi32, #tpu.memory_space<vmem>>
    %dma_wait3A_343 = tpu.memref_slice %arg2[%dma_wait3A_338, %mul3A_337] : memref<2x320000xi32, #tpu.memory_space<hbm>> -> memref<1x64xi32, #tpu.memory_space<hbm>>
    %dma_wait3A_344 = tpu.memref_squeeze %dma_wait3A_343 : memref<1x64xi32, #tpu.memory_space<hbm>> -> memref<64xi32, #tpu.memory_space<hbm>>
    %dma_wait3A_345 = arith.constant 0 : i32
    %dma_wait3A_346 = tpu.memref_slice %arg7[%dma_wait3A_339, %dma_wait3A_345] : memref<8x64xi32, #tpu.memory_space<vmem>> -> memref<1x64xi32, #tpu.memory_space<vmem>>
    %dma_wait3A_347 = tpu.memref_squeeze %dma_wait3A_346 : memref<1x64xi32, #tpu.memory_space<vmem>> -> memref<64xi32, #tpu.memory_space<vmem>>
    %dma_wait3A_348 = tpu.memref_slice %arg2[%dma_wait3A_338, %mul3A_337] : memref<2x320000xi32, #tpu.memory_space<hbm>> -> memref<1x64xi32, #tpu.memory_space<hbm>>
    %dma_wait3A_349 = tpu.memref_squeeze %dma_wait3A_348 : memref<1x64xi32, #tpu.memory_space<hbm>> -> memref<64xi32, #tpu.memory_space<hbm>>
    tpu.wait_dma2 semaphore(%arg13 : memref<!tpu.dma_semaphore, #tpu.memory_space<semaphore_mem>>) src(%dma_wait3A_349 : memref<64xi32, #tpu.memory_space<hbm>>) dst(%dma_wait3A_347 : memref<64xi32, #tpu.memory_space<vmem>>)
    %dma_wait3A_350 = arith.constant 1 : i32
    %dma_wait3A_351 = arith.constant 0 : i32
    %dma_wait3A_352 = tpu.memref_slice %arg8[%dma_wait3A_350, %dma_wait3A_351] : memref<8x64xi32, #tpu.memory_space<vmem>> -> memref<1x64xi32, #tpu.memory_space<vmem>>
    %dma_wait3A_353 = tpu.memref_squeeze %dma_wait3A_352 : memref<1x64xi32, #tpu.memory_space<vmem>> -> memref<64xi32, #tpu.memory_space<vmem>>
    %dma_wait3A_354 = tpu.memref_slice %arg3[%mul3A_337] : memref<320000xi32, #tpu.memory_space<hbm>> -> memref<64xi32, #tpu.memory_space<hbm>>
    %dma_wait3A_355 = arith.constant 0 : i32
    %dma_wait3A_356 = tpu.memref_slice %arg8[%dma_wait3A_350, %dma_wait3A_355] : memref<8x64xi32, #tpu.memory_space<vmem>> -> memref<1x64xi32, #tpu.memory_space<vmem>>
    %dma_wait3A_357 = tpu.memref_squeeze %dma_wait3A_356 : memref<1x64xi32, #tpu.memory_space<vmem>> -> memref<64xi32, #tpu.memory_space<vmem>>
    %dma_wait3A_358 = tpu.memref_slice %arg3[%mul3A_337] : memref<320000xi32, #tpu.memory_space<hbm>> -> memref<64xi32, #tpu.memory_space<hbm>>
    tpu.wait_dma2 semaphore(%arg13 : memref<!tpu.dma_semaphore, #tpu.memory_space<semaphore_mem>>) src(%dma_wait3A_358 : memref<64xi32, #tpu.memory_space<hbm>>) dst(%dma_wait3A_357 : memref<64xi32, #tpu.memory_space<vmem>>)
    %dma_wait3A_359 = arith.constant 1 : i32
    %dma_wait3A_360 = arith.constant 1 : i32
    %dma_wait3A_361 = arith.constant 0 : i32
    %dma_wait3A_362 = tpu.memref_slice %arg9[%dma_wait3A_360, %dma_wait3A_361] : memref<8x64xi32, #tpu.memory_space<vmem>> -> memref<1x64xi32, #tpu.memory_space<vmem>>
    %dma_wait3A_363 = tpu.memref_squeeze %dma_wait3A_362 : memref<1x64xi32, #tpu.memory_space<vmem>> -> memref<64xi32, #tpu.memory_space<vmem>>
    %dma_wait3A_364 = tpu.memref_slice %arg2[%dma_wait3A_359, %mul3A_337] : memref<2x320000xi32, #tpu.memory_space<hbm>> -> memref<1x64xi32, #tpu.memory_space<hbm>>
    %dma_wait3A_365 = tpu.memref_squeeze %dma_wait3A_364 : memref<1x64xi32, #tpu.memory_space<hbm>> -> memref<64xi32, #tpu.memory_space<hbm>>
    %dma_wait3A_366 = arith.constant 0 : i32
    %dma_wait3A_367 = tpu.memref_slice %arg9[%dma_wait3A_360, %dma_wait3A_366] : memref<8x64xi32, #tpu.memory_space<vmem>> -> memref<1x64xi32, #tpu.memory_space<vmem>>
    %dma_wait3A_368 = tpu.memref_squeeze %dma_wait3A_367 : memref<1x64xi32, #tpu.memory_space<vmem>> -> memref<64xi32, #tpu.memory_space<vmem>>
    %dma_wait3A_369 = tpu.memref_slice %arg2[%dma_wait3A_359, %mul3A_337] : memref<2x320000xi32, #tpu.memory_space<hbm>> -> memref<1x64xi32, #tpu.memory_space<hbm>>
    %dma_wait3A_370 = tpu.memref_squeeze %dma_wait3A_369 : memref<1x64xi32, #tpu.memory_space<hbm>> -> memref<64xi32, #tpu.memory_space<hbm>>
    tpu.wait_dma2 semaphore(%arg13 : memref<!tpu.dma_semaphore, #tpu.memory_space<semaphore_mem>>) src(%dma_wait3A_370 : memref<64xi32, #tpu.memory_space<hbm>>) dst(%dma_wait3A_368 : memref<64xi32, #tpu.memory_space<vmem>>)
    %get3A_371 = arith.constant 1 : i32
    %get3A_372 = arith.index_cast %get3A_371 : i32 to index
    %get3A_373 = arith.constant 0 : index
    %get3A_374 = tpu.vector_load %arg8[%get3A_372, %get3A_373] {strides = array<i32>} : memref<8x64xi32, #tpu.memory_space<vmem>>, vector<1x16xi32>,
    %get3A_375 = vector.shape_cast %get3A_374 : vector<1x16xi32> to vector<16xi32>
    %mul3A_376 = arith.constant 10000 : i32
    %mul3A_377 = vector.broadcast %mul3A_376 : i32 to vector<16xi32>
    %mul3A_378 = arith.muli %get3A_375, %mul3A_377 : vector<16xi32>
    %get3A_379 = arith.constant 1 : i32
    %get3A_380 = arith.index_cast %get3A_379 : i32 to index
    %get3A_381 = arith.constant 0 : index
    %get3A_382 = tpu.vector_load %arg7[%get3A_380, %get3A_381] {strides = array<i32>} : memref<8x64xi32, #tpu.memory_space<vmem>>, vector<1x16xi32>,
    %get3A_383 = vector.shape_cast %get3A_382 : vector<1x16xi32> to vector<16xi32>
    %add3A_384 = arith.addi %mul3A_378, %get3A_383 : vector<16xi32>
    %swap3A_385 = arith.constant 1 : i32
    %swap3A_386 = arith.index_cast %swap3A_385 : i32 to index
    %swap3A_387 = arith.constant 0 : index
    %swap3A_388 = tpu.vector_load %arg7[%swap3A_386, %swap3A_387] {strides = array<i32>} : memref<8x64xi32, #tpu.memory_space<vmem>>, vector<1x16xi32>,
    %swap3A_389 = vector.shape_cast %swap3A_388 : vector<1x16xi32> to vector<16xi32>
    %swap3A_390 = vector.shape_cast %add3A_384 : vector<16xi32> to vector<1x16xi32>
    tpu.vector_store %arg7[%swap3A_386, %swap3A_387], %swap3A_390 {strides = array<i32>} : memref<8x64xi32, #tpu.memory_space<vmem>>, vector<1x16xi32>,
    %get3A_391 = arith.constant 1 : i32
    %get3A_392 = arith.index_cast %get3A_391 : i32 to index
    %get3A_393 = arith.constant 16 : index
    %get3A_394 = tpu.vector_load %arg8[%get3A_392, %get3A_393] {strides = array<i32>} : memref<8x64xi32, #tpu.memory_space<vmem>>, vector<1x16xi32>,
    %get3A_395 = vector.shape_cast %get3A_394 : vector<1x16xi32> to vector<16xi32>
    %mul3A_396 = arith.constant 10000 : i32
    %mul3A_397 = vector.broadcast %mul3A_396 : i32 to vector<16xi32>
    %mul3A_398 = arith.muli %get3A_395, %mul3A_397 : vector<16xi32>
    %get3A_399 = arith.constant 1 : i32
    %get3A_400 = arith.index_cast %get3A_399 : i32 to index
    %get3A_401 = arith.constant 16 : index
    %get3A_402 = tpu.vector_load %arg7[%get3A_400, %get3A_401] {strides = array<i32>} : memref<8x64xi32, #tpu.memory_space<vmem>>, vector<1x16xi32>,
    %get3A_403 = vector.shape_cast %get3A_402 : vector<1x16xi32> to vector<16xi32>
    %add3A_404 = arith.addi %mul3A_398, %get3A_403 : vector<16xi32>
    %swap3A_405 = arith.constant 1 : i32
    %swap3A_406 = arith.index_cast %swap3A_405 : i32 to index
    %swap3A_407 = arith.constant 16 : index
    %swap3A_408 = tpu.vector_load %arg7[%swap3A_406, %swap3A_407] {strides = array<i32>} : memref<8x64xi32, #tpu.memory_space<vmem>>, vector<1x16xi32>,
    %swap3A_409 = vector.shape_cast %swap3A_408 : vector<1x16xi32> to vector<16xi32>
    %swap3A_410 = vector.shape_cast %add3A_404 : vector<16xi32> to vector<1x16xi32>
    tpu.vector_store %arg7[%swap3A_406, %swap3A_407], %swap3A_410 {strides = array<i32>} : memref<8x64xi32, #tpu.memory_space<vmem>>, vector<1x16xi32>,
    %get3A_411 = arith.constant 1 : i32
    %get3A_412 = arith.index_cast %get3A_411 : i32 to index
    %get3A_413 = arith.constant 32 : index
    %get3A_414 = tpu.vector_load %arg8[%get3A_412, %get3A_413] {strides = array<i32>} : memref<8x64xi32, #tpu.memory_space<vmem>>, vector<1x16xi32>,
    %get3A_415 = vector.shape_cast %get3A_414 : vector<1x16xi32> to vector<16xi32>
    %mul3A_416 = arith.constant 10000 : i32
    %mul3A_417 = vector.broadcast %mul3A_416 : i32 to vector<16xi32>
    %mul3A_418 = arith.muli %get3A_415, %mul3A_417 : vector<16xi32>
    %get3A_419 = arith.constant 1 : i32
    %get3A_420 = arith.index_cast %get3A_419 : i32 to index
    %get3A_421 = arith.constant 32 : index
    %get3A_422 = tpu.vector_load %arg7[%get3A_420, %get3A_421] {strides = array<i32>} : memref<8x64xi32, #tpu.memory_space<vmem>>, vector<1x16xi32>,
    %get3A_423 = vector.shape_cast %get3A_422 : vector<1x16xi32> to vector<16xi32>
    %add3A_424 = arith.addi %mul3A_418, %get3A_423 : vector<16xi32>
    %swap3A_425 = arith.constant 1 : i32
    %swap3A_426 = arith.index_cast %swap3A_425 : i32 to index
    %swap3A_427 = arith.constant 32 : index
    %swap3A_428 = tpu.vector_load %arg7[%swap3A_426, %swap3A_427] {strides = array<i32>} : memref<8x64xi32, #tpu.memory_space<vmem>>, vector<1x16xi32>,
    %swap3A_429 = vector.shape_cast %swap3A_428 : vector<1x16xi32> to vector<16xi32>
    %swap3A_430 = vector.shape_cast %add3A_424 : vector<16xi32> to vector<1x16xi32>
    tpu.vector_store %arg7[%swap3A_426, %swap3A_427], %swap3A_430 {strides = array<i32>} : memref<8x64xi32, #tpu.memory_space<vmem>>, vector<1x16xi32>,
    %get3A_431 = arith.constant 1 : i32
    %get3A_432 = arith.index_cast %get3A_431 : i32 to index
    %get3A_433 = arith.constant 48 : index
    %get3A_434 = tpu.vector_load %arg8[%get3A_432, %get3A_433] {strides = array<i32>} : memref<8x64xi32, #tpu.memory_space<vmem>>, vector<1x16xi32>,
    %get3A_435 = vector.shape_cast %get3A_434 : vector<1x16xi32> to vector<16xi32>
    %mul3A_436 = arith.constant 10000 : i32
    %mul3A_437 = vector.broadcast %mul3A_436 : i32 to vector<16xi32>
    %mul3A_438 = arith.muli %get3A_435, %mul3A_437 : vector<16xi32>
    %get3A_439 = arith.constant 1 : i32
    %get3A_440 = arith.index_cast %get3A_439 : i32 to index
    %get3A_441 = arith.constant 48 : index
    %get3A_442 = tpu.vector_load %arg7[%get3A_440, %get3A_441] {strides = array<i32>} : memref<8x64xi32, #tpu.memory_space<vmem>>, vector<1x16xi32>,
    %get3A_443 = vector.shape_cast %get3A_442 : vector<1x16xi32> to vector<16xi32>
    %add3A_444 = arith.addi %mul3A_438, %get3A_443 : vector<16xi32>
    %swap3A_445 = arith.constant 1 : i32
    %swap3A_446 = arith.index_cast %swap3A_445 : i32 to index
    %swap3A_447 = arith.constant 48 : index
    %swap3A_448 = tpu.vector_load %arg7[%swap3A_446, %swap3A_447] {strides = array<i32>} : memref<8x64xi32, #tpu.memory_space<vmem>>, vector<1x16xi32>,
    %swap3A_449 = vector.shape_cast %swap3A_448 : vector<1x16xi32> to vector<16xi32>
    %swap3A_450 = vector.shape_cast %add3A_444 : vector<16xi32> to vector<1x16xi32>
    tpu.vector_store %arg7[%swap3A_446, %swap3A_447], %swap3A_450 {strides = array<i32>} : memref<8x64xi32, #tpu.memory_space<vmem>>, vector<1x16xi32>,
    %dma_wait3A_451 = arith.constant 7 : i32
    %dma_wait3A_452 = arith.constant 3 : i32
    %dma_wait3A_453 = arith.constant 0 : i32
    %dma_wait3A_454 = arith.constant 0 : i32
    %dma_wait3A_455 = tpu.memref_slice %arg10[%dma_wait3A_452, %dma_wait3A_453, %dma_wait3A_454] : memref<4x64x128xf32, #tpu.memory_space<vmem>> -> memref<1x64x128xf32, #tpu.memory_space<vmem>>
    %dma_wait3A_456 = tpu.memref_squeeze %dma_wait3A_455 : memref<1x64x128xf32, #tpu.memory_space<vmem>> -> memref<64x128xf32, #tpu.memory_space<vmem>>
    %dma_wait3A_457 = arith.constant 0 : i32
    %dma_wait3A_458 = tpu.memref_slice %arg7[%dma_wait3A_451, %dma_wait3A_457] : memref<8x64xi32, #tpu.memory_space<vmem>> -> memref<1x64xi32, #tpu.memory_space<vmem>>
    %dma_wait3A_459 = tpu.memref_squeeze %dma_wait3A_458 : memref<1x64xi32, #tpu.memory_space<vmem>> -> memref<64xi32, #tpu.memory_space<vmem>>
    %dma_wait3A_460 = arith.constant 0 : i32
    %dma_wait3A_461 = arith.constant 0 : i32
    %dma_wait3A_462 = tpu.memref_slice %arg4[%dma_wait3A_460, %dma_wait3A_461] : memref<270000x128xf32, #tpu.memory_space<hbm>> -> memref<270000x128xf32, #tpu.memory_space<hbm>>
    tpu.wait_indirect_dma semaphore(%arg23 : memref<!tpu.dma_semaphore, #tpu.memory_space<semaphore_mem>>) src(%dma_wait3A_462 : memref<270000x128xf32, #tpu.memory_space<hbm>>) dst(%dma_wait3A_456 : memref<64x128xf32, #tpu.memory_space<vmem>>)
    %dma_start3A_463 = arith.constant 3 : i32
    %dma_start3A_464 = arith.constant 7 : i32
    %dma_start3A_465 = arith.constant 0 : i32
    %dma_start3A_466 = arith.constant 0 : i32
    %dma_start3A_467 = tpu.memref_slice %arg10[%dma_start3A_463, %dma_start3A_465, %dma_start3A_466] : memref<4x64x128xf32, #tpu.memory_space<vmem>> -> memref<1x64x128xf32, #tpu.memory_space<vmem>>
    %dma_start3A_468 = tpu.memref_squeeze %dma_start3A_467 : memref<1x64x128xf32, #tpu.memory_space<vmem>> -> memref<64x128xf32, #tpu.memory_space<vmem>>
    %dma_start3A_469 = arith.constant 0 : i32
    %dma_start3A_470 = tpu.memref_slice %arg9[%dma_start3A_464, %dma_start3A_469] : memref<8x64xi32, #tpu.memory_space<vmem>> -> memref<1x64xi32, #tpu.memory_space<vmem>>
    %dma_start3A_471 = tpu.memref_squeeze %dma_start3A_470 : memref<1x64xi32, #tpu.memory_space<vmem>> -> memref<64xi32, #tpu.memory_space<vmem>>
    %dma_start3A_472 = arith.constant 0 : i32
    %dma_start3A_473 = arith.constant 0 : i32
    %dma_start3A_474 = tpu.memref_slice %arg11[%dma_start3A_472, %dma_start3A_473] : memref<10240x128xf32, #tpu.memory_space<vmem_shared>> -> memref<10240x128xf32, #tpu.memory_space<vmem_shared>>
    tpu.enqueue_indirect_dma source(%dma_start3A_468 : memref<64x128xf32, #tpu.memory_space<vmem>>) target(%dma_start3A_474 : memref<10240x128xf32, #tpu.memory_space<vmem_shared>>) offsets(%dma_start3A_471 : memref<64xi32, #tpu.memory_space<vmem>>) semaphore(%arg27 : memref<!tpu.dma_semaphore, #tpu.memory_space<semaphore_mem>>) {add = true}
    %dma_start3A_475 = arith.constant 1 : i32
    %dma_start3A_476 = arith.constant 1 : i32
    %dma_start3A_477 = arith.constant 0 : i32
    %dma_start3A_478 = arith.constant 0 : i32
    %dma_start3A_479 = tpu.memref_slice %arg10[%dma_start3A_476, %dma_start3A_477, %dma_start3A_478] : memref<4x64x128xf32, #tpu.memory_space<vmem>> -> memref<1x64x128xf32, #tpu.memory_space<vmem>>
    %dma_start3A_480 = tpu.memref_squeeze %dma_start3A_479 : memref<1x64x128xf32, #tpu.memory_space<vmem>> -> memref<64x128xf32, #tpu.memory_space<vmem>>
    %dma_start3A_481 = arith.constant 0 : i32
    %dma_start3A_482 = tpu.memref_slice %arg7[%dma_start3A_475, %dma_start3A_481] : memref<8x64xi32, #tpu.memory_space<vmem>> -> memref<1x64xi32, #tpu.memory_space<vmem>>
    %dma_start3A_483 = tpu.memref_squeeze %dma_start3A_482 : memref<1x64xi32, #tpu.memory_space<vmem>> -> memref<64xi32, #tpu.memory_space<vmem>>
    %dma_start3A_484 = arith.constant 0 : i32
    %dma_start3A_485 = arith.constant 0 : i32
    %dma_start3A_486 = tpu.memref_slice %arg4[%dma_start3A_484, %dma_start3A_485] : memref<270000x128xf32, #tpu.memory_space<hbm>> -> memref<270000x128xf32, #tpu.memory_space<hbm>>
    tpu.enqueue_indirect_dma source(%dma_start3A_486 : memref<270000x128xf32, #tpu.memory_space<hbm>>) target(%dma_start3A_480 : memref<64x128xf32, #tpu.memory_space<vmem>>) offsets(%dma_start3A_483 : memref<64xi32, #tpu.memory_space<vmem>>) semaphore(%arg21 : memref<!tpu.dma_semaphore, #tpu.memory_space<semaphore_mem>>)
    %dma_wait3A_487 = arith.constant 2 : i32
    %dma_wait3A_488 = arith.constant 6 : i32
    %dma_wait3A_489 = arith.constant 0 : i32
    %dma_wait3A_490 = arith.constant 0 : i32
    %dma_wait3A_491 = tpu.memref_slice %arg10[%dma_wait3A_487, %dma_wait3A_489, %dma_wait3A_490] : memref<4x64x128xf32, #tpu.memory_space<vmem>> -> memref<1x64x128xf32, #tpu.memory_space<vmem>>
    %dma_wait3A_492 = tpu.memref_squeeze %dma_wait3A_491 : memref<1x64x128xf32, #tpu.memory_space<vmem>> -> memref<64x128xf32, #tpu.memory_space<vmem>>
    %dma_wait3A_493 = arith.constant 0 : i32
    %dma_wait3A_494 = tpu.memref_slice %arg9[%dma_wait3A_488, %dma_wait3A_493] : memref<8x64xi32, #tpu.memory_space<vmem>> -> memref<1x64xi32, #tpu.memory_space<vmem>>
    %dma_wait3A_495 = tpu.memref_squeeze %dma_wait3A_494 : memref<1x64xi32, #tpu.memory_space<vmem>> -> memref<64xi32, #tpu.memory_space<vmem>>
    %dma_wait3A_496 = arith.constant 0 : i32
    %dma_wait3A_497 = arith.constant 0 : i32
    %dma_wait3A_498 = tpu.memref_slice %arg11[%dma_wait3A_496, %dma_wait3A_497] : memref<10240x128xf32, #tpu.memory_space<vmem_shared>> -> memref<10240x128xf32, #tpu.memory_space<vmem_shared>>
    tpu.wait_indirect_dma semaphore(%arg26 : memref<!tpu.dma_semaphore, #tpu.memory_space<semaphore_mem>>) src(%dma_wait3A_492 : memref<64x128xf32, #tpu.memory_space<vmem>>) dst(%dma_wait3A_498 : memref<10240x128xf32, #tpu.memory_space<vmem_shared>>)
    %add3A_499 = arith.constant 154 : i32
    %add3A_500 = arith.addi %add3A_4, %add3A_499 : i32
    %mul3A_501 = arith.constant 64 : i32
    %mul3A_502 = arith.muli %add3A_500, %mul3A_501 : i32
    %dma_wait3A_503 = arith.constant 0 : i32
    %dma_wait3A_504 = arith.constant 2 : i32
    %dma_wait3A_505 = arith.constant 0 : i32
    %dma_wait3A_506 = tpu.memref_slice %arg7[%dma_wait3A_504, %dma_wait3A_505] : memref<8x64xi32, #tpu.memory_space<vmem>> -> memref<1x64xi32, #tpu.memory_space<vmem>>
    %dma_wait3A_507 = tpu.memref_squeeze %dma_wait3A_506 : memref<1x64xi32, #tpu.memory_space<vmem>> -> memref<64xi32, #tpu.memory_space<vmem>>
    %dma_wait3A_508 = tpu.memref_slice %arg2[%dma_wait3A_503, %mul3A_502] : memref<2x320000xi32, #tpu.memory_space<hbm>> -> memref<1x64xi32, #tpu.memory_space<hbm>>
    %dma_wait3A_509 = tpu.memref_squeeze %dma_wait3A_508 : memref<1x64xi32, #tpu.memory_space<hbm>> -> memref<64xi32, #tpu.memory_space<hbm>>
    %dma_wait3A_510 = arith.constant 0 : i32
    %dma_wait3A_511 = tpu.memref_slice %arg7[%dma_wait3A_504, %dma_wait3A_510] : memref<8x64xi32, #tpu.memory_space<vmem>> -> memref<1x64xi32, #tpu.memory_space<vmem>>
    %dma_wait3A_512 = tpu.memref_squeeze %dma_wait3A_511 : memref<1x64xi32, #tpu.memory_space<vmem>> -> memref<64xi32, #tpu.memory_space<vmem>>
    %dma_wait3A_513 = tpu.memref_slice %arg2[%dma_wait3A_503, %mul3A_502] : memref<2x320000xi32, #tpu.memory_space<hbm>> -> memref<1x64xi32, #tpu.memory_space<hbm>>
    %dma_wait3A_514 = tpu.memref_squeeze %dma_wait3A_513 : memref<1x64xi32, #tpu.memory_space<hbm>> -> memref<64xi32, #tpu.memory_space<hbm>>
    tpu.wait_dma2 semaphore(%arg14 : memref<!tpu.dma_semaphore, #tpu.memory_space<semaphore_mem>>) src(%dma_wait3A_514 : memref<64xi32, #tpu.memory_space<hbm>>) dst(%dma_wait3A_512 : memref<64xi32, #tpu.memory_space<vmem>>)
    %dma_wait3A_515 = arith.constant 2 : i32
    %dma_wait3A_516 = arith.constant 0 : i32
    %dma_wait3A_517 = tpu.memref_slice %arg8[%dma_wait3A_515, %dma_wait3A_516] : memref<8x64xi32, #tpu.memory_space<vmem>> -> memref<1x64xi32, #tpu.memory_space<vmem>>
    %dma_wait3A_518 = tpu.memref_squeeze %dma_wait3A_517 : memref<1x64xi32, #tpu.memory_space<vmem>> -> memref<64xi32, #tpu.memory_space<vmem>>
    %dma_wait3A_519 = tpu.memref_slice %arg3[%mul3A_502] : memref<320000xi32, #tpu.memory_space<hbm>> -> memref<64xi32, #tpu.memory_space<hbm>>
    %dma_wait3A_520 = arith.constant 0 : i32
    %dma_wait3A_521 = tpu.memref_slice %arg8[%dma_wait3A_515, %dma_wait3A_520] : memref<8x64xi32, #tpu.memory_space<vmem>> -> memref<1x64xi32, #tpu.memory_space<vmem>>
    %dma_wait3A_522 = tpu.memref_squeeze %dma_wait3A_521 : memref<1x64xi32, #tpu.memory_space<vmem>> -> memref<64xi32, #tpu.memory_space<vmem>>
    %dma_wait3A_523 = tpu.memref_slice %arg3[%mul3A_502] : memref<320000xi32, #tpu.memory_space<hbm>> -> memref<64xi32, #tpu.memory_space<hbm>>
    tpu.wait_dma2 semaphore(%arg14 : memref<!tpu.dma_semaphore, #tpu.memory_space<semaphore_mem>>) src(%dma_wait3A_523 : memref<64xi32, #tpu.memory_space<hbm>>) dst(%dma_wait3A_522 : memref<64xi32, #tpu.memory_space<vmem>>)
    %dma_wait3A_524 = arith.constant 1 : i32
    %dma_wait3A_525 = arith.constant 2 : i32
    %dma_wait3A_526 = arith.constant 0 : i32
    %dma_wait3A_527 = tpu.memref_slice %arg9[%dma_wait3A_525, %dma_wait3A_526] : memref<8x64xi32, #tpu.memory_space<vmem>> -> memref<1x64xi32, #tpu.memory_space<vmem>>
    %dma_wait3A_528 = tpu.memref_squeeze %dma_wait3A_527 : memref<1x64xi32, #tpu.memory_space<vmem>> -> memref<64xi32, #tpu.memory_space<vmem>>
    %dma_wait3A_529 = tpu.memref_slice %arg2[%dma_wait3A_524, %mul3A_502] : memref<2x320000xi32, #tpu.memory_space<hbm>> -> memref<1x64xi32, #tpu.memory_space<hbm>>
    %dma_wait3A_530 = tpu.memref_squeeze %dma_wait3A_529 : memref<1x64xi32, #tpu.memory_space<hbm>> -> memref<64xi32, #tpu.memory_space<hbm>>
    %dma_wait3A_531 = arith.constant 0 : i32
    %dma_wait3A_532 = tpu.memref_slice %arg9[%dma_wait3A_525, %dma_wait3A_531] : memref<8x64xi32, #tpu.memory_space<vmem>> -> memref<1x64xi32, #tpu.memory_space<vmem>>
    %dma_wait3A_533 = tpu.memref_squeeze %dma_wait3A_532 : memref<1x64xi32, #tpu.memory_space<vmem>> -> memref<64xi32, #tpu.memory_space<vmem>>
    %dma_wait3A_534 = tpu.memref_slice %arg2[%dma_wait3A_524, %mul3A_502] : memref<2x320000xi32, #tpu.memory_space<hbm>> -> memref<1x64xi32, #tpu.memory_space<hbm>>
    %dma_wait3A_535 = tpu.memref_squeeze %dma_wait3A_534 : memref<1x64xi32, #tpu.memory_space<hbm>> -> memref<64xi32, #tpu.memory_space<hbm>>
    tpu.wait_dma2 semaphore(%arg14 : memref<!tpu.dma_semaphore, #tpu.memory_space<semaphore_mem>>) src(%dma_wait3A_535 : memref<64xi32, #tpu.memory_space<hbm>>) dst(%dma_wait3A_533 : memref<64xi32, #tpu.memory_space<vmem>>)
    %get3A_536 = arith.constant 2 : i32
    %get3A_537 = arith.index_cast %get3A_536 : i32 to index
    %get3A_538 = arith.constant 0 : index
    %get3A_539 = tpu.vector_load %arg8[%get3A_537, %get3A_538] {strides = array<i32>} : memref<8x64xi32, #tpu.memory_space<vmem>>, vector<1x16xi32>,
    %get3A_540 = vector.shape_cast %get3A_539 : vector<1x16xi32> to vector<16xi32>
    %mul3A_541 = arith.constant 10000 : i32
    %mul3A_542 = vector.broadcast %mul3A_541 : i32 to vector<16xi32>
    %mul3A_543 = arith.muli %get3A_540, %mul3A_542 : vector<16xi32>
    %get3A_544 = arith.constant 2 : i32
    %get3A_545 = arith.index_cast %get3A_544 : i32 to index
    %get3A_546 = arith.constant 0 : index
    %get3A_547 = tpu.vector_load %arg7[%get3A_545, %get3A_546] {strides = array<i32>} : memref<8x64xi32, #tpu.memory_space<vmem>>, vector<1x16xi32>,
    %get3A_548 = vector.shape_cast %get3A_547 : vector<1x16xi32> to vector<16xi32>
    %add3A_549 = arith.addi %mul3A_543, %get3A_548 : vector<16xi32>
    %swap3A_550 = arith.constant 2 : i32
    %swap3A_551 = arith.index_cast %swap3A_550 : i32 to index
    %swap3A_552 = arith.constant 0 : index
    %swap3A_553 = tpu.vector_load %arg7[%swap3A_551, %swap3A_552] {strides = array<i32>} : memref<8x64xi32, #tpu.memory_space<vmem>>, vector<1x16xi32>,
    %swap3A_554 = vector.shape_cast %swap3A_553 : vector<1x16xi32> to vector<16xi32>
    %swap3A_555 = vector.shape_cast %add3A_549 : vector<16xi32> to vector<1x16xi32>
    tpu.vector_store %arg7[%swap3A_551, %swap3A_552], %swap3A_555 {strides = array<i32>} : memref<8x64xi32, #tpu.memory_space<vmem>>, vector<1x16xi32>,
    %get3A_556 = arith.constant 2 : i32
    %get3A_557 = arith.index_cast %get3A_556 : i32 to index
    %get3A_558 = arith.constant 16 : index
    %get3A_559 = tpu.vector_load %arg8[%get3A_557, %get3A_558] {strides = array<i32>} : memref<8x64xi32, #tpu.memory_space<vmem>>, vector<1x16xi32>,
    %get3A_560 = vector.shape_cast %get3A_559 : vector<1x16xi32> to vector<16xi32>
    %mul3A_561 = arith.constant 10000 : i32
    %mul3A_562 = vector.broadcast %mul3A_561 : i32 to vector<16xi32>
    %mul3A_563 = arith.muli %get3A_560, %mul3A_562 : vector<16xi32>
    %get3A_564 = arith.constant 2 : i32
    %get3A_565 = arith.index_cast %get3A_564 : i32 to index
    %get3A_566 = arith.constant 16 : index
    %get3A_567 = tpu.vector_load %arg7[%get3A_565, %get3A_566] {strides = array<i32>} : memref<8x64xi32, #tpu.memory_space<vmem>>, vector<1x16xi32>,
    %get3A_568 = vector.shape_cast %get3A_567 : vector<1x16xi32> to vector<16xi32>
    %add3A_569 = arith.addi %mul3A_563, %get3A_568 : vector<16xi32>
    %swap3A_570 = arith.constant 2 : i32
    %swap3A_571 = arith.index_cast %swap3A_570 : i32 to index
    %swap3A_572 = arith.constant 16 : index
    %swap3A_573 = tpu.vector_load %arg7[%swap3A_571, %swap3A_572] {strides = array<i32>} : memref<8x64xi32, #tpu.memory_space<vmem>>, vector<1x16xi32>,
    %swap3A_574 = vector.shape_cast %swap3A_573 : vector<1x16xi32> to vector<16xi32>
    %swap3A_575 = vector.shape_cast %add3A_569 : vector<16xi32> to vector<1x16xi32>
    tpu.vector_store %arg7[%swap3A_571, %swap3A_572], %swap3A_575 {strides = array<i32>} : memref<8x64xi32, #tpu.memory_space<vmem>>, vector<1x16xi32>,
    %get3A_576 = arith.constant 2 : i32
    %get3A_577 = arith.index_cast %get3A_576 : i32 to index
    %get3A_578 = arith.constant 32 : index
    %get3A_579 = tpu.vector_load %arg8[%get3A_577, %get3A_578] {strides = array<i32>} : memref<8x64xi32, #tpu.memory_space<vmem>>, vector<1x16xi32>,
    %get3A_580 = vector.shape_cast %get3A_579 : vector<1x16xi32> to vector<16xi32>
    %mul3A_581 = arith.constant 10000 : i32
    %mul3A_582 = vector.broadcast %mul3A_581 : i32 to vector<16xi32>
    %mul3A_583 = arith.muli %get3A_580, %mul3A_582 : vector<16xi32>
    %get3A_584 = arith.constant 2 : i32
    %get3A_585 = arith.index_cast %get3A_584 : i32 to index
    %get3A_586 = arith.constant 32 : index
    %get3A_587 = tpu.vector_load %arg7[%get3A_585, %get3A_586] {strides = array<i32>} : memref<8x64xi32, #tpu.memory_space<vmem>>, vector<1x16xi32>,
    %get3A_588 = vector.shape_cast %get3A_587 : vector<1x16xi32> to vector<16xi32>
    %add3A_589 = arith.addi %mul3A_583, %get3A_588 : vector<16xi32>
    %swap3A_590 = arith.constant 2 : i32
    %swap3A_591 = arith.index_cast %swap3A_590 : i32 to index
    %swap3A_592 = arith.constant 32 : index
    %swap3A_593 = tpu.vector_load %arg7[%swap3A_591, %swap3A_592] {strides = array<i32>} : memref<8x64xi32, #tpu.memory_space<vmem>>, vector<1x16xi32>,
    %swap3A_594 = vector.shape_cast %swap3A_593 : vector<1x16xi32> to vector<16xi32>
    %swap3A_595 = vector.shape_cast %add3A_589 : vector<16xi32> to vector<1x16xi32>
    tpu.vector_store %arg7[%swap3A_591, %swap3A_592], %swap3A_595 {strides = array<i32>} : memref<8x64xi32, #tpu.memory_space<vmem>>, vector<1x16xi32>,
    %get3A_596 = arith.constant 2 : i32
    %get3A_597 = arith.index_cast %get3A_596 : i32 to index
    %get3A_598 = arith.constant 48 : index
    %get3A_599 = tpu.vector_load %arg8[%get3A_597, %get3A_598] {strides = array<i32>} : memref<8x64xi32, #tpu.memory_space<vmem>>, vector<1x16xi32>,
    %get3A_600 = vector.shape_cast %get3A_599 : vector<1x16xi32> to vector<16xi32>
    %mul3A_601 = arith.constant 10000 : i32
    %mul3A_602 = vector.broadcast %mul3A_601 : i32 to vector<16xi32>
    %mul3A_603 = arith.muli %get3A_600, %mul3A_602 : vector<16xi32>
    %get3A_604 = arith.constant 2 : i32
    %get3A_605 = arith.index_cast %get3A_604 : i32 to index
    %get3A_606 = arith.constant 48 : index
    %get3A_607 = tpu.vector_load %arg7[%get3A_605, %get3A_606] {strides = array<i32>} : memref<8x64xi32, #tpu.memory_space<vmem>>, vector<1x16xi32>,
    %get3A_608 = vector.shape_cast %get3A_607 : vector<1x16xi32> to vector<16xi32>
    %add3A_609 = arith.addi %mul3A_603, %get3A_608 : vector<16xi32>
    %swap3A_610 = arith.constant 2 : i32
    %swap3A_611 = arith.index_cast %swap3A_610 : i32 to index
    %swap3A_612 = arith.constant 48 : index
    %swap3A_613 = tpu.vector_load %arg7[%swap3A_611, %swap3A_612] {strides = array<i32>} : memref<8x64xi32, #tpu.memory_space<vmem>>, vector<1x16xi32>,
    %swap3A_614 = vector.shape_cast %swap3A_613 : vector<1x16xi32> to vector<16xi32>
    %swap3A_615 = vector.shape_cast %add3A_609 : vector<16xi32> to vector<1x16xi32>
    tpu.vector_store %arg7[%swap3A_611, %swap3A_612], %swap3A_615 {strides = array<i32>} : memref<8x64xi32, #tpu.memory_space<vmem>>, vector<1x16xi32>,
    %dma_wait3A_616 = arith.constant 0 : i32
    %dma_wait3A_617 = arith.constant 0 : i32
    %dma_wait3A_618 = arith.constant 0 : i32
    %dma_wait3A_619 = arith.constant 0 : i32
    %dma_wait3A_620 = tpu.memref_slice %arg10[%dma_wait3A_617, %dma_wait3A_618, %dma_wait3A_619] : memref<4x64x128xf32, #tpu.memory_space<vmem>> -> memref<1x64x128xf32, #tpu.memory_space<vmem>>
    %dma_wait3A_621 = tpu.memref_squeeze %dma_wait3A_620 : memref<1x64x128xf32, #tpu.memory_space<vmem>> -> memref<64x128xf32, #tpu.memory_space<vmem>>
    %dma_wait3A_622 = arith.constant 0 : i32
    %dma_wait3A_623 = tpu.memref_slice %arg7[%dma_wait3A_616, %dma_wait3A_622] : memref<8x64xi32, #tpu.memory_space<vmem>> -> memref<1x64xi32, #tpu.memory_space<vmem>>
    %dma_wait3A_624 = tpu.memref_squeeze %dma_wait3A_623 : memref<1x64xi32, #tpu.memory_space<vmem>> -> memref<64xi32, #tpu.memory_space<vmem>>
    %dma_wait3A_625 = arith.constant 0 : i32
    %dma_wait3A_626 = arith.constant 0 : i32
    %dma_wait3A_627 = tpu.memref_slice %arg4[%dma_wait3A_625, %dma_wait3A_626] : memref<270000x128xf32, #tpu.memory_space<hbm>> -> memref<270000x128xf32, #tpu.memory_space<hbm>>
    tpu.wait_indirect_dma semaphore(%arg20 : memref<!tpu.dma_semaphore, #tpu.memory_space<semaphore_mem>>) src(%dma_wait3A_627 : memref<270000x128xf32, #tpu.memory_space<hbm>>) dst(%dma_wait3A_621 : memref<64x128xf32, #tpu.memory_space<vmem>>)
    %dma_start3A_628 = arith.constant 0 : i32
    %dma_start3A_629 = arith.constant 0 : i32
    %dma_start3A_630 = arith.constant 0 : i32
    %dma_start3A_631 = arith.constant 0 : i32
    %dma_start3A_632 = tpu.memref_slice %arg10[%dma_start3A_628, %dma_start3A_630, %dma_start3A_631] : memref<4x64x128xf32, #tpu.memory_space<vmem>> -> memref<1x64x128xf32, #tpu.memory_space<vmem>>
    %dma_start3A_633 = tpu.memref_squeeze %dma_start3A_632 : memref<1x64x128xf32, #tpu.memory_space<vmem>> -> memref<64x128xf32, #tpu.memory_space<vmem>>
    %dma_start3A_634 = arith.constant 0 : i32
    %dma_start3A_635 = tpu.memref_slice %arg9[%dma_start3A_629, %dma_start3A_634] : memref<8x64xi32, #tpu.memory_space<vmem>> -> memref<1x64xi32, #tpu.memory_space<vmem>>
    %dma_start3A_636 = tpu.memref_squeeze %dma_start3A_635 : memref<1x64xi32, #tpu.memory_space<vmem>> -> memref<64xi32, #tpu.memory_space<vmem>>
    %dma_start3A_637 = arith.constant 0 : i32
    %dma_start3A_638 = arith.constant 0 : i32
    %dma_start3A_639 = tpu.memref_slice %arg11[%dma_start3A_637, %dma_start3A_638] : memref<10240x128xf32, #tpu.memory_space<vmem_shared>> -> memref<10240x128xf32, #tpu.memory_space<vmem_shared>>
    tpu.enqueue_indirect_dma source(%dma_start3A_633 : memref<64x128xf32, #tpu.memory_space<vmem>>) target(%dma_start3A_639 : memref<10240x128xf32, #tpu.memory_space<vmem_shared>>) offsets(%dma_start3A_636 : memref<64xi32, #tpu.memory_space<vmem>>) semaphore(%arg24 : memref<!tpu.dma_semaphore, #tpu.memory_space<semaphore_mem>>) {add = true}
    %dma_start3A_640 = arith.constant 2 : i32
    %dma_start3A_641 = arith.constant 2 : i32
    %dma_start3A_642 = arith.constant 0 : i32
    %dma_start3A_643 = arith.constant 0 : i32
    %dma_start3A_644 = tpu.memref_slice %arg10[%dma_start3A_641, %dma_start3A_642, %dma_start3A_643] : memref<4x64x128xf32, #tpu.memory_space<vmem>> -> memref<1x64x128xf32, #tpu.memory_space<vmem>>
    %dma_start3A_645 = tpu.memref_squeeze %dma_start3A_644 : memref<1x64x128xf32, #tpu.memory_space<vmem>> -> memref<64x128xf32, #tpu.memory_space<vmem>>
    %dma_start3A_646 = arith.constant 0 : i32
    %dma_start3A_647 = tpu.memref_slice %arg7[%dma_start3A_640, %dma_start3A_646] : memref<8x64xi32, #tpu.memory_space<vmem>> -> memref<1x64xi32, #tpu.memory_space<vmem>>
    %dma_start3A_648 = tpu.memref_squeeze %dma_start3A_647 : memref<1x64xi32, #tpu.memory_space<vmem>> -> memref<64xi32, #tpu.memory_space<vmem>>
    %dma_start3A_649 = arith.constant 0 : i32
    %dma_start3A_650 = arith.constant 0 : i32
    %dma_start3A_651 = tpu.memref_slice %arg4[%dma_start3A_649, %dma_start3A_650] : memref<270000x128xf32, #tpu.memory_space<hbm>> -> memref<270000x128xf32, #tpu.memory_space<hbm>>
    tpu.enqueue_indirect_dma source(%dma_start3A_651 : memref<270000x128xf32, #tpu.memory_space<hbm>>) target(%dma_start3A_645 : memref<64x128xf32, #tpu.memory_space<vmem>>) offsets(%dma_start3A_648 : memref<64xi32, #tpu.memory_space<vmem>>) semaphore(%arg22 : memref<!tpu.dma_semaphore, #tpu.memory_space<semaphore_mem>>)
    %dma_wait3A_652 = arith.constant 3 : i32
    %dma_wait3A_653 = arith.constant 7 : i32
    %dma_wait3A_654 = arith.constant 0 : i32
    %dma_wait3A_655 = arith.constant 0 : i32
    %dma_wait3A_656 = tpu.memref_slice %arg10[%dma_wait3A_652, %dma_wait3A_654, %dma_wait3A_655] : memref<4x64x128xf32, #tpu.memory_space<vmem>> -> memref<1x64x128xf32, #tpu.memory_space<vmem>>
    %dma_wait3A_657 = tpu.memref_squeeze %dma_wait3A_656 : memref<1x64x128xf32, #tpu.memory_space<vmem>> -> memref<64x128xf32, #tpu.memory_space<vmem>>
    %dma_wait3A_658 = arith.constant 0 : i32
    %dma_wait3A_659 = tpu.memref_slice %arg9[%dma_wait3A_653, %dma_wait3A_658] : memref<8x64xi32, #tpu.memory_space<vmem>> -> memref<1x64xi32, #tpu.memory_space<vmem>>
    %dma_wait3A_660 = tpu.memref_squeeze %dma_wait3A_659 : memref<1x64xi32, #tpu.memory_space<vmem>> -> memref<64xi32, #tpu.memory_space<vmem>>
    %dma_wait3A_661 = arith.constant 0 : i32
    %dma_wait3A_662 = arith.constant 0 : i32
    %dma_wait3A_663 = tpu.memref_slice %arg11[%dma_wait3A_661, %dma_wait3A_662] : memref<10240x128xf32, #tpu.memory_space<vmem_shared>> -> memref<10240x128xf32, #tpu.memory_space<vmem_shared>>
    tpu.wait_indirect_dma semaphore(%arg27 : memref<!tpu.dma_semaphore, #tpu.memory_space<semaphore_mem>>) src(%dma_wait3A_657 : memref<64x128xf32, #tpu.memory_space<vmem>>) dst(%dma_wait3A_663 : memref<10240x128xf32, #tpu.memory_space<vmem_shared>>)
    %add3A_664 = arith.constant 155 : i32
    %add3A_665 = arith.addi %add3A_4, %add3A_664 : i32
    %mul3A_666 = arith.constant 64 : i32
    %mul3A_667 = arith.muli %add3A_665, %mul3A_666 : i32
    %dma_wait3A_668 = arith.constant 0 : i32
    %dma_wait3A_669 = arith.constant 3 : i32
    %dma_wait3A_670 = arith.constant 0 : i32
    %dma_wait3A_671 = tpu.memref_slice %arg7[%dma_wait3A_669, %dma_wait3A_670] : memref<8x64xi32, #tpu.memory_space<vmem>> -> memref<1x64xi32, #tpu.memory_space<vmem>>
    %dma_wait3A_672 = tpu.memref_squeeze %dma_wait3A_671 : memref<1x64xi32, #tpu.memory_space<vmem>> -> memref<64xi32, #tpu.memory_space<vmem>>
    %dma_wait3A_673 = tpu.memref_slice %arg2[%dma_wait3A_668, %mul3A_667] : memref<2x320000xi32, #tpu.memory_space<hbm>> -> memref<1x64xi32, #tpu.memory_space<hbm>>
    %dma_wait3A_674 = tpu.memref_squeeze %dma_wait3A_673 : memref<1x64xi32, #tpu.memory_space<hbm>> -> memref<64xi32, #tpu.memory_space<hbm>>
    %dma_wait3A_675 = arith.constant 0 : i32
    %dma_wait3A_676 = tpu.memref_slice %arg7[%dma_wait3A_669, %dma_wait3A_675] : memref<8x64xi32, #tpu.memory_space<vmem>> -> memref<1x64xi32, #tpu.memory_space<vmem>>
    %dma_wait3A_677 = tpu.memref_squeeze %dma_wait3A_676 : memref<1x64xi32, #tpu.memory_space<vmem>> -> memref<64xi32, #tpu.memory_space<vmem>>
    %dma_wait3A_678 = tpu.memref_slice %arg2[%dma_wait3A_668, %mul3A_667] : memref<2x320000xi32, #tpu.memory_space<hbm>> -> memref<1x64xi32, #tpu.memory_space<hbm>>
    %dma_wait3A_679 = tpu.memref_squeeze %dma_wait3A_678 : memref<1x64xi32, #tpu.memory_space<hbm>> -> memref<64xi32, #tpu.memory_space<hbm>>
    tpu.wait_dma2 semaphore(%arg15 : memref<!tpu.dma_semaphore, #tpu.memory_space<semaphore_mem>>) src(%dma_wait3A_679 : memref<64xi32, #tpu.memory_space<hbm>>) dst(%dma_wait3A_677 : memref<64xi32, #tpu.memory_space<vmem>>)
    %dma_wait3A_680 = arith.constant 3 : i32
    %dma_wait3A_681 = arith.constant 0 : i32
    %dma_wait3A_682 = tpu.memref_slice %arg8[%dma_wait3A_680, %dma_wait3A_681] : memref<8x64xi32, #tpu.memory_space<vmem>> -> memref<1x64xi32, #tpu.memory_space<vmem>>
    %dma_wait3A_683 = tpu.memref_squeeze %dma_wait3A_682 : memref<1x64xi32, #tpu.memory_space<vmem>> -> memref<64xi32, #tpu.memory_space<vmem>>
    %dma_wait3A_684 = tpu.memref_slice %arg3[%mul3A_667] : memref<320000xi32, #tpu.memory_space<hbm>> -> memref<64xi32, #tpu.memory_space<hbm>>
    %dma_wait3A_685 = arith.constant 0 : i32
    %dma_wait3A_686 = tpu.memref_slice %arg8[%dma_wait3A_680, %dma_wait3A_685] : memref<8x64xi32, #tpu.memory_space<vmem>> -> memref<1x64xi32, #tpu.memory_space<vmem>>
    %dma_wait3A_687 = tpu.memref_squeeze %dma_wait3A_686 : memref<1x64xi32, #tpu.memory_space<vmem>> -> memref<64xi32, #tpu.memory_space<vmem>>
    %dma_wait3A_688 = tpu.memref_slice %arg3[%mul3A_667] : memref<320000xi32, #tpu.memory_space<hbm>> -> memref<64xi32, #tpu.memory_space<hbm>>
    tpu.wait_dma2 semaphore(%arg15 : memref<!tpu.dma_semaphore, #tpu.memory_space<semaphore_mem>>) src(%dma_wait3A_688 : memref<64xi32, #tpu.memory_space<hbm>>) dst(%dma_wait3A_687 : memref<64xi32, #tpu.memory_space<vmem>>)
    %dma_wait3A_689 = arith.constant 1 : i32
    %dma_wait3A_690 = arith.constant 3 : i32
    %dma_wait3A_691 = arith.constant 0 : i32
    %dma_wait3A_692 = tpu.memref_slice %arg9[%dma_wait3A_690, %dma_wait3A_691] : memref<8x64xi32, #tpu.memory_space<vmem>> -> memref<1x64xi32, #tpu.memory_space<vmem>>
    %dma_wait3A_693 = tpu.memref_squeeze %dma_wait3A_692 : memref<1x64xi32, #tpu.memory_space<vmem>> -> memref<64xi32, #tpu.memory_space<vmem>>
    %dma_wait3A_694 = tpu.memref_slice %arg2[%dma_wait3A_689, %mul3A_667] : memref<2x320000xi32, #tpu.memory_space<hbm>> -> memref<1x64xi32, #tpu.memory_space<hbm>>
    %dma_wait3A_695 = tpu.memref_squeeze %dma_wait3A_694 : memref<1x64xi32, #tpu.memory_space<hbm>> -> memref<64xi32, #tpu.memory_space<hbm>>
    %dma_wait3A_696 = arith.constant 0 : i32
    %dma_wait3A_697 = tpu.memref_slice %arg9[%dma_wait3A_690, %dma_wait3A_696] : memref<8x64xi32, #tpu.memory_space<vmem>> -> memref<1x64xi32, #tpu.memory_space<vmem>>
    %dma_wait3A_698 = tpu.memref_squeeze %dma_wait3A_697 : memref<1x64xi32, #tpu.memory_space<vmem>> -> memref<64xi32, #tpu.memory_space<vmem>>
    %dma_wait3A_699 = tpu.memref_slice %arg2[%dma_wait3A_689, %mul3A_667] : memref<2x320000xi32, #tpu.memory_space<hbm>> -> memref<1x64xi32, #tpu.memory_space<hbm>>
    %dma_wait3A_700 = tpu.memref_squeeze %dma_wait3A_699 : memref<1x64xi32, #tpu.memory_space<hbm>> -> memref<64xi32, #tpu.memory_space<hbm>>
    tpu.wait_dma2 semaphore(%arg15 : memref<!tpu.dma_semaphore, #tpu.memory_space<semaphore_mem>>) src(%dma_wait3A_700 : memref<64xi32, #tpu.memory_space<hbm>>) dst(%dma_wait3A_698 : memref<64xi32, #tpu.memory_space<vmem>>)
    %get3A_701 = arith.constant 3 : i32
    %get3A_702 = arith.index_cast %get3A_701 : i32 to index
    %get3A_703 = arith.constant 0 : index
    %get3A_704 = tpu.vector_load %arg8[%get3A_702, %get3A_703] {strides = array<i32>} : memref<8x64xi32, #tpu.memory_space<vmem>>, vector<1x16xi32>,
    %get3A_705 = vector.shape_cast %get3A_704 : vector<1x16xi32> to vector<16xi32>
    %mul3A_706 = arith.constant 10000 : i32
    %mul3A_707 = vector.broadcast %mul3A_706 : i32 to vector<16xi32>
    %mul3A_708 = arith.muli %get3A_705, %mul3A_707 : vector<16xi32>
    %get3A_709 = arith.constant 3 : i32
    %get3A_710 = arith.index_cast %get3A_709 : i32 to index
    %get3A_711 = arith.constant 0 : index
    %get3A_712 = tpu.vector_load %arg7[%get3A_710, %get3A_711] {strides = array<i32>} : memref<8x64xi32, #tpu.memory_space<vmem>>, vector<1x16xi32>,
    %get3A_713 = vector.shape_cast %get3A_712 : vector<1x16xi32> to vector<16xi32>
    %add3A_714 = arith.addi %mul3A_708, %get3A_713 : vector<16xi32>
    %swap3A_715 = arith.constant 3 : i32
    %swap3A_716 = arith.index_cast %swap3A_715 : i32 to index
    %swap3A_717 = arith.constant 0 : index
    %swap3A_718 = tpu.vector_load %arg7[%swap3A_716, %swap3A_717] {strides = array<i32>} : memref<8x64xi32, #tpu.memory_space<vmem>>, vector<1x16xi32>,
    %swap3A_719 = vector.shape_cast %swap3A_718 : vector<1x16xi32> to vector<16xi32>
    %swap3A_720 = vector.shape_cast %add3A_714 : vector<16xi32> to vector<1x16xi32>
    tpu.vector_store %arg7[%swap3A_716, %swap3A_717], %swap3A_720 {strides = array<i32>} : memref<8x64xi32, #tpu.memory_space<vmem>>, vector<1x16xi32>,
    %get3A_721 = arith.constant 3 : i32
    %get3A_722 = arith.index_cast %get3A_721 : i32 to index
    %get3A_723 = arith.constant 16 : index
    %get3A_724 = tpu.vector_load %arg8[%get3A_722, %get3A_723] {strides = array<i32>} : memref<8x64xi32, #tpu.memory_space<vmem>>, vector<1x16xi32>,
    %get3A_725 = vector.shape_cast %get3A_724 : vector<1x16xi32> to vector<16xi32>
    %mul3A_726 = arith.constant 10000 : i32
    %mul3A_727 = vector.broadcast %mul3A_726 : i32 to vector<16xi32>
    %mul3A_728 = arith.muli %get3A_725, %mul3A_727 : vector<16xi32>
    %get3A_729 = arith.constant 3 : i32
    %get3A_730 = arith.index_cast %get3A_729 : i32 to index
    %get3A_731 = arith.constant 16 : index
    %get3A_732 = tpu.vector_load %arg7[%get3A_730, %get3A_731] {strides = array<i32>} : memref<8x64xi32, #tpu.memory_space<vmem>>, vector<1x16xi32>,
    %get3A_733 = vector.shape_cast %get3A_732 : vector<1x16xi32> to vector<16xi32>
    %add3A_734 = arith.addi %mul3A_728, %get3A_733 : vector<16xi32>
    %swap3A_735 = arith.constant 3 : i32
    %swap3A_736 = arith.index_cast %swap3A_735 : i32 to index
    %swap3A_737 = arith.constant 16 : index
    %swap3A_738 = tpu.vector_load %arg7[%swap3A_736, %swap3A_737] {strides = array<i32>} : memref<8x64xi32, #tpu.memory_space<vmem>>, vector<1x16xi32>,
    %swap3A_739 = vector.shape_cast %swap3A_738 : vector<1x16xi32> to vector<16xi32>
    %swap3A_740 = vector.shape_cast %add3A_734 : vector<16xi32> to vector<1x16xi32>
    tpu.vector_store %arg7[%swap3A_736, %swap3A_737], %swap3A_740 {strides = array<i32>} : memref<8x64xi32, #tpu.memory_space<vmem>>, vector<1x16xi32>,
    %get3A_741 = arith.constant 3 : i32
    %get3A_742 = arith.index_cast %get3A_741 : i32 to index
    %get3A_743 = arith.constant 32 : index
    %get3A_744 = tpu.vector_load %arg8[%get3A_742, %get3A_743] {strides = array<i32>} : memref<8x64xi32, #tpu.memory_space<vmem>>, vector<1x16xi32>,
    %get3A_745 = vector.shape_cast %get3A_744 : vector<1x16xi32> to vector<16xi32>
    %mul3A_746 = arith.constant 10000 : i32
    %mul3A_747 = vector.broadcast %mul3A_746 : i32 to vector<16xi32>
    %mul3A_748 = arith.muli %get3A_745, %mul3A_747 : vector<16xi32>
    %get3A_749 = arith.constant 3 : i32
    %get3A_750 = arith.index_cast %get3A_749 : i32 to index
    %get3A_751 = arith.constant 32 : index
    %get3A_752 = tpu.vector_load %arg7[%get3A_750, %get3A_751] {strides = array<i32>} : memref<8x64xi32, #tpu.memory_space<vmem>>, vector<1x16xi32>,
    %get3A_753 = vector.shape_cast %get3A_752 : vector<1x16xi32> to vector<16xi32>
    %add3A_754 = arith.addi %mul3A_748, %get3A_753 : vector<16xi32>
    %swap3A_755 = arith.constant 3 : i32
    %swap3A_756 = arith.index_cast %swap3A_755 : i32 to index
    %swap3A_757 = arith.constant 32 : index
    %swap3A_758 = tpu.vector_load %arg7[%swap3A_756, %swap3A_757] {strides = array<i32>} : memref<8x64xi32, #tpu.memory_space<vmem>>, vector<1x16xi32>,
    %swap3A_759 = vector.shape_cast %swap3A_758 : vector<1x16xi32> to vector<16xi32>
    %swap3A_760 = vector.shape_cast %add3A_754 : vector<16xi32> to vector<1x16xi32>
    tpu.vector_store %arg7[%swap3A_756, %swap3A_757], %swap3A_760 {strides = array<i32>} : memref<8x64xi32, #tpu.memory_space<vmem>>, vector<1x16xi32>,
    %get3A_761 = arith.constant 3 : i32
    %get3A_762 = arith.index_cast %get3A_761 : i32 to index
    %get3A_763 = arith.constant 48 : index
    %get3A_764 = tpu.vector_load %arg8[%get3A_762, %get3A_763] {strides = array<i32>} : memref<8x64xi32, #tpu.memory_space<vmem>>, vector<1x16xi32>,
    %get3A_765 = vector.shape_cast %get3A_764 : vector<1x16xi32> to vector<16xi32>
    %mul3A_766 = arith.constant 10000 : i32
    %mul3A_767 = vector.broadcast %mul3A_766 : i32 to vector<16xi32>
    %mul3A_768 = arith.muli %get3A_765, %mul3A_767 : vector<16xi32>
    %get3A_769 = arith.constant 3 : i32
    %get3A_770 = arith.index_cast %get3A_769 : i32 to index
    %get3A_771 = arith.constant 48 : index
    %get3A_772 = tpu.vector_load %arg7[%get3A_770, %get3A_771] {strides = array<i32>} : memref<8x64xi32, #tpu.memory_space<vmem>>, vector<1x16xi32>,
    %get3A_773 = vector.shape_cast %get3A_772 : vector<1x16xi32> to vector<16xi32>
    %add3A_774 = arith.addi %mul3A_768, %get3A_773 : vector<16xi32>
    %swap3A_775 = arith.constant 3 : i32
    %swap3A_776 = arith.index_cast %swap3A_775 : i32 to index
    %swap3A_777 = arith.constant 48 : index
    %swap3A_778 = tpu.vector_load %arg7[%swap3A_776, %swap3A_777] {strides = array<i32>} : memref<8x64xi32, #tpu.memory_space<vmem>>, vector<1x16xi32>,
    %swap3A_779 = vector.shape_cast %swap3A_778 : vector<1x16xi32> to vector<16xi32>
    %swap3A_780 = vector.shape_cast %add3A_774 : vector<16xi32> to vector<1x16xi32>
    tpu.vector_store %arg7[%swap3A_776, %swap3A_777], %swap3A_780 {strides = array<i32>} : memref<8x64xi32, #tpu.memory_space<vmem>>, vector<1x16xi32>,
    %dma_wait3A_781 = arith.constant 1 : i32
    %dma_wait3A_782 = arith.constant 1 : i32
    %dma_wait3A_783 = arith.constant 0 : i32
    %dma_wait3A_784 = arith.constant 0 : i32
    %dma_wait3A_785 = tpu.memref_slice %arg10[%dma_wait3A_782, %dma_wait3A_783, %dma_wait3A_784] : memref<4x64x128xf32, #tpu.memory_space<vmem>> -> memref<1x64x128xf32, #tpu.memory_space<vmem>>
    %dma_wait3A_786 = tpu.memref_squeeze %dma_wait3A_785 : memref<1x64x128xf32, #tpu.memory_space<vmem>> -> memref<64x128xf32, #tpu.memory_space<vmem>>
    %dma_wait3A_787 = arith.constant 0 : i32
    %dma_wait3A_788 = tpu.memref_slice %arg7[%dma_wait3A_781, %dma_wait3A_787] : memref<8x64xi32, #tpu.memory_space<vmem>> -> memref<1x64xi32, #tpu.memory_space<vmem>>
    %dma_wait3A_789 = tpu.memref_squeeze %dma_wait3A_788 : memref<1x64xi32, #tpu.memory_space<vmem>> -> memref<64xi32, #tpu.memory_space<vmem>>
    %dma_wait3A_790 = arith.constant 0 : i32
    %dma_wait3A_791 = arith.constant 0 : i32
    %dma_wait3A_792 = tpu.memref_slice %arg4[%dma_wait3A_790, %dma_wait3A_791] : memref<270000x128xf32, #tpu.memory_space<hbm>> -> memref<270000x128xf32, #tpu.memory_space<hbm>>
    tpu.wait_indirect_dma semaphore(%arg21 : memref<!tpu.dma_semaphore, #tpu.memory_space<semaphore_mem>>) src(%dma_wait3A_792 : memref<270000x128xf32, #tpu.memory_space<hbm>>) dst(%dma_wait3A_786 : memref<64x128xf32, #tpu.memory_space<vmem>>)
    %dma_start3A_793 = arith.constant 1 : i32
    %dma_start3A_794 = arith.constant 1 : i32
    %dma_start3A_795 = arith.constant 0 : i32
    %dma_start3A_796 = arith.constant 0 : i32
    %dma_start3A_797 = tpu.memref_slice %arg10[%dma_start3A_793, %dma_start3A_795, %dma_start3A_796] : memref<4x64x128xf32, #tpu.memory_space<vmem>> -> memref<1x64x128xf32, #tpu.memory_space<vmem>>
    %dma_start3A_798 = tpu.memref_squeeze %dma_start3A_797 : memref<1x64x128xf32, #tpu.memory_space<vmem>> -> memref<64x128xf32, #tpu.memory_space<vmem>>
    %dma_start3A_799 = arith.constant 0 : i32
    %dma_start3A_800 = tpu.memref_slice %arg9[%dma_start3A_794, %dma_start3A_799] : memref<8x64xi32, #tpu.memory_space<vmem>> -> memref<1x64xi32, #tpu.memory_space<vmem>>
    %dma_start3A_801 = tpu.memref_squeeze %dma_start3A_800 : memref<1x64xi32, #tpu.memory_space<vmem>> -> memref<64xi32, #tpu.memory_space<vmem>>
    %dma_start3A_802 = arith.constant 0 : i32
    %dma_start3A_803 = arith.constant 0 : i32
    %dma_start3A_804 = tpu.memref_slice %arg11[%dma_start3A_802, %dma_start3A_803] : memref<10240x128xf32, #tpu.memory_space<vmem_shared>> -> memref<10240x128xf32, #tpu.memory_space<vmem_shared>>
    tpu.enqueue_indirect_dma source(%dma_start3A_798 : memref<64x128xf32, #tpu.memory_space<vmem>>) target(%dma_start3A_804 : memref<10240x128xf32, #tpu.memory_space<vmem_shared>>) offsets(%dma_start3A_801 : memref<64xi32, #tpu.memory_space<vmem>>) semaphore(%arg25 : memref<!tpu.dma_semaphore, #tpu.memory_space<semaphore_mem>>) {add = true}
    %dma_start3A_805 = arith.constant 3 : i32
    %dma_start3A_806 = arith.constant 3 : i32
    %dma_start3A_807 = arith.constant 0 : i32
    %dma_start3A_808 = arith.constant 0 : i32
    %dma_start3A_809 = tpu.memref_slice %arg10[%dma_start3A_806, %dma_start3A_807, %dma_start3A_808] : memref<4x64x128xf32, #tpu.memory_space<vmem>> -> memref<1x64x128xf32, #tpu.memory_space<vmem>>
    %dma_start3A_810 = tpu.memref_squeeze %dma_start3A_809 : memref<1x64x128xf32, #tpu.memory_space<vmem>> -> memref<64x128xf32, #tpu.memory_space<vmem>>
    %dma_start3A_811 = arith.constant 0 : i32
    %dma_start3A_812 = tpu.memref_slice %arg7[%dma_start3A_805, %dma_start3A_811] : memref<8x64xi32, #tpu.memory_space<vmem>> -> memref<1x64xi32, #tpu.memory_space<vmem>>
    %dma_start3A_813 = tpu.memref_squeeze %dma_start3A_812 : memref<1x64xi32, #tpu.memory_space<vmem>> -> memref<64xi32, #tpu.memory_space<vmem>>
    %dma_start3A_814 = arith.constant 0 : i32
    %dma_start3A_815 = arith.constant 0 : i32
    %dma_start3A_816 = tpu.memref_slice %arg4[%dma_start3A_814, %dma_start3A_815] : memref<270000x128xf32, #tpu.memory_space<hbm>> -> memref<270000x128xf32, #tpu.memory_space<hbm>>
    tpu.enqueue_indirect_dma source(%dma_start3A_816 : memref<270000x128xf32, #tpu.memory_space<hbm>>) target(%dma_start3A_810 : memref<64x128xf32, #tpu.memory_space<vmem>>) offsets(%dma_start3A_813 : memref<64xi32, #tpu.memory_space<vmem>>) semaphore(%arg23 : memref<!tpu.dma_semaphore, #tpu.memory_space<semaphore_mem>>)
    %dma_wait3A_817 = arith.constant 2 : i32
    %dma_wait3A_818 = arith.constant 2 : i32
    %dma_wait3A_819 = arith.constant 0 : i32
    %dma_wait3A_820 = arith.constant 0 : i32
    %dma_wait3A_821 = tpu.memref_slice %arg10[%dma_wait3A_818, %dma_wait3A_819, %dma_wait3A_820] : memref<4x64x128xf32, #tpu.memory_space<vmem>> -> memref<1x64x128xf32, #tpu.memory_space<vmem>>
    %dma_wait3A_822 = tpu.memref_squeeze %dma_wait3A_821 : memref<1x64x128xf32, #tpu.memory_space<vmem>> -> memref<64x128xf32, #tpu.memory_space<vmem>>
    %dma_wait3A_823 = arith.constant 0 : i32
    %dma_wait3A_824 = tpu.memref_slice %arg7[%dma_wait3A_817, %dma_wait3A_823] : memref<8x64xi32, #tpu.memory_space<vmem>> -> memref<1x64xi32, #tpu.memory_space<vmem>>
    %dma_wait3A_825 = tpu.memref_squeeze %dma_wait3A_824 : memref<1x64xi32, #tpu.memory_space<vmem>> -> memref<64xi32, #tpu.memory_space<vmem>>
    %dma_wait3A_826 = arith.constant 0 : i32
    %dma_wait3A_827 = arith.constant 0 : i32
    %dma_wait3A_828 = tpu.memref_slice %arg4[%dma_wait3A_826, %dma_wait3A_827] : memref<270000x128xf32, #tpu.memory_space<hbm>> -> memref<270000x128xf32, #tpu.memory_space<hbm>>
    tpu.wait_indirect_dma semaphore(%arg22 : memref<!tpu.dma_semaphore, #tpu.memory_space<semaphore_mem>>) src(%dma_wait3A_828 : memref<270000x128xf32, #tpu.memory_space<hbm>>) dst(%dma_wait3A_822 : memref<64x128xf32, #tpu.memory_space<vmem>>)
    %dma_start3A_829 = arith.constant 2 : i32
    %dma_start3A_830 = arith.constant 2 : i32
    %dma_start3A_831 = arith.constant 0 : i32
    %dma_start3A_832 = arith.constant 0 : i32
    %dma_start3A_833 = tpu.memref_slice %arg10[%dma_start3A_829, %dma_start3A_831, %dma_start3A_832] : memref<4x64x128xf32, #tpu.memory_space<vmem>> -> memref<1x64x128xf32, #tpu.memory_space<vmem>>
    %dma_start3A_834 = tpu.memref_squeeze %dma_start3A_833 : memref<1x64x128xf32, #tpu.memory_space<vmem>> -> memref<64x128xf32, #tpu.memory_space<vmem>>
    %dma_start3A_835 = arith.constant 0 : i32
    %dma_start3A_836 = tpu.memref_slice %arg9[%dma_start3A_830, %dma_start3A_835] : memref<8x64xi32, #tpu.memory_space<vmem>> -> memref<1x64xi32, #tpu.memory_space<vmem>>
    %dma_start3A_837 = tpu.memref_squeeze %dma_start3A_836 : memref<1x64xi32, #tpu.memory_space<vmem>> -> memref<64xi32, #tpu.memory_space<vmem>>
    %dma_start3A_838 = arith.constant 0 : i32
    %dma_start3A_839 = arith.constant 0 : i32
    %dma_start3A_840 = tpu.memref_slice %arg11[%dma_start3A_838, %dma_start3A_839] : memref<10240x128xf32, #tpu.memory_space<vmem_shared>> -> memref<10240x128xf32, #tpu.memory_space<vmem_shared>>
    tpu.enqueue_indirect_dma source(%dma_start3A_834 : memref<64x128xf32, #tpu.memory_space<vmem>>) target(%dma_start3A_840 : memref<10240x128xf32, #tpu.memory_space<vmem_shared>>) offsets(%dma_start3A_837 : memref<64xi32, #tpu.memory_space<vmem>>) semaphore(%arg26 : memref<!tpu.dma_semaphore, #tpu.memory_space<semaphore_mem>>) {add = true}
    %dma_wait3A_841 = arith.constant 3 : i32
    %dma_wait3A_842 = arith.constant 3 : i32
    %dma_wait3A_843 = arith.constant 0 : i32
    %dma_wait3A_844 = arith.constant 0 : i32
    %dma_wait3A_845 = tpu.memref_slice %arg10[%dma_wait3A_842, %dma_wait3A_843, %dma_wait3A_844] : memref<4x64x128xf32, #tpu.memory_space<vmem>> -> memref<1x64x128xf32, #tpu.memory_space<vmem>>
    %dma_wait3A_846 = tpu.memref_squeeze %dma_wait3A_845 : memref<1x64x128xf32, #tpu.memory_space<vmem>> -> memref<64x128xf32, #tpu.memory_space<vmem>>
    %dma_wait3A_847 = arith.constant 0 : i32
    %dma_wait3A_848 = tpu.memref_slice %arg7[%dma_wait3A_841, %dma_wait3A_847] : memref<8x64xi32, #tpu.memory_space<vmem>> -> memref<1x64xi32, #tpu.memory_space<vmem>>
    %dma_wait3A_849 = tpu.memref_squeeze %dma_wait3A_848 : memref<1x64xi32, #tpu.memory_space<vmem>> -> memref<64xi32, #tpu.memory_space<vmem>>
    %dma_wait3A_850 = arith.constant 0 : i32
    %dma_wait3A_851 = arith.constant 0 : i32
    %dma_wait3A_852 = tpu.memref_slice %arg4[%dma_wait3A_850, %dma_wait3A_851] : memref<270000x128xf32, #tpu.memory_space<hbm>> -> memref<270000x128xf32, #tpu.memory_space<hbm>>
    tpu.wait_indirect_dma semaphore(%arg23 : memref<!tpu.dma_semaphore, #tpu.memory_space<semaphore_mem>>) src(%dma_wait3A_852 : memref<270000x128xf32, #tpu.memory_space<hbm>>) dst(%dma_wait3A_846 : memref<64x128xf32, #tpu.memory_space<vmem>>)
    %dma_start3A_853 = arith.constant 3 : i32
    %dma_start3A_854 = arith.constant 3 : i32
    %dma_start3A_855 = arith.constant 0 : i32
    %dma_start3A_856 = arith.constant 0 : i32
    %dma_start3A_857 = tpu.memref_slice %arg10[%dma_start3A_853, %dma_start3A_855, %dma_start3A_856] : memref<4x64x128xf32, #tpu.memory_space<vmem>> -> memref<1x64x128xf32, #tpu.memory_space<vmem>>
    %dma_start3A_858 = tpu.memref_squeeze %dma_start3A_857 : memref<1x64x128xf32, #tpu.memory_space<vmem>> -> memref<64x128xf32, #tpu.memory_space<vmem>>
    %dma_start3A_859 = arith.constant 0 : i32
    %dma_start3A_860 = tpu.memref_slice %arg9[%dma_start3A_854, %dma_start3A_859] : memref<8x64xi32, #tpu.memory_space<vmem>> -> memref<1x64xi32, #tpu.memory_space<vmem>>
    %dma_start3A_861 = tpu.memref_squeeze %dma_start3A_860 : memref<1x64xi32, #tpu.memory_space<vmem>> -> memref<64xi32, #tpu.memory_space<vmem>>
    %dma_start3A_862 = arith.constant 0 : i32
    %dma_start3A_863 = arith.constant 0 : i32
    %dma_start3A_864 = tpu.memref_slice %arg11[%dma_start3A_862, %dma_start3A_863] : memref<10240x128xf32, #tpu.memory_space<vmem_shared>> -> memref<10240x128xf32, #tpu.memory_space<vmem_shared>>
    tpu.enqueue_indirect_dma source(%dma_start3A_858 : memref<64x128xf32, #tpu.memory_space<vmem>>) target(%dma_start3A_864 : memref<10240x128xf32, #tpu.memory_space<vmem_shared>>) offsets(%dma_start3A_861 : memref<64xi32, #tpu.memory_space<vmem>>) semaphore(%arg27 : memref<!tpu.dma_semaphore, #tpu.memory_space<semaphore_mem>>) {add = true}
    %dma_wait3A_865 = arith.constant 0 : i32
    %dma_wait3A_866 = arith.constant 0 : i32
    %dma_wait3A_867 = arith.constant 0 : i32
    %dma_wait3A_868 = arith.constant 0 : i32
    %dma_wait3A_869 = tpu.memref_slice %arg10[%dma_wait3A_865, %dma_wait3A_867, %dma_wait3A_868] : memref<4x64x128xf32, #tpu.memory_space<vmem>> -> memref<1x64x128xf32, #tpu.memory_space<vmem>>
    %dma_wait3A_870 = tpu.memref_squeeze %dma_wait3A_869 : memref<1x64x128xf32, #tpu.memory_space<vmem>> -> memref<64x128xf32, #tpu.memory_space<vmem>>
    %dma_wait3A_871 = arith.constant 0 : i32
    %dma_wait3A_872 = tpu.memref_slice %arg9[%dma_wait3A_866, %dma_wait3A_871] : memref<8x64xi32, #tpu.memory_space<vmem>> -> memref<1x64xi32, #tpu.memory_space<vmem>>
    %dma_wait3A_873 = tpu.memref_squeeze %dma_wait3A_872 : memref<1x64xi32, #tpu.memory_space<vmem>> -> memref<64xi32, #tpu.memory_space<vmem>>
    %dma_wait3A_874 = arith.constant 0 : i32
    %dma_wait3A_875 = arith.constant 0 : i32
    %dma_wait3A_876 = tpu.memref_slice %arg11[%dma_wait3A_874, %dma_wait3A_875] : memref<10240x128xf32, #tpu.memory_space<vmem_shared>> -> memref<10240x128xf32, #tpu.memory_space<vmem_shared>>
    tpu.wait_indirect_dma semaphore(%arg24 : memref<!tpu.dma_semaphore, #tpu.memory_space<semaphore_mem>>) src(%dma_wait3A_870 : memref<64x128xf32, #tpu.memory_space<vmem>>) dst(%dma_wait3A_876 : memref<10240x128xf32, #tpu.memory_space<vmem_shared>>)
    %dma_wait3A_877 = arith.constant 1 : i32
    %dma_wait3A_878 = arith.constant 1 : i32
    %dma_wait3A_879 = arith.constant 0 : i32
    %dma_wait3A_880 = arith.constant 0 : i32
    %dma_wait3A_881 = tpu.memref_slice %arg10[%dma_wait3A_877, %dma_wait3A_879, %dma_wait3A_880] : memref<4x64x128xf32, #tpu.memory_space<vmem>> -> memref<1x64x128xf32, #tpu.memory_space<vmem>>
    %dma_wait3A_882 = tpu.memref_squeeze %dma_wait3A_881 : memref<1x64x128xf32, #tpu.memory_space<vmem>> -> memref<64x128xf32, #tpu.memory_space<vmem>>
    %dma_wait3A_883 = arith.constant 0 : i32
    %dma_wait3A_884 = tpu.memref_slice %arg9[%dma_wait3A_878, %dma_wait3A_883] : memref<8x64xi32, #tpu.memory_space<vmem>> -> memref<1x64xi32, #tpu.memory_space<vmem>>
    %dma_wait3A_885 = tpu.memref_squeeze %dma_wait3A_884 : memref<1x64xi32, #tpu.memory_space<vmem>> -> memref<64xi32, #tpu.memory_space<vmem>>
    %dma_wait3A_886 = arith.constant 0 : i32
    %dma_wait3A_887 = arith.constant 0 : i32
    %dma_wait3A_888 = tpu.memref_slice %arg11[%dma_wait3A_886, %dma_wait3A_887] : memref<10240x128xf32, #tpu.memory_space<vmem_shared>> -> memref<10240x128xf32, #tpu.memory_space<vmem_shared>>
    tpu.wait_indirect_dma semaphore(%arg25 : memref<!tpu.dma_semaphore, #tpu.memory_space<semaphore_mem>>) src(%dma_wait3A_882 : memref<64x128xf32, #tpu.memory_space<vmem>>) dst(%dma_wait3A_888 : memref<10240x128xf32, #tpu.memory_space<vmem_shared>>)
    %dma_wait3A_889 = arith.constant 2 : i32
    %dma_wait3A_890 = arith.constant 2 : i32
    %dma_wait3A_891 = arith.constant 0 : i32
    %dma_wait3A_892 = arith.constant 0 : i32
    %dma_wait3A_893 = tpu.memref_slice %arg10[%dma_wait3A_889, %dma_wait3A_891, %dma_wait3A_892] : memref<4x64x128xf32, #tpu.memory_space<vmem>> -> memref<1x64x128xf32, #tpu.memory_space<vmem>>
    %dma_wait3A_894 = tpu.memref_squeeze %dma_wait3A_893 : memref<1x64x128xf32, #tpu.memory_space<vmem>> -> memref<64x128xf32, #tpu.memory_space<vmem>>
    %dma_wait3A_895 = arith.constant 0 : i32
    %dma_wait3A_896 = tpu.memref_slice %arg9[%dma_wait3A_890, %dma_wait3A_895] : memref<8x64xi32, #tpu.memory_space<vmem>> -> memref<1x64xi32, #tpu.memory_space<vmem>>
    %dma_wait3A_897 = tpu.memref_squeeze %dma_wait3A_896 : memref<1x64xi32, #tpu.memory_space<vmem>> -> memref<64xi32, #tpu.memory_space<vmem>>
    %dma_wait3A_898 = arith.constant 0 : i32
    %dma_wait3A_899 = arith.constant 0 : i32
    %dma_wait3A_900 = tpu.memref_slice %arg11[%dma_wait3A_898, %dma_wait3A_899] : memref<10240x128xf32, #tpu.memory_space<vmem_shared>> -> memref<10240x128xf32, #tpu.memory_space<vmem_shared>>
    tpu.wait_indirect_dma semaphore(%arg26 : memref<!tpu.dma_semaphore, #tpu.memory_space<semaphore_mem>>) src(%dma_wait3A_894 : memref<64x128xf32, #tpu.memory_space<vmem>>) dst(%dma_wait3A_900 : memref<10240x128xf32, #tpu.memory_space<vmem_shared>>)
    %dma_wait3A_901 = arith.constant 3 : i32
    %dma_wait3A_902 = arith.constant 3 : i32
    %dma_wait3A_903 = arith.constant 0 : i32
    %dma_wait3A_904 = arith.constant 0 : i32
    %dma_wait3A_905 = tpu.memref_slice %arg10[%dma_wait3A_901, %dma_wait3A_903, %dma_wait3A_904] : memref<4x64x128xf32, #tpu.memory_space<vmem>> -> memref<1x64x128xf32, #tpu.memory_space<vmem>>
    %dma_wait3A_906 = tpu.memref_squeeze %dma_wait3A_905 : memref<1x64x128xf32, #tpu.memory_space<vmem>> -> memref<64x128xf32, #tpu.memory_space<vmem>>
    %dma_wait3A_907 = arith.constant 0 : i32
    %dma_wait3A_908 = tpu.memref_slice %arg9[%dma_wait3A_902, %dma_wait3A_907] : memref<8x64xi32, #tpu.memory_space<vmem>> -> memref<1x64xi32, #tpu.memory_space<vmem>>
    %dma_wait3A_909 = tpu.memref_squeeze %dma_wait3A_908 : memref<1x64xi32, #tpu.memory_space<vmem>> -> memref<64xi32, #tpu.memory_space<vmem>>
    %dma_wait3A_910 = arith.constant 0 : i32
    %dma_wait3A_911 = arith.constant 0 : i32
    %dma_wait3A_912 = tpu.memref_slice %arg11[%dma_wait3A_910, %dma_wait3A_911] : memref<10240x128xf32, #tpu.memory_space<vmem_shared>> -> memref<10240x128xf32, #tpu.memory_space<vmem_shared>>
    tpu.wait_indirect_dma semaphore(%arg27 : memref<!tpu.dma_semaphore, #tpu.memory_space<semaphore_mem>>) src(%dma_wait3A_906 : memref<64x128xf32, #tpu.memory_space<vmem>>) dst(%dma_wait3A_912 : memref<10240x128xf32, #tpu.memory_space<vmem_shared>>)
    %convert_element_type3A = arith.extui %lt3A_5 : i1 to i32
    %cond3A = arith.constant 0 : i32
    %cond3A_913 = arith.cmpi ne, %convert_element_type3A, %cond3A : i32
    scf.if %cond3A_913 {
      %add3A_919 = arith.constant 156 : i32
      %add3A_920 = arith.addi %add3A_4, %add3A_919 : i32
      %mul3A_921 = arith.constant 64 : i32
      %mul3A_922 = arith.muli %add3A_920, %mul3A_921 : i32
      %run_scoped3A = arith.constant 0 : i32
      %run_scoped3A_923 = arith.constant 0 : i32
      "tpu.region"() ({
        %run_scoped3A_1055 = tpu.sem_alloc : memref<!tpu.dma_semaphore, #tpu.memory_space<semaphore_mem>>
        %dma_start3A_1056 = arith.constant 0 : i32
        %dma_start3A_1057 = tpu.memref_slice %arg7[%run_scoped3A_923, %dma_start3A_1056] : memref<8x64xi32, #tpu.memory_space<vmem>> -> memref<1x64xi32, #tpu.memory_space<vmem>>
        %dma_start3A_1058 = tpu.memref_squeeze %dma_start3A_1057 : memref<1x64xi32, #tpu.memory_space<vmem>> -> memref<64xi32, #tpu.memory_space<vmem>>
        %dma_start3A_1059 = tpu.memref_slice %arg2[%run_scoped3A, %mul3A_922] : memref<2x320000xi32, #tpu.memory_space<hbm>> -> memref<1x64xi32, #tpu.memory_space<hbm>>
        %dma_start3A_1060 = tpu.memref_squeeze %dma_start3A_1059 : memref<1x64xi32, #tpu.memory_space<hbm>> -> memref<64xi32, #tpu.memory_space<hbm>>
        %dma_start3A_1061 = arith.constant 0 : i32
        %dma_start3A_1062 = tpu.memref_slice %arg7[%run_scoped3A_923, %dma_start3A_1061] : memref<8x64xi32, #tpu.memory_space<vmem>> -> memref<1x64xi32, #tpu.memory_space<vmem>>
        %dma_start3A_1063 = tpu.memref_squeeze %dma_start3A_1062 : memref<1x64xi32, #tpu.memory_space<vmem>> -> memref<64xi32, #tpu.memory_space<vmem>>
        %dma_start3A_1064 = tpu.memref_slice %arg2[%run_scoped3A, %mul3A_922] : memref<2x320000xi32, #tpu.memory_space<hbm>> -> memref<1x64xi32, #tpu.memory_space<hbm>>
        %dma_start3A_1065 = tpu.memref_squeeze %dma_start3A_1064 : memref<1x64xi32, #tpu.memory_space<hbm>> -> memref<64xi32, #tpu.memory_space<hbm>>
        tpu.enqueue_dma source(%dma_start3A_1065 : memref<64xi32, #tpu.memory_space<hbm>>) target(%dma_start3A_1063 : memref<64xi32, #tpu.memory_space<vmem>>) target_semaphore(%run_scoped3A_1055 : memref<!tpu.dma_semaphore, #tpu.memory_space<semaphore_mem>>)
        %dma_wait3A_1066 = arith.constant 0 : i32
        %dma_wait3A_1067 = tpu.memref_slice %arg7[%run_scoped3A_923, %dma_wait3A_1066] : memref<8x64xi32, #tpu.memory_space<vmem>> -> memref<1x64xi32, #tpu.memory_space<vmem>>
        %dma_wait3A_1068 = tpu.memref_squeeze %dma_wait3A_1067 : memref<1x64xi32, #tpu.memory_space<vmem>> -> memref<64xi32, #tpu.memory_space<vmem>>
        %dma_wait3A_1069 = tpu.memref_slice %arg2[%run_scoped3A, %mul3A_922] : memref<2x320000xi32, #tpu.memory_space<hbm>> -> memref<1x64xi32, #tpu.memory_space<hbm>>
        %dma_wait3A_1070 = tpu.memref_squeeze %dma_wait3A_1069 : memref<1x64xi32, #tpu.memory_space<hbm>> -> memref<64xi32, #tpu.memory_space<hbm>>
        %dma_wait3A_1071 = arith.constant 0 : i32
        %dma_wait3A_1072 = tpu.memref_slice %arg7[%run_scoped3A_923, %dma_wait3A_1071] : memref<8x64xi32, #tpu.memory_space<vmem>> -> memref<1x64xi32, #tpu.memory_space<vmem>>
        %dma_wait3A_1073 = tpu.memref_squeeze %dma_wait3A_1072 : memref<1x64xi32, #tpu.memory_space<vmem>> -> memref<64xi32, #tpu.memory_space<vmem>>
        %dma_wait3A_1074 = tpu.memref_slice %arg2[%run_scoped3A, %mul3A_922] : memref<2x320000xi32, #tpu.memory_space<hbm>> -> memref<1x64xi32, #tpu.memory_space<hbm>>
        %dma_wait3A_1075 = tpu.memref_squeeze %dma_wait3A_1074 : memref<1x64xi32, #tpu.memory_space<hbm>> -> memref<64xi32, #tpu.memory_space<hbm>>
        tpu.wait_dma2 semaphore(%run_scoped3A_1055 : memref<!tpu.dma_semaphore, #tpu.memory_space<semaphore_mem>>) src(%dma_wait3A_1075 : memref<64xi32, #tpu.memory_space<hbm>>) dst(%dma_wait3A_1073 : memref<64xi32, #tpu.memory_space<vmem>>)
        tpu.yield
      }) : () -> ()
      %run_scoped3A_924 = arith.constant 0 : i32
      "tpu.region"() ({
        %run_scoped3A_1055 = tpu.sem_alloc : memref<!tpu.dma_semaphore, #tpu.memory_space<semaphore_mem>>
        %dma_start3A_1056 = arith.constant 0 : i32
        %dma_start3A_1057 = tpu.memref_slice %arg8[%run_scoped3A_924, %dma_start3A_1056] : memref<8x64xi32, #tpu.memory_space<vmem>> -> memref<1x64xi32, #tpu.memory_space<vmem>>
        %dma_start3A_1058 = tpu.memref_squeeze %dma_start3A_1057 : memref<1x64xi32, #tpu.memory_space<vmem>> -> memref<64xi32, #tpu.memory_space<vmem>>
        %dma_start3A_1059 = tpu.memref_slice %arg3[%mul3A_922] : memref<320000xi32, #tpu.memory_space<hbm>> -> memref<64xi32, #tpu.memory_space<hbm>>
        %dma_start3A_1060 = arith.constant 0 : i32
        %dma_start3A_1061 = tpu.memref_slice %arg8[%run_scoped3A_924, %dma_start3A_1060] : memref<8x64xi32, #tpu.memory_space<vmem>> -> memref<1x64xi32, #tpu.memory_space<vmem>>
        %dma_start3A_1062 = tpu.memref_squeeze %dma_start3A_1061 : memref<1x64xi32, #tpu.memory_space<vmem>> -> memref<64xi32, #tpu.memory_space<vmem>>
        %dma_start3A_1063 = tpu.memref_slice %arg3[%mul3A_922] : memref<320000xi32, #tpu.memory_space<hbm>> -> memref<64xi32, #tpu.memory_space<hbm>>
        tpu.enqueue_dma source(%dma_start3A_1063 : memref<64xi32, #tpu.memory_space<hbm>>) target(%dma_start3A_1062 : memref<64xi32, #tpu.memory_space<vmem>>) target_semaphore(%run_scoped3A_1055 : memref<!tpu.dma_semaphore, #tpu.memory_space<semaphore_mem>>)
        %dma_wait3A_1064 = arith.constant 0 : i32
        %dma_wait3A_1065 = tpu.memref_slice %arg8[%run_scoped3A_924, %dma_wait3A_1064] : memref<8x64xi32, #tpu.memory_space<vmem>> -> memref<1x64xi32, #tpu.memory_space<vmem>>
        %dma_wait3A_1066 = tpu.memref_squeeze %dma_wait3A_1065 : memref<1x64xi32, #tpu.memory_space<vmem>> -> memref<64xi32, #tpu.memory_space<vmem>>
        %dma_wait3A_1067 = tpu.memref_slice %arg3[%mul3A_922] : memref<320000xi32, #tpu.memory_space<hbm>> -> memref<64xi32, #tpu.memory_space<hbm>>
        %dma_wait3A_1068 = arith.constant 0 : i32
        %dma_wait3A_1069 = tpu.memref_slice %arg8[%run_scoped3A_924, %dma_wait3A_1068] : memref<8x64xi32, #tpu.memory_space<vmem>> -> memref<1x64xi32, #tpu.memory_space<vmem>>
        %dma_wait3A_1070 = tpu.memref_squeeze %dma_wait3A_1069 : memref<1x64xi32, #tpu.memory_space<vmem>> -> memref<64xi32, #tpu.memory_space<vmem>>
        %dma_wait3A_1071 = tpu.memref_slice %arg3[%mul3A_922] : memref<320000xi32, #tpu.memory_space<hbm>> -> memref<64xi32, #tpu.memory_space<hbm>>
        tpu.wait_dma2 semaphore(%run_scoped3A_1055 : memref<!tpu.dma_semaphore, #tpu.memory_space<semaphore_mem>>) src(%dma_wait3A_1071 : memref<64xi32, #tpu.memory_space<hbm>>) dst(%dma_wait3A_1070 : memref<64xi32, #tpu.memory_space<vmem>>)
        tpu.yield
      }) : () -> ()
      %run_scoped3A_925 = arith.constant 1 : i32
      %run_scoped3A_926 = arith.constant 0 : i32
      "tpu.region"() ({
        %run_scoped3A_1055 = tpu.sem_alloc : memref<!tpu.dma_semaphore, #tpu.memory_space<semaphore_mem>>
        %dma_start3A_1056 = arith.constant 0 : i32
        %dma_start3A_1057 = tpu.memref_slice %arg9[%run_scoped3A_926, %dma_start3A_1056] : memref<8x64xi32, #tpu.memory_space<vmem>> -> memref<1x64xi32, #tpu.memory_space<vmem>>
        %dma_start3A_1058 = tpu.memref_squeeze %dma_start3A_1057 : memref<1x64xi32, #tpu.memory_space<vmem>> -> memref<64xi32, #tpu.memory_space<vmem>>
        %dma_start3A_1059 = tpu.memref_slice %arg2[%run_scoped3A_925, %mul3A_922] : memref<2x320000xi32, #tpu.memory_space<hbm>> -> memref<1x64xi32, #tpu.memory_space<hbm>>
        %dma_start3A_1060 = tpu.memref_squeeze %dma_start3A_1059 : memref<1x64xi32, #tpu.memory_space<hbm>> -> memref<64xi32, #tpu.memory_space<hbm>>
        %dma_start3A_1061 = arith.constant 0 : i32
        %dma_start3A_1062 = tpu.memref_slice %arg9[%run_scoped3A_926, %dma_start3A_1061] : memref<8x64xi32, #tpu.memory_space<vmem>> -> memref<1x64xi32, #tpu.memory_space<vmem>>
        %dma_start3A_1063 = tpu.memref_squeeze %dma_start3A_1062 : memref<1x64xi32, #tpu.memory_space<vmem>> -> memref<64xi32, #tpu.memory_space<vmem>>
        %dma_start3A_1064 = tpu.memref_slice %arg2[%run_scoped3A_925, %mul3A_922] : memref<2x320000xi32, #tpu.memory_space<hbm>> -> memref<1x64xi32, #tpu.memory_space<hbm>>
        %dma_start3A_1065 = tpu.memref_squeeze %dma_start3A_1064 : memref<1x64xi32, #tpu.memory_space<hbm>> -> memref<64xi32, #tpu.memory_space<hbm>>
        tpu.enqueue_dma source(%dma_start3A_1065 : memref<64xi32, #tpu.memory_space<hbm>>) target(%dma_start3A_1063 : memref<64xi32, #tpu.memory_space<vmem>>) target_semaphore(%run_scoped3A_1055 : memref<!tpu.dma_semaphore, #tpu.memory_space<semaphore_mem>>)
        %dma_wait3A_1066 = arith.constant 0 : i32
        %dma_wait3A_1067 = tpu.memref_slice %arg9[%run_scoped3A_926, %dma_wait3A_1066] : memref<8x64xi32, #tpu.memory_space<vmem>> -> memref<1x64xi32, #tpu.memory_space<vmem>>
        %dma_wait3A_1068 = tpu.memref_squeeze %dma_wait3A_1067 : memref<1x64xi32, #tpu.memory_space<vmem>> -> memref<64xi32, #tpu.memory_space<vmem>>
        %dma_wait3A_1069 = tpu.memref_slice %arg2[%run_scoped3A_925, %mul3A_922] : memref<2x320000xi32, #tpu.memory_space<hbm>> -> memref<1x64xi32, #tpu.memory_space<hbm>>
        %dma_wait3A_1070 = tpu.memref_squeeze %dma_wait3A_1069 : memref<1x64xi32, #tpu.memory_space<hbm>> -> memref<64xi32, #tpu.memory_space<hbm>>
        %dma_wait3A_1071 = arith.constant 0 : i32
        %dma_wait3A_1072 = tpu.memref_slice %arg9[%run_scoped3A_926, %dma_wait3A_1071] : memref<8x64xi32, #tpu.memory_space<vmem>> -> memref<1x64xi32, #tpu.memory_space<vmem>>
        %dma_wait3A_1073 = tpu.memref_squeeze %dma_wait3A_1072 : memref<1x64xi32, #tpu.memory_space<vmem>> -> memref<64xi32, #tpu.memory_space<vmem>>
        %dma_wait3A_1074 = tpu.memref_slice %arg2[%run_scoped3A_925, %mul3A_922] : memref<2x320000xi32, #tpu.memory_space<hbm>> -> memref<1x64xi32, #tpu.memory_space<hbm>>
        %dma_wait3A_1075 = tpu.memref_squeeze %dma_wait3A_1074 : memref<1x64xi32, #tpu.memory_space<hbm>> -> memref<64xi32, #tpu.memory_space<hbm>>
        tpu.wait_dma2 semaphore(%run_scoped3A_1055 : memref<!tpu.dma_semaphore, #tpu.memory_space<semaphore_mem>>) src(%dma_wait3A_1075 : memref<64xi32, #tpu.memory_space<hbm>>) dst(%dma_wait3A_1073 : memref<64xi32, #tpu.memory_space<vmem>>)
        tpu.yield
      }) : () -> ()
      %get3A_927 = arith.constant 0 : i32
      %get3A_928 = arith.index_cast %get3A_927 : i32 to index
      %get3A_929 = arith.constant 0 : index
      %get3A_930 = tpu.vector_load %arg8[%get3A_928, %get3A_929] {strides = array<i32>} : memref<8x64xi32, #tpu.memory_space<vmem>>, vector<1x16xi32>,
      %get3A_931 = vector.shape_cast %get3A_930 : vector<1x16xi32> to vector<16xi32>
      %mul3A_932 = arith.constant 10000 : i32
      %mul3A_933 = vector.broadcast %mul3A_932 : i32 to vector<16xi32>
      %mul3A_934 = arith.muli %get3A_931, %mul3A_933 : vector<16xi32>
      %get3A_935 = arith.constant 0 : i32
      %get3A_936 = arith.index_cast %get3A_935 : i32 to index
      %get3A_937 = arith.constant 0 : index
      %get3A_938 = tpu.vector_load %arg7[%get3A_936, %get3A_937] {strides = array<i32>} : memref<8x64xi32, #tpu.memory_space<vmem>>, vector<1x16xi32>,
      %get3A_939 = vector.shape_cast %get3A_938 : vector<1x16xi32> to vector<16xi32>
      %add3A_940 = arith.addi %mul3A_934, %get3A_939 : vector<16xi32>
      %swap3A_941 = arith.constant 0 : i32
      %swap3A_942 = arith.index_cast %swap3A_941 : i32 to index
      %swap3A_943 = arith.constant 0 : index
      %swap3A_944 = tpu.vector_load %arg7[%swap3A_942, %swap3A_943] {strides = array<i32>} : memref<8x64xi32, #tpu.memory_space<vmem>>, vector<1x16xi32>,
      %swap3A_945 = vector.shape_cast %swap3A_944 : vector<1x16xi32> to vector<16xi32>
      %swap3A_946 = vector.shape_cast %add3A_940 : vector<16xi32> to vector<1x16xi32>
      tpu.vector_store %arg7[%swap3A_942, %swap3A_943], %swap3A_946 {strides = array<i32>} : memref<8x64xi32, #tpu.memory_space<vmem>>, vector<1x16xi32>,
      %get3A_947 = arith.constant 0 : i32
      %get3A_948 = arith.index_cast %get3A_947 : i32 to index
      %get3A_949 = arith.constant 16 : index
      %get3A_950 = tpu.vector_load %arg8[%get3A_948, %get3A_949] {strides = array<i32>} : memref<8x64xi32, #tpu.memory_space<vmem>>, vector<1x16xi32>,
      %get3A_951 = vector.shape_cast %get3A_950 : vector<1x16xi32> to vector<16xi32>
      %mul3A_952 = arith.constant 10000 : i32
      %mul3A_953 = vector.broadcast %mul3A_952 : i32 to vector<16xi32>
      %mul3A_954 = arith.muli %get3A_951, %mul3A_953 : vector<16xi32>
      %get3A_955 = arith.constant 0 : i32
      %get3A_956 = arith.index_cast %get3A_955 : i32 to index
      %get3A_957 = arith.constant 16 : index
      %get3A_958 = tpu.vector_load %arg7[%get3A_956, %get3A_957] {strides = array<i32>} : memref<8x64xi32, #tpu.memory_space<vmem>>, vector<1x16xi32>,
      %get3A_959 = vector.shape_cast %get3A_958 : vector<1x16xi32> to vector<16xi32>
      %add3A_960 = arith.addi %mul3A_954, %get3A_959 : vector<16xi32>
      %swap3A_961 = arith.constant 0 : i32
      %swap3A_962 = arith.index_cast %swap3A_961 : i32 to index
      %swap3A_963 = arith.constant 16 : index
      %swap3A_964 = tpu.vector_load %arg7[%swap3A_962, %swap3A_963] {strides = array<i32>} : memref<8x64xi32, #tpu.memory_space<vmem>>, vector<1x16xi32>,
      %swap3A_965 = vector.shape_cast %swap3A_964 : vector<1x16xi32> to vector<16xi32>
      %swap3A_966 = vector.shape_cast %add3A_960 : vector<16xi32> to vector<1x16xi32>
      tpu.vector_store %arg7[%swap3A_962, %swap3A_963], %swap3A_966 {strides = array<i32>} : memref<8x64xi32, #tpu.memory_space<vmem>>, vector<1x16xi32>,
      %get3A_967 = arith.constant 0 : i32
      %get3A_968 = arith.index_cast %get3A_967 : i32 to index
      %get3A_969 = arith.constant 32 : index
      %get3A_970 = tpu.vector_load %arg8[%get3A_968, %get3A_969] {strides = array<i32>} : memref<8x64xi32, #tpu.memory_space<vmem>>, vector<1x16xi32>,
      %get3A_971 = vector.shape_cast %get3A_970 : vector<1x16xi32> to vector<16xi32>
      %mul3A_972 = arith.constant 10000 : i32
      %mul3A_973 = vector.broadcast %mul3A_972 : i32 to vector<16xi32>
      %mul3A_974 = arith.muli %get3A_971, %mul3A_973 : vector<16xi32>
      %get3A_975 = arith.constant 0 : i32
      %get3A_976 = arith.index_cast %get3A_975 : i32 to index
      %get3A_977 = arith.constant 32 : index
      %get3A_978 = tpu.vector_load %arg7[%get3A_976, %get3A_977] {strides = array<i32>} : memref<8x64xi32, #tpu.memory_space<vmem>>, vector<1x16xi32>,
      %get3A_979 = vector.shape_cast %get3A_978 : vector<1x16xi32> to vector<16xi32>
      %add3A_980 = arith.addi %mul3A_974, %get3A_979 : vector<16xi32>
      %swap3A_981 = arith.constant 0 : i32
      %swap3A_982 = arith.index_cast %swap3A_981 : i32 to index
      %swap3A_983 = arith.constant 32 : index
      %swap3A_984 = tpu.vector_load %arg7[%swap3A_982, %swap3A_983] {strides = array<i32>} : memref<8x64xi32, #tpu.memory_space<vmem>>, vector<1x16xi32>,
      %swap3A_985 = vector.shape_cast %swap3A_984 : vector<1x16xi32> to vector<16xi32>
      %swap3A_986 = vector.shape_cast %add3A_980 : vector<16xi32> to vector<1x16xi32>
      tpu.vector_store %arg7[%swap3A_982, %swap3A_983], %swap3A_986 {strides = array<i32>} : memref<8x64xi32, #tpu.memory_space<vmem>>, vector<1x16xi32>,
      %get3A_987 = arith.constant 0 : i32
      %get3A_988 = arith.index_cast %get3A_987 : i32 to index
      %get3A_989 = arith.constant 48 : index
      %get3A_990 = tpu.vector_load %arg8[%get3A_988, %get3A_989] {strides = array<i32>} : memref<8x64xi32, #tpu.memory_space<vmem>>, vector<1x16xi32>,
      %get3A_991 = vector.shape_cast %get3A_990 : vector<1x16xi32> to vector<16xi32>
      %mul3A_992 = arith.constant 10000 : i32
      %mul3A_993 = vector.broadcast %mul3A_992 : i32 to vector<16xi32>
      %mul3A_994 = arith.muli %get3A_991, %mul3A_993 : vector<16xi32>
      %get3A_995 = arith.constant 0 : i32
      %get3A_996 = arith.index_cast %get3A_995 : i32 to index
      %get3A_997 = arith.constant 48 : index
      %get3A_998 = tpu.vector_load %arg7[%get3A_996, %get3A_997] {strides = array<i32>} : memref<8x64xi32, #tpu.memory_space<vmem>>, vector<1x16xi32>,
      %get3A_999 = vector.shape_cast %get3A_998 : vector<1x16xi32> to vector<16xi32>
      %add3A_1000 = arith.addi %mul3A_994, %get3A_999 : vector<16xi32>
      %swap3A_1001 = arith.constant 0 : i32
      %swap3A_1002 = arith.index_cast %swap3A_1001 : i32 to index
      %swap3A_1003 = arith.constant 48 : index
      %swap3A_1004 = tpu.vector_load %arg7[%swap3A_1002, %swap3A_1003] {strides = array<i32>} : memref<8x64xi32, #tpu.memory_space<vmem>>, vector<1x16xi32>,
      %swap3A_1005 = vector.shape_cast %swap3A_1004 : vector<1x16xi32> to vector<16xi32>
      %swap3A_1006 = vector.shape_cast %add3A_1000 : vector<16xi32> to vector<1x16xi32>
      tpu.vector_store %arg7[%swap3A_1002, %swap3A_1003], %swap3A_1006 {strides = array<i32>} : memref<8x64xi32, #tpu.memory_space<vmem>>, vector<1x16xi32>,
      %dma_start3A_1007 = arith.constant 0 : i32
      %dma_start3A_1008 = arith.constant 0 : i32
      %dma_start3A_1009 = arith.constant 0 : i32
      %dma_start3A_1010 = arith.constant 0 : i32
      %dma_start3A_1011 = tpu.memref_slice %arg10[%dma_start3A_1008, %dma_start3A_1009, %dma_start3A_1010] : memref<4x64x128xf32, #tpu.memory_space<vmem>> -> memref<1x64x128xf32, #tpu.memory_space<vmem>>
      %dma_start3A_1012 = tpu.memref_squeeze %dma_start3A_1011 : memref<1x64x128xf32, #tpu.memory_space<vmem>> -> memref<64x128xf32, #tpu.memory_space<vmem>>
      %dma_start3A_1013 = arith.constant 0 : i32
      %dma_start3A_1014 = tpu.memref_slice %arg7[%dma_start3A_1007, %dma_start3A_1013] : memref<8x64xi32, #tpu.memory_space<vmem>> -> memref<1x64xi32, #tpu.memory_space<vmem>>
      %dma_start3A_1015 = tpu.memref_squeeze %dma_start3A_1014 : memref<1x64xi32, #tpu.memory_space<vmem>> -> memref<64xi32, #tpu.memory_space<vmem>>
      %dma_start3A_1016 = arith.constant 0 : i32
      %dma_start3A_1017 = arith.constant 0 : i32
      %dma_start3A_1018 = tpu.memref_slice %arg4[%dma_start3A_1016, %dma_start3A_1017] : memref<270000x128xf32, #tpu.memory_space<hbm>> -> memref<270000x128xf32, #tpu.memory_space<hbm>>
      tpu.enqueue_indirect_dma source(%dma_start3A_1018 : memref<270000x128xf32, #tpu.memory_space<hbm>>) target(%dma_start3A_1012 : memref<64x128xf32, #tpu.memory_space<vmem>>) offsets(%dma_start3A_1015 : memref<64xi32, #tpu.memory_space<vmem>>) semaphore(%arg20 : memref<!tpu.dma_semaphore, #tpu.memory_space<semaphore_mem>>)
      %dma_wait3A_1019 = arith.constant 0 : i32
      %dma_wait3A_1020 = arith.constant 0 : i32
      %dma_wait3A_1021 = arith.constant 0 : i32
      %dma_wait3A_1022 = arith.constant 0 : i32
      %dma_wait3A_1023 = tpu.memref_slice %arg10[%dma_wait3A_1020, %dma_wait3A_1021, %dma_wait3A_1022] : memref<4x64x128xf32, #tpu.memory_space<vmem>> -> memref<1x64x128xf32, #tpu.memory_space<vmem>>
      %dma_wait3A_1024 = tpu.memref_squeeze %dma_wait3A_1023 : memref<1x64x128xf32, #tpu.memory_space<vmem>> -> memref<64x128xf32, #tpu.memory_space<vmem>>
      %dma_wait3A_1025 = arith.constant 0 : i32
      %dma_wait3A_1026 = tpu.memref_slice %arg7[%dma_wait3A_1019, %dma_wait3A_1025] : memref<8x64xi32, #tpu.memory_space<vmem>> -> memref<1x64xi32, #tpu.memory_space<vmem>>
      %dma_wait3A_1027 = tpu.memref_squeeze %dma_wait3A_1026 : memref<1x64xi32, #tpu.memory_space<vmem>> -> memref<64xi32, #tpu.memory_space<vmem>>
      %dma_wait3A_1028 = arith.constant 0 : i32
      %dma_wait3A_1029 = arith.constant 0 : i32
      %dma_wait3A_1030 = tpu.memref_slice %arg4[%dma_wait3A_1028, %dma_wait3A_1029] : memref<270000x128xf32, #tpu.memory_space<hbm>> -> memref<270000x128xf32, #tpu.memory_space<hbm>>
      tpu.wait_indirect_dma semaphore(%arg20 : memref<!tpu.dma_semaphore, #tpu.memory_space<semaphore_mem>>) src(%dma_wait3A_1030 : memref<270000x128xf32, #tpu.memory_space<hbm>>) dst(%dma_wait3A_1024 : memref<64x128xf32, #tpu.memory_space<vmem>>)
      %dma_start3A_1031 = arith.constant 0 : i32
      %dma_start3A_1032 = arith.constant 0 : i32
      %dma_start3A_1033 = arith.constant 0 : i32
      %dma_start3A_1034 = arith.constant 0 : i32
      %dma_start3A_1035 = tpu.memref_slice %arg10[%dma_start3A_1031, %dma_start3A_1033, %dma_start3A_1034] : memref<4x64x128xf32, #tpu.memory_space<vmem>> -> memref<1x64x128xf32, #tpu.memory_space<vmem>>
      %dma_start3A_1036 = tpu.memref_squeeze %dma_start3A_1035 : memref<1x64x128xf32, #tpu.memory_space<vmem>> -> memref<64x128xf32, #tpu.memory_space<vmem>>
      %dma_start3A_1037 = arith.constant 0 : i32
      %dma_start3A_1038 = tpu.memref_slice %arg9[%dma_start3A_1032, %dma_start3A_1037] : memref<8x64xi32, #tpu.memory_space<vmem>> -> memref<1x64xi32, #tpu.memory_space<vmem>>
      %dma_start3A_1039 = tpu.memref_squeeze %dma_start3A_1038 : memref<1x64xi32, #tpu.memory_space<vmem>> -> memref<64xi32, #tpu.memory_space<vmem>>
      %dma_start3A_1040 = arith.constant 0 : i32
      %dma_start3A_1041 = arith.constant 0 : i32
      %dma_start3A_1042 = tpu.memref_slice %arg11[%dma_start3A_1040, %dma_start3A_1041] : memref<10240x128xf32, #tpu.memory_space<vmem_shared>> -> memref<10240x128xf32, #tpu.memory_space<vmem_shared>>
      tpu.enqueue_indirect_dma source(%dma_start3A_1036 : memref<64x128xf32, #tpu.memory_space<vmem>>) target(%dma_start3A_1042 : memref<10240x128xf32, #tpu.memory_space<vmem_shared>>) offsets(%dma_start3A_1039 : memref<64xi32, #tpu.memory_space<vmem>>) semaphore(%arg24 : memref<!tpu.dma_semaphore, #tpu.memory_space<semaphore_mem>>) {add = true}
      %dma_wait3A_1043 = arith.constant 0 : i32
      %dma_wait3A_1044 = arith.constant 0 : i32
      %dma_wait3A_1045 = arith.constant 0 : i32
      %dma_wait3A_1046 = arith.constant 0 : i32
      %dma_wait3A_1047 = tpu.memref_slice %arg10[%dma_wait3A_1043, %dma_wait3A_1045, %dma_wait3A_1046] : memref<4x64x128xf32, #tpu.memory_space<vmem>> -> memref<1x64x128xf32, #tpu.memory_space<vmem>>
      %dma_wait3A_1048 = tpu.memref_squeeze %dma_wait3A_1047 : memref<1x64x128xf32, #tpu.memory_space<vmem>> -> memref<64x128xf32, #tpu.memory_space<vmem>>
      %dma_wait3A_1049 = arith.constant 0 : i32
      %dma_wait3A_1050 = tpu.memref_slice %arg9[%dma_wait3A_1044, %dma_wait3A_1049] : memref<8x64xi32, #tpu.memory_space<vmem>> -> memref<1x64xi32, #tpu.memory_space<vmem>>
      %dma_wait3A_1051 = tpu.memref_squeeze %dma_wait3A_1050 : memref<1x64xi32, #tpu.memory_space<vmem>> -> memref<64xi32, #tpu.memory_space<vmem>>
      %dma_wait3A_1052 = arith.constant 0 : i32
      %dma_wait3A_1053 = arith.constant 0 : i32
      %dma_wait3A_1054 = tpu.memref_slice %arg11[%dma_wait3A_1052, %dma_wait3A_1053] : memref<10240x128xf32, #tpu.memory_space<vmem_shared>> -> memref<10240x128xf32, #tpu.memory_space<vmem_shared>>
      tpu.wait_indirect_dma semaphore(%arg24 : memref<!tpu.dma_semaphore, #tpu.memory_space<semaphore_mem>>) src(%dma_wait3A_1048 : memref<64x128xf32, #tpu.memory_space<vmem>>) dst(%dma_wait3A_1054 : memref<10240x128xf32, #tpu.memory_space<vmem_shared>>)
    } else {
    }
    %barrier3A_914 = arith.constant 0 : index
    tpu.barrier barrier_id(%barrier3A_914)
    %mul3A_915 = arith.constant 640 : i32
    %mul3A_916 = arith.muli %arg1, %mul3A_915 : i32
    %mul3A_917 = arith.constant 640 : i32
    %mul3A_918 = arith.muli %arg1, %mul3A_917 : i32
    "tpu.region"() ({
      %run_scoped3A = tpu.sem_alloc : memref<!tpu.dma_semaphore, #tpu.memory_space<semaphore_mem>>
      %dma_start3A_919 = arith.constant 0 : i32
      %dma_start3A_920 = tpu.memref_slice %arg6[%arg0, %mul3A_918, %dma_start3A_919] : memref<2x10240x128xf32, #tpu.memory_space<hbm>> -> memref<1x640x128xf32, #tpu.memory_space<hbm>>
      %dma_start3A_921 = tpu.memref_squeeze %dma_start3A_920 : memref<1x640x128xf32, #tpu.memory_space<hbm>> -> memref<640x128xf32, #tpu.memory_space<hbm>>
      %dma_start3A_922 = arith.constant 0 : i32
      %dma_start3A_923 = tpu.memref_slice %arg11[%mul3A_916, %dma_start3A_922] : memref<10240x128xf32, #tpu.memory_space<vmem_shared>> -> memref<640x128xf32, #tpu.memory_space<vmem_shared>>
      tpu.enqueue_dma source(%dma_start3A_923 : memref<640x128xf32, #tpu.memory_space<vmem_shared>>) target(%dma_start3A_921 : memref<640x128xf32, #tpu.memory_space<hbm>>) target_semaphore(%run_scoped3A : memref<!tpu.dma_semaphore, #tpu.memory_space<semaphore_mem>>)
      %dma_wait3A_924 = arith.constant 0 : i32
      %dma_wait3A_925 = tpu.memref_slice %arg6[%arg0, %mul3A_918, %dma_wait3A_924] : memref<2x10240x128xf32, #tpu.memory_space<hbm>> -> memref<1x640x128xf32, #tpu.memory_space<hbm>>
      %dma_wait3A_926 = tpu.memref_squeeze %dma_wait3A_925 : memref<1x640x128xf32, #tpu.memory_space<hbm>> -> memref<640x128xf32, #tpu.memory_space<hbm>>
      %dma_wait3A_927 = arith.constant 0 : i32
      %dma_wait3A_928 = tpu.memref_slice %arg11[%mul3A_916, %dma_wait3A_927] : memref<10240x128xf32, #tpu.memory_space<vmem_shared>> -> memref<640x128xf32, #tpu.memory_space<vmem_shared>>
      tpu.wait_dma2 semaphore(%run_scoped3A : memref<!tpu.dma_semaphore, #tpu.memory_space<semaphore_mem>>) src(%dma_wait3A_928 : memref<640x128xf32, #tpu.memory_space<vmem_shared>>) dst(%dma_wait3A_926 : memref<640x128xf32, #tpu.memory_space<hbm>>)
      tpu.yield
    }) : () -> ()
    return
  }
}

module attributes {stable_mosaic.version = 14 : i64} {
  func.func @_mm_body(%arg0: i32, %arg1: memref<400x128xf32, #tpu.memory_space<vmem>>, %arg2: memref<27x128x128xf32, #tpu.memory_space<vmem>>, %arg3: memref<27x400x128xf32, #tpu.memory_space<vmem>>) attributes {dimension_semantics = [#tpu.dimension_semantics<arbitrary>], iteration_bounds = array<i64: 25>, scalar_prefetch = 0 : i64, scratch_operands = 0 : i64, tpu.core_type = #tpu.core_type<tc>, window_params = [{transform_indices = @transform_0, window_bounds = array<i64: 400, 128>}, {pipeline_mode = #tpu.pipeline_mode<synchronous>, transform_indices = @transform_1, window_bounds = array<i64: 27, 128, 128>}, {transform_indices = @transform_2, window_bounds = array<i64: 27, 400, 128>}]} {
    %get3A = arith.constant 0 : index
    %get3A_0 = arith.constant 0 : index
    %get3A_1 = vector.load %arg1[%get3A, %get3A_0] : memref<400x128xf32, #tpu.memory_space<vmem>>, vector<400x128xf32>
    %get3A_2 = arith.constant 0 : index
    %get3A_3 = arith.constant 0 : index
    %get3A_4 = arith.constant 0 : index
    %get3A_5 = vector.load %arg2[%get3A_2, %get3A_3, %get3A_4] : memref<27x128x128xf32, #tpu.memory_space<vmem>>, vector<1x128x128xf32>
    %get3A_6 = vector.shape_cast %get3A_5 : vector<1x128x128xf32> to vector<128x128xf32>
    %dot_general3A = arith.constant dense<0.000000e+00> : vector<400x128xf32>
    %dot_general3A_7 = tpu.matmul %get3A_1, %get3A_6, %dot_general3A {dimension_numbers = #tpu.dot_dimension_numbers<[1], [0], [0], [1], [0, 0, 1, 1], [], []>, transpose_lhs_hint = false} : vector<400x128xf32>, vector<128x128xf32>, vector<400x128xf32> -> vector<400x128xf32>
    %swap3A = arith.constant 0 : index
    %swap3A_8 = arith.constant 0 : index
    %swap3A_9 = arith.constant 0 : index
    %swap3A_10 = vector.load %arg3[%swap3A, %swap3A_8, %swap3A_9] : memref<27x400x128xf32, #tpu.memory_space<vmem>>, vector<1x400x128xf32>
    %swap3A_11 = vector.shape_cast %swap3A_10 : vector<1x400x128xf32> to vector<400x128xf32>
    %swap3A_12 = vector.shape_cast %dot_general3A_7 : vector<400x128xf32> to vector<1x400x128xf32>
    tpu.vector_store %arg3[%swap3A, %swap3A_8, %swap3A_9], %swap3A_12 {strides = array<i32>} : memref<27x400x128xf32, #tpu.memory_space<vmem>>, vector<1x400x128xf32>,
    %get3A_13 = arith.constant 1 : index
    %get3A_14 = arith.constant 0 : index
    %get3A_15 = arith.constant 0 : index
    %get3A_16 = vector.load %arg2[%get3A_13, %get3A_14, %get3A_15] : memref<27x128x128xf32, #tpu.memory_space<vmem>>, vector<1x128x128xf32>
    %get3A_17 = vector.shape_cast %get3A_16 : vector<1x128x128xf32> to vector<128x128xf32>
    %dot_general3A_18 = arith.constant dense<0.000000e+00> : vector<400x128xf32>
    %dot_general3A_19 = tpu.matmul %get3A_1, %get3A_17, %dot_general3A_18 {dimension_numbers = #tpu.dot_dimension_numbers<[1], [0], [0], [1], [0, 0, 1, 1], [], []>, transpose_lhs_hint = false} : vector<400x128xf32>, vector<128x128xf32>, vector<400x128xf32> -> vector<400x128xf32>
    %swap3A_20 = arith.constant 1 : index
    %swap3A_21 = arith.constant 0 : index
    %swap3A_22 = arith.constant 0 : index
    %swap3A_23 = vector.load %arg3[%swap3A_20, %swap3A_21, %swap3A_22] : memref<27x400x128xf32, #tpu.memory_space<vmem>>, vector<1x400x128xf32>
    %swap3A_24 = vector.shape_cast %swap3A_23 : vector<1x400x128xf32> to vector<400x128xf32>
    %swap3A_25 = vector.shape_cast %dot_general3A_19 : vector<400x128xf32> to vector<1x400x128xf32>
    tpu.vector_store %arg3[%swap3A_20, %swap3A_21, %swap3A_22], %swap3A_25 {strides = array<i32>} : memref<27x400x128xf32, #tpu.memory_space<vmem>>, vector<1x400x128xf32>,
    %get3A_26 = arith.constant 2 : index
    %get3A_27 = arith.constant 0 : index
    %get3A_28 = arith.constant 0 : index
    %get3A_29 = vector.load %arg2[%get3A_26, %get3A_27, %get3A_28] : memref<27x128x128xf32, #tpu.memory_space<vmem>>, vector<1x128x128xf32>
    %get3A_30 = vector.shape_cast %get3A_29 : vector<1x128x128xf32> to vector<128x128xf32>
    %dot_general3A_31 = arith.constant dense<0.000000e+00> : vector<400x128xf32>
    %dot_general3A_32 = tpu.matmul %get3A_1, %get3A_30, %dot_general3A_31 {dimension_numbers = #tpu.dot_dimension_numbers<[1], [0], [0], [1], [0, 0, 1, 1], [], []>, transpose_lhs_hint = false} : vector<400x128xf32>, vector<128x128xf32>, vector<400x128xf32> -> vector<400x128xf32>
    %swap3A_33 = arith.constant 2 : index
    %swap3A_34 = arith.constant 0 : index
    %swap3A_35 = arith.constant 0 : index
    %swap3A_36 = vector.load %arg3[%swap3A_33, %swap3A_34, %swap3A_35] : memref<27x400x128xf32, #tpu.memory_space<vmem>>, vector<1x400x128xf32>
    %swap3A_37 = vector.shape_cast %swap3A_36 : vector<1x400x128xf32> to vector<400x128xf32>
    %swap3A_38 = vector.shape_cast %dot_general3A_32 : vector<400x128xf32> to vector<1x400x128xf32>
    tpu.vector_store %arg3[%swap3A_33, %swap3A_34, %swap3A_35], %swap3A_38 {strides = array<i32>} : memref<27x400x128xf32, #tpu.memory_space<vmem>>, vector<1x400x128xf32>,
    %get3A_39 = arith.constant 3 : index
    %get3A_40 = arith.constant 0 : index
    %get3A_41 = arith.constant 0 : index
    %get3A_42 = vector.load %arg2[%get3A_39, %get3A_40, %get3A_41] : memref<27x128x128xf32, #tpu.memory_space<vmem>>, vector<1x128x128xf32>
    %get3A_43 = vector.shape_cast %get3A_42 : vector<1x128x128xf32> to vector<128x128xf32>
    %dot_general3A_44 = arith.constant dense<0.000000e+00> : vector<400x128xf32>
    %dot_general3A_45 = tpu.matmul %get3A_1, %get3A_43, %dot_general3A_44 {dimension_numbers = #tpu.dot_dimension_numbers<[1], [0], [0], [1], [0, 0, 1, 1], [], []>, transpose_lhs_hint = false} : vector<400x128xf32>, vector<128x128xf32>, vector<400x128xf32> -> vector<400x128xf32>
    %swap3A_46 = arith.constant 3 : index
    %swap3A_47 = arith.constant 0 : index
    %swap3A_48 = arith.constant 0 : index
    %swap3A_49 = vector.load %arg3[%swap3A_46, %swap3A_47, %swap3A_48] : memref<27x400x128xf32, #tpu.memory_space<vmem>>, vector<1x400x128xf32>
    %swap3A_50 = vector.shape_cast %swap3A_49 : vector<1x400x128xf32> to vector<400x128xf32>
    %swap3A_51 = vector.shape_cast %dot_general3A_45 : vector<400x128xf32> to vector<1x400x128xf32>
    tpu.vector_store %arg3[%swap3A_46, %swap3A_47, %swap3A_48], %swap3A_51 {strides = array<i32>} : memref<27x400x128xf32, #tpu.memory_space<vmem>>, vector<1x400x128xf32>,
    %get3A_52 = arith.constant 4 : index
    %get3A_53 = arith.constant 0 : index
    %get3A_54 = arith.constant 0 : index
    %get3A_55 = vector.load %arg2[%get3A_52, %get3A_53, %get3A_54] : memref<27x128x128xf32, #tpu.memory_space<vmem>>, vector<1x128x128xf32>
    %get3A_56 = vector.shape_cast %get3A_55 : vector<1x128x128xf32> to vector<128x128xf32>
    %dot_general3A_57 = arith.constant dense<0.000000e+00> : vector<400x128xf32>
    %dot_general3A_58 = tpu.matmul %get3A_1, %get3A_56, %dot_general3A_57 {dimension_numbers = #tpu.dot_dimension_numbers<[1], [0], [0], [1], [0, 0, 1, 1], [], []>, transpose_lhs_hint = false} : vector<400x128xf32>, vector<128x128xf32>, vector<400x128xf32> -> vector<400x128xf32>
    %swap3A_59 = arith.constant 4 : index
    %swap3A_60 = arith.constant 0 : index
    %swap3A_61 = arith.constant 0 : index
    %swap3A_62 = vector.load %arg3[%swap3A_59, %swap3A_60, %swap3A_61] : memref<27x400x128xf32, #tpu.memory_space<vmem>>, vector<1x400x128xf32>
    %swap3A_63 = vector.shape_cast %swap3A_62 : vector<1x400x128xf32> to vector<400x128xf32>
    %swap3A_64 = vector.shape_cast %dot_general3A_58 : vector<400x128xf32> to vector<1x400x128xf32>
    tpu.vector_store %arg3[%swap3A_59, %swap3A_60, %swap3A_61], %swap3A_64 {strides = array<i32>} : memref<27x400x128xf32, #tpu.memory_space<vmem>>, vector<1x400x128xf32>,
    %get3A_65 = arith.constant 5 : index
    %get3A_66 = arith.constant 0 : index
    %get3A_67 = arith.constant 0 : index
    %get3A_68 = vector.load %arg2[%get3A_65, %get3A_66, %get3A_67] : memref<27x128x128xf32, #tpu.memory_space<vmem>>, vector<1x128x128xf32>
    %get3A_69 = vector.shape_cast %get3A_68 : vector<1x128x128xf32> to vector<128x128xf32>
    %dot_general3A_70 = arith.constant dense<0.000000e+00> : vector<400x128xf32>
    %dot_general3A_71 = tpu.matmul %get3A_1, %get3A_69, %dot_general3A_70 {dimension_numbers = #tpu.dot_dimension_numbers<[1], [0], [0], [1], [0, 0, 1, 1], [], []>, transpose_lhs_hint = false} : vector<400x128xf32>, vector<128x128xf32>, vector<400x128xf32> -> vector<400x128xf32>
    %swap3A_72 = arith.constant 5 : index
    %swap3A_73 = arith.constant 0 : index
    %swap3A_74 = arith.constant 0 : index
    %swap3A_75 = vector.load %arg3[%swap3A_72, %swap3A_73, %swap3A_74] : memref<27x400x128xf32, #tpu.memory_space<vmem>>, vector<1x400x128xf32>
    %swap3A_76 = vector.shape_cast %swap3A_75 : vector<1x400x128xf32> to vector<400x128xf32>
    %swap3A_77 = vector.shape_cast %dot_general3A_71 : vector<400x128xf32> to vector<1x400x128xf32>
    tpu.vector_store %arg3[%swap3A_72, %swap3A_73, %swap3A_74], %swap3A_77 {strides = array<i32>} : memref<27x400x128xf32, #tpu.memory_space<vmem>>, vector<1x400x128xf32>,
    %get3A_78 = arith.constant 6 : index
    %get3A_79 = arith.constant 0 : index
    %get3A_80 = arith.constant 0 : index
    %get3A_81 = vector.load %arg2[%get3A_78, %get3A_79, %get3A_80] : memref<27x128x128xf32, #tpu.memory_space<vmem>>, vector<1x128x128xf32>
    %get3A_82 = vector.shape_cast %get3A_81 : vector<1x128x128xf32> to vector<128x128xf32>
    %dot_general3A_83 = arith.constant dense<0.000000e+00> : vector<400x128xf32>
    %dot_general3A_84 = tpu.matmul %get3A_1, %get3A_82, %dot_general3A_83 {dimension_numbers = #tpu.dot_dimension_numbers<[1], [0], [0], [1], [0, 0, 1, 1], [], []>, transpose_lhs_hint = false} : vector<400x128xf32>, vector<128x128xf32>, vector<400x128xf32> -> vector<400x128xf32>
    %swap3A_85 = arith.constant 6 : index
    %swap3A_86 = arith.constant 0 : index
    %swap3A_87 = arith.constant 0 : index
    %swap3A_88 = vector.load %arg3[%swap3A_85, %swap3A_86, %swap3A_87] : memref<27x400x128xf32, #tpu.memory_space<vmem>>, vector<1x400x128xf32>
    %swap3A_89 = vector.shape_cast %swap3A_88 : vector<1x400x128xf32> to vector<400x128xf32>
    %swap3A_90 = vector.shape_cast %dot_general3A_84 : vector<400x128xf32> to vector<1x400x128xf32>
    tpu.vector_store %arg3[%swap3A_85, %swap3A_86, %swap3A_87], %swap3A_90 {strides = array<i32>} : memref<27x400x128xf32, #tpu.memory_space<vmem>>, vector<1x400x128xf32>,
    %get3A_91 = arith.constant 7 : index
    %get3A_92 = arith.constant 0 : index
    %get3A_93 = arith.constant 0 : index
    %get3A_94 = vector.load %arg2[%get3A_91, %get3A_92, %get3A_93] : memref<27x128x128xf32, #tpu.memory_space<vmem>>, vector<1x128x128xf32>
    %get3A_95 = vector.shape_cast %get3A_94 : vector<1x128x128xf32> to vector<128x128xf32>
    %dot_general3A_96 = arith.constant dense<0.000000e+00> : vector<400x128xf32>
    %dot_general3A_97 = tpu.matmul %get3A_1, %get3A_95, %dot_general3A_96 {dimension_numbers = #tpu.dot_dimension_numbers<[1], [0], [0], [1], [0, 0, 1, 1], [], []>, transpose_lhs_hint = false} : vector<400x128xf32>, vector<128x128xf32>, vector<400x128xf32> -> vector<400x128xf32>
    %swap3A_98 = arith.constant 7 : index
    %swap3A_99 = arith.constant 0 : index
    %swap3A_100 = arith.constant 0 : index
    %swap3A_101 = vector.load %arg3[%swap3A_98, %swap3A_99, %swap3A_100] : memref<27x400x128xf32, #tpu.memory_space<vmem>>, vector<1x400x128xf32>
    %swap3A_102 = vector.shape_cast %swap3A_101 : vector<1x400x128xf32> to vector<400x128xf32>
    %swap3A_103 = vector.shape_cast %dot_general3A_97 : vector<400x128xf32> to vector<1x400x128xf32>
    tpu.vector_store %arg3[%swap3A_98, %swap3A_99, %swap3A_100], %swap3A_103 {strides = array<i32>} : memref<27x400x128xf32, #tpu.memory_space<vmem>>, vector<1x400x128xf32>,
    %get3A_104 = arith.constant 8 : index
    %get3A_105 = arith.constant 0 : index
    %get3A_106 = arith.constant 0 : index
    %get3A_107 = vector.load %arg2[%get3A_104, %get3A_105, %get3A_106] : memref<27x128x128xf32, #tpu.memory_space<vmem>>, vector<1x128x128xf32>
    %get3A_108 = vector.shape_cast %get3A_107 : vector<1x128x128xf32> to vector<128x128xf32>
    %dot_general3A_109 = arith.constant dense<0.000000e+00> : vector<400x128xf32>
    %dot_general3A_110 = tpu.matmul %get3A_1, %get3A_108, %dot_general3A_109 {dimension_numbers = #tpu.dot_dimension_numbers<[1], [0], [0], [1], [0, 0, 1, 1], [], []>, transpose_lhs_hint = false} : vector<400x128xf32>, vector<128x128xf32>, vector<400x128xf32> -> vector<400x128xf32>
    %swap3A_111 = arith.constant 8 : index
    %swap3A_112 = arith.constant 0 : index
    %swap3A_113 = arith.constant 0 : index
    %swap3A_114 = vector.load %arg3[%swap3A_111, %swap3A_112, %swap3A_113] : memref<27x400x128xf32, #tpu.memory_space<vmem>>, vector<1x400x128xf32>
    %swap3A_115 = vector.shape_cast %swap3A_114 : vector<1x400x128xf32> to vector<400x128xf32>
    %swap3A_116 = vector.shape_cast %dot_general3A_110 : vector<400x128xf32> to vector<1x400x128xf32>
    tpu.vector_store %arg3[%swap3A_111, %swap3A_112, %swap3A_113], %swap3A_116 {strides = array<i32>} : memref<27x400x128xf32, #tpu.memory_space<vmem>>, vector<1x400x128xf32>,
    %get3A_117 = arith.constant 9 : index
    %get3A_118 = arith.constant 0 : index
    %get3A_119 = arith.constant 0 : index
    %get3A_120 = vector.load %arg2[%get3A_117, %get3A_118, %get3A_119] : memref<27x128x128xf32, #tpu.memory_space<vmem>>, vector<1x128x128xf32>
    %get3A_121 = vector.shape_cast %get3A_120 : vector<1x128x128xf32> to vector<128x128xf32>
    %dot_general3A_122 = arith.constant dense<0.000000e+00> : vector<400x128xf32>
    %dot_general3A_123 = tpu.matmul %get3A_1, %get3A_121, %dot_general3A_122 {dimension_numbers = #tpu.dot_dimension_numbers<[1], [0], [0], [1], [0, 0, 1, 1], [], []>, transpose_lhs_hint = false} : vector<400x128xf32>, vector<128x128xf32>, vector<400x128xf32> -> vector<400x128xf32>
    %swap3A_124 = arith.constant 9 : index
    %swap3A_125 = arith.constant 0 : index
    %swap3A_126 = arith.constant 0 : index
    %swap3A_127 = vector.load %arg3[%swap3A_124, %swap3A_125, %swap3A_126] : memref<27x400x128xf32, #tpu.memory_space<vmem>>, vector<1x400x128xf32>
    %swap3A_128 = vector.shape_cast %swap3A_127 : vector<1x400x128xf32> to vector<400x128xf32>
    %swap3A_129 = vector.shape_cast %dot_general3A_123 : vector<400x128xf32> to vector<1x400x128xf32>
    tpu.vector_store %arg3[%swap3A_124, %swap3A_125, %swap3A_126], %swap3A_129 {strides = array<i32>} : memref<27x400x128xf32, #tpu.memory_space<vmem>>, vector<1x400x128xf32>,
    %get3A_130 = arith.constant 10 : index
    %get3A_131 = arith.constant 0 : index
    %get3A_132 = arith.constant 0 : index
    %get3A_133 = vector.load %arg2[%get3A_130, %get3A_131, %get3A_132] : memref<27x128x128xf32, #tpu.memory_space<vmem>>, vector<1x128x128xf32>
    %get3A_134 = vector.shape_cast %get3A_133 : vector<1x128x128xf32> to vector<128x128xf32>
    %dot_general3A_135 = arith.constant dense<0.000000e+00> : vector<400x128xf32>
    %dot_general3A_136 = tpu.matmul %get3A_1, %get3A_134, %dot_general3A_135 {dimension_numbers = #tpu.dot_dimension_numbers<[1], [0], [0], [1], [0, 0, 1, 1], [], []>, transpose_lhs_hint = false} : vector<400x128xf32>, vector<128x128xf32>, vector<400x128xf32> -> vector<400x128xf32>
    %swap3A_137 = arith.constant 10 : index
    %swap3A_138 = arith.constant 0 : index
    %swap3A_139 = arith.constant 0 : index
    %swap3A_140 = vector.load %arg3[%swap3A_137, %swap3A_138, %swap3A_139] : memref<27x400x128xf32, #tpu.memory_space<vmem>>, vector<1x400x128xf32>
    %swap3A_141 = vector.shape_cast %swap3A_140 : vector<1x400x128xf32> to vector<400x128xf32>
    %swap3A_142 = vector.shape_cast %dot_general3A_136 : vector<400x128xf32> to vector<1x400x128xf32>
    tpu.vector_store %arg3[%swap3A_137, %swap3A_138, %swap3A_139], %swap3A_142 {strides = array<i32>} : memref<27x400x128xf32, #tpu.memory_space<vmem>>, vector<1x400x128xf32>,
    %get3A_143 = arith.constant 11 : index
    %get3A_144 = arith.constant 0 : index
    %get3A_145 = arith.constant 0 : index
    %get3A_146 = vector.load %arg2[%get3A_143, %get3A_144, %get3A_145] : memref<27x128x128xf32, #tpu.memory_space<vmem>>, vector<1x128x128xf32>
    %get3A_147 = vector.shape_cast %get3A_146 : vector<1x128x128xf32> to vector<128x128xf32>
    %dot_general3A_148 = arith.constant dense<0.000000e+00> : vector<400x128xf32>
    %dot_general3A_149 = tpu.matmul %get3A_1, %get3A_147, %dot_general3A_148 {dimension_numbers = #tpu.dot_dimension_numbers<[1], [0], [0], [1], [0, 0, 1, 1], [], []>, transpose_lhs_hint = false} : vector<400x128xf32>, vector<128x128xf32>, vector<400x128xf32> -> vector<400x128xf32>
    %swap3A_150 = arith.constant 11 : index
    %swap3A_151 = arith.constant 0 : index
    %swap3A_152 = arith.constant 0 : index
    %swap3A_153 = vector.load %arg3[%swap3A_150, %swap3A_151, %swap3A_152] : memref<27x400x128xf32, #tpu.memory_space<vmem>>, vector<1x400x128xf32>
    %swap3A_154 = vector.shape_cast %swap3A_153 : vector<1x400x128xf32> to vector<400x128xf32>
    %swap3A_155 = vector.shape_cast %dot_general3A_149 : vector<400x128xf32> to vector<1x400x128xf32>
    tpu.vector_store %arg3[%swap3A_150, %swap3A_151, %swap3A_152], %swap3A_155 {strides = array<i32>} : memref<27x400x128xf32, #tpu.memory_space<vmem>>, vector<1x400x128xf32>,
    %get3A_156 = arith.constant 12 : index
    %get3A_157 = arith.constant 0 : index
    %get3A_158 = arith.constant 0 : index
    %get3A_159 = vector.load %arg2[%get3A_156, %get3A_157, %get3A_158] : memref<27x128x128xf32, #tpu.memory_space<vmem>>, vector<1x128x128xf32>
    %get3A_160 = vector.shape_cast %get3A_159 : vector<1x128x128xf32> to vector<128x128xf32>
    %dot_general3A_161 = arith.constant dense<0.000000e+00> : vector<400x128xf32>
    %dot_general3A_162 = tpu.matmul %get3A_1, %get3A_160, %dot_general3A_161 {dimension_numbers = #tpu.dot_dimension_numbers<[1], [0], [0], [1], [0, 0, 1, 1], [], []>, transpose_lhs_hint = false} : vector<400x128xf32>, vector<128x128xf32>, vector<400x128xf32> -> vector<400x128xf32>
    %swap3A_163 = arith.constant 12 : index
    %swap3A_164 = arith.constant 0 : index
    %swap3A_165 = arith.constant 0 : index
    %swap3A_166 = vector.load %arg3[%swap3A_163, %swap3A_164, %swap3A_165] : memref<27x400x128xf32, #tpu.memory_space<vmem>>, vector<1x400x128xf32>
    %swap3A_167 = vector.shape_cast %swap3A_166 : vector<1x400x128xf32> to vector<400x128xf32>
    %swap3A_168 = vector.shape_cast %dot_general3A_162 : vector<400x128xf32> to vector<1x400x128xf32>
    tpu.vector_store %arg3[%swap3A_163, %swap3A_164, %swap3A_165], %swap3A_168 {strides = array<i32>} : memref<27x400x128xf32, #tpu.memory_space<vmem>>, vector<1x400x128xf32>,
    %get3A_169 = arith.constant 13 : index
    %get3A_170 = arith.constant 0 : index
    %get3A_171 = arith.constant 0 : index
    %get3A_172 = vector.load %arg2[%get3A_169, %get3A_170, %get3A_171] : memref<27x128x128xf32, #tpu.memory_space<vmem>>, vector<1x128x128xf32>
    %get3A_173 = vector.shape_cast %get3A_172 : vector<1x128x128xf32> to vector<128x128xf32>
    %dot_general3A_174 = arith.constant dense<0.000000e+00> : vector<400x128xf32>
    %dot_general3A_175 = tpu.matmul %get3A_1, %get3A_173, %dot_general3A_174 {dimension_numbers = #tpu.dot_dimension_numbers<[1], [0], [0], [1], [0, 0, 1, 1], [], []>, transpose_lhs_hint = false} : vector<400x128xf32>, vector<128x128xf32>, vector<400x128xf32> -> vector<400x128xf32>
    %swap3A_176 = arith.constant 13 : index
    %swap3A_177 = arith.constant 0 : index
    %swap3A_178 = arith.constant 0 : index
    %swap3A_179 = vector.load %arg3[%swap3A_176, %swap3A_177, %swap3A_178] : memref<27x400x128xf32, #tpu.memory_space<vmem>>, vector<1x400x128xf32>
    %swap3A_180 = vector.shape_cast %swap3A_179 : vector<1x400x128xf32> to vector<400x128xf32>
    %swap3A_181 = vector.shape_cast %dot_general3A_175 : vector<400x128xf32> to vector<1x400x128xf32>
    tpu.vector_store %arg3[%swap3A_176, %swap3A_177, %swap3A_178], %swap3A_181 {strides = array<i32>} : memref<27x400x128xf32, #tpu.memory_space<vmem>>, vector<1x400x128xf32>,
    %get3A_182 = arith.constant 14 : index
    %get3A_183 = arith.constant 0 : index
    %get3A_184 = arith.constant 0 : index
    %get3A_185 = vector.load %arg2[%get3A_182, %get3A_183, %get3A_184] : memref<27x128x128xf32, #tpu.memory_space<vmem>>, vector<1x128x128xf32>
    %get3A_186 = vector.shape_cast %get3A_185 : vector<1x128x128xf32> to vector<128x128xf32>
    %dot_general3A_187 = arith.constant dense<0.000000e+00> : vector<400x128xf32>
    %dot_general3A_188 = tpu.matmul %get3A_1, %get3A_186, %dot_general3A_187 {dimension_numbers = #tpu.dot_dimension_numbers<[1], [0], [0], [1], [0, 0, 1, 1], [], []>, transpose_lhs_hint = false} : vector<400x128xf32>, vector<128x128xf32>, vector<400x128xf32> -> vector<400x128xf32>
    %swap3A_189 = arith.constant 14 : index
    %swap3A_190 = arith.constant 0 : index
    %swap3A_191 = arith.constant 0 : index
    %swap3A_192 = vector.load %arg3[%swap3A_189, %swap3A_190, %swap3A_191] : memref<27x400x128xf32, #tpu.memory_space<vmem>>, vector<1x400x128xf32>
    %swap3A_193 = vector.shape_cast %swap3A_192 : vector<1x400x128xf32> to vector<400x128xf32>
    %swap3A_194 = vector.shape_cast %dot_general3A_188 : vector<400x128xf32> to vector<1x400x128xf32>
    tpu.vector_store %arg3[%swap3A_189, %swap3A_190, %swap3A_191], %swap3A_194 {strides = array<i32>} : memref<27x400x128xf32, #tpu.memory_space<vmem>>, vector<1x400x128xf32>,
    %get3A_195 = arith.constant 15 : index
    %get3A_196 = arith.constant 0 : index
    %get3A_197 = arith.constant 0 : index
    %get3A_198 = vector.load %arg2[%get3A_195, %get3A_196, %get3A_197] : memref<27x128x128xf32, #tpu.memory_space<vmem>>, vector<1x128x128xf32>
    %get3A_199 = vector.shape_cast %get3A_198 : vector<1x128x128xf32> to vector<128x128xf32>
    %dot_general3A_200 = arith.constant dense<0.000000e+00> : vector<400x128xf32>
    %dot_general3A_201 = tpu.matmul %get3A_1, %get3A_199, %dot_general3A_200 {dimension_numbers = #tpu.dot_dimension_numbers<[1], [0], [0], [1], [0, 0, 1, 1], [], []>, transpose_lhs_hint = false} : vector<400x128xf32>, vector<128x128xf32>, vector<400x128xf32> -> vector<400x128xf32>
    %swap3A_202 = arith.constant 15 : index
    %swap3A_203 = arith.constant 0 : index
    %swap3A_204 = arith.constant 0 : index
    %swap3A_205 = vector.load %arg3[%swap3A_202, %swap3A_203, %swap3A_204] : memref<27x400x128xf32, #tpu.memory_space<vmem>>, vector<1x400x128xf32>
    %swap3A_206 = vector.shape_cast %swap3A_205 : vector<1x400x128xf32> to vector<400x128xf32>
    %swap3A_207 = vector.shape_cast %dot_general3A_201 : vector<400x128xf32> to vector<1x400x128xf32>
    tpu.vector_store %arg3[%swap3A_202, %swap3A_203, %swap3A_204], %swap3A_207 {strides = array<i32>} : memref<27x400x128xf32, #tpu.memory_space<vmem>>, vector<1x400x128xf32>,
    %get3A_208 = arith.constant 16 : index
    %get3A_209 = arith.constant 0 : index
    %get3A_210 = arith.constant 0 : index
    %get3A_211 = vector.load %arg2[%get3A_208, %get3A_209, %get3A_210] : memref<27x128x128xf32, #tpu.memory_space<vmem>>, vector<1x128x128xf32>
    %get3A_212 = vector.shape_cast %get3A_211 : vector<1x128x128xf32> to vector<128x128xf32>
    %dot_general3A_213 = arith.constant dense<0.000000e+00> : vector<400x128xf32>
    %dot_general3A_214 = tpu.matmul %get3A_1, %get3A_212, %dot_general3A_213 {dimension_numbers = #tpu.dot_dimension_numbers<[1], [0], [0], [1], [0, 0, 1, 1], [], []>, transpose_lhs_hint = false} : vector<400x128xf32>, vector<128x128xf32>, vector<400x128xf32> -> vector<400x128xf32>
    %swap3A_215 = arith.constant 16 : index
    %swap3A_216 = arith.constant 0 : index
    %swap3A_217 = arith.constant 0 : index
    %swap3A_218 = vector.load %arg3[%swap3A_215, %swap3A_216, %swap3A_217] : memref<27x400x128xf32, #tpu.memory_space<vmem>>, vector<1x400x128xf32>
    %swap3A_219 = vector.shape_cast %swap3A_218 : vector<1x400x128xf32> to vector<400x128xf32>
    %swap3A_220 = vector.shape_cast %dot_general3A_214 : vector<400x128xf32> to vector<1x400x128xf32>
    tpu.vector_store %arg3[%swap3A_215, %swap3A_216, %swap3A_217], %swap3A_220 {strides = array<i32>} : memref<27x400x128xf32, #tpu.memory_space<vmem>>, vector<1x400x128xf32>,
    %get3A_221 = arith.constant 17 : index
    %get3A_222 = arith.constant 0 : index
    %get3A_223 = arith.constant 0 : index
    %get3A_224 = vector.load %arg2[%get3A_221, %get3A_222, %get3A_223] : memref<27x128x128xf32, #tpu.memory_space<vmem>>, vector<1x128x128xf32>
    %get3A_225 = vector.shape_cast %get3A_224 : vector<1x128x128xf32> to vector<128x128xf32>
    %dot_general3A_226 = arith.constant dense<0.000000e+00> : vector<400x128xf32>
    %dot_general3A_227 = tpu.matmul %get3A_1, %get3A_225, %dot_general3A_226 {dimension_numbers = #tpu.dot_dimension_numbers<[1], [0], [0], [1], [0, 0, 1, 1], [], []>, transpose_lhs_hint = false} : vector<400x128xf32>, vector<128x128xf32>, vector<400x128xf32> -> vector<400x128xf32>
    %swap3A_228 = arith.constant 17 : index
    %swap3A_229 = arith.constant 0 : index
    %swap3A_230 = arith.constant 0 : index
    %swap3A_231 = vector.load %arg3[%swap3A_228, %swap3A_229, %swap3A_230] : memref<27x400x128xf32, #tpu.memory_space<vmem>>, vector<1x400x128xf32>
    %swap3A_232 = vector.shape_cast %swap3A_231 : vector<1x400x128xf32> to vector<400x128xf32>
    %swap3A_233 = vector.shape_cast %dot_general3A_227 : vector<400x128xf32> to vector<1x400x128xf32>
    tpu.vector_store %arg3[%swap3A_228, %swap3A_229, %swap3A_230], %swap3A_233 {strides = array<i32>} : memref<27x400x128xf32, #tpu.memory_space<vmem>>, vector<1x400x128xf32>,
    %get3A_234 = arith.constant 18 : index
    %get3A_235 = arith.constant 0 : index
    %get3A_236 = arith.constant 0 : index
    %get3A_237 = vector.load %arg2[%get3A_234, %get3A_235, %get3A_236] : memref<27x128x128xf32, #tpu.memory_space<vmem>>, vector<1x128x128xf32>
    %get3A_238 = vector.shape_cast %get3A_237 : vector<1x128x128xf32> to vector<128x128xf32>
    %dot_general3A_239 = arith.constant dense<0.000000e+00> : vector<400x128xf32>
    %dot_general3A_240 = tpu.matmul %get3A_1, %get3A_238, %dot_general3A_239 {dimension_numbers = #tpu.dot_dimension_numbers<[1], [0], [0], [1], [0, 0, 1, 1], [], []>, transpose_lhs_hint = false} : vector<400x128xf32>, vector<128x128xf32>, vector<400x128xf32> -> vector<400x128xf32>
    %swap3A_241 = arith.constant 18 : index
    %swap3A_242 = arith.constant 0 : index
    %swap3A_243 = arith.constant 0 : index
    %swap3A_244 = vector.load %arg3[%swap3A_241, %swap3A_242, %swap3A_243] : memref<27x400x128xf32, #tpu.memory_space<vmem>>, vector<1x400x128xf32>
    %swap3A_245 = vector.shape_cast %swap3A_244 : vector<1x400x128xf32> to vector<400x128xf32>
    %swap3A_246 = vector.shape_cast %dot_general3A_240 : vector<400x128xf32> to vector<1x400x128xf32>
    tpu.vector_store %arg3[%swap3A_241, %swap3A_242, %swap3A_243], %swap3A_246 {strides = array<i32>} : memref<27x400x128xf32, #tpu.memory_space<vmem>>, vector<1x400x128xf32>,
    %get3A_247 = arith.constant 19 : index
    %get3A_248 = arith.constant 0 : index
    %get3A_249 = arith.constant 0 : index
    %get3A_250 = vector.load %arg2[%get3A_247, %get3A_248, %get3A_249] : memref<27x128x128xf32, #tpu.memory_space<vmem>>, vector<1x128x128xf32>
    %get3A_251 = vector.shape_cast %get3A_250 : vector<1x128x128xf32> to vector<128x128xf32>
    %dot_general3A_252 = arith.constant dense<0.000000e+00> : vector<400x128xf32>
    %dot_general3A_253 = tpu.matmul %get3A_1, %get3A_251, %dot_general3A_252 {dimension_numbers = #tpu.dot_dimension_numbers<[1], [0], [0], [1], [0, 0, 1, 1], [], []>, transpose_lhs_hint = false} : vector<400x128xf32>, vector<128x128xf32>, vector<400x128xf32> -> vector<400x128xf32>
    %swap3A_254 = arith.constant 19 : index
    %swap3A_255 = arith.constant 0 : index
    %swap3A_256 = arith.constant 0 : index
    %swap3A_257 = vector.load %arg3[%swap3A_254, %swap3A_255, %swap3A_256] : memref<27x400x128xf32, #tpu.memory_space<vmem>>, vector<1x400x128xf32>
    %swap3A_258 = vector.shape_cast %swap3A_257 : vector<1x400x128xf32> to vector<400x128xf32>
    %swap3A_259 = vector.shape_cast %dot_general3A_253 : vector<400x128xf32> to vector<1x400x128xf32>
    tpu.vector_store %arg3[%swap3A_254, %swap3A_255, %swap3A_256], %swap3A_259 {strides = array<i32>} : memref<27x400x128xf32, #tpu.memory_space<vmem>>, vector<1x400x128xf32>,
    %get3A_260 = arith.constant 20 : index
    %get3A_261 = arith.constant 0 : index
    %get3A_262 = arith.constant 0 : index
    %get3A_263 = vector.load %arg2[%get3A_260, %get3A_261, %get3A_262] : memref<27x128x128xf32, #tpu.memory_space<vmem>>, vector<1x128x128xf32>
    %get3A_264 = vector.shape_cast %get3A_263 : vector<1x128x128xf32> to vector<128x128xf32>
    %dot_general3A_265 = arith.constant dense<0.000000e+00> : vector<400x128xf32>
    %dot_general3A_266 = tpu.matmul %get3A_1, %get3A_264, %dot_general3A_265 {dimension_numbers = #tpu.dot_dimension_numbers<[1], [0], [0], [1], [0, 0, 1, 1], [], []>, transpose_lhs_hint = false} : vector<400x128xf32>, vector<128x128xf32>, vector<400x128xf32> -> vector<400x128xf32>
    %swap3A_267 = arith.constant 20 : index
    %swap3A_268 = arith.constant 0 : index
    %swap3A_269 = arith.constant 0 : index
    %swap3A_270 = vector.load %arg3[%swap3A_267, %swap3A_268, %swap3A_269] : memref<27x400x128xf32, #tpu.memory_space<vmem>>, vector<1x400x128xf32>
    %swap3A_271 = vector.shape_cast %swap3A_270 : vector<1x400x128xf32> to vector<400x128xf32>
    %swap3A_272 = vector.shape_cast %dot_general3A_266 : vector<400x128xf32> to vector<1x400x128xf32>
    tpu.vector_store %arg3[%swap3A_267, %swap3A_268, %swap3A_269], %swap3A_272 {strides = array<i32>} : memref<27x400x128xf32, #tpu.memory_space<vmem>>, vector<1x400x128xf32>,
    %get3A_273 = arith.constant 21 : index
    %get3A_274 = arith.constant 0 : index
    %get3A_275 = arith.constant 0 : index
    %get3A_276 = vector.load %arg2[%get3A_273, %get3A_274, %get3A_275] : memref<27x128x128xf32, #tpu.memory_space<vmem>>, vector<1x128x128xf32>
    %get3A_277 = vector.shape_cast %get3A_276 : vector<1x128x128xf32> to vector<128x128xf32>
    %dot_general3A_278 = arith.constant dense<0.000000e+00> : vector<400x128xf32>
    %dot_general3A_279 = tpu.matmul %get3A_1, %get3A_277, %dot_general3A_278 {dimension_numbers = #tpu.dot_dimension_numbers<[1], [0], [0], [1], [0, 0, 1, 1], [], []>, transpose_lhs_hint = false} : vector<400x128xf32>, vector<128x128xf32>, vector<400x128xf32> -> vector<400x128xf32>
    %swap3A_280 = arith.constant 21 : index
    %swap3A_281 = arith.constant 0 : index
    %swap3A_282 = arith.constant 0 : index
    %swap3A_283 = vector.load %arg3[%swap3A_280, %swap3A_281, %swap3A_282] : memref<27x400x128xf32, #tpu.memory_space<vmem>>, vector<1x400x128xf32>
    %swap3A_284 = vector.shape_cast %swap3A_283 : vector<1x400x128xf32> to vector<400x128xf32>
    %swap3A_285 = vector.shape_cast %dot_general3A_279 : vector<400x128xf32> to vector<1x400x128xf32>
    tpu.vector_store %arg3[%swap3A_280, %swap3A_281, %swap3A_282], %swap3A_285 {strides = array<i32>} : memref<27x400x128xf32, #tpu.memory_space<vmem>>, vector<1x400x128xf32>,
    %get3A_286 = arith.constant 22 : index
    %get3A_287 = arith.constant 0 : index
    %get3A_288 = arith.constant 0 : index
    %get3A_289 = vector.load %arg2[%get3A_286, %get3A_287, %get3A_288] : memref<27x128x128xf32, #tpu.memory_space<vmem>>, vector<1x128x128xf32>
    %get3A_290 = vector.shape_cast %get3A_289 : vector<1x128x128xf32> to vector<128x128xf32>
    %dot_general3A_291 = arith.constant dense<0.000000e+00> : vector<400x128xf32>
    %dot_general3A_292 = tpu.matmul %get3A_1, %get3A_290, %dot_general3A_291 {dimension_numbers = #tpu.dot_dimension_numbers<[1], [0], [0], [1], [0, 0, 1, 1], [], []>, transpose_lhs_hint = false} : vector<400x128xf32>, vector<128x128xf32>, vector<400x128xf32> -> vector<400x128xf32>
    %swap3A_293 = arith.constant 22 : index
    %swap3A_294 = arith.constant 0 : index
    %swap3A_295 = arith.constant 0 : index
    %swap3A_296 = vector.load %arg3[%swap3A_293, %swap3A_294, %swap3A_295] : memref<27x400x128xf32, #tpu.memory_space<vmem>>, vector<1x400x128xf32>
    %swap3A_297 = vector.shape_cast %swap3A_296 : vector<1x400x128xf32> to vector<400x128xf32>
    %swap3A_298 = vector.shape_cast %dot_general3A_292 : vector<400x128xf32> to vector<1x400x128xf32>
    tpu.vector_store %arg3[%swap3A_293, %swap3A_294, %swap3A_295], %swap3A_298 {strides = array<i32>} : memref<27x400x128xf32, #tpu.memory_space<vmem>>, vector<1x400x128xf32>,
    %get3A_299 = arith.constant 23 : index
    %get3A_300 = arith.constant 0 : index
    %get3A_301 = arith.constant 0 : index
    %get3A_302 = vector.load %arg2[%get3A_299, %get3A_300, %get3A_301] : memref<27x128x128xf32, #tpu.memory_space<vmem>>, vector<1x128x128xf32>
    %get3A_303 = vector.shape_cast %get3A_302 : vector<1x128x128xf32> to vector<128x128xf32>
    %dot_general3A_304 = arith.constant dense<0.000000e+00> : vector<400x128xf32>
    %dot_general3A_305 = tpu.matmul %get3A_1, %get3A_303, %dot_general3A_304 {dimension_numbers = #tpu.dot_dimension_numbers<[1], [0], [0], [1], [0, 0, 1, 1], [], []>, transpose_lhs_hint = false} : vector<400x128xf32>, vector<128x128xf32>, vector<400x128xf32> -> vector<400x128xf32>
    %swap3A_306 = arith.constant 23 : index
    %swap3A_307 = arith.constant 0 : index
    %swap3A_308 = arith.constant 0 : index
    %swap3A_309 = vector.load %arg3[%swap3A_306, %swap3A_307, %swap3A_308] : memref<27x400x128xf32, #tpu.memory_space<vmem>>, vector<1x400x128xf32>
    %swap3A_310 = vector.shape_cast %swap3A_309 : vector<1x400x128xf32> to vector<400x128xf32>
    %swap3A_311 = vector.shape_cast %dot_general3A_305 : vector<400x128xf32> to vector<1x400x128xf32>
    tpu.vector_store %arg3[%swap3A_306, %swap3A_307, %swap3A_308], %swap3A_311 {strides = array<i32>} : memref<27x400x128xf32, #tpu.memory_space<vmem>>, vector<1x400x128xf32>,
    %get3A_312 = arith.constant 24 : index
    %get3A_313 = arith.constant 0 : index
    %get3A_314 = arith.constant 0 : index
    %get3A_315 = vector.load %arg2[%get3A_312, %get3A_313, %get3A_314] : memref<27x128x128xf32, #tpu.memory_space<vmem>>, vector<1x128x128xf32>
    %get3A_316 = vector.shape_cast %get3A_315 : vector<1x128x128xf32> to vector<128x128xf32>
    %dot_general3A_317 = arith.constant dense<0.000000e+00> : vector<400x128xf32>
    %dot_general3A_318 = tpu.matmul %get3A_1, %get3A_316, %dot_general3A_317 {dimension_numbers = #tpu.dot_dimension_numbers<[1], [0], [0], [1], [0, 0, 1, 1], [], []>, transpose_lhs_hint = false} : vector<400x128xf32>, vector<128x128xf32>, vector<400x128xf32> -> vector<400x128xf32>
    %swap3A_319 = arith.constant 24 : index
    %swap3A_320 = arith.constant 0 : index
    %swap3A_321 = arith.constant 0 : index
    %swap3A_322 = vector.load %arg3[%swap3A_319, %swap3A_320, %swap3A_321] : memref<27x400x128xf32, #tpu.memory_space<vmem>>, vector<1x400x128xf32>
    %swap3A_323 = vector.shape_cast %swap3A_322 : vector<1x400x128xf32> to vector<400x128xf32>
    %swap3A_324 = vector.shape_cast %dot_general3A_318 : vector<400x128xf32> to vector<1x400x128xf32>
    tpu.vector_store %arg3[%swap3A_319, %swap3A_320, %swap3A_321], %swap3A_324 {strides = array<i32>} : memref<27x400x128xf32, #tpu.memory_space<vmem>>, vector<1x400x128xf32>,
    %get3A_325 = arith.constant 25 : index
    %get3A_326 = arith.constant 0 : index
    %get3A_327 = arith.constant 0 : index
    %get3A_328 = vector.load %arg2[%get3A_325, %get3A_326, %get3A_327] : memref<27x128x128xf32, #tpu.memory_space<vmem>>, vector<1x128x128xf32>
    %get3A_329 = vector.shape_cast %get3A_328 : vector<1x128x128xf32> to vector<128x128xf32>
    %dot_general3A_330 = arith.constant dense<0.000000e+00> : vector<400x128xf32>
    %dot_general3A_331 = tpu.matmul %get3A_1, %get3A_329, %dot_general3A_330 {dimension_numbers = #tpu.dot_dimension_numbers<[1], [0], [0], [1], [0, 0, 1, 1], [], []>, transpose_lhs_hint = false} : vector<400x128xf32>, vector<128x128xf32>, vector<400x128xf32> -> vector<400x128xf32>
    %swap3A_332 = arith.constant 25 : index
    %swap3A_333 = arith.constant 0 : index
    %swap3A_334 = arith.constant 0 : index
    %swap3A_335 = vector.load %arg3[%swap3A_332, %swap3A_333, %swap3A_334] : memref<27x400x128xf32, #tpu.memory_space<vmem>>, vector<1x400x128xf32>
    %swap3A_336 = vector.shape_cast %swap3A_335 : vector<1x400x128xf32> to vector<400x128xf32>
    %swap3A_337 = vector.shape_cast %dot_general3A_331 : vector<400x128xf32> to vector<1x400x128xf32>
    tpu.vector_store %arg3[%swap3A_332, %swap3A_333, %swap3A_334], %swap3A_337 {strides = array<i32>} : memref<27x400x128xf32, #tpu.memory_space<vmem>>, vector<1x400x128xf32>,
    %get3A_338 = arith.constant 26 : index
    %get3A_339 = arith.constant 0 : index
    %get3A_340 = arith.constant 0 : index
    %get3A_341 = vector.load %arg2[%get3A_338, %get3A_339, %get3A_340] : memref<27x128x128xf32, #tpu.memory_space<vmem>>, vector<1x128x128xf32>
    %get3A_342 = vector.shape_cast %get3A_341 : vector<1x128x128xf32> to vector<128x128xf32>
    %dot_general3A_343 = arith.constant dense<0.000000e+00> : vector<400x128xf32>
    %dot_general3A_344 = tpu.matmul %get3A_1, %get3A_342, %dot_general3A_343 {dimension_numbers = #tpu.dot_dimension_numbers<[1], [0], [0], [1], [0, 0, 1, 1], [], []>, transpose_lhs_hint = false} : vector<400x128xf32>, vector<128x128xf32>, vector<400x128xf32> -> vector<400x128xf32>
    %swap3A_345 = arith.constant 26 : index
    %swap3A_346 = arith.constant 0 : index
    %swap3A_347 = arith.constant 0 : index
    %swap3A_348 = vector.load %arg3[%swap3A_345, %swap3A_346, %swap3A_347] : memref<27x400x128xf32, #tpu.memory_space<vmem>>, vector<1x400x128xf32>
    %swap3A_349 = vector.shape_cast %swap3A_348 : vector<1x400x128xf32> to vector<400x128xf32>
    %swap3A_350 = vector.shape_cast %dot_general3A_344 : vector<400x128xf32> to vector<1x400x128xf32>
    tpu.vector_store %arg3[%swap3A_345, %swap3A_346, %swap3A_347], %swap3A_350 {strides = array<i32>} : memref<27x400x128xf32, #tpu.memory_space<vmem>>, vector<1x400x128xf32>,
    return
  }
  func.func @transform_0(%arg0: i32) -> (i32, i32) {
    %c0_i32 = arith.constant 0 : i32
    %c0_i32_0 = arith.constant 0 : i32
    return %arg0, %c0_i32 : i32, i32
  }
  func.func @transform_1(%arg0: i32) -> (i32, i32, i32) {
    %c0_i32 = arith.constant 0 : i32
    %c0_i32_0 = arith.constant 0 : i32
    %c0_i32_1 = arith.constant 0 : i32
    %c0_i32_2 = arith.constant 0 : i32
    return %c0_i32, %c0_i32_0, %c0_i32_1 : i32, i32, i32
  }
  func.func @transform_2(%arg0: i32) -> (i32, i32, i32) {
    %c0_i32 = arith.constant 0 : i32
    %c0_i32_0 = arith.constant 0 : i32
    %c0_i32_1 = arith.constant 0 : i32
    return %c0_i32, %arg0, %c0_i32_0 : i32, i32, i32
  }
}

module attributes {stable_mosaic.version = 14 : i64} {
  func.func @_epi_body(%arg0: i32, %arg1: memref<2x1000x128xf32, #tpu.memory_space<vmem>>, %arg2: memref<1x128xf32, #tpu.memory_space<vmem>>, %arg3: memref<128x128xf32, #tpu.memory_space<vmem>>, %arg4: memref<1x128xf32, #tpu.memory_space<vmem>>, %arg5: memref<1x128xf32, #tpu.memory_space<vmem>>, %arg6: memref<1x128xf32, #tpu.memory_space<vmem>>, %arg7: memref<1000x128xf32, #tpu.memory_space<vmem>>) attributes {dimension_semantics = [#tpu.dimension_semantics<arbitrary>], iteration_bounds = array<i64: 10>, scalar_prefetch = 0 : i64, scratch_operands = 0 : i64, tpu.core_type = #tpu.core_type<tc>, window_params = [{transform_indices = @transform_0, window_bounds = array<i64: 2, 1000, 128>}, {pipeline_mode = #tpu.pipeline_mode<synchronous>, transform_indices = @transform_1, window_bounds = array<i64: 1, 128>}, {pipeline_mode = #tpu.pipeline_mode<synchronous>, transform_indices = @transform_2, window_bounds = array<i64: 128, 128>}, {pipeline_mode = #tpu.pipeline_mode<synchronous>, transform_indices = @transform_3, window_bounds = array<i64: 1, 128>}, {pipeline_mode = #tpu.pipeline_mode<synchronous>, transform_indices = @transform_4, window_bounds = array<i64: 1, 128>}, {pipeline_mode = #tpu.pipeline_mode<synchronous>, transform_indices = @transform_5, window_bounds = array<i64: 1, 128>}, {transform_indices = @transform_6, window_bounds = array<i64: 1000, 128>}]} {
    %get3A = arith.constant 0 : index
    %get3A_0 = arith.constant 0 : index
    %get3A_1 = arith.constant 0 : index
    %get3A_2 = vector.load %arg1[%get3A, %get3A_0, %get3A_1] : memref<2x1000x128xf32, #tpu.memory_space<vmem>>, vector<1x1000x128xf32>
    %get3A_3 = vector.shape_cast %get3A_2 : vector<1x1000x128xf32> to vector<1000x128xf32>
    %get3A_4 = arith.constant 1 : index
    %get3A_5 = arith.constant 0 : index
    %get3A_6 = arith.constant 0 : index
    %get3A_7 = vector.load %arg1[%get3A_4, %get3A_5, %get3A_6] : memref<2x1000x128xf32, #tpu.memory_space<vmem>>, vector<1x1000x128xf32>
    %get3A_8 = vector.shape_cast %get3A_7 : vector<1x1000x128xf32> to vector<1000x128xf32>
    %add3A = arith.addf %get3A_3, %get3A_8 : vector<1000x128xf32>
    %get3A_9 = arith.constant 0 : index
    %get3A_10 = arith.constant 0 : index
    %get3A_11 = vector.load %arg2[%get3A_9, %get3A_10] : memref<1x128xf32, #tpu.memory_space<vmem>>, vector<1x128xf32>
    %add3A_12 = vector.broadcast %get3A_11 : vector<1x128xf32> to vector<1000x128xf32>
    %add3A_13 = arith.addf %add3A, %add3A_12 : vector<1000x128xf32>
    %get3A_14 = arith.constant 0 : index
    %get3A_15 = arith.constant 0 : index
    %get3A_16 = vector.load %arg3[%get3A_14, %get3A_15] : memref<128x128xf32, #tpu.memory_space<vmem>>, vector<128x128xf32>
    %dot_general3A = arith.constant dense<0.000000e+00> : vector<1000x128xf32>
    %dot_general3A_17 = tpu.matmul %add3A_13, %get3A_16, %dot_general3A {dimension_numbers = #tpu.dot_dimension_numbers<[1], [1], [0], [0], [0, 0, 1, 0], [], []>, transpose_lhs_hint = false} : vector<1000x128xf32>, vector<128x128xf32>, vector<1000x128xf32> -> vector<1000x128xf32>
    %get3A_18 = arith.constant 0 : index
    %get3A_19 = arith.constant 0 : index
    %get3A_20 = vector.load %arg4[%get3A_18, %get3A_19] : memref<1x128xf32, #tpu.memory_space<vmem>>, vector<1x128xf32>
    %add3A_21 = vector.broadcast %get3A_20 : vector<1x128xf32> to vector<1000x128xf32>
    %add3A_22 = arith.addf %dot_general3A_17, %add3A_21 : vector<1000x128xf32>
    %reduce_sum3A = arith.constant dense<0.000000e+00> : vector<1000xf32>
    %reduce_sum3A_23 = vector.multi_reduction <add>, %add3A_22, %reduce_sum3A [1] : vector<1000x128xf32> to vector<1000xf32>
    %broadcast_in_dim3A = vector.shape_cast %reduce_sum3A_23 : vector<1000xf32> to vector<1000x1xf32>
    %div3A = arith.constant 1.280000e+02 : f32
    %div3A_24 = vector.broadcast %div3A : f32 to vector<1000x1xf32>
    %div3A_25 = arith.divf %broadcast_in_dim3A, %div3A_24 : vector<1000x1xf32>
    %sub3A = vector.broadcast %div3A_25 : vector<1000x1xf32> to vector<1000x128xf32>
    %sub3A_26 = arith.subf %add3A_22, %sub3A : vector<1000x128xf32>
    %mul3A = arith.mulf %sub3A_26, %sub3A_26 : vector<1000x128xf32>
    %reduce_sum3A_27 = arith.constant dense<0.000000e+00> : vector<1000xf32>
    %reduce_sum3A_28 = vector.multi_reduction <add>, %mul3A, %reduce_sum3A_27 [1] : vector<1000x128xf32> to vector<1000xf32>
    %broadcast_in_dim3A_29 = vector.shape_cast %reduce_sum3A_28 : vector<1000xf32> to vector<1000x1xf32>
    %div3A_30 = arith.constant 1.280000e+02 : f32
    %div3A_31 = vector.broadcast %div3A_30 : f32 to vector<1000x1xf32>
    %div3A_32 = arith.divf %broadcast_in_dim3A_29, %div3A_31 : vector<1000x1xf32>
    %add3A_33 = arith.constant 9.99999974E-6 : f32
    %add3A_34 = vector.broadcast %add3A_33 : f32 to vector<1000x1xf32>
    %add3A_35 = arith.addf %div3A_32, %add3A_34 : vector<1000x1xf32>
    %rsqrt3A = math.rsqrt %add3A_35 : vector<1000x1xf32>
    %mul3A_36 = vector.broadcast %rsqrt3A : vector<1000x1xf32> to vector<1000x128xf32>
    %mul3A_37 = arith.mulf %sub3A_26, %mul3A_36 : vector<1000x128xf32>
    %get3A_38 = arith.constant 0 : index
    %get3A_39 = arith.constant 0 : index
    %get3A_40 = vector.load %arg5[%get3A_38, %get3A_39] : memref<1x128xf32, #tpu.memory_space<vmem>>, vector<1x128xf32>
    %mul3A_41 = vector.broadcast %get3A_40 : vector<1x128xf32> to vector<1000x128xf32>
    %mul3A_42 = arith.mulf %mul3A_37, %mul3A_41 : vector<1000x128xf32>
    %get3A_43 = arith.constant 0 : index
    %get3A_44 = arith.constant 0 : index
    %get3A_45 = vector.load %arg6[%get3A_43, %get3A_44] : memref<1x128xf32, #tpu.memory_space<vmem>>, vector<1x128xf32>
    %add3A_46 = vector.broadcast %get3A_45 : vector<1x128xf32> to vector<1000x128xf32>
    %add3A_47 = arith.addf %mul3A_42, %add3A_46 : vector<1000x128xf32>
    %swap3A = arith.constant 0 : index
    %swap3A_48 = arith.constant 0 : index
    %swap3A_49 = vector.load %arg7[%swap3A, %swap3A_48] : memref<1000x128xf32, #tpu.memory_space<vmem>>, vector<1000x128xf32>
    tpu.vector_store %arg7[%swap3A, %swap3A_48], %add3A_47 {strides = array<i32>} : memref<1000x128xf32, #tpu.memory_space<vmem>>, vector<1000x128xf32>,
    return
  }
  func.func @transform_0(%arg0: i32) -> (i32, i32, i32) {
    %c0_i32 = arith.constant 0 : i32
    %c0_i32_0 = arith.constant 0 : i32
    %c0_i32_1 = arith.constant 0 : i32
    return %c0_i32, %arg0, %c0_i32_0 : i32, i32, i32
  }
  func.func @transform_1(%arg0: i32) -> (i32, i32) {
    %c0_i32 = arith.constant 0 : i32
    %c0_i32_0 = arith.constant 0 : i32
    %c0_i32_1 = arith.constant 0 : i32
    return %c0_i32, %c0_i32_0 : i32, i32
  }
  func.func @transform_2(%arg0: i32) -> (i32, i32) {
    %c0_i32 = arith.constant 0 : i32
    %c0_i32_0 = arith.constant 0 : i32
    %c0_i32_1 = arith.constant 0 : i32
    return %c0_i32, %c0_i32_0 : i32, i32
  }
  func.func @transform_3(%arg0: i32) -> (i32, i32) {
    %c0_i32 = arith.constant 0 : i32
    %c0_i32_0 = arith.constant 0 : i32
    %c0_i32_1 = arith.constant 0 : i32
    return %c0_i32, %c0_i32_0 : i32, i32
  }
  func.func @transform_4(%arg0: i32) -> (i32, i32) {
    %c0_i32 = arith.constant 0 : i32
    %c0_i32_0 = arith.constant 0 : i32
    %c0_i32_1 = arith.constant 0 : i32
    return %c0_i32, %c0_i32_0 : i32, i32
  }
  func.func @transform_5(%arg0: i32) -> (i32, i32) {
    %c0_i32 = arith.constant 0 : i32
    %c0_i32_0 = arith.constant 0 : i32
    %c0_i32_1 = arith.constant 0 : i32
    return %c0_i32, %c0_i32_0 : i32, i32
  }
  func.func @transform_6(%arg0: i32) -> (i32, i32) {
    %c0_i32 = arith.constant 0 : i32
    %c0_i32_0 = arith.constant 0 : i32
    return %arg0, %c0_i32 : i32, i32
  }
}

</mosaic_0001>

<sc_bundles>
// kernel: kernel.5.cloned.1.call-start
scs
__scs_entry_jumppad:
0x0: {  	(pc) =	sbr.rel $0x88, $3  }
0x1: {  	(tag) =	ssettag $0x0;
	lr =	simm.s32 $0x1  }
0x2: {  	[smem:$0x3F98] =	sst lr;
	_ =	strace $0xD0000000  }
0x3: {  	_ = 	snop  }
0x4: {  	_ = 	snop  }
0x5: {  	_ = 	snop  }
0x6: {  	_ = 	snop  }
0x7: {  	_ = 	snop  }
__scs_overlays_trampoline_lowered:
0x8: {  	[smem:$0x3FA7] =	sst s0  }
0x9: {  	[smem:$0x3FA8] =	sst s1  }
0xa: {  	[smem:$0x3FA9] =	sst s2  }
0xb: {  	[smem:$0x3FAA] =	sst s3  }
0xc: {  	[smem:$0x3FAB] =	sst s4  }
0xd: {  	[smem:$0x3FAC] =	sst s5  }
0xe: {  	[smem:$0x3FAD] =	sst s6  }
0xf: {  	[smem:$0x3FAE] =	sst s7  }
0x10: {  	[smem:$0x3FAF] =	sst s8  }
0x11: {  	[smem:$0x3FB0] =	sst s9;
	s0 =	simm.s32 @!p0 $0x0  }
0x12: {  	s1 =	sld [smem:$0x3F96];
	s0 =	simm.s32 @p0 $0x1  }
0x13: {  	[smem:$0x3FB1] =	sst s0;
	s0 =	simm.s32 @!p1 $0x0  }
0x14: {  	s2 =	sld [smem:$0x3F95];
	s0 =	simm.s32 @p1 $0x1  }
0x15: {  	[smem:$0x3FB2] =	sst s0;
	s0 =	simm.s32 @!p2 $0x0  }
0x16: {  	s3 =	sld [smem:$0x3FDB];
	s0 =	simm.s32 @p2 $0x1  }
0x17: {  	s4 =	simm.s32 $0x1BF5;
	[smem:$0x3FB4] =	sst s0  }
0x18: {  	s0 =	sld [smem:$0x3F97];
	_ =	swait.ge [sflag:s4], $0x0  }
0x19: {  	s7 =	sld [smem:$0x3F98]  }
0x1a: {  	s8 =	sadd.s32 $0xFFFFE003, lr  }
0x1b: {  	s9 =	sadd.s32 $0xFFFFFEF7, lr;
	s5 =	simm.s32 $0xFFFFFFFF;
	p2 =	slt.u32 s8, $0xFFFFF086  }
0x1c: {  	p1 =	slt.u32 s9, $0xF7A;
	s5 =	simm.s32 @!p2 $0x0  }
0x1d: {  	s5 =	simm.s32 @p1 $0x1;
	p0 =	seq.s32 s7, s2  }
0x1e: {  	s7 =	smul.u32 @!p0 $0xF7A, s2;
	p2 =	seq.s32 @!p0 s5, $0x0  }
0x1f: {  	s9 =	smul.u32 $0xF7A, s1;
	s8 =	simm.s32 @!p0 $0x1BF5;
	p2 =	por !p2, p0  }
0x20: {  	[sflag:s8] =	ssyncset.s32 @!p0 $0xFFFFF086;
	s6 =	sadd.s32 @!p0 s3, s7;
	s7 =	simm.s32 @!p0 $0x108  }
0x21: {  	s3 =	sadd.s32 s3, s9;
	s6 =	sadd.s32 @!p0 $0x88, s6;
	s7 =	simm.s32 @p2 $0x1082  }
0x22: {  	[simem:s7], [sflag:s8] =	dma.local @!p0 [hbm:s6], $0xF7A  }
0x23: {  	s9 =	sor.u32 $0xD0000000, s2;
	s6 =	simm.s32 $0x108;
	_ =	swait.ge @!p0 [sflag:s8], $0x0  }
0x24: {  	s3 =	sadd.s32 $0x88, s3;
	s6 =	simm.s32 @!p1 $0x1082;
	[sflag:s4] =	ssyncset.s32 $0xFFFFF086  }
0x25: {  	[simem:s6], [sflag:s4] =	dma.local [hbm:s3], $0xF7A  }
0x26: {  	[smem:$0x3F98] =	sst s1;
	(tag) =	ssettag s2;
	_ =	strace s9  }
0x27: {  	s1 =	sld [smem:$0x3FA8]  }
0x28: {  	s2 =	sld [smem:$0x3FA9]  }
0x29: {  	s4 =	sld [smem:$0x3FAB]  }
0x2a: {  	p0 =	seq.s32 s5, $0x0;
	s5 =	sld [smem:$0x3FAC]  }
0x2b: {  	s6 =	sld [smem:$0x3FAD]  }
0x2c: {  	s7 =	sld [smem:$0x3FAE]  }
0x2d: {  	s3 =	simm.s32 $0x108;
	s8 =	sld [smem:$0x3FAF]  }
0x2e: {  	s3 =	simm.s32 @!p0 $0x1082;
	s9 =	sld [smem:$0x3FB0]  }
0x2f: {  	lr =	sadd.s32 s0, s3;
	s0 =	sld [smem:$0x3FA7]  }
0x30: {  	s3 =	sld [smem:$0x3FAA]  }
0x31: {  	[smem:$0x3FB3] =	sst s10  }
0x32: {  	s10 =	sld [smem:$0x3FB1];
	_ =	sdelay $0x3  }
0x33: {  	p0 =	seq.s32 s10, $0x1;
	s10 =	sld [smem:$0x3FB3];
	_ =	sdelay $0x3  }
0x34: {  	[smem:$0x3FB3] =	sst s10  }
0x35: {  	s10 =	sld [smem:$0x3FB2];
	_ =	sdelay $0x3  }
0x36: {  	p1 =	seq.s32 s10, $0x1;
	s10 =	sld [smem:$0x3FB3];
	_ =	sdelay $0x3  }
0x37: {  	[smem:$0x3FB3] =	sst s10  }
0x38: {  	s10 =	sld [smem:$0x3FB4]  }
0x39: {  	_ = 	snop;
	(pc) =	sbr.ind lr, $3  }
0x3a: {  	_ = 	snop  }
0x3b: {  	_ = 	snop  }
0x3c: {  	p2 =	seq.s32 s10, $0x1;
	s10 =	sld [smem:$0x3FB3]  }
0x3d: {  	_ =	shalt  }
0x3e: {  	_ =	shalt  }
0x3f: {  	_ =	shalt  }
0x40: {  	_ =	shalt  }
0x41: {  	_ =	shalt  }
0x42: {  	_ =	shalt  }
0x43: {  	_ =	shalt  }
0x44: {  	_ =	shalt  }
0x45: {  	_ =	shalt  }
0x46: {  	_ =	shalt  }
0x47: {  	_ =	shalt  }
0x48: {  	_ =	shalt  }
0x49: {  	_ =	shalt  }
0x4a: {  	_ =	shalt  }
0x4b: {  	_ =	shalt  }
0x4c: {  	_ =	shalt  }
0x4d: {  	_ =	shalt  }
0x4e: {  	_ =	shalt  }
0x4f: {  	_ =	shalt  }
0x50: {  	_ =	shalt  }
0x51: {  	_ =	shalt  }
0x52: {  	_ =	shalt  }
0x53: {  	_ =	shalt  }
0x54: {  	_ =	shalt  }
0x55: {  	_ =	shalt  }
0x56: {  	_ =	shalt  }
0x57: {  	_ =	shalt  }
0x58: {  	_ =	shalt  }
0x59: {  	_ =	shalt  }
0x5a: {  	_ =	shalt  }
0x5b: {  	_ =	shalt  }
0x5c: {  	_ =	shalt  }
0x5d: {  	_ =	shalt  }
0x5e: {  	_ =	shalt  }
0x5f: {  	_ =	shalt  }
0x60: {  	_ =	shalt  }
0x61: {  	_ =	shalt  }
0x62: {  	_ =	shalt  }
0x63: {  	_ =	shalt  }
0x64: {  	_ =	shalt  }
0x65: {  	_ =	shalt  }
0x66: {  	_ =	shalt  }
0x67: {  	_ =	shalt  }
0x68: {  	_ =	shalt  }
0x69: {  	_ =	shalt  }
0x6a: {  	_ =	shalt  }
0x6b: {  	_ =	shalt  }
0x6c: {  	_ =	shalt  }
0x6d: {  	_ =	shalt  }
0x6e: {  	_ =	shalt  }
0x6f: {  	_ =	shalt  }
0x70: {  	_ =	shalt  }
0x71: {  	_ =	shalt  }
0x72: {  	_ =	shalt  }
0x73: {  	_ =	shalt  }
0x74: {  	_ =	shalt  }
0x75: {  	_ =	shalt  }
0x76: {  	_ =	shalt  }
0x77: {  	_ =	shalt  }
0x78: {  	_ =	shalt  }
0x79: {  	_ =	shalt  }
0x7a: {  	_ =	shalt  }
0x7b: {  	_ =	shalt  }
0x7c: {  	_ =	shalt  }
0x7d: {  	_ =	shalt  }
0x7e: {  	_ =	shalt  }
0x7f: {  	_ =	shalt  }
0x80: {  	_ =	shalt  }
0x81: {  	_ =	shalt  }
0x82: {  	_ =	shalt  }
0x83: {  	_ =	shalt  }
0x84: {  	_ =	shalt  }
0x85: {  	_ =	shalt  }
0x86: {  	_ =	shalt  }
0x87: {  	_ =	shalt  }
.Lfunc_end0:
.L_simem_size_0:
called_computation_lowered:
.L_overlay_start_0:
0x88: {  	s2 =	sld [smem:$0x3FD9]  }
0x89: {  	s3 =	sld [smem:$0x3FFE];
	_ =	sdelay $0x1  }
0x8a: {  	s1 =	srdreg.scid  }
0x8b: {  	s0 =	sand.u32 $0x1, s1  }
0x8c: {  	s17 =	sshll.u32 s0, $0xA;
	s2 =	sadd.s32 s3, s2  }
0x8d: {  	s2 =	sadd.s32 s2, s17  }
0x8e: {  	[smem:$0x3FBF] =	sst s2  }
0x8f: {  	_ = 	snop  }
0x90: {  	s2 =	sld [smem:$0x3FC8]  }
0x91: {  	s18 =	sld [smem:$0x3FC7]  }
0x92: {  	s4 =	sld [smem:$0x3FD0];
	(tm) =	ssettm $0x1  }
0x93: {  	s5 =	sld [smem:$0x3FFB];
	_ =	sdelay $0x3  }
0x94: {  	_ =	strace s5  }
0x95: {  	s5 =	sld [smem:$0x3FFC];
	_ =	sdelay $0x3  }
0x96: {  	_ =	strace s5  }
0x97: {  	s5 =	sld [smem:$0x3FFD];
	_ =	sdelay $0x3  }
0x98: {  	_ =	strace s5  }
0x99: {  	_ =	strace $0x8FFFFFFF  }
0x9a: {  	s19 =	sld [smem:$0x3FDB];
	_ =	sdelay $0x1  }
0x9b: {  	s6 =	simm.s32 $_scs_section_size  }
0x9c: {  	s7 =	simm.s32 $_size__tile_overlayer_lowered;
	s8 =	simm.s32 $_tile_overlayer_lowered  }
0x9d: {  	s22 =	simm.s32 $0x1BFF;
	s21 =	sshll.u32 s8, $0x1;
	s5 =	sadd.s32 s6, s19  }
0x9e: {  	s9 =	simm.s32 $0x0;
	s20 =	sshll.u32 s7, $0x1;
	s7 =	sadd.s32 s21, s5  }
0x9f: {  	[timem:s9], [sflag:s22] =	dma.local [hbm:s7], s20  }
0xa0: {  	_ =	swait.ge [sflag:s22], s20  }
0xa1: {  	s6 =	ssub.s32 $0x0, s20;
	[sflag:s22] =	ssyncset.done $0x0  }
0xa2: {  	[sflag:s22] =	ssyncadd.s32 s6;
	_ =	sdelay $0x1  }
0xa3: {  	s23 =	simm.s32 $0x1B8B  }
0xa4: {  	_ =	swait.ge [sflag:s23], $0x1  }
0xa5: {  	[sflag:s23] =	ssyncset.done $0x0  }
0xa6: {  	s25 =	simm.s32 $0x1B8E;
	s24 =	sld [smem:$0x3FFE];
	[sflag:s23] =	ssyncadd.s32 $0xFFFFFFFF  }
0xa7: {  	s26 =	simm.s32 $execute0_lowered;
	[smem:$0x3FD2] =	sst s25  }
0xa8: {  	s7 =	sshll.u32 s26, $0x1;
	_ =	strace $0x80000046;
	[dreg:$0x1] =	wrdreg $0xFFFFFFFF  }
0xa9: {  	s28 =	simm.s32 $_size_execute0_lowered;
	s5 =	sadd.s32 s5, s7;
	[dreg:$0x0] =	wrdreg $0x0  }
0xaa: {  	s7 =	sshll.u32 s28, $0x1;
	[dreg:$0x2] =	wrdreg s5  }
0xab: {  	[dreg:$0x3] =	wrdreg s7  }
0xac: {  	[dreg:$0x4] =	wrdreg $0xC0  }
0xad: {  	_ =	task [dreg:s9], $0x5FFFF  }
0xae: {  	[dreg:$0x1] =	wrdreg $0xFFFFFFFF  }
0xaf: {  	[dreg:$0x0] =	wrdreg $0x60  }
0xb0: {  	[dreg:$0x2] =	wrdreg s2  }
0xb1: {  	[dreg:$0x3] =	wrdreg s18  }
0xb2: {  	[dreg:$0x4] =	wrdreg s24  }
0xb3: {  	[dreg:$0x5] =	wrdreg s4  }
0xb4: {  	[dreg:$0x6] =	wrdreg $0x8C000  }
0xb5: {  	[dreg:$0x7] =	wrdreg $0x9  }
0xb6: {  	_ =	task.clear_ibuf [dreg:s9], $0x8FFFF;
	_ =	strace $0x90000046  }
0xb7: {  	s29 =	simm.s32 $0x9;
	_ =	strace $0x80000048  }
0xb8: {  	_ =	swait.ge [sflag:s29], $0x1  }
0xb9: {  	[sflag:s29] =	ssyncadd.s32 $0xFFFFFFFF  }
0xba: {  	_ =	strace $0x90000048  }
0xbb: {  	_ =	sfence  }
0xbc: {  	s30 =	sld [smem:$0x0];
	_ =	sdelay $0x2  }
0xbd: {  	s31 =	sshll.u32 s1, $0xD;
	s1 =	sshrl.u32 s1, $0x2  }
0xbe: {  	s3 =	sand.u32 $0x4000, s31;
	s1 =	sadd.s32 s1, s30  }
0xbf: {  	s0 =	sor.u32 s3, s0;
	s1 =	sshll.u32 s1, $0x11  }
0xc0: {  	s0 =	sor.u32 s1, s0  }
0xc1: {  	s0 =	sadd.s32 $0x8F2B, s0  }
0xc2: {  	[sflag:s0] =	ssyncadd.remote.s32 $0x1  }
0xc3: {  	_ =	sfence.sel $0xFFFF  }
0xc4: {  	[dreg:$0x0] =	wrdreg $0xFFFFFFFF;
	(pc) =	sbr.abs _section_cstart, $3  }
0xc5: {  	[dreg:$0x1] =	wrdreg $0xFFFFFFFF  }
0xc6: {  	_ =	task.clear_ibuf [dreg:s9], $0x2FFFF;
	_ =	strace $0x9FFFFFFF  }
0xc7: {  	(tm) =	ssettm $0x7FFFFFFF  }
tec
execute0_lowered:
.L_overlay_start_1:
0x0: {  	(tag) =	ssettag $0x1  }
0x1: {  	s1 =	rddreg [dreg:$0x0]  }
0x2: {  	s3 =	rddreg [dreg:$0x1]  }
0x3: {  	s0 =	srdreg.scid;
	s2 =	stileid.u32  }
0x4: {  	s7 =	rddreg [dreg:$0x4];
	s16 =	smul.u32 $0x14000, s2  }
0x5: {  	s13 =	sand.u32 $0x1, s0;
	s15 =	sshll.u32 s2, $0x1;
	s14 =	smul.u32 $0x9C00, s2  }
0x6: {  	s6 =	simm.s32 $0x0;
	s0 =	sor.u32 s13, s15;
	s9 =	smul.u32 $0x140000, s13  }
0x7: {  	[smem:$0x7FF] =	sst s6;
	s17 =	ssub.s32 $0x2, s13;
	s4 =	smul.u32 $0x9C, s0  }
0x8: {  	s18 =	sshrl.u32 s17, $0x1;
	s12 =	sadd.s32 s16, s9;
	s16 =	smul.u32 $0x4E00, s13  }
0x9: {  	s8 =	smin.u32 s0, $0x8;
	s0 =	ssub.s32 s17, s18;
	s17 =	smul.u32 $0x138, s2  }
0xa: {  	_ =	strace $0x80000047;
	s18 =	smul.u32 $0x9C, s13;
	s21 =	sshll.u32 s8, $0x7  }
0xb: {  	s13 =	smul.u32 $0x4E0, s13;
	s5 =	sadd.s32 s8, s4;
	[smem:$0x7FA] =	sst s0  }
0xc: {  	s15 =	sshll.u32 s5, $0x6;
	s14 =	sadd.s32 s16, s14;
	s20 =	sadd.s32 s17, s8  }
0xd: {  	s17 =	simm.s32 $0x1;
	[smem:$0x7F6] =	sst s5;
	s9 =	sadd.s32 $0x40, s15  }
0xe: {  	s4 =	sadd.s32 $0xC0, s15;
	s16 =	sadd.s32 s18, s20;
	s20 =	sadd.s32 s21, s14  }
0xf: {  	s18 =	sadd.s32 $0x80, s15;
	s19 =	sshll.u32 s9, $0x1;
	s11 =	sand.u32 $0x40, s9  }
0x10: {  	s23 =	sshll.u32 s16, $0x7;
	s26 =	sshll.u32 s4, $0x1;
	s0 =	sand.u32 $0x40, s4  }
0x11: {  	s28 =	sshll.u32 s18, $0x1;
	s9 =	sshrl.u32 s9, $0x3;
	s4 =	sshrl.u32 s4, $0x3  }
0x12: {  	s10 =	sand.u32 $0x7FFFFF00, s19;
	s22 =	sadd.s32 $0x580, s23;
	s9 =	sadd.s32 s3, s9  }
0x13: {  	s10 =	sor.u32 s11, s10;
	s11 =	sor.u32 s11, s19;
	s19 =	sand.u32 $0x1, s8  }
0x14: {  	s14 =	sand.u32 $0x7FFF00, s22;
	s22 =	sand.u32 $0x7FFFFF00, s26;
	p0 =	seq.s32 s19, $0x1  }
0x15: {  	s8 =	sshll.u32 s8, $0x3;
	[dreg:$0x15] =	wrdreg s9;
	p0 =	por !p0, !p0  }
0x16: {  	s16 =	sor.u32 s0, s22;
	s10 =	sshrl.u32 s10, $0x3;
	s17 =	simm.s32 @!p0 $0x0  }
0x17: {  	s11 =	sshrl.u32 s11, $0x3;
	s10 =	sadd.s32 s1, s10;
	s24 =	sshll.u32 s17, $0x6  }
0x18: {  	[dreg:$0x14] =	wrdreg s10;
	p0 =	sgt.u32 s2, $0x3;
	s25 =	sor.u32 s24, s20  }
0x19: {  	s22 =	sor.u32 s24, s14;
	s14 =	sor.u32 s0, s26;
	s21 =	sadd.s32 $0x580, s25  }
0x1a: {  	s26 =	sshrl.u32 s22, $0x3;
	s22 =	sand.u32 $0x7FFFFF00, s28;
	s21 =	sshrl.u32 s21, $0x3  }
0x1b: {  	s25 =	sadd.s32 $0x480, s25;
	s17 =	sadd.s32 s26, s1;
	[dreg:$0x6] =	wrdreg s21  }
0x1c: {  	s26 =	sand.u32 $0x40, s15;
	s21 =	sshll.u32 s5, $0x7;
	[dreg:$0x7] =	wrdreg s17  }
0x1d: {  	s17 =	sadd.s32 $0x2700, s15;
	s0 =	sand.u32 $0x1FFF00, s21;
	s30 =	sor.u32 s21, s26  }
0x1e: {  	s21 =	sor.u32 s26, s22;
	s22 =	sor.u32 s26, s28;
	s28 =	sshll.u32 s19, $0x6  }
0x1f: {  	s29 =	sor.u32 s26, s0;
	s0 =	sadd.s32 $0x500, s23;
	s15 =	sor.u32 s28, s20  }
0x20: {  	s20 =	sshll.u32 s17, $0x1;
	s19 =	sand.u32 $0x7FFF00, s0;
	s0 =	sadd.s32 $0x500, s15  }
0x21: {  	s31 =	sor.u32 s28, s19;
	s19 =	sand.u32 $0x7FFFFF00, s20;
	s0 =	sshrl.u32 s0, $0x3  }
0x22: {  	s20 =	sor.u32 s26, s20;
	s19 =	sor.u32 s26, s19;
	s31 =	sshrl.u32 s31, $0x3  }
0x23: {  	[dreg:$0x8] =	wrdreg s0;
	s0 =	sshrl.u32 s25, $0x3;
	s26 =	sadd.s32 s31, s1  }
0x24: {  	[dreg:$0x9] =	wrdreg s26;
	s26 =	sadd.s32 $0x480, s23;
	s23 =	sadd.s32 $0x400, s23  }
0x25: {  	[dreg:$0xa] =	wrdreg s0;
	s25 =	sand.u32 $0x7FFF00, s26;
	s23 =	sand.u32 $0x7FFF00, s23  }
0x26: {  	s31 =	smov.u32 s7;
	s24 =	sor.u32 s24, s25;
	s23 =	sor.u32 s28, s23  }
0x27: {  	s25 =	smul.u32 $0x9C0, s2;
	s28 =	simm.s32 $0x2;
	s0 =	sshrl.u32 s24, $0x3  }
0x28: {  	s23 =	sshrl.u32 s23, $0x3;
	s24 =	simm.s32 $0x680;
	s0 =	sadd.s32 s0, s1  }
0x29: {  	s26 =	sadd.s32 s25, s3;
	s23 =	sadd.s32 s23, s1;
	[dreg:$0xe] =	wrdreg s24  }
0x2a: {  	s25 =	simm.s32 $0x700;
	s24 =	sshrl.u32 s29, $0x3;
	[dreg:$0xb] =	wrdreg s0  }
0x2b: {  	s29 =	simm.s32 $0x180;
	s0 =	sadd.s32 s13, s26;
	[dreg:$0xc] =	wrdreg s23  }
0x2c: {  	s23 =	simm.s32 $0x600;
	[dreg:$0xf] =	wrdreg s25;
	s26 =	sshrl.u32 s12, $0x3  }
0x2d: {  	s13 =	simm.s32 $0x780;
	s25 =	sshrl.u32 s30, $0x3;
	[dreg:$0xd] =	wrdreg s23  }
0x2e: {  	s30 =	simm.s32 $0x9;
	s0 =	sadd.s32 s8, s0;
	[dreg:$0x10] =	wrdreg s13  }
0x2f: {  	s23 =	rddreg [dreg:$0x2];
	s13 =	sadd.s32 s1, s24;
	s24 =	sor.u32 $0x10, s11  }
0x30: {  	s12 =	sadd.s32 s26, s23;
	s8 =	sadd.s32 $0x1400, s23;
	s26 =	sshll.u32 s5, $0x3  }
0x31: {  	[dreg:$0x11] =	wrdreg s13;
	s23 =	sor.u32 $0x10, s25;
	s25 =	sadd.s32 s1, s24  }
0x32: {  	s0 =	sadd.s32 $0x58, s0;
	s5 =	sadd.s32 s3, s26;
	s13 =	sadd.s32 s1, s23  }
0x33: {  	[dreg:$0x16] =	wrdreg s25;
	s26 =	sshrl.u32 s22, $0x3;
	s22 =	smov.u32 s3  }
0x34: {  	s3 =	sshrl.u32 s21, $0x3;
	s21 =	smul.u32 $0x50000, s2;
	[smem:$0x7FC] =	sst s0  }
0x35: {  	s25 =	sshrl.u32 s14, $0x3;
	s14 =	sshrl.u32 s19, $0x3;
	[dreg:$0x12] =	wrdreg s5  }
0x36: {  	s0 =	simm.s32 $0x500;
	[dreg:$0x13] =	wrdreg s13;
	s5 =	sshrl.u32 s18, $0x3  }
0x37: {  	s9 =	sor.u32 $0x10, s26;
	s10 =	sadd.s32 s1, s3;
	s18 =	sshrl.u32 s16, $0x3  }
0x38: {  	s24 =	sadd.s32 s22, s4;
	s4 =	sor.u32 $0x10, s25;
	[dreg:$0x17] =	wrdreg s10  }
0x39: {  	s16 =	sshrl.u32 s17, $0x3;
	s17 =	sshrl.u32 s20, $0x3;
	[dreg:$0x1b] =	wrdreg s24  }
0x3a: {  	s3 =	simm.s32 $0x11;
	s11 =	sadd.s32 s22, s5;
	s24 =	sld [smem:$0x7FA]  }
0x3b: {  	s13 =	sadd.s32 s1, s9;
	s23 =	sadd.s32 s1, s18;
	[dreg:$0x18] =	wrdreg s11  }
0x3c: {  	s26 =	sshrl.u32 s21, $0x2;
	s5 =	sshll.u32 s2, $0x6;
	[dreg:$0x19] =	wrdreg s13  }
0x3d: {  	s18 =	sadd.s32 s1, s14;
	s19 =	sadd.s32 s22, s16;
	[dreg:$0x1a] =	wrdreg s23  }
0x3e: {  	s20 =	sor.u32 $0x10, s17;
	s9 =	simm.s32 $0x900;
	[dreg:$0x1f] =	wrdreg s18  }
0x3f: {  	s11 =	sadd.s32 s1, s4;
	s13 =	sadd.s32 s26, s7;
	[smem:$0x7F7] =	sst s19  }
0x40: {  	s21 =	sadd.s32 s1, s20;
	s23 =	sadd.s32 $0x420000, s12;
	[dreg:$0x1c] =	wrdreg s11  }
0x41: {  	s26 =	sadd.s32 $0x400, s15;
	s15 =	simm.s32 $0x580;
	[dreg:$0x1d] =	wrdreg s13  }
0x42: {  	s7 =	simm.s32 $0x980;
	s1 =	simm.s32 $0x0;
	[smem:$0x7F8] =	sst s21  }
0x43: {  	s19 =	simm.s32 $0x7;
	s18 =	simm.s32 $0x5;
	[smem:$0x7F9] =	sst s23  }
0x44: {  	s11 =	sor.u32 $0x1C11, s5;
	[smem:$0x7FD] =	sst s26;
	s26 =	simm.s32 $0x480  }
0x45: {  	s23 =	simm.s32 $0xC00;
	s25 =	smax.u32 s24, $0x1;
	[dreg:$0x1e] =	wrdreg s11  }
0x46: {  	s24 =	simm.s32 $0x8;
	[smem:$0x7FB] =	sst s25;
	s25 =	simm.s32 $0x40  }
.LBB2_1:
0x47: {  	[smem:$0x7F4] =	sst s1  }
0x48: {  	s2 =	rddreg [dreg:$0x11]  }
0x49: {  	s14 =	rddreg [dreg:$0x12]  }
0x4a: {  	s17 =	rddreg [dreg:$0x13]  }
0x4b: {  	s21 =	rddreg [dreg:$0x14]  }
0x4c: {  	[tilespmem:s6], [sflag:$0x1] =	stream.linear.gather [hbm4b:s2+s6], $0x40, $0x38;
	[tilespmem:$0x1CC00] =	vst v63  }
0x4d: {  	s16 =	simm.s32 $0x400;
	s1 =	rddreg [dreg:$0x15]  }
0x4e: {  	[tilespmem:s16], [sflag:$0x1] =	stream.linear.gather [hbm4b:s14+s6], $0x40, $0x38;
	[tilespmem:$0x1CC00] =	vst v63  }
0x4f: {  	s20 =	simm.s32 $0x800;
	s10 =	rddreg [dreg:$0x17]  }
0x50: {  	[tilespmem:s20], [sflag:$0x1] =	stream.linear.gather [hbm4b:s17+s6], $0x40, $0x38;
	[tilespmem:$0x1CC00] =	vst v63  }
0x51: {  	s4 =	simm.s32 $0x80;
	s13 =	rddreg [dreg:$0x18]  }
0x52: {  	[tilespmem:s4], [sflag:$0x2] =	stream.linear.gather [hbm4b:s21+s6], $0x40, $0x38;
	[tilespmem:$0x1CC00] =	vst v63  }
0x53: {  	s14 =	rddreg [dreg:$0x19]  }
0x54: {  	[tilespmem:s26], [sflag:$0x2] =	stream.linear.gather [hbm4b:s1+s6], $0x40, $0x38;
	[tilespmem:$0x1CC00] =	vst v63  }
0x55: {  	s5 =	simm.s32 $0x880;
	s4 =	rddreg [dreg:$0x16]  }
0x56: {  	[tilespmem:s5], [sflag:$0x2] =	stream.linear.gather [hbm4b:s4+s6], $0x40, $0x38;
	[tilespmem:$0x1CC00] =	vst v63  }
0x57: {  	s12 =	simm.s32 $0x100;
	s16 =	rddreg [dreg:$0x1a]  }
0x58: {  	[tilespmem:s12], [sflag:$0x3] =	stream.linear.gather [hbm4b:s10+s6], $0x40, $0x38;
	[tilespmem:$0x1CC00] =	vst v63  }
0x59: {  	s17 =	rddreg [dreg:$0x1b]  }
0x5a: {  	[tilespmem:s0], [sflag:$0x3] =	stream.linear.gather [hbm4b:s13+s6], $0x40, $0x38;
	[tilespmem:$0x1CC00] =	vst v63  }
0x5b: {  	s21 =	rddreg [dreg:$0x1d]  }
0x5c: {  	[tilespmem:s9], [sflag:$0x3] =	stream.linear.gather [hbm4b:s14+s6], $0x40, $0x38;
	[tilespmem:$0x1CC00] =	vst v63  }
0x5d: {  	s20 =	rddreg [dreg:$0x1c];
	s26 =	sshrl.u32 s21, $0x3  }
0x5e: {  	[tilespmem:s29], [sflag:$0x4] =	stream.linear.gather [hbm4b:s16+s6], $0x40, $0x38;
	[tilespmem:$0x1CC00] =	vst v63  }
0x5f: {  	[smem:$0x7F5] =	sst s26  }
0x60: {  	[tilespmem:s15], [sflag:$0x4] =	stream.linear.gather [hbm4b:s17+s6], $0x40, $0x38;
	[tilespmem:$0x1CC00] =	vst v63  }
0x61: {  	s29 =	rddreg [dreg:$0x3]  }
0x62: {  	[tilespmem:s7], [sflag:$0x4] =	stream.linear.gather [hbm4b:s20+s6], $0x40, $0x38;
	[tilespmem:$0x1CC00] =	vst v63  }
0x63: {  	[spmem:s26], [sflag:s11] =	dma.local [hbm:s29], $0x2800  }
0x64: {  	_ =	swait.ge [sflag:s3], $0x2800  }
0x65: {  	[sflag:s3] =	ssyncset.done $0x0  }
0x66: {  	[sflag:s3] =	ssyncadd.s32 $0xFFFFD800  }
0x67: {  	[bflag:$0x0] =	sbarrier.arrive $0xFFFF  }
0x68: {  	s13 =	sld [smem:$0x7FD]  }
0x69: {  	s14 =	sld [smem:$0x7FC]  }
0x6a: {  	s10 =	simm.s32 $0x6;
	s16 =	simm.s32 $0x0;
	s5 =	sld [smem:$0x7F6]  }
0x6b: {  	s11 =	simm.s32 $0x7;
	s3 =	simm.s32 $0x1;
	s21 =	rddreg [dreg:$0x0]  }
.LBB2_2:
0x6c: {  	p1 =	seq.s32 s16, $0x0  }
0x6d: {  	s20 =	smov.u32 s22;
	s22 =	sadd.s32 @!p1 $0xFFFFFFFD, s11  }
0x6e: {  	s22 =	simm.s32 @p1 $0x4  }
0x6f: {  	s22 =	sadd.s32 s5, s22  }
0x70: {  	s4 =	simm.s32 @!p1 $0xD;
	s26 =	sshll.u32 s22, $0x6;
	s17 =	sshll.u32 s22, $0x7  }
0x71: {  	_ =	swait.ge @!p1 [sflag:s4], $0x2000;
	s26 =	sand.u32 $0x40, s26;
	s2 =	sand.u32 $0x7FFFFF00, s17  }
0x72: {  	[sflag:s4] =	ssyncset.done @!p1 $0x0;
	s2 =	sor.u32 s26, s2  }
0x73: {  	s0 =	simm.s32 $0x200;
	[sflag:s4] =	ssyncadd.s32 @!p1 $0xFFFFE000;
	s2 =	sshrl.u32 s2, $0x3  }
0x74: {  	s15 =	sshll.u32 s22, $0x3;
	s22 =	sor.u32 s17, s26;
	s2 =	sadd.s32 s21, s2  }
0x75: {  	[tilespmem:s0], [sflag:$0x5] =	stream.linear.gather [hbm4b:s2+s6], $0x40, $0x38;
	[tilespmem:$0x1CC00] =	vst v63  }
0x76: {  	s2 =	sshrl.u32 s22, $0x3  }
0x77: {  	s12 =	rddreg [dreg:$0xd];
	s4 =	sadd.s32 s20, s15;
	s2 =	sor.u32 $0x10, s2  }
0x78: {  	[tilespmem:s12], [sflag:$0x5] =	stream.linear.gather [hbm4b:s4+s6], $0x40, $0x38;
	[tilespmem:$0x1CC00] =	vst v63  }
0x79: {  	s26 =	simm.s32 $0xA00;
	s2 =	sadd.s32 s21, s2  }
0x7a: {  	[tilespmem:s26], [sflag:$0x5] =	stream.linear.gather [hbm4b:s2+s6], $0x40, $0x38;
	[tilespmem:$0x1CC00] =	vst v63  }
0x7b: {  	_ =	swait.ge [sflag:s3], $0x40  }
0x7c: {  	[sflag:s3] =	ssyncset.done $0x0  }
0x7d: {  	[sflag:s3] =	ssyncadd.s32 $0xFFFFFFC0  }
0x7e: {  	_ =	swait.ge [sflag:s3], $0x40  }
0x7f: {  	[sflag:s3] =	ssyncset.done $0x0  }
0x80: {  	[sflag:s3] =	ssyncadd.s32 $0xFFFFFFC0  }
0x81: {  	_ =	swait.ge [sflag:s3], $0x40  }
0x82: {  	[sflag:s3] =	ssyncset.done $0x0  }
0x83: {  	[sflag:s3] =	ssyncadd.s32 $0xFFFFFFC0  }
0x84: {  	v0 =	vld [tilespmem:$0x400]  }
0x85: {  	v1 =	vld [tilespmem:$0x0]  }
0x86: {  	v2 =	vld [tilespmem:$0x410]  }
0x87: {  	v3 =	vld [tilespmem:$0x10]  }
0x88: {  	v4 =	vld [tilespmem:$0x420]  }
0x89: {  	v5 =	vld [tilespmem:$0x430]  }
0x8a: {  	v6 =	vld [tilespmem:$0x20]  }
0x8b: {  	v7 =	vld [tilespmem:$0x30];
	v0 =	vmul.u32 $0x2710, v0  }
0x8c: {  	v2 =	vmul.u32 $0x2710, v2  }
0x8d: {  	v25 =	vmul.u32 $0x2710, v4;
	v0 =	vadd.s32 v1, v0  }
0x8e: {  	v27 =	vmul.u32 $0x2710, v5;
	v26 =	vadd.s32 v3, v2;
	[tilespmem:$0x0] =	vst v0  }
0x8f: {  	v28 =	vadd.s32 v6, v25;
	[tilespmem:$0x10] =	vst v26  }
0x90: {  	p2 =	sne.s32 s16, $0x0;
	v29 =	vadd.s32 v7, v27;
	[tilespmem:$0x20] =	vst v28  }
0x91: {  	s2 =	simm.s32 @p2 $0xB;
	[tilespmem:$0x30] =	vst v29  }
0x92: {  	_ =	swait.ge @p2 [sflag:s2], $0x2000  }
0x93: {  	s22 =	simm.s32 @p2 $0x40;
	[sflag:s2] =	ssyncset.done @p2 $0x0  }
0x94: {  	s4 =	simm.s32 @p2 $0x4C00;
	[sflag:s2] =	ssyncadd.s32 @p2 $0xFFFFE000;
	s2 =	simm.s32 @p2 $0xB00  }
0x95: {  	[spmem:s31] =	stream.indirect.scatter.add.f32 @p2 [tilespmem:s4], [sflag:$0xF], $0x80, s2, s22, $0xb8;
	[tilespmem:$0x1CC00] =	vst v63  }
0x96: {  	s2 =	simm.s32 @p2 $0x0;
	s4 =	simm.s32 @p2 $0xC00  }
0x97: {  	[tilespmem:s4], [sflag:$0x9] =	stream.indirect.gather @p2 [hbm4b:s8+s22], $0x80, s2, s22, $0xb8;
	[tilespmem:$0x1CC00] =	vst v63  }
0x98: {  	s2 =	simm.s32 @p2 $0xE  }
0x99: {  	_ =	swait.ge @p2 [sflag:s2], $0x2000  }
0x9a: {  	s17 =	simm.s32 @!p2 $0xC00;
	s26 =	simm.s32 @!p2 $0x40;
	[sflag:s2] =	ssyncset.done @p2 $0x0  }
0x9b: {  	s4 =	simm.s32 @!p2 $0x0;
	[sflag:s2] =	ssyncadd.s32 @p2 $0xFFFFE000;
	s2 =	sadd.s32 @p2 $0xFFFFFFFE, s11  }
0x9c: {  	[tilespmem:s17], [sflag:$0x9] =	stream.indirect.gather @!p2 [hbm4b:s8+s26], $0x80, s4, s26, $0xb8;
	[tilespmem:$0x1CC00] =	vst v63  }
0x9d: {  	s2 =	simm.s32 @!p2 $0x5  }
0x9e: {  	s2 =	sadd.s32 s5, s2  }
0x9f: {  	s0 =	sshll.u32 s2, $0x6;
	s1 =	sshll.u32 s2, $0x7  }
0xa0: {  	s4 =	sand.u32 $0x40, s0;
	s12 =	sand.u32 $0x7FFFFF00, s1  }
0xa1: {  	s12 =	sor.u32 s4, s12  }
0xa2: {  	s12 =	sshrl.u32 s12, $0x3  }
0xa3: {  	s7 =	simm.s32 $0x280;
	s2 =	sshll.u32 s2, $0x3;
	s12 =	sadd.s32 s21, s12  }
0xa4: {  	[tilespmem:s7], [sflag:$0x6] =	stream.linear.gather [hbm4b:s12+s6], $0x40, $0x38;
	[tilespmem:$0x1CC00] =	vst v63  }
0xa5: {  	s9 =	rddreg [dreg:$0xe];
	s2 =	sadd.s32 s20, s2;
	s15 =	sor.u32 s1, s4  }
0xa6: {  	[tilespmem:s9], [sflag:$0x6] =	stream.linear.gather [hbm4b:s2+s6], $0x40, $0x38;
	[tilespmem:$0x1CC00] =	vst v63  }
0xa7: {  	s2 =	sshrl.u32 s15, $0x3  }
0xa8: {  	s2 =	sor.u32 $0x10, s2  }
0xa9: {  	s17 =	simm.s32 $0xA80;
	s2 =	sadd.s32 s21, s2  }
0xaa: {  	[tilespmem:s17], [sflag:$0x6] =	stream.linear.gather [hbm4b:s2+s6], $0x40, $0x38;
	[tilespmem:$0x1CC00] =	vst v63  }
0xab: {  	_ =	swait.ge [sflag:s28], $0x40  }
0xac: {  	[sflag:s28] =	ssyncset.done $0x0  }
0xad: {  	[sflag:s28] =	ssyncadd.s32 $0xFFFFFFC0  }
0xae: {  	_ =	swait.ge [sflag:s28], $0x40  }
0xaf: {  	[sflag:s28] =	ssyncset.done $0x0  }
0xb0: {  	[sflag:s28] =	ssyncadd.s32 $0xFFFFFFC0  }
0xb1: {  	_ =	swait.ge [sflag:s28], $0x40  }
0xb2: {  	[sflag:s28] =	ssyncset.done $0x0  }
0xb3: {  	[sflag:s28] =	ssyncadd.s32 $0xFFFFFFC0  }
0xb4: {  	v30 =	vld [tilespmem:$0x480]  }
0xb5: {  	v31 =	vld [tilespmem:$0x80]  }
0xb6: {  	v32 =	vld [tilespmem:$0x490]  }
0xb7: {  	v33 =	vld [tilespmem:$0x90]  }
0xb8: {  	v34 =	vld [tilespmem:$0x4A0]  }
0xb9: {  	v35 =	vld [tilespmem:$0x4B0]  }
0xba: {  	v36 =	vld [tilespmem:$0xA0]  }
0xbb: {  	v37 =	vld [tilespmem:$0xB0];
	v0 =	vmul.u32 $0x2710, v30  }
0xbc: {  	v2 =	vmul.u32 $0x2710, v32  }
0xbd: {  	v38 =	vmul.u32 $0x2710, v34;
	v0 =	vadd.s32 v31, v0  }
0xbe: {  	v40 =	vmul.u32 $0x2710, v35;
	v39 =	vadd.s32 v33, v2;
	[tilespmem:$0x80] =	vst v0  }
0xbf: {  	v41 =	vadd.s32 v36, v38;
	[tilespmem:$0x90] =	vst v39  }
0xc0: {  	v42 =	vadd.s32 v37, v40;
	[tilespmem:$0xA0] =	vst v41  }
0xc1: {  	s2 =	simm.s32 @p2 $0xC;
	[tilespmem:$0xB0] =	vst v42  }
0xc2: {  	_ =	swait.ge @p2 [sflag:s2], $0x2000  }
0xc3: {  	[sflag:s2] =	ssyncset.done @p2 $0x0  }
0xc4: {  	s4 =	simm.s32 @p2 $0x6C00;
	[sflag:s2] =	ssyncadd.s32 @p2 $0xFFFFE000;
	s2 =	simm.s32 @p2 $0xB80  }
0xc5: {  	[spmem:s31] =	stream.indirect.scatter.add.f32 @p2 [tilespmem:s4], [sflag:$0x10], $0x80, s2, s22, $0xb8;
	[tilespmem:$0x1CC00] =	vst v63  }
0xc6: {  	s2 =	simm.s32 @p2 $0x80;
	s4 =	simm.s32 @p2 $0x2C00  }
0xc7: {  	[tilespmem:s4], [sflag:$0xA] =	stream.indirect.gather @p2 [hbm4b:s8+s22], $0x80, s2, s22, $0xb8;
	[tilespmem:$0x1CC00] =	vst v63  }
0xc8: {  	s2 =	simm.s32 @p2 $0xF  }
0xc9: {  	_ =	swait.ge @p2 [sflag:s2], $0x2000  }
0xca: {  	s12 =	simm.s32 @!p2 $0x2C00;
	[sflag:s2] =	ssyncset.done @p2 $0x0  }
0xcb: {  	s4 =	simm.s32 @!p2 $0x80;
	[sflag:s2] =	ssyncadd.s32 @p2 $0xFFFFE000;
	s2 =	sadd.s32 @p2 $0xFFFFFFFF, s11  }
0xcc: {  	[tilespmem:s12], [sflag:$0xA] =	stream.indirect.gather @!p2 [hbm4b:s8+s26], $0x80, s4, s26, $0xb8;
	[tilespmem:$0x1CC00] =	vst v63  }
0xcd: {  	s2 =	simm.s32 @!p2 $0x6  }
0xce: {  	s2 =	sadd.s32 s5, s2  }
0xcf: {  	s22 =	sshll.u32 s2, $0x6;
	s26 =	sshll.u32 s2, $0x7  }
0xd0: {  	s4 =	sand.u32 $0x40, s22;
	s1 =	sand.u32 $0x7FFFFF00, s26  }
0xd1: {  	s17 =	sor.u32 s4, s1  }
0xd2: {  	s17 =	sshrl.u32 s17, $0x3  }
0xd3: {  	s7 =	simm.s32 $0x300;
	s2 =	sshll.u32 s2, $0x3;
	s17 =	sadd.s32 s21, s17  }
0xd4: {  	[tilespmem:s7], [sflag:$0x7] =	stream.linear.gather [hbm4b:s17+s6], $0x40, $0x38;
	[tilespmem:$0x1CC00] =	vst v63  }
0xd5: {  	s9 =	rddreg [dreg:$0xf];
	s2 =	sadd.s32 s20, s2;
	s12 =	sor.u32 s26, s4  }
0xd6: {  	[tilespmem:s9], [sflag:$0x7] =	stream.linear.gather [hbm4b:s2+s6], $0x40, $0x38;
	[tilespmem:$0x1CC00] =	vst v63  }
0xd7: {  	s2 =	sshrl.u32 s12, $0x3  }
0xd8: {  	s2 =	sor.u32 $0x10, s2  }
0xd9: {  	s15 =	simm.s32 $0xB00;
	s17 =	simm.s32 $0x3;
	s2 =	sadd.s32 s21, s2  }
0xda: {  	[tilespmem:s15], [sflag:$0x7] =	stream.linear.gather [hbm4b:s2+s6], $0x40, $0x38;
	[tilespmem:$0x1CC00] =	vst v63  }
0xdb: {  	_ =	swait.ge [sflag:s17], $0x40  }
0xdc: {  	[sflag:s17] =	ssyncset.done $0x0  }
0xdd: {  	[sflag:s17] =	ssyncadd.s32 $0xFFFFFFC0  }
0xde: {  	_ =	swait.ge [sflag:s17], $0x40  }
0xdf: {  	[sflag:s17] =	ssyncset.done $0x0  }
0xe0: {  	[sflag:s17] =	ssyncadd.s32 $0xFFFFFFC0  }
0xe1: {  	_ =	swait.ge [sflag:s17], $0x40  }
0xe2: {  	[sflag:s17] =	ssyncset.done $0x0  }
0xe3: {  	[sflag:s17] =	ssyncadd.s32 $0xFFFFFFC0  }
0xe4: {  	v43 =	vld [tilespmem:$0x500]  }
0xe5: {  	v44 =	vld [tilespmem:$0x100]  }
0xe6: {  	v45 =	vld [tilespmem:$0x510]  }
0xe7: {  	v46 =	vld [tilespmem:$0x110]  }
0xe8: {  	v47 =	vld [tilespmem:$0x520]  }
0xe9: {  	v48 =	vld [tilespmem:$0x530]  }
0xea: {  	v49 =	vld [tilespmem:$0x120]  }
0xeb: {  	v50 =	vld [tilespmem:$0x130];
	v0 =	vmul.u32 $0x2710, v43  }
0xec: {  	v2 =	vmul.u32 $0x2710, v45  }
0xed: {  	v51 =	vmul.u32 $0x2710, v47;
	v0 =	vadd.s32 v44, v0  }
0xee: {  	v53 =	vmul.u32 $0x2710, v48;
	v52 =	vadd.s32 v46, v2;
	[tilespmem:$0x100] =	vst v0  }
0xef: {  	v54 =	vadd.s32 v49, v51;
	[tilespmem:$0x110] =	vst v52  }
0xf0: {  	v55 =	vadd.s32 v50, v53;
	[tilespmem:$0x120] =	vst v54  }
0xf1: {  	[tilespmem:$0x130] =	vst v55  }
0xf2: {  	_ =	swait.ge [sflag:s30], $0x2000  }
0xf3: {  	s2 =	smov.u32 s11;
	[sflag:s30] =	ssyncset.done $0x0  }
0xf4: {  	s26 =	simm.s32 $0x800;
	s2 =	simm.s32 @p1 $0x7;
	[sflag:s30] =	ssyncadd.s32 $0xFFFFE000  }
0xf5: {  	[spmem:s31] =	stream.indirect.scatter.add.f32 [tilespmem:s23], [sflag:$0xD], $0x80, s26, s25, $0xb8;
	[tilespmem:$0x1CC00] =	vst v63  }
0xf6: {  	s0 =	simm.s32 $0x100;
	s7 =	simm.s32 $0x4C00;
	s2 =	sadd.s32 s5, s2  }
0xf7: {  	[tilespmem:s7], [sflag:$0xB] =	stream.indirect.gather [hbm4b:s8+s25], $0x80, s0, s25, $0xb8;
	[tilespmem:$0x1CC00] =	vst v63  }
0xf8: {  	s22 =	sshll.u32 s2, $0x6;
	s25 =	sshll.u32 s2, $0x7  }
0xf9: {  	s4 =	sand.u32 $0x40, s22;
	s17 =	simm.s32 @!p1 $0x10;
	s1 =	sand.u32 $0x7FFFFF00, s25  }
0xfa: {  	s2 =	sshll.u32 s2, $0x3;
	_ =	swait.ge @!p1 [sflag:s17], $0x2000;
	s22 =	sor.u32 s4, s1  }
0xfb: {  	s2 =	sadd.s32 s20, s2;
	[sflag:s17] =	ssyncset.done @!p1 $0x0;
	s22 =	sshrl.u32 s22, $0x3  }
0xfc: {  	s1 =	simm.s32 $0x380;
	[sflag:s17] =	ssyncadd.s32 @!p1 $0xFFFFE000;
	s9 =	sadd.s32 s21, s22  }
0xfd: {  	[tilespmem:s1], [sflag:$0x8] =	stream.linear.gather [hbm4b:s9+s6], $0x40, $0x38;
	[tilespmem:$0x1CC00] =	vst v63  }
0xfe: {  	s15 =	rddreg [dreg:$0x10];
	s22 =	smov.u32 s20;
	s20 =	sor.u32 s25, s4  }
0xff: {  	[tilespmem:s15], [sflag:$0x8] =	stream.linear.gather [hbm4b:s2+s6], $0x40, $0x38;
	[tilespmem:$0x1CC00] =	vst v63  }
0x100: {  	s2 =	sshrl.u32 s20, $0x3  }
0x101: {  	s2 =	sor.u32 $0x10, s2  }
0x102: {  	s25 =	simm.s32 $0xB80;
	s1 =	simm.s32 $0x4;
	s2 =	sadd.s32 s21, s2  }
0x103: {  	[tilespmem:s25], [sflag:$0x8] =	stream.linear.gather [hbm4b:s2+s6], $0x40, $0x38;
	[tilespmem:$0x1CC00] =	vst v63  }
0x104: {  	_ =	swait.ge [sflag:s1], $0x40  }
0x105: {  	[sflag:s1] =	ssyncset.done $0x0  }
0x106: {  	[sflag:s1] =	ssyncadd.s32 $0xFFFFFFC0  }
0x107: {  	_ =	swait.ge [sflag:s1], $0x40  }
0x108: {  	[sflag:s1] =	ssyncset.done $0x0  }
0x109: {  	[sflag:s1] =	ssyncadd.s32 $0xFFFFFFC0  }
0x10a: {  	_ =	swait.ge [sflag:s1], $0x40  }
0x10b: {  	[sflag:s1] =	ssyncset.done $0x0  }
0x10c: {  	[sflag:s1] =	ssyncadd.s32 $0xFFFFFFC0  }
0x10d: {  	v56 =	vld [tilespmem:$0x580]  }
0x10e: {  	v57 =	vld [tilespmem:$0x180]  }
0x10f: {  	v58 =	vld [tilespmem:$0x590]  }
0x110: {  	v59 =	vld [tilespmem:$0x190]  }
0x111: {  	v60 =	vld [tilespmem:$0x5A0]  }
0x112: {  	v61 =	vld [tilespmem:$0x5B0]  }
0x113: {  	v62 =	vld [tilespmem:$0x1A0]  }
0x114: {  	v63 =	vld [tilespmem:$0x1B0];
	v0 =	vmul.u32 $0x2710, v56  }
0x115: {  	v2 =	vmul.u32 $0x2710, v58  }
0x116: {  	v4 =	vmul.u32 $0x2710, v60;
	v0 =	vadd.s32 v57, v0  }
0x117: {  	v9 =	vmul.u32 $0x2710, v61;
	v8 =	vadd.s32 v59, v2;
	[tilespmem:$0x180] =	vst v0  }
0x118: {  	v10 =	vadd.s32 v62, v4;
	[tilespmem:$0x190] =	vst v8  }
0x119: {  	v11 =	vadd.s32 v63, v9;
	[tilespmem:$0x1A0] =	vst v10  }
0x11a: {  	s25 =	simm.s32 $0xA;
	[tilespmem:$0x1B0] =	vst v11  }
0x11b: {  	_ =	swait.ge [sflag:s25], $0x2000  }
0x11c: {  	s12 =	simm.s32 $0x880;
	[sflag:s25] =	ssyncset.done $0x0  }
0x11d: {  	s17 =	simm.s32 $0x2C00;
	s1 =	simm.s32 $0x40;
	[sflag:s25] =	ssyncadd.s32 $0xFFFFE000  }
0x11e: {  	[spmem:s31] =	stream.indirect.scatter.add.f32 [tilespmem:s17], [sflag:$0xE], $0x80, s12, s1, $0xb8;
	[tilespmem:$0x1CC00] =	vst v63  }
0x11f: {  	s4 =	simm.s32 $0xD;
	s15 =	simm.s32 $0x180;
	s20 =	simm.s32 $0x6C00  }
0x120: {  	[tilespmem:s20], [sflag:$0xC] =	stream.indirect.gather [hbm4b:s8+s1], $0x80, s15, s1, $0xb8;
	[tilespmem:$0x1CC00] =	vst v63  }
0x121: {  	_ =	swait.ge [sflag:s4], $0x2000  }
0x122: {  	s2 =	rddreg [dreg:$0xc];
	[sflag:s4] =	ssyncset.done $0x0  }
0x123: {  	[sflag:s4] =	ssyncadd.s32 $0xFFFFE000;
	s2 =	sadd.s32 s16, s2  }
0x124: {  	[tilespmem:s6], [sflag:$0x1] =	stream.linear.gather [hbm4b:s2+s6], $0x40, $0x38;
	[tilespmem:$0x1CC00] =	vst v63  }
0x125: {  	s9 =	simm.s32 $0x400;
	s4 =	sadd.s32 $0xFFFFFFE8, s14  }
0x126: {  	[tilespmem:s9], [sflag:$0x1] =	stream.linear.gather [hbm4b:s4+s6], $0x40, $0x38;
	[tilespmem:$0x1CC00] =	vst v63  }
0x127: {  	s9 =	sshrl.u32 s13, $0x3  }
0x128: {  	s2 =	sor.u32 $0x10, s9  }
0x129: {  	s2 =	sadd.s32 s21, s2  }
0x12a: {  	[tilespmem:s26], [sflag:$0x1] =	stream.linear.gather [hbm4b:s2+s6], $0x40, $0x38;
	[tilespmem:$0x1CC00] =	vst v63  }
0x12b: {  	_ =	swait.ge [sflag:s18], $0x40  }
0x12c: {  	[sflag:s18] =	ssyncset.done $0x0  }
0x12d: {  	[sflag:s18] =	ssyncadd.s32 $0xFFFFFFC0  }
0x12e: {  	_ =	swait.ge [sflag:s18], $0x40  }
0x12f: {  	[sflag:s18] =	ssyncset.done $0x0  }
0x130: {  	[sflag:s18] =	ssyncadd.s32 $0xFFFFFFC0  }
0x131: {  	_ =	swait.ge [sflag:s18], $0x40  }
0x132: {  	[sflag:s18] =	ssyncset.done $0x0  }
0x133: {  	[sflag:s18] =	ssyncadd.s32 $0xFFFFFFC0  }
0x134: {  	v12 =	vld [tilespmem:$0x600]  }
0x135: {  	v13 =	vld [tilespmem:$0x200]  }
0x136: {  	v14 =	vld [tilespmem:$0x610]  }
0x137: {  	v15 =	vld [tilespmem:$0x210]  }
0x138: {  	v16 =	vld [tilespmem:$0x620]  }
0x139: {  	v17 =	vld [tilespmem:$0x630]  }
0x13a: {  	v18 =	vld [tilespmem:$0x220]  }
0x13b: {  	v19 =	vld [tilespmem:$0x230];
	v0 =	vmul.u32 $0x2710, v12  }
0x13c: {  	v2 =	vmul.u32 $0x2710, v14  }
0x13d: {  	v20 =	vmul.u32 $0x2710, v16;
	v0 =	vadd.s32 v13, v0  }
0x13e: {  	v22 =	vmul.u32 $0x2710, v17;
	v21 =	vadd.s32 v15, v2;
	[tilespmem:$0x200] =	vst v0  }
0x13f: {  	v23 =	vadd.s32 v18, v20;
	[tilespmem:$0x210] =	vst v21  }
0x140: {  	v24 =	vadd.s32 v19, v22;
	[tilespmem:$0x220] =	vst v23  }
0x141: {  	s4 =	simm.s32 $0xB;
	[tilespmem:$0x230] =	vst v24  }
0x142: {  	_ =	swait.ge [sflag:s4], $0x2000  }
0x143: {  	[sflag:s4] =	ssyncset.done $0x0  }
0x144: {  	s29 =	simm.s32 $0x900;
	[sflag:s4] =	ssyncadd.s32 $0xFFFFE000  }
0x145: {  	[spmem:s31] =	stream.indirect.scatter.add.f32 [tilespmem:s7], [sflag:$0xF], $0x80, s29, s1, $0xb8;
	[tilespmem:$0x1CC00] =	vst v63  }
0x146: {  	s9 =	simm.s32 $0x200;
	s2 =	simm.s32 $0xE  }
0x147: {  	[tilespmem:s23], [sflag:$0x9] =	stream.indirect.gather [hbm4b:s8+s1], $0x80, s9, s1, $0xb8;
	[tilespmem:$0x1CC00] =	vst v63  }
0x148: {  	_ =	swait.ge [sflag:s2], $0x2000  }
0x149: {  	s9 =	rddreg [dreg:$0xb];
	[sflag:s2] =	ssyncset.done $0x0  }
0x14a: {  	[sflag:s2] =	ssyncadd.s32 $0xFFFFE000;
	s2 =	sadd.s32 s16, s9;
	s9 =	simm.s32 $0x80  }
0x14b: {  	[tilespmem:s9], [sflag:$0x2] =	stream.linear.gather [hbm4b:s2+s6], $0x40, $0x38;
	[tilespmem:$0x1CC00] =	vst v63  }
0x14c: {  	s2 =	rddreg [dreg:$0xa]  }
0x14d: {  	s26 =	simm.s32 $0x480;
	s9 =	sadd.s32 $0xFFFFFFF0, s14;
	s2 =	sadd.s32 s16, s2  }
0x14e: {  	[tilespmem:s26], [sflag:$0x2] =	stream.linear.gather [hbm4b:s9+s6], $0x40, $0x38;
	[tilespmem:$0x1CC00] =	vst v63  }
0x14f: {  	s2 =	sor.u32 $0x10, s2  }
0x150: {  	s2 =	sadd.s32 s21, s2  }
0x151: {  	[tilespmem:s12], [sflag:$0x2] =	stream.linear.gather [hbm4b:s2+s6], $0x40, $0x38;
	[tilespmem:$0x1CC00] =	vst v63  }
0x152: {  	_ =	swait.ge [sflag:s10], $0x40  }
0x153: {  	[sflag:s10] =	ssyncset.done $0x0  }
0x154: {  	[sflag:s10] =	ssyncadd.s32 $0xFFFFFFC0  }
0x155: {  	_ =	swait.ge [sflag:s10], $0x40  }
0x156: {  	[sflag:s10] =	ssyncset.done $0x0  }
0x157: {  	[sflag:s10] =	ssyncadd.s32 $0xFFFFFFC0  }
0x158: {  	_ =	swait.ge [sflag:s10], $0x40  }
0x159: {  	[sflag:s10] =	ssyncset.done $0x0  }
0x15a: {  	[sflag:s10] =	ssyncadd.s32 $0xFFFFFFC0  }
0x15b: {  	v25 =	vld [tilespmem:$0x680]  }
0x15c: {  	v26 =	vld [tilespmem:$0x280]  }
0x15d: {  	v27 =	vld [tilespmem:$0x690]  }
0x15e: {  	v28 =	vld [tilespmem:$0x290]  }
0x15f: {  	v29 =	vld [tilespmem:$0x6A0]  }
0x160: {  	v30 =	vld [tilespmem:$0x6B0]  }
0x161: {  	v31 =	vld [tilespmem:$0x2A0]  }
0x162: {  	v32 =	vld [tilespmem:$0x2B0];
	v0 =	vmul.u32 $0x2710, v25  }
0x163: {  	v2 =	vmul.u32 $0x2710, v27  }
0x164: {  	v33 =	vmul.u32 $0x2710, v29;
	v0 =	vadd.s32 v26, v0  }
0x165: {  	v35 =	vmul.u32 $0x2710, v30;
	v34 =	vadd.s32 v28, v2;
	[tilespmem:$0x280] =	vst v0  }
0x166: {  	v36 =	vadd.s32 v31, v33;
	[tilespmem:$0x290] =	vst v34  }
0x167: {  	v37 =	vadd.s32 v32, v35;
	[tilespmem:$0x2A0] =	vst v36  }
0x168: {  	s4 =	simm.s32 $0xC;
	[tilespmem:$0x2B0] =	vst v37  }
0x169: {  	_ =	swait.ge [sflag:s4], $0x2000  }
0x16a: {  	[sflag:s4] =	ssyncset.done $0x0  }
0x16b: {  	s12 =	simm.s32 $0x980;
	[sflag:s4] =	ssyncadd.s32 $0xFFFFE000  }
0x16c: {  	[spmem:s31] =	stream.indirect.scatter.add.f32 [tilespmem:s20], [sflag:$0x10], $0x80, s12, s1, $0xb8;
	[tilespmem:$0x1CC00] =	vst v63  }
0x16d: {  	s9 =	simm.s32 $0x280;
	s2 =	simm.s32 $0xF  }
0x16e: {  	[tilespmem:s17], [sflag:$0xA] =	stream.indirect.gather [hbm4b:s8+s1], $0x80, s9, s1, $0xb8;
	[tilespmem:$0x1CC00] =	vst v63  }
0x16f: {  	_ =	swait.ge [sflag:s2], $0x2000  }
0x170: {  	s9 =	rddreg [dreg:$0x9];
	[sflag:s2] =	ssyncset.done $0x0  }
0x171: {  	[sflag:s2] =	ssyncadd.s32 $0xFFFFE000;
	s2 =	sadd.s32 s16, s9  }
0x172: {  	[tilespmem:s0], [sflag:$0x3] =	stream.linear.gather [hbm4b:s2+s6], $0x40, $0x38;
	[tilespmem:$0x1CC00] =	vst v63  }
0x173: {  	s2 =	rddreg [dreg:$0x8]  }
0x174: {  	s9 =	sadd.s32 $0xFFFFFFF8, s14;
	s0 =	simm.s32 $0x500;
	s2 =	sadd.s32 s16, s2  }
0x175: {  	[tilespmem:s0], [sflag:$0x3] =	stream.linear.gather [hbm4b:s9+s6], $0x40, $0x38;
	[tilespmem:$0x1CC00] =	vst v63  }
0x176: {  	s2 =	sor.u32 $0x10, s2  }
0x177: {  	s2 =	sadd.s32 s21, s2  }
0x178: {  	[tilespmem:s29], [sflag:$0x3] =	stream.linear.gather [hbm4b:s2+s6], $0x40, $0x38;
	[tilespmem:$0x1CC00] =	vst v63  }
0x179: {  	_ =	swait.ge [sflag:s19], $0x40  }
0x17a: {  	[sflag:s19] =	ssyncset.done $0x0  }
0x17b: {  	[sflag:s19] =	ssyncadd.s32 $0xFFFFFFC0  }
0x17c: {  	_ =	swait.ge [sflag:s19], $0x40  }
0x17d: {  	[sflag:s19] =	ssyncset.done $0x0  }
0x17e: {  	[sflag:s19] =	ssyncadd.s32 $0xFFFFFFC0  }
0x17f: {  	_ =	swait.ge [sflag:s19], $0x40  }
0x180: {  	[sflag:s19] =	ssyncset.done $0x0  }
0x181: {  	[sflag:s19] =	ssyncadd.s32 $0xFFFFFFC0  }
0x182: {  	v38 =	vld [tilespmem:$0x700]  }
0x183: {  	v39 =	vld [tilespmem:$0x300]  }
0x184: {  	v40 =	vld [tilespmem:$0x710]  }
0x185: {  	v41 =	vld [tilespmem:$0x310]  }
0x186: {  	v42 =	vld [tilespmem:$0x720]  }
0x187: {  	v43 =	vld [tilespmem:$0x730]  }
0x188: {  	v44 =	vld [tilespmem:$0x320]  }
0x189: {  	v45 =	vld [tilespmem:$0x330];
	v0 =	vmul.u32 $0x2710, v38  }
0x18a: {  	v2 =	vmul.u32 $0x2710, v40  }
0x18b: {  	v46 =	vmul.u32 $0x2710, v42;
	v0 =	vadd.s32 v39, v0  }
0x18c: {  	v48 =	vmul.u32 $0x2710, v43;
	v47 =	vadd.s32 v41, v2;
	[tilespmem:$0x300] =	vst v0  }
0x18d: {  	v49 =	vadd.s32 v44, v46;
	[tilespmem:$0x310] =	vst v47  }
0x18e: {  	v50 =	vadd.s32 v45, v48;
	[tilespmem:$0x320] =	vst v49  }
0x18f: {  	[tilespmem:$0x330] =	vst v50  }
0x190: {  	_ =	swait.ge [sflag:s30], $0x2000  }
0x191: {  	[sflag:s30] =	ssyncset.done $0x0  }
0x192: {  	s4 =	simm.s32 $0xA00;
	[sflag:s30] =	ssyncadd.s32 $0xFFFFE000  }
0x193: {  	[spmem:s31] =	stream.indirect.scatter.add.f32 [tilespmem:s23], [sflag:$0xD], $0x80, s4, s1, $0xb8;
	[tilespmem:$0x1CC00] =	vst v63  }
0x194: {  	s4 =	simm.s32 $0x300  }
0x195: {  	[tilespmem:s7], [sflag:$0xB] =	stream.indirect.gather [hbm4b:s8+s1], $0x80, s4, s1, $0xb8;
	[tilespmem:$0x1CC00] =	vst v63  }
0x196: {  	s7 =	simm.s32 $0x10  }
0x197: {  	_ =	swait.ge [sflag:s7], $0x2000  }
0x198: {  	s1 =	rddreg [dreg:$0x7];
	[sflag:s7] =	ssyncset.done $0x0  }
0x199: {  	[sflag:s7] =	ssyncadd.s32 $0xFFFFE000;
	s2 =	sadd.s32 s16, s1;
	s7 =	rddreg [dreg:$0x6]  }
0x19a: {  	[tilespmem:s15], [sflag:$0x4] =	stream.linear.gather [hbm4b:s2+s6], $0x40, $0x38;
	[tilespmem:$0x1CC00] =	vst v63  }
0x19b: {  	s2 =	sadd.s32 s16, s7  }
0x19c: {  	s15 =	simm.s32 $0x580;
	s2 =	sor.u32 $0x10, s2  }
0x19d: {  	[tilespmem:s15], [sflag:$0x4] =	stream.linear.gather [hbm4b:s14+s6], $0x40, $0x38;
	[tilespmem:$0x1CC00] =	vst v63  }
0x19e: {  	s2 =	sadd.s32 s21, s2  }
0x19f: {  	[tilespmem:s12], [sflag:$0x4] =	stream.linear.gather [hbm4b:s2+s6], $0x40, $0x38;
	[tilespmem:$0x1CC00] =	vst v63  }
0x1a0: {  	_ =	swait.ge [sflag:s24], $0x40  }
0x1a1: {  	[sflag:s24] =	ssyncset.done $0x0  }
0x1a2: {  	[sflag:s24] =	ssyncadd.s32 $0xFFFFFFC0  }
0x1a3: {  	_ =	swait.ge [sflag:s24], $0x40  }
0x1a4: {  	[sflag:s24] =	ssyncset.done $0x0  }
0x1a5: {  	[sflag:s24] =	ssyncadd.s32 $0xFFFFFFC0  }
0x1a6: {  	_ =	swait.ge [sflag:s24], $0x40  }
0x1a7: {  	[sflag:s24] =	ssyncset.done $0x0  }
0x1a8: {  	[sflag:s24] =	ssyncadd.s32 $0xFFFFFFC0  }
0x1a9: {  	v51 =	vld [tilespmem:$0x780]  }
0x1aa: {  	v52 =	vld [tilespmem:$0x380]  }
0x1ab: {  	v53 =	vld [tilespmem:$0x790]  }
0x1ac: {  	v54 =	vld [tilespmem:$0x390]  }
0x1ad: {  	v55 =	vld [tilespmem:$0x7A0]  }
0x1ae: {  	v56 =	vld [tilespmem:$0x7B0]  }
0x1af: {  	v57 =	vld [tilespmem:$0x3A0]  }
0x1b0: {  	v58 =	vld [tilespmem:$0x3B0];
	v0 =	vmul.u32 $0x2710, v51  }
0x1b1: {  	v2 =	vmul.u32 $0x2710, v53  }
0x1b2: {  	v59 =	vmul.u32 $0x2710, v55;
	v0 =	vadd.s32 v52, v0  }
0x1b3: {  	v61 =	vmul.u32 $0x2710, v56;
	v60 =	vadd.s32 v54, v2;
	[tilespmem:$0x380] =	vst v0  }
0x1b4: {  	v62 =	vadd.s32 v57, v59;
	[tilespmem:$0x390] =	vst v60  }
0x1b5: {  	v63 =	vadd.s32 v58, v61;
	[tilespmem:$0x3A0] =	vst v62  }
0x1b6: {  	s11 =	sadd.s32 $0x8, s11;
	s13 =	sadd.s32 $0x400, s13;
	s16 =	sadd.s32 $0x80, s16;
	[tilespmem:$0x3B0] =	vst v63  }
0x1b7: {  	s9 =	simm.s32 $0x900;
	p1 =	sne.s32 s16, $0x980;
	_ =	swait.ge [sflag:s25], $0x2000  }
.Ltmp0:
0x1b8: {  	s29 =	simm.s32 $0x180;
	[sflag:s25] =	ssyncset.done $0x0;
	(pc) =	sbr.rel @p1 .LBB2_2-.Ltmp0, $4  }
0x1b9: {  	s12 =	simm.s32 $0xA80;
	[sflag:s25] =	ssyncadd.s32 $0xFFFFE000;
	s25 =	simm.s32 $0x40  }
0x1ba: {  	[spmem:s31] =	stream.indirect.scatter.add.f32 [tilespmem:s17], [sflag:$0xE], $0x80, s12, s25, $0xb8;
	[tilespmem:$0x1CC00] =	vst v63  }
0x1bb: {  	s7 =	simm.s32 $0x980;
	s14 =	sadd.s32 $0x40, s14;
	s17 =	simm.s32 $0x380  }
0x1bc: {  	[tilespmem:s20], [sflag:$0xC] =	stream.indirect.gather [hbm4b:s8+s25], $0x80, s17, s25, $0xb8;
	[tilespmem:$0x1CC00] =	vst v63  }
0x1bd: {  	s4 =	simm.s32 $0xD  }
0x1be: {  	_ =	swait.ge [sflag:s4], $0x2000  }
0x1bf: {  	[sflag:s4] =	ssyncset.done $0x0  }
0x1c0: {  	[sflag:s4] =	ssyncadd.s32 $0xFFFFE000  }
0x1c1: {  	_ =	swait.ge [sflag:s3], $0x40  }
0x1c2: {  	[sflag:s3] =	ssyncset.done $0x0  }
0x1c3: {  	[sflag:s3] =	ssyncadd.s32 $0xFFFFFFC0  }
0x1c4: {  	_ =	swait.ge [sflag:s3], $0x40  }
0x1c5: {  	[sflag:s3] =	ssyncset.done $0x0  }
0x1c6: {  	[sflag:s3] =	ssyncadd.s32 $0xFFFFFFC0  }
0x1c7: {  	_ =	swait.ge [sflag:s3], $0x40  }
0x1c8: {  	[sflag:s3] =	ssyncset.done $0x0  }
0x1c9: {  	[sflag:s3] =	ssyncadd.s32 $0xFFFFFFC0  }
0x1ca: {  	v0 =	vld [tilespmem:$0x400]  }
0x1cb: {  	v1 =	vld [tilespmem:$0x0]  }
0x1cc: {  	v2 =	vld [tilespmem:$0x410]  }
0x1cd: {  	v3 =	vld [tilespmem:$0x10]  }
0x1ce: {  	v4 =	vld [tilespmem:$0x420]  }
0x1cf: {  	v5 =	vld [tilespmem:$0x430]  }
0x1d0: {  	v6 =	vld [tilespmem:$0x20]  }
0x1d1: {  	v7 =	vld [tilespmem:$0x30];
	v0 =	vmul.u32 $0x2710, v0  }
0x1d2: {  	v2 =	vmul.u32 $0x2710, v2  }
0x1d3: {  	v20 =	vmul.u32 $0x2710, v4;
	v0 =	vadd.s32 v1, v0  }
0x1d4: {  	v22 =	vmul.u32 $0x2710, v5;
	v21 =	vadd.s32 v3, v2;
	[tilespmem:$0x0] =	vst v0  }
0x1d5: {  	v23 =	vadd.s32 v6, v20;
	[tilespmem:$0x10] =	vst v21  }
0x1d6: {  	v24 =	vadd.s32 v7, v22;
	[tilespmem:$0x20] =	vst v23  }
0x1d7: {  	s13 =	simm.s32 $0xB;
	[tilespmem:$0x30] =	vst v24  }
0x1d8: {  	_ =	swait.ge [sflag:s13], $0x2000  }
0x1d9: {  	[sflag:s13] =	ssyncset.done $0x0  }
0x1da: {  	s11 =	simm.s32 $0x4C00;
	s1 =	simm.s32 $0xB00;
	[sflag:s13] =	ssyncadd.s32 $0xFFFFE000  }
0x1db: {  	[spmem:s31] =	stream.indirect.scatter.add.f32 [tilespmem:s11], [sflag:$0xF], $0x80, s1, s25, $0xb8;
	[tilespmem:$0x1CC00] =	vst v63  }
0x1dc: {  	s10 =	simm.s32 $0xC00;
	s3 =	simm.s32 $0xE  }
0x1dd: {  	[tilespmem:s10], [sflag:$0x9] =	stream.indirect.gather [hbm4b:s8+s25], $0x80, s6, s25, $0xb8;
	[tilespmem:$0x1CC00] =	vst v63  }
0x1de: {  	_ =	swait.ge [sflag:s3], $0x2000  }
0x1df: {  	[sflag:s3] =	ssyncset.done $0x0  }
0x1e0: {  	[sflag:s3] =	ssyncadd.s32 $0xFFFFE000  }
0x1e1: {  	_ =	swait.ge [sflag:s28], $0x40  }
0x1e2: {  	[sflag:s28] =	ssyncset.done $0x0  }
0x1e3: {  	[sflag:s28] =	ssyncadd.s32 $0xFFFFFFC0  }
0x1e4: {  	_ =	swait.ge [sflag:s28], $0x40  }
0x1e5: {  	[sflag:s28] =	ssyncset.done $0x0  }
0x1e6: {  	[sflag:s28] =	ssyncadd.s32 $0xFFFFFFC0  }
0x1e7: {  	_ =	swait.ge [sflag:s28], $0x40  }
0x1e8: {  	[sflag:s28] =	ssyncset.done $0x0  }
0x1e9: {  	[sflag:s28] =	ssyncadd.s32 $0xFFFFFFC0  }
0x1ea: {  	v25 =	vld [tilespmem:$0x480]  }
0x1eb: {  	v26 =	vld [tilespmem:$0x80]  }
0x1ec: {  	v27 =	vld [tilespmem:$0x490]  }
0x1ed: {  	v28 =	vld [tilespmem:$0x90]  }
0x1ee: {  	v29 =	vld [tilespmem:$0x4A0]  }
0x1ef: {  	v30 =	vld [tilespmem:$0x4B0]  }
0x1f0: {  	v31 =	vld [tilespmem:$0xA0]  }
0x1f1: {  	v32 =	vld [tilespmem:$0xB0];
	v0 =	vmul.u32 $0x2710, v25  }
0x1f2: {  	v2 =	vmul.u32 $0x2710, v27  }
0x1f3: {  	v33 =	vmul.u32 $0x2710, v29;
	v0 =	vadd.s32 v26, v0  }
0x1f4: {  	v35 =	vmul.u32 $0x2710, v30;
	v34 =	vadd.s32 v28, v2;
	[tilespmem:$0x80] =	vst v0  }
0x1f5: {  	v36 =	vadd.s32 v31, v33;
	[tilespmem:$0x90] =	vst v34  }
0x1f6: {  	v37 =	vadd.s32 v32, v35;
	[tilespmem:$0xA0] =	vst v36  }
0x1f7: {  	s12 =	simm.s32 $0xC;
	[tilespmem:$0xB0] =	vst v37  }
0x1f8: {  	_ =	swait.ge [sflag:s12], $0x2000  }
0x1f9: {  	[sflag:s12] =	ssyncset.done $0x0  }
0x1fa: {  	s5 =	simm.s32 $0x6C00;
	s16 =	simm.s32 $0xB80;
	[sflag:s12] =	ssyncadd.s32 $0xFFFFE000  }
0x1fb: {  	[spmem:s31] =	stream.indirect.scatter.add.f32 [tilespmem:s5], [sflag:$0x10], $0x80, s16, s25, $0xb8;
	[tilespmem:$0x1CC00] =	vst v63  }
0x1fc: {  	s2 =	simm.s32 $0x80;
	s14 =	simm.s32 $0x2C00  }
0x1fd: {  	[tilespmem:s14], [sflag:$0xA] =	stream.indirect.gather [hbm4b:s8+s25], $0x80, s2, s25, $0xb8;
	[tilespmem:$0x1CC00] =	vst v63  }
0x1fe: {  	s2 =	simm.s32 $0xF  }
0x1ff: {  	_ =	swait.ge [sflag:s2], $0x2000  }
0x200: {  	[sflag:s2] =	ssyncset.done $0x0  }
0x201: {  	s17 =	simm.s32 $0x3;
	[sflag:s2] =	ssyncadd.s32 $0xFFFFE000  }
0x202: {  	_ =	swait.ge [sflag:s17], $0x40  }
0x203: {  	[sflag:s17] =	ssyncset.done $0x0  }
0x204: {  	[sflag:s17] =	ssyncadd.s32 $0xFFFFFFC0  }
0x205: {  	_ =	swait.ge [sflag:s17], $0x40  }
0x206: {  	[sflag:s17] =	ssyncset.done $0x0  }
0x207: {  	[sflag:s17] =	ssyncadd.s32 $0xFFFFFFC0  }
0x208: {  	_ =	swait.ge [sflag:s17], $0x40  }
0x209: {  	[sflag:s17] =	ssyncset.done $0x0  }
0x20a: {  	[sflag:s17] =	ssyncadd.s32 $0xFFFFFFC0  }
0x20b: {  	v38 =	vld [tilespmem:$0x500]  }
0x20c: {  	v39 =	vld [tilespmem:$0x100]  }
0x20d: {  	v40 =	vld [tilespmem:$0x510]  }
0x20e: {  	v41 =	vld [tilespmem:$0x110]  }
0x20f: {  	v42 =	vld [tilespmem:$0x520]  }
0x210: {  	v43 =	vld [tilespmem:$0x530]  }
0x211: {  	v44 =	vld [tilespmem:$0x120]  }
0x212: {  	v45 =	vld [tilespmem:$0x130];
	v0 =	vmul.u32 $0x2710, v38  }
0x213: {  	v2 =	vmul.u32 $0x2710, v40  }
0x214: {  	v46 =	vmul.u32 $0x2710, v42;
	v0 =	vadd.s32 v39, v0  }
0x215: {  	v48 =	vmul.u32 $0x2710, v43;
	v47 =	vadd.s32 v41, v2;
	[tilespmem:$0x100] =	vst v0  }
0x216: {  	v49 =	vadd.s32 v44, v46;
	[tilespmem:$0x110] =	vst v47  }
0x217: {  	v50 =	vadd.s32 v45, v48;
	[tilespmem:$0x120] =	vst v49  }
0x218: {  	s20 =	simm.s32 $0x9;
	[tilespmem:$0x130] =	vst v50  }
0x219: {  	_ =	swait.ge [sflag:s20], $0x2000  }
0x21a: {  	[sflag:s20] =	ssyncset.done $0x0  }
0x21b: {  	s21 =	simm.s32 $0x800;
	[sflag:s20] =	ssyncadd.s32 $0xFFFFE000  }
0x21c: {  	[spmem:s31] =	stream.indirect.scatter.add.f32 [tilespmem:s10], [sflag:$0xD], $0x80, s21, s25, $0xb8;
	[tilespmem:$0x1CC00] =	vst v63  }
0x21d: {  	s16 =	simm.s32 $0x10;
	s10 =	simm.s32 $0x100  }
0x21e: {  	[tilespmem:s11], [sflag:$0xB] =	stream.indirect.gather [hbm4b:s8+s25], $0x80, s10, s25, $0xb8;
	[tilespmem:$0x1CC00] =	vst v63  }
0x21f: {  	_ =	swait.ge [sflag:s16], $0x2000  }
0x220: {  	[sflag:s16] =	ssyncset.done $0x0  }
0x221: {  	s17 =	simm.s32 $0x4;
	[sflag:s16] =	ssyncadd.s32 $0xFFFFE000  }
0x222: {  	_ =	swait.ge [sflag:s17], $0x40  }
0x223: {  	[sflag:s17] =	ssyncset.done $0x0  }
0x224: {  	[sflag:s17] =	ssyncadd.s32 $0xFFFFFFC0  }
0x225: {  	_ =	swait.ge [sflag:s17], $0x40  }
0x226: {  	[sflag:s17] =	ssyncset.done $0x0  }
0x227: {  	[sflag:s17] =	ssyncadd.s32 $0xFFFFFFC0  }
0x228: {  	_ =	swait.ge [sflag:s17], $0x40  }
0x229: {  	[sflag:s17] =	ssyncset.done $0x0  }
0x22a: {  	[sflag:s17] =	ssyncadd.s32 $0xFFFFFFC0  }
0x22b: {  	v51 =	vld [tilespmem:$0x580]  }
0x22c: {  	v52 =	vld [tilespmem:$0x180]  }
0x22d: {  	v53 =	vld [tilespmem:$0x590]  }
0x22e: {  	v54 =	vld [tilespmem:$0x190]  }
0x22f: {  	v55 =	vld [tilespmem:$0x5A0]  }
0x230: {  	v56 =	vld [tilespmem:$0x5B0]  }
0x231: {  	v57 =	vld [tilespmem:$0x1A0]  }
0x232: {  	v58 =	vld [tilespmem:$0x1B0];
	v0 =	vmul.u32 $0x2710, v51  }
0x233: {  	v2 =	vmul.u32 $0x2710, v53  }
0x234: {  	v59 =	vmul.u32 $0x2710, v55;
	v0 =	vadd.s32 v52, v0  }
0x235: {  	v61 =	vmul.u32 $0x2710, v56;
	v60 =	vadd.s32 v54, v2;
	[tilespmem:$0x180] =	vst v0  }
0x236: {  	v62 =	vadd.s32 v57, v59;
	[tilespmem:$0x190] =	vst v60  }
0x237: {  	v63 =	vadd.s32 v58, v61;
	[tilespmem:$0x1A0] =	vst v62  }
0x238: {  	s20 =	simm.s32 $0xA;
	[tilespmem:$0x1B0] =	vst v63  }
0x239: {  	_ =	swait.ge [sflag:s20], $0x2000  }
0x23a: {  	[sflag:s20] =	ssyncset.done $0x0  }
0x23b: {  	s21 =	simm.s32 $0x880;
	[sflag:s20] =	ssyncadd.s32 $0xFFFFE000  }
0x23c: {  	[spmem:s31] =	stream.indirect.scatter.add.f32 [tilespmem:s14], [sflag:$0xE], $0x80, s21, s25, $0xb8;
	[tilespmem:$0x1CC00] =	vst v63  }
0x23d: {  	_ = 	snop  }
0x23e: {  	[tilespmem:s5], [sflag:$0xC] =	stream.indirect.gather [hbm4b:s8+s25], $0x80, s29, s25, $0xb8;
	[tilespmem:$0x1CC00] =	vst v63  }
0x23f: {  	_ =	swait.ge [sflag:s13], $0x2000  }
0x240: {  	[sflag:s13] =	ssyncset.done $0x0  }
0x241: {  	[sflag:s13] =	ssyncadd.s32 $0xFFFFE000  }
0x242: {  	[spmem:s31] =	stream.indirect.scatter.add.f32 [tilespmem:s11], [sflag:$0xF], $0x80, s9, s25, $0xb8;
	[tilespmem:$0x1CC00] =	vst v63  }
0x243: {  	_ =	swait.ge [sflag:s12], $0x2000  }
0x244: {  	[sflag:s12] =	ssyncset.done $0x0  }
0x245: {  	[sflag:s12] =	ssyncadd.s32 $0xFFFFE000  }
0x246: {  	[spmem:s31] =	stream.indirect.scatter.add.f32 [tilespmem:s5], [sflag:$0x10], $0x80, s7, s25, $0xb8;
	[tilespmem:$0x1CC00] =	vst v63  }
0x247: {  	_ =	swait.ge [sflag:s4], $0x2000  }
0x248: {  	[sflag:s4] =	ssyncset.done $0x0  }
0x249: {  	[sflag:s4] =	ssyncadd.s32 $0xFFFFE000  }
0x24a: {  	_ =	swait.ge [sflag:s3], $0x2000  }
0x24b: {  	[sflag:s3] =	ssyncset.done $0x0  }
0x24c: {  	[sflag:s3] =	ssyncadd.s32 $0xFFFFE000  }
0x24d: {  	_ =	swait.ge [sflag:s2], $0x2000  }
0x24e: {  	[sflag:s2] =	ssyncset.done $0x0  }
0x24f: {  	[sflag:s2] =	ssyncadd.s32 $0xFFFFE000  }
0x250: {  	_ =	swait.ge [sflag:s16], $0x2000  }
0x251: {  	[sflag:s16] =	ssyncset.done $0x0  }
0x252: {  	s2 =	simm.s32 @!p0 $0x0;
	s4 =	rddreg [dreg:$0x1f];
	[sflag:s16] =	ssyncadd.s32 $0xFFFFE000  }
0x253: {  	[tilespmem:s2], [sflag:$0x11] =	stream.linear.gather @!p0 [hbm4b:s4+s2], $0x40, $0x38;
	[tilespmem:$0x1CC00] =	vst v63  }
0x254: {  	s4 =	simm.s32 @!p0 $0x11  }
0x255: {  	_ =	swait.ge @!p0 [sflag:s4], $0x40  }
0x256: {  	s12 =	sld [smem:$0x7F7]  }
0x257: {  	[sflag:s4] =	ssyncset.done @!p0 $0x0  }
0x258: {  	s11 =	simm.s32 @!p0 $0x400;
	[sflag:s4] =	ssyncadd.s32 @!p0 $0xFFFFFFC0  }
0x259: {  	[tilespmem:s11], [sflag:$0x11] =	stream.linear.gather @!p0 [hbm4b:s12+s2], $0x40, $0x38;
	[tilespmem:$0x1CC00] =	vst v63  }
0x25a: {  	_ =	swait.ge @!p0 [sflag:s4], $0x40  }
0x25b: {  	s12 =	sld [smem:$0x7F8]  }
0x25c: {  	[sflag:s4] =	ssyncset.done @!p0 $0x0  }
0x25d: {  	s11 =	simm.s32 @!p0 $0x800;
	[sflag:s4] =	ssyncadd.s32 @!p0 $0xFFFFFFC0  }
0x25e: {  	[tilespmem:s11], [sflag:$0x11] =	stream.linear.gather @!p0 [hbm4b:s12+s2], $0x40, $0x38;
	[tilespmem:$0x1CC00] =	vst v63  }
0x25f: {  	_ =	swait.ge @!p0 [sflag:s4], $0x40  }
0x260: {  	[sflag:s4] =	ssyncset.done @!p0 $0x0  }
0x261: {  	[sflag:s4] =	ssyncadd.s32 @!p0 $0xFFFFFFC0  }
0x262: {  	v0 =	vld @!p0 [tilespmem:$0x400]  }
0x263: {  	v1 =	vld @!p0 [tilespmem:$0x0]  }
0x264: {  	v2 =	vld @!p0 [tilespmem:$0x410]  }
0x265: {  	v3 =	vld @!p0 [tilespmem:$0x10]  }
0x266: {  	v4 =	vld @!p0 [tilespmem:$0x420]  }
0x267: {  	v5 =	vld @!p0 [tilespmem:$0x430]  }
0x268: {  	v6 =	vld @!p0 [tilespmem:$0x20]  }
0x269: {  	v7 =	vld @!p0 [tilespmem:$0x30];
	v0 =	vmul.u32 @!p0 $0x2710, v0  }
0x26a: {  	v2 =	vmul.u32 @!p0 $0x2710, v2  }
0x26b: {  	v0 =	vadd.s32 @!p0 v1, v0;
	v1 =	vmul.u32 @!p0 $0x2710, v4  }
0x26c: {  	[tilespmem:$0x0] =	vst @!p0 v0;
	v0 =	vadd.s32 @!p0 v3, v2;
	v2 =	vmul.u32 @!p0 $0x2710, v5  }
0x26d: {  	[tilespmem:$0x10] =	vst @!p0 v0;
	v0 =	vadd.s32 @!p0 v6, v1  }
0x26e: {  	[tilespmem:$0x20] =	vst @!p0 v0;
	v0 =	vadd.s32 @!p0 v7, v2  }
0x26f: {  	s12 =	simm.s32 @!p0 $0xC00;
	s4 =	simm.s32 @!p0 $0x40;
	[tilespmem:$0x30] =	vst @!p0 v0  }
0x270: {  	[tilespmem:s12], [sflag:$0x9] =	stream.indirect.gather @!p0 [hbm4b:s8+s4], $0x80, s2, s4, $0xb8;
	[tilespmem:$0x1CC00] =	vst v63  }
0x271: {  	s2 =	simm.s32 @!p0 $0x9  }
0x272: {  	_ =	swait.ge @!p0 [sflag:s2], $0x2000  }
0x273: {  	[sflag:s2] =	ssyncset.done @!p0 $0x0  }
0x274: {  	[sflag:s2] =	ssyncadd.s32 @!p0 $0xFFFFE000;
	s2 =	simm.s32 @!p0 $0xD  }
0x275: {  	[spmem:s31] =	stream.indirect.scatter.add.f32 @!p0 [tilespmem:s12], [sflag:$0xD], $0x80, s11, s4, $0xb8;
	[tilespmem:$0x1CC00] =	vst v63  }
0x276: {  	_ =	swait.ge @!p0 [sflag:s2], $0x2000  }
0x277: {  	[sflag:s2] =	ssyncset.done @!p0 $0x0  }
0x278: {  	[sflag:s2] =	ssyncadd.s32 @!p0 $0xFFFFE000  }
0x279: {  	[bflag:$0x0] =	sbarrier.arrive $0xFFFF  }
0x27a: {  	s16 =	sld [smem:$0x7F9]  }
0x27b: {  	s17 =	sld [smem:$0x7F5];
	_ =	sdelay $0x1  }
0x27c: {  	s3 =	simm.s32 $0x11;
	s11 =	rddreg [dreg:$0x1e]  }
0x27d: {  	[hbm:s16], [sflag:s11] =	dma.local [spmem:s17], $0x2800  }
0x27e: {  	_ =	swait.ge [sflag:s3], $0x2800  }
0x27f: {  	s20 =	sld [smem:$0x7F4]  }
0x280: {  	s21 =	sld [smem:$0x7FB];
	_ =	sdelay $0x1  }
0x281: {  	s1 =	sadd.s32 $0x1, s20  }
0x282: {  	p1 =	sne.s32 s1, s21  }
.Ltmp1:
0x283: {  	_ = 	snop;
	(pc) =	sbr.rel @p1 .LBB2_1-.Ltmp1, $3  }
0x284: {  	_ =	sdelay $0x1  }
0x285: {  	[sflag:s3] =	ssyncset.done $0x0  }
0x286: {  	[sflag:s3] =	ssyncadd.s32 $0xFFFFD800  }
0x287: {  	_ =	sfence.sel $0x180000  }
0x288: {  	[bflag:$0x0] =	sbarrier.arrive $0xFFFF  }
0x289: {  	_ =	strace $0x90000047  }
0x28a: {  	s0 =	stileid.u32;
	[bflag:$0x2] =	sbarrier.arrive $0xFFFF  }
0x28b: {  	p0 =	sne.s32 s0, $0x0;
	s0 =	rddreg [dreg:$0x5]  }
0x28c: {  	s0 =	sadd.s32 @!p0 $0x100000, s0  }
0x28d: {  	[sflag:s0] =	ssyncadd.tile.s32 @!p0 $0x1;
	_ =	shalt  }
.Lfunc_end2:
_tile_overlayer_lowered:
.L_overlay_start_2:
0x28e: {  	(tag) =	ssettag $0x2  }
0x28f: {  	s0 =	rddreg [dreg:$0x0];
	s2 =	stileid.u32  }
0x290: {  	s1 =	rddreg [dreg:$0x1];
	p0 =	sne.s32 s2, $0x0  }
0x291: {  	s3 =	rddreg [dreg:$0x2];
	[bflag:$0x3] =	sbarrier.arrive $0xFFFF;
	s2 =	simm.s32 @!p0 $0x1C11  }
0x292: {  	[timem:s3], [sflag:s2] =	dma.local @!p0 [hbm:s0], s1  }
0x293: {  	s0 =	simm.s32 @!p0 $0x11  }
0x294: {  	_ =	swait.ge @!p0 [sflag:s0], s1  }
0x295: {  	s1 =	ssub.s32 @!p0 $0x0, s1;
	[sflag:s0] =	ssyncset.done @!p0 $0x0  }
0x296: {  	[sflag:s0] =	ssyncadd.s32 @!p0 s1  }
0x297: {  	[bflag:$0x3] =	sbarrier.arrive $0xFFFF  }
0x298: {  	_ =	shalt  }

</sc_bundles>
